<compile_context>
chip_gen: v7x
topology: tpu7x:2x2x1
jax: 0.10.2.dev20260603
libtpu: 0.0.44.dev20260713+nightly
codegen_flags: <defaults>
</compile_context>

<pallas_src>
import functools

import numpy as np
import jax
import jax.numpy as jnp
from jax import lax
from jax.experimental import pallas as pl
from jax.experimental.pallas import tpu as pltpu
from jax.experimental.pallas import tpu_sc as plsc

VOCAB = 100000
EMB = 128
N_NEG = 128
BATCH = 4096
CTX = 20

NC, NS = 2, 16
NW = NC * NS
BPW = BATCH // NW
EMBW = EMB // 2
NCH = EMBW // 16

_ILV = plsc.PackFormat.INTERLEAVED


def _neg_wids():
    wids = jax.random.randint(jax.random.key(1234), (BATCH, N_NEG), 0, VOCAB - 1)
    return wids.astype(jnp.int32)


def _pack_tables(i_emb, o_emb):
    cat = jnp.concatenate([o_emb.astype(jnp.bfloat16),
                           i_emb.astype(jnp.bfloat16)], axis=1)
    return lax.bitcast_convert_type(cat.reshape(VOCAB + 1, EMB, 2), jnp.int32)


def _sc_scores(tgt, ctx, neg, emb):
    mesh = plsc.VectorSubcoreMesh(
        core_axis_name="c", subcore_axis_name="s", num_cores=NC, num_subcores=NS)

    @functools.partial(
        pl.kernel,
        out_type=(jax.ShapeDtypeStruct((BATCH, 16), jnp.float32),
                  jax.ShapeDtypeStruct((BATCH, N_NEG), jnp.float32)),
        mesh=mesh,
        compiler_params=pltpu.CompilerParams(needs_layout_passes=False),
        scratch_types=[
            pltpu.VMEM((BPW, CTX), jnp.int32),
            pltpu.VMEM((BPW,), jnp.int32),
            pltpu.VMEM((BPW, N_NEG), jnp.int32),
            pltpu.VMEM((BPW, EMB), jnp.int32),
            pltpu.VMEM((CTX, EMB), jnp.int32),
            pltpu.VMEM((CTX, EMB), jnp.int32),
            pltpu.VMEM((N_NEG, EMB), jnp.int32),
            pltpu.VMEM((N_NEG, EMB), jnp.int32),
            pltpu.VMEM((BPW, 16), jnp.float32),
            pltpu.VMEM((N_NEG,), jnp.float32),
            pltpu.VMEM((N_NEG,), jnp.float32),
            pltpu.VMEM((N_NEG, 17), jnp.float32),
            pltpu.SemaphoreType.DMA,
            pltpu.SemaphoreType.DMA,
            pltpu.SemaphoreType.DMA,
            pltpu.SemaphoreType.DMA,
            pltpu.SemaphoreType.DMA,
            pltpu.SemaphoreType.DMA,
            pltpu.SemaphoreType.DMA,
        ],
    )
    def k(tgt_h, ctx_h, neg_h, emb_h, pos_o, negs_o,
          ctx_idx, tgt_idx, neg_idx, tgt_rows, ctx_rows0, ctx_rows1,
          neg_rows0, neg_rows1, pos_v, negs_v0, negs_v1, part_buf,
          sem, sem_c0, sem_c1, sem_n0, sem_n1, sem_o0, sem_o1):
        wid = lax.axis_index("s") * NC + lax.axis_index("c")
        base = wid * BPW
        pltpu.sync_copy(ctx_h.at[pl.ds(base, BPW)], ctx_idx)
        pltpu.sync_copy(tgt_h.at[pl.ds(base, BPW)], tgt_idx)
        pltpu.sync_copy(neg_h.at[pl.ds(base, BPW)], neg_idx)

        sems_c = (sem_c0, sem_c1)
        sems_n = (sem_n0, sem_n1)
        sems_o = (sem_o0, sem_o1)
        ctx_bufs = (ctx_rows0, ctx_rows1)
        neg_bufs = (neg_rows0, neg_rows1)
        out_bufs = (negs_v0, negs_v1)
        lane = lax.iota(jnp.int32, 16)

        def start_ctx(b, buf):
            bb = jnp.minimum(b, BPW - 1)
            pltpu.async_copy(emb_h.at[ctx_idx.at[bb]], ctx_bufs[buf], sems_c[buf])

        def start_neg(b, buf):
            bb = jnp.minimum(b, BPW - 1)
            pltpu.async_copy(emb_h.at[neg_idx.at[bb]], neg_bufs[buf], sems_n[buf])

        def wait_ctx(buf):
            pltpu.make_async_copy(
                emb_h.at[ctx_idx.at[0]], ctx_bufs[buf], sems_c[buf]).wait()

        def wait_neg(buf):
            pltpu.make_async_copy(
                emb_h.at[neg_idx.at[0]], neg_bufs[buf], sems_n[buf]).wait()

        def row_chunk_bf16(ref, r, j, half=0):
            return plsc.bitcast(
                ref[r, pl.ds(half * EMBW + j * 16, 16)], jnp.bfloat16)

        def process(b, buf):
            wait_ctx(buf)
            avg_bf = []
            for j in range(NCH):
                es, os_ = [], []
                for c in range(CTX):
                    e, o = plsc.unpack(row_chunk_bf16(ctx_bufs[buf], c, j, 1),
                                       format=_ILV)
                    es.append(e)
                    os_.append(o)
                for terms in (es, os_):
                    while len(terms) > 1:
                        nxt = [terms[i] + terms[i + 1]
                               for i in range(0, len(terms) - 1, 2)]
                        if len(terms) % 2:
                            nxt.append(terms[-1])
                        terms[:] = nxt
                avg_bf.append(plsc.pack(es[0] / jnp.float32(CTX),
                                        os_[0] / jnp.float32(CTX), format=_ILV))
            start_ctx(b + 2, buf)

            def row_dot_partial(ref, r):
                prods = [row_chunk_bf16(ref, r, j) * avg_bf[j]
                         for j in range(NCH)]
                q = (prods[0] + prods[1]) + (prods[2] + prods[3])
                e, o = plsc.unpack(q, format=_ILV)
                return e + o

            pos_v[b, :] = row_dot_partial(tgt_rows, b)

            wait_neg(buf)
            @pl.when(b >= 2)
            def _():
                pltpu.make_async_copy(
                    out_bufs[buf], negs_o.at[base], sems_o[buf]).wait()

            def neg_group(g):
                base_r = g * 16
                for r in range(16):
                    part_buf[base_r + r, pl.ds(0, 16)] = row_dot_partial(
                        neg_bufs[buf], base_r + r)
                row_idx = base_r + lane
                cols = [plsc.load_gather(
                            part_buf, [row_idx, jnp.full((16,), j, jnp.int32)])
                        for j in range(16)]
                while len(cols) > 1:
                    cols = [cols[i] + cols[i + 1] for i in range(0, len(cols), 2)]
                out_bufs[buf][pl.ds(base_r, 16)] = cols[0]

            plsc.parallel_loop(0, N_NEG // 16, 1)(neg_group)
            pltpu.async_copy(out_bufs[buf], negs_o.at[base + b], sems_o[buf])
            start_neg(b + 2, buf)

        start_ctx(jnp.int32(0), 0)
        start_neg(jnp.int32(0), 0)
        start_ctx(jnp.int32(1), 1)
        start_neg(jnp.int32(1), 1)
        pltpu.async_copy(emb_h.at[tgt_idx], tgt_rows, sem).wait()

        def pair_body(g, carry):
            b = g * 2
            process(b, 0)
            process(b + 1, 1)
            return carry

        lax.fori_loop(0, BPW // 2, pair_body, 0)
        wait_ctx(0)
        wait_neg(0)
        wait_ctx(1)
        wait_neg(1)
        pltpu.make_async_copy(negs_v0, negs_o.at[base], sem_o0).wait()
        pltpu.make_async_copy(negs_v1, negs_o.at[base], sem_o1).wait()
        pltpu.sync_copy(pos_v, pos_o.at[pl.ds(base, BPW)])

    return k(tgt, ctx, neg, emb)


def _logsig(x):
    return jnp.minimum(x, 0.0) - jnp.log(1.0 + jnp.exp(-jnp.abs(x)))


def _tc_loss(pos_s, neg_s):
    def body(pos_ref, neg_ref, out_ref):
        p = jnp.sum(pos_ref[...], axis=1)
        lp = jnp.sum(_logsig(p))
        ln = jnp.sum(_logsig(-neg_ref[...]))
        out_ref[0, 0] = -(lp + ln)

    out = pl.pallas_call(
        body,
        out_shape=jax.ShapeDtypeStruct((1, 1), jnp.float32),
        in_specs=[pl.BlockSpec(memory_space=pltpu.VMEM),
                  pl.BlockSpec(memory_space=pltpu.VMEM)],
        out_specs=pl.BlockSpec(memory_space=pltpu.SMEM),
    )(pos_s, neg_s)
    return out[0, 0]


def kernel(target_wids, context_wids, i_embeddings, o_embeddings):
    tgt = target_wids.astype(jnp.int32)
    ctx = context_wids.astype(jnp.int32)
    neg = _neg_wids()
    emb = _pack_tables(i_embeddings.astype(jnp.float32),
                       o_embeddings.astype(jnp.float32))
    pos_s, neg_s = _sc_scores(tgt, ctx, neg, emb)
    return _tc_loss(pos_s, neg_s)

# --- scband reference (transcript-rebuilt; emitter-appended) ---
"""Pipeline reference for scband-my-cbowns-3135326126080 (READ-ONLY COPY).

The authoritative reference and input builder live on the scoring server;
editing this copy changes nothing except your own understanding.
"""

import jax, jax.numpy as jnp
import numpy as np

VOCAB = 100000
EMB = 128
N_NEG = 128
BATCH = 4096
CTX = 20

def setup_inputs(seed: int = 0) -> dict:
    key = jax.random.key(seed)
    k1, k2, k3, k4 = jax.random.split(key, 4)
    target_wids = jax.random.randint(k1, (BATCH,), 0, VOCAB, dtype=jnp.int64 if jax.config.jax_enable_x64 else jnp.int32)
    context_wids = jax.random.randint(k2, (BATCH, CTX), 0, VOCAB, dtype=jnp.int64 if jax.config.jax_enable_x64 else jnp.int32)
    i_embeddings = jax.random.normal(k3, (VOCAB + 1, EMB), dtype=jnp.float32) * 0.02
    o_embeddings = jax.random.normal(k4, (VOCAB + 1, EMB), dtype=jnp.float32) * 0.02
    return {"target_wids": target_wids, "context_wids": context_wids,
            "i_embeddings": i_embeddings, "o_embeddings": o_embeddings}

def reference(target_wids, context_wids, i_embeddings, o_embeddings):
    # TIE_EMBEDDINGS=False -> use i_embeddings for context
    context_embeddings = jnp.take(i_embeddings, context_wids, axis=0)        # [B, C, D]
    avg_ctxt_embeddings = jnp.mean(context_embeddings, axis=1)[:, :, None]    # [B, D, 1]
    target_embeddings = jnp.take(o_embeddings, target_wids, axis=0)[:, None, :]  # [B, 1, D]
    # USE_WEIGHTS=False -> uniform negatives in [0, vocab_size-1); fixed key for determinism
    neg_key = jax.random.key(1234)
    neg_wids = jax.random.randint(neg_key, (BATCH, N_NEG), 0, VOCAB - 1)
    neg_embeddings = jnp.take(o_embeddings, neg_wids, axis=0)                 # [B, N_NEG, D]
    pos_scores = jnp.matmul(target_embeddings, avg_ctxt_embeddings)           # [B, 1, 1]
    pos_loss = jnp.sum(jnp.log(jax.nn.sigmoid(pos_scores)))
    neg_scores = jnp.matmul(-neg_embeddings, avg_ctxt_embeddings)             # [B, N_NEG, 1]
    neg_loss = jnp.sum(jnp.log(jax.nn.sigmoid(neg_scores)))
    return -(pos_loss + neg_loss)

if False:  # reference __main__ guard neutralized (emitter)
    out = reference(**setup_inputs())
    print(out.shape if hasattr(out, 'shape') else out)

if __name__ == "__main__":
    import jax
    _d = setup_inputs()
    print(jax.jit(kernel)(*tuple(_d.values())))

</pallas_src>

<mosaic_0001>
#map = affine_map<(d0, d1) -> (0)>
#map1 = affine_map<(d0, d1) -> (0, 0)>
module attributes {stable_mosaic.version = 14 : i64} {
  func.func @k(%arg0: i32, %arg1: i32, %arg2: memref<4096xi32, #tpu.memory_space<hbm>>, %arg3: memref<4096x20xi32, #tpu.memory_space<hbm>>, %arg4: memref<4096x128xi32, #tpu.memory_space<hbm>>, %arg5: memref<100001x128xi32, #tpu.memory_space<hbm>>, %arg6: memref<4096x16xf32, #tpu.memory_space<hbm>>, %arg7: memref<4096x128xf32, #tpu.memory_space<hbm>>, %arg8: memref<128x20xi32, #tpu.memory_space<vmem>>, %arg9: memref<128xi32, #tpu.memory_space<vmem>>, %arg10: memref<128x128xi32, #tpu.memory_space<vmem>>, %arg11: memref<128x128xi32, #tpu.memory_space<vmem>>, %arg12: memref<20x128xi32, #tpu.memory_space<vmem>>, %arg13: memref<20x128xi32, #tpu.memory_space<vmem>>, %arg14: memref<128x128xi32, #tpu.memory_space<vmem>>, %arg15: memref<128x128xi32, #tpu.memory_space<vmem>>, %arg16: memref<128x16xf32, #tpu.memory_space<vmem>>, %arg17: memref<128xf32, #tpu.memory_space<vmem>>, %arg18: memref<128xf32, #tpu.memory_space<vmem>>, %arg19: memref<128x17xf32, #tpu.memory_space<vmem>>, %arg20: memref<!tpu.dma_semaphore, #tpu.memory_space<semaphore_mem>>, %arg21: memref<!tpu.dma_semaphore, #tpu.memory_space<semaphore_mem>>, %arg22: memref<!tpu.dma_semaphore, #tpu.memory_space<semaphore_mem>>, %arg23: memref<!tpu.dma_semaphore, #tpu.memory_space<semaphore_mem>>, %arg24: memref<!tpu.dma_semaphore, #tpu.memory_space<semaphore_mem>>, %arg25: memref<!tpu.dma_semaphore, #tpu.memory_space<semaphore_mem>>, %arg26: memref<!tpu.dma_semaphore, #tpu.memory_space<semaphore_mem>>) attributes {dimension_semantics = [#tpu.dimension_semantics<core_parallel>, #tpu.dimension_semantics<subcore_parallel>], iteration_bounds = array<i64: 2, 16>, scalar_prefetch = 0 : i64, scratch_operands = 19 : i64, tpu.core_type = #tpu.core_type<sc_vector_subcore>, window_params = [{transform_indices = #map}, {transform_indices = #map1}, {transform_indices = #map1}, {transform_indices = #map1}, {transform_indices = #map1}, {transform_indices = #map1}]} {
    %mul3A = arith.constant 2 : i32
    %mul3A_0 = arith.muli %arg1, %mul3A : i32
    %add3A = arith.addi %mul3A_0, %arg0 : i32
    %mul3A_1 = arith.constant 128 : i32
    %mul3A_2 = arith.muli %add3A, %mul3A_1 : i32
    "tpu.region"() ({
      %run_scoped3A = tpu.sem_alloc : memref<!tpu.dma_semaphore, #tpu.memory_space<semaphore_mem>>
      %dma_start3A_87 = arith.constant 0 : i32
      %dma_start3A_88 = tpu.memref_slice %arg3[%mul3A_2, %dma_start3A_87] : memref<4096x20xi32, #tpu.memory_space<hbm>> -> memref<128x20xi32, #tpu.memory_space<hbm>>
      %dma_start3A_89 = arith.constant 0 : i32
      %dma_start3A_90 = tpu.memref_slice %arg3[%mul3A_2, %dma_start3A_89] : memref<4096x20xi32, #tpu.memory_space<hbm>> -> memref<128x20xi32, #tpu.memory_space<hbm>>
      tpu.enqueue_dma source(%dma_start3A_90 : memref<128x20xi32, #tpu.memory_space<hbm>>) target(%arg8 : memref<128x20xi32, #tpu.memory_space<vmem>>) target_semaphore(%run_scoped3A : memref<!tpu.dma_semaphore, #tpu.memory_space<semaphore_mem>>)
      %dma_wait3A_91 = arith.constant 0 : i32
      %dma_wait3A_92 = tpu.memref_slice %arg3[%mul3A_2, %dma_wait3A_91] : memref<4096x20xi32, #tpu.memory_space<hbm>> -> memref<128x20xi32, #tpu.memory_space<hbm>>
      %dma_wait3A_93 = arith.constant 0 : i32
      %dma_wait3A_94 = tpu.memref_slice %arg3[%mul3A_2, %dma_wait3A_93] : memref<4096x20xi32, #tpu.memory_space<hbm>> -> memref<128x20xi32, #tpu.memory_space<hbm>>
      tpu.wait_dma2 semaphore(%run_scoped3A : memref<!tpu.dma_semaphore, #tpu.memory_space<semaphore_mem>>) src(%dma_wait3A_94 : memref<128x20xi32, #tpu.memory_space<hbm>>) dst(%arg8 : memref<128x20xi32, #tpu.memory_space<vmem>>)
      tpu.yield
    }) : () -> ()
    "tpu.region"() ({
      %run_scoped3A = tpu.sem_alloc : memref<!tpu.dma_semaphore, #tpu.memory_space<semaphore_mem>>
      %dma_start3A_87 = tpu.memref_slice %arg2[%mul3A_2] : memref<4096xi32, #tpu.memory_space<hbm>> -> memref<128xi32, #tpu.memory_space<hbm>>
      %dma_start3A_88 = tpu.memref_slice %arg2[%mul3A_2] : memref<4096xi32, #tpu.memory_space<hbm>> -> memref<128xi32, #tpu.memory_space<hbm>>
      tpu.enqueue_dma source(%dma_start3A_88 : memref<128xi32, #tpu.memory_space<hbm>>) target(%arg9 : memref<128xi32, #tpu.memory_space<vmem>>) target_semaphore(%run_scoped3A : memref<!tpu.dma_semaphore, #tpu.memory_space<semaphore_mem>>)
      %dma_wait3A_89 = tpu.memref_slice %arg2[%mul3A_2] : memref<4096xi32, #tpu.memory_space<hbm>> -> memref<128xi32, #tpu.memory_space<hbm>>
      %dma_wait3A_90 = tpu.memref_slice %arg2[%mul3A_2] : memref<4096xi32, #tpu.memory_space<hbm>> -> memref<128xi32, #tpu.memory_space<hbm>>
      tpu.wait_dma2 semaphore(%run_scoped3A : memref<!tpu.dma_semaphore, #tpu.memory_space<semaphore_mem>>) src(%dma_wait3A_90 : memref<128xi32, #tpu.memory_space<hbm>>) dst(%arg9 : memref<128xi32, #tpu.memory_space<vmem>>)
      tpu.yield
    }) : () -> ()
    "tpu.region"() ({
      %run_scoped3A = tpu.sem_alloc : memref<!tpu.dma_semaphore, #tpu.memory_space<semaphore_mem>>
      %dma_start3A_87 = arith.constant 0 : i32
      %dma_start3A_88 = tpu.memref_slice %arg4[%mul3A_2, %dma_start3A_87] : memref<4096x128xi32, #tpu.memory_space<hbm>> -> memref<128x128xi32, #tpu.memory_space<hbm>>
      %dma_start3A_89 = arith.constant 0 : i32
      %dma_start3A_90 = tpu.memref_slice %arg4[%mul3A_2, %dma_start3A_89] : memref<4096x128xi32, #tpu.memory_space<hbm>> -> memref<128x128xi32, #tpu.memory_space<hbm>>
      tpu.enqueue_dma source(%dma_start3A_90 : memref<128x128xi32, #tpu.memory_space<hbm>>) target(%arg10 : memref<128x128xi32, #tpu.memory_space<vmem>>) target_semaphore(%run_scoped3A : memref<!tpu.dma_semaphore, #tpu.memory_space<semaphore_mem>>)
      %dma_wait3A_91 = arith.constant 0 : i32
      %dma_wait3A_92 = tpu.memref_slice %arg4[%mul3A_2, %dma_wait3A_91] : memref<4096x128xi32, #tpu.memory_space<hbm>> -> memref<128x128xi32, #tpu.memory_space<hbm>>
      %dma_wait3A_93 = arith.constant 0 : i32
      %dma_wait3A_94 = tpu.memref_slice %arg4[%mul3A_2, %dma_wait3A_93] : memref<4096x128xi32, #tpu.memory_space<hbm>> -> memref<128x128xi32, #tpu.memory_space<hbm>>
      tpu.wait_dma2 semaphore(%run_scoped3A : memref<!tpu.dma_semaphore, #tpu.memory_space<semaphore_mem>>) src(%dma_wait3A_94 : memref<128x128xi32, #tpu.memory_space<hbm>>) dst(%arg10 : memref<128x128xi32, #tpu.memory_space<vmem>>)
      tpu.yield
    }) : () -> ()
    %iota3A = tpu.iota {dimensions = array<i32: 0>} : vector<16xi32>
    %min3A = arith.constant 0 : i32
    %min3A_3 = arith.constant 127 : i32
    %min3A_4 = arith.minsi %min3A, %min3A_3 : i32
    %dma_start3A = arith.constant 0 : i32
    %dma_start3A_5 = tpu.memref_slice %arg8[%min3A_4, %dma_start3A] : memref<128x20xi32, #tpu.memory_space<vmem>> -> memref<1x20xi32, #tpu.memory_space<vmem>>
    %dma_start3A_6 = tpu.memref_squeeze %dma_start3A_5 : memref<1x20xi32, #tpu.memory_space<vmem>> -> memref<20xi32, #tpu.memory_space<vmem>>
    %dma_start3A_7 = arith.constant 0 : i32
    %dma_start3A_8 = arith.constant 0 : i32
    %dma_start3A_9 = tpu.memref_slice %arg5[%dma_start3A_7, %dma_start3A_8] : memref<100001x128xi32, #tpu.memory_space<hbm>> -> memref<100001x128xi32, #tpu.memory_space<hbm>>
    tpu.enqueue_indirect_dma source(%dma_start3A_9 : memref<100001x128xi32, #tpu.memory_space<hbm>>) target(%arg12 : memref<20x128xi32, #tpu.memory_space<vmem>>) offsets(%dma_start3A_6 : memref<20xi32, #tpu.memory_space<vmem>>) semaphore(%arg21 : memref<!tpu.dma_semaphore, #tpu.memory_space<semaphore_mem>>)
    %min3A_10 = arith.constant 0 : i32
    %min3A_11 = arith.constant 127 : i32
    %min3A_12 = arith.minsi %min3A_10, %min3A_11 : i32
    %dma_start3A_13 = arith.constant 0 : i32
    %dma_start3A_14 = tpu.memref_slice %arg10[%min3A_12, %dma_start3A_13] : memref<128x128xi32, #tpu.memory_space<vmem>> -> memref<1x128xi32, #tpu.memory_space<vmem>>
    %dma_start3A_15 = tpu.memref_squeeze %dma_start3A_14 : memref<1x128xi32, #tpu.memory_space<vmem>> -> memref<128xi32, #tpu.memory_space<vmem>>
    %dma_start3A_16 = arith.constant 0 : i32
    %dma_start3A_17 = arith.constant 0 : i32
    %dma_start3A_18 = tpu.memref_slice %arg5[%dma_start3A_16, %dma_start3A_17] : memref<100001x128xi32, #tpu.memory_space<hbm>> -> memref<100001x128xi32, #tpu.memory_space<hbm>>
    tpu.enqueue_indirect_dma source(%dma_start3A_18 : memref<100001x128xi32, #tpu.memory_space<hbm>>) target(%arg14 : memref<128x128xi32, #tpu.memory_space<vmem>>) offsets(%dma_start3A_15 : memref<128xi32, #tpu.memory_space<vmem>>) semaphore(%arg23 : memref<!tpu.dma_semaphore, #tpu.memory_space<semaphore_mem>>)
    %min3A_19 = arith.constant 1 : i32
    %min3A_20 = arith.constant 127 : i32
    %min3A_21 = arith.minsi %min3A_19, %min3A_20 : i32
    %dma_start3A_22 = arith.constant 0 : i32
    %dma_start3A_23 = tpu.memref_slice %arg8[%min3A_21, %dma_start3A_22] : memref<128x20xi32, #tpu.memory_space<vmem>> -> memref<1x20xi32, #tpu.memory_space<vmem>>
    %dma_start3A_24 = tpu.memref_squeeze %dma_start3A_23 : memref<1x20xi32, #tpu.memory_space<vmem>> -> memref<20xi32, #tpu.memory_space<vmem>>
    %dma_start3A_25 = arith.constant 0 : i32
    %dma_start3A_26 = arith.constant 0 : i32
    %dma_start3A_27 = tpu.memref_slice %arg5[%dma_start3A_25, %dma_start3A_26] : memref<100001x128xi32, #tpu.memory_space<hbm>> -> memref<100001x128xi32, #tpu.memory_space<hbm>>
    tpu.enqueue_indirect_dma source(%dma_start3A_27 : memref<100001x128xi32, #tpu.memory_space<hbm>>) target(%arg13 : memref<20x128xi32, #tpu.memory_space<vmem>>) offsets(%dma_start3A_24 : memref<20xi32, #tpu.memory_space<vmem>>) semaphore(%arg22 : memref<!tpu.dma_semaphore, #tpu.memory_space<semaphore_mem>>)
    %min3A_28 = arith.constant 1 : i32
    %min3A_29 = arith.constant 127 : i32
    %min3A_30 = arith.minsi %min3A_28, %min3A_29 : i32
    %dma_start3A_31 = arith.constant 0 : i32
    %dma_start3A_32 = tpu.memref_slice %arg10[%min3A_30, %dma_start3A_31] : memref<128x128xi32, #tpu.memory_space<vmem>> -> memref<1x128xi32, #tpu.memory_space<vmem>>
    %dma_start3A_33 = tpu.memref_squeeze %dma_start3A_32 : memref<1x128xi32, #tpu.memory_space<vmem>> -> memref<128xi32, #tpu.memory_space<vmem>>
    %dma_start3A_34 = arith.constant 0 : i32
    %dma_start3A_35 = arith.constant 0 : i32
    %dma_start3A_36 = tpu.memref_slice %arg5[%dma_start3A_34, %dma_start3A_35] : memref<100001x128xi32, #tpu.memory_space<hbm>> -> memref<100001x128xi32, #tpu.memory_space<hbm>>
    tpu.enqueue_indirect_dma source(%dma_start3A_36 : memref<100001x128xi32, #tpu.memory_space<hbm>>) target(%arg15 : memref<128x128xi32, #tpu.memory_space<vmem>>) offsets(%dma_start3A_33 : memref<128xi32, #tpu.memory_space<vmem>>) semaphore(%arg24 : memref<!tpu.dma_semaphore, #tpu.memory_space<semaphore_mem>>)
    %dma_start3A_37 = arith.constant 0 : i32
    %dma_start3A_38 = arith.constant 0 : i32
    %dma_start3A_39 = tpu.memref_slice %arg5[%dma_start3A_37, %dma_start3A_38] : memref<100001x128xi32, #tpu.memory_space<hbm>> -> memref<100001x128xi32, #tpu.memory_space<hbm>>
    tpu.enqueue_indirect_dma source(%dma_start3A_39 : memref<100001x128xi32, #tpu.memory_space<hbm>>) target(%arg11 : memref<128x128xi32, #tpu.memory_space<vmem>>) offsets(%arg9 : memref<128xi32, #tpu.memory_space<vmem>>) semaphore(%arg20 : memref<!tpu.dma_semaphore, #tpu.memory_space<semaphore_mem>>)
    %dma_wait3A = arith.constant 0 : i32
    %dma_wait3A_40 = arith.constant 0 : i32
    %dma_wait3A_41 = tpu.memref_slice %arg5[%dma_wait3A, %dma_wait3A_40] : memref<100001x128xi32, #tpu.memory_space<hbm>> -> memref<100001x128xi32, #tpu.memory_space<hbm>>
    tpu.wait_indirect_dma semaphore(%arg20 : memref<!tpu.dma_semaphore, #tpu.memory_space<semaphore_mem>>) src(%dma_wait3A_41 : memref<100001x128xi32, #tpu.memory_space<hbm>>) dst(%arg11 : memref<128x128xi32, #tpu.memory_space<vmem>>)
    %scan3A = arith.constant 0 : i32
    %scan3A_42 = arith.constant 0 : i32
    %scan3A_43 = arith.constant 64 : i32
    %scan3A_44 = arith.addi %scan3A_42, %scan3A_43 : i32
    %scan3A_45 = arith.constant 1 : i32
    scf.for %scan3A_87 = %scan3A_42 to %scan3A_44 step %scan3A_45  : i32 {
      %mul3A_88 = arith.constant 2 : i32
      %mul3A_89 = arith.muli %scan3A_87, %mul3A_88 : i32
      %dma_wait3A_90 = arith.constant 0 : i32
      %dma_wait3A_91 = arith.constant 0 : i32
      %dma_wait3A_92 = tpu.memref_slice %arg8[%dma_wait3A_90, %dma_wait3A_91] : memref<128x20xi32, #tpu.memory_space<vmem>> -> memref<1x20xi32, #tpu.memory_space<vmem>>
      %dma_wait3A_93 = tpu.memref_squeeze %dma_wait3A_92 : memref<1x20xi32, #tpu.memory_space<vmem>> -> memref<20xi32, #tpu.memory_space<vmem>>
      %dma_wait3A_94 = arith.constant 0 : i32
      %dma_wait3A_95 = arith.constant 0 : i32
      %dma_wait3A_96 = tpu.memref_slice %arg5[%dma_wait3A_94, %dma_wait3A_95] : memref<100001x128xi32, #tpu.memory_space<hbm>> -> memref<100001x128xi32, #tpu.memory_space<hbm>>
      tpu.wait_indirect_dma semaphore(%arg21 : memref<!tpu.dma_semaphore, #tpu.memory_space<semaphore_mem>>) src(%dma_wait3A_96 : memref<100001x128xi32, #tpu.memory_space<hbm>>) dst(%arg12 : memref<20x128xi32, #tpu.memory_space<vmem>>)
      %get3A = arith.constant 0 : i32
      %get3A_97 = arith.index_cast %get3A : i32 to index
      %get3A_98 = arith.constant 64 : index
      %get3A_99 = tpu.vector_load %arg12[%get3A_97, %get3A_98] {strides = array<i32>} : memref<20x128xi32, #tpu.memory_space<vmem>>, vector<16xi32>,
      %bitcast3A = vector.bitcast %get3A_99 : vector<16xi32> to vector<32xbf16>
      %unpack3A = tpu.unpack_subelements %bitcast3A, 0 {pack_format = #tpu.pack_format<interleaved>} : vector<32xbf16> -> vector<16xf32>
      %unpack3A_100 = tpu.unpack_subelements %bitcast3A, 1 {pack_format = #tpu.pack_format<interleaved>} : vector<32xbf16> -> vector<16xf32>
      %get3A_101 = arith.constant 1 : i32
      %get3A_102 = arith.index_cast %get3A_101 : i32 to index
      %get3A_103 = arith.constant 64 : index
      %get3A_104 = tpu.vector_load %arg12[%get3A_102, %get3A_103] {strides = array<i32>} : memref<20x128xi32, #tpu.memory_space<vmem>>, vector<16xi32>,
      %bitcast3A_105 = vector.bitcast %get3A_104 : vector<16xi32> to vector<32xbf16>
      %unpack3A_106 = tpu.unpack_subelements %bitcast3A_105, 0 {pack_format = #tpu.pack_format<interleaved>} : vector<32xbf16> -> vector<16xf32>
      %unpack3A_107 = tpu.unpack_subelements %bitcast3A_105, 1 {pack_format = #tpu.pack_format<interleaved>} : vector<32xbf16> -> vector<16xf32>
      %get3A_108 = arith.constant 2 : i32
      %get3A_109 = arith.index_cast %get3A_108 : i32 to index
      %get3A_110 = arith.constant 64 : index
      %get3A_111 = tpu.vector_load %arg12[%get3A_109, %get3A_110] {strides = array<i32>} : memref<20x128xi32, #tpu.memory_space<vmem>>, vector<16xi32>,
      %bitcast3A_112 = vector.bitcast %get3A_111 : vector<16xi32> to vector<32xbf16>
      %unpack3A_113 = tpu.unpack_subelements %bitcast3A_112, 0 {pack_format = #tpu.pack_format<interleaved>} : vector<32xbf16> -> vector<16xf32>
      %unpack3A_114 = tpu.unpack_subelements %bitcast3A_112, 1 {pack_format = #tpu.pack_format<interleaved>} : vector<32xbf16> -> vector<16xf32>
      %get3A_115 = arith.constant 3 : i32
      %get3A_116 = arith.index_cast %get3A_115 : i32 to index
      %get3A_117 = arith.constant 64 : index
      %get3A_118 = tpu.vector_load %arg12[%get3A_116, %get3A_117] {strides = array<i32>} : memref<20x128xi32, #tpu.memory_space<vmem>>, vector<16xi32>,
      %bitcast3A_119 = vector.bitcast %get3A_118 : vector<16xi32> to vector<32xbf16>
      %unpack3A_120 = tpu.unpack_subelements %bitcast3A_119, 0 {pack_format = #tpu.pack_format<interleaved>} : vector<32xbf16> -> vector<16xf32>
      %unpack3A_121 = tpu.unpack_subelements %bitcast3A_119, 1 {pack_format = #tpu.pack_format<interleaved>} : vector<32xbf16> -> vector<16xf32>
      %get3A_122 = arith.constant 4 : i32
      %get3A_123 = arith.index_cast %get3A_122 : i32 to index
      %get3A_124 = arith.constant 64 : index
      %get3A_125 = tpu.vector_load %arg12[%get3A_123, %get3A_124] {strides = array<i32>} : memref<20x128xi32, #tpu.memory_space<vmem>>, vector<16xi32>,
      %bitcast3A_126 = vector.bitcast %get3A_125 : vector<16xi32> to vector<32xbf16>
      %unpack3A_127 = tpu.unpack_subelements %bitcast3A_126, 0 {pack_format = #tpu.pack_format<interleaved>} : vector<32xbf16> -> vector<16xf32>
      %unpack3A_128 = tpu.unpack_subelements %bitcast3A_126, 1 {pack_format = #tpu.pack_format<interleaved>} : vector<32xbf16> -> vector<16xf32>
      %get3A_129 = arith.constant 5 : i32
      %get3A_130 = arith.index_cast %get3A_129 : i32 to index
      %get3A_131 = arith.constant 64 : index
      %get3A_132 = tpu.vector_load %arg12[%get3A_130, %get3A_131] {strides = array<i32>} : memref<20x128xi32, #tpu.memory_space<vmem>>, vector<16xi32>,
      %bitcast3A_133 = vector.bitcast %get3A_132 : vector<16xi32> to vector<32xbf16>
      %unpack3A_134 = tpu.unpack_subelements %bitcast3A_133, 0 {pack_format = #tpu.pack_format<interleaved>} : vector<32xbf16> -> vector<16xf32>
      %unpack3A_135 = tpu.unpack_subelements %bitcast3A_133, 1 {pack_format = #tpu.pack_format<interleaved>} : vector<32xbf16> -> vector<16xf32>
      %get3A_136 = arith.constant 6 : i32
      %get3A_137 = arith.index_cast %get3A_136 : i32 to index
      %get3A_138 = arith.constant 64 : index
      %get3A_139 = tpu.vector_load %arg12[%get3A_137, %get3A_138] {strides = array<i32>} : memref<20x128xi32, #tpu.memory_space<vmem>>, vector<16xi32>,
      %bitcast3A_140 = vector.bitcast %get3A_139 : vector<16xi32> to vector<32xbf16>
      %unpack3A_141 = tpu.unpack_subelements %bitcast3A_140, 0 {pack_format = #tpu.pack_format<interleaved>} : vector<32xbf16> -> vector<16xf32>
      %unpack3A_142 = tpu.unpack_subelements %bitcast3A_140, 1 {pack_format = #tpu.pack_format<interleaved>} : vector<32xbf16> -> vector<16xf32>
      %get3A_143 = arith.constant 7 : i32
      %get3A_144 = arith.index_cast %get3A_143 : i32 to index
      %get3A_145 = arith.constant 64 : index
      %get3A_146 = tpu.vector_load %arg12[%get3A_144, %get3A_145] {strides = array<i32>} : memref<20x128xi32, #tpu.memory_space<vmem>>, vector<16xi32>,
      %bitcast3A_147 = vector.bitcast %get3A_146 : vector<16xi32> to vector<32xbf16>
      %unpack3A_148 = tpu.unpack_subelements %bitcast3A_147, 0 {pack_format = #tpu.pack_format<interleaved>} : vector<32xbf16> -> vector<16xf32>
      %unpack3A_149 = tpu.unpack_subelements %bitcast3A_147, 1 {pack_format = #tpu.pack_format<interleaved>} : vector<32xbf16> -> vector<16xf32>
      %get3A_150 = arith.constant 8 : i32
      %get3A_151 = arith.index_cast %get3A_150 : i32 to index
      %get3A_152 = arith.constant 64 : index
      %get3A_153 = tpu.vector_load %arg12[%get3A_151, %get3A_152] {strides = array<i32>} : memref<20x128xi32, #tpu.memory_space<vmem>>, vector<16xi32>,
      %bitcast3A_154 = vector.bitcast %get3A_153 : vector<16xi32> to vector<32xbf16>
      %unpack3A_155 = tpu.unpack_subelements %bitcast3A_154, 0 {pack_format = #tpu.pack_format<interleaved>} : vector<32xbf16> -> vector<16xf32>
      %unpack3A_156 = tpu.unpack_subelements %bitcast3A_154, 1 {pack_format = #tpu.pack_format<interleaved>} : vector<32xbf16> -> vector<16xf32>
      %get3A_157 = arith.constant 9 : i32
      %get3A_158 = arith.index_cast %get3A_157 : i32 to index
      %get3A_159 = arith.constant 64 : index
      %get3A_160 = tpu.vector_load %arg12[%get3A_158, %get3A_159] {strides = array<i32>} : memref<20x128xi32, #tpu.memory_space<vmem>>, vector<16xi32>,
      %bitcast3A_161 = vector.bitcast %get3A_160 : vector<16xi32> to vector<32xbf16>
      %unpack3A_162 = tpu.unpack_subelements %bitcast3A_161, 0 {pack_format = #tpu.pack_format<interleaved>} : vector<32xbf16> -> vector<16xf32>
      %unpack3A_163 = tpu.unpack_subelements %bitcast3A_161, 1 {pack_format = #tpu.pack_format<interleaved>} : vector<32xbf16> -> vector<16xf32>
      %get3A_164 = arith.constant 10 : i32
      %get3A_165 = arith.index_cast %get3A_164 : i32 to index
      %get3A_166 = arith.constant 64 : index
      %get3A_167 = tpu.vector_load %arg12[%get3A_165, %get3A_166] {strides = array<i32>} : memref<20x128xi32, #tpu.memory_space<vmem>>, vector<16xi32>,
      %bitcast3A_168 = vector.bitcast %get3A_167 : vector<16xi32> to vector<32xbf16>
      %unpack3A_169 = tpu.unpack_subelements %bitcast3A_168, 0 {pack_format = #tpu.pack_format<interleaved>} : vector<32xbf16> -> vector<16xf32>
      %unpack3A_170 = tpu.unpack_subelements %bitcast3A_168, 1 {pack_format = #tpu.pack_format<interleaved>} : vector<32xbf16> -> vector<16xf32>
      %get3A_171 = arith.constant 11 : i32
      %get3A_172 = arith.index_cast %get3A_171 : i32 to index
      %get3A_173 = arith.constant 64 : index
      %get3A_174 = tpu.vector_load %arg12[%get3A_172, %get3A_173] {strides = array<i32>} : memref<20x128xi32, #tpu.memory_space<vmem>>, vector<16xi32>,
      %bitcast3A_175 = vector.bitcast %get3A_174 : vector<16xi32> to vector<32xbf16>
      %unpack3A_176 = tpu.unpack_subelements %bitcast3A_175, 0 {pack_format = #tpu.pack_format<interleaved>} : vector<32xbf16> -> vector<16xf32>
      %unpack3A_177 = tpu.unpack_subelements %bitcast3A_175, 1 {pack_format = #tpu.pack_format<interleaved>} : vector<32xbf16> -> vector<16xf32>
      %get3A_178 = arith.constant 12 : i32
      %get3A_179 = arith.index_cast %get3A_178 : i32 to index
      %get3A_180 = arith.constant 64 : index
      %get3A_181 = tpu.vector_load %arg12[%get3A_179, %get3A_180] {strides = array<i32>} : memref<20x128xi32, #tpu.memory_space<vmem>>, vector<16xi32>,
      %bitcast3A_182 = vector.bitcast %get3A_181 : vector<16xi32> to vector<32xbf16>
      %unpack3A_183 = tpu.unpack_subelements %bitcast3A_182, 0 {pack_format = #tpu.pack_format<interleaved>} : vector<32xbf16> -> vector<16xf32>
      %unpack3A_184 = tpu.unpack_subelements %bitcast3A_182, 1 {pack_format = #tpu.pack_format<interleaved>} : vector<32xbf16> -> vector<16xf32>
      %get3A_185 = arith.constant 13 : i32
      %get3A_186 = arith.index_cast %get3A_185 : i32 to index
      %get3A_187 = arith.constant 64 : index
      %get3A_188 = tpu.vector_load %arg12[%get3A_186, %get3A_187] {strides = array<i32>} : memref<20x128xi32, #tpu.memory_space<vmem>>, vector<16xi32>,
      %bitcast3A_189 = vector.bitcast %get3A_188 : vector<16xi32> to vector<32xbf16>
      %unpack3A_190 = tpu.unpack_subelements %bitcast3A_189, 0 {pack_format = #tpu.pack_format<interleaved>} : vector<32xbf16> -> vector<16xf32>
      %unpack3A_191 = tpu.unpack_subelements %bitcast3A_189, 1 {pack_format = #tpu.pack_format<interleaved>} : vector<32xbf16> -> vector<16xf32>
      %get3A_192 = arith.constant 14 : i32
      %get3A_193 = arith.index_cast %get3A_192 : i32 to index
      %get3A_194 = arith.constant 64 : index
      %get3A_195 = tpu.vector_load %arg12[%get3A_193, %get3A_194] {strides = array<i32>} : memref<20x128xi32, #tpu.memory_space<vmem>>, vector<16xi32>,
      %bitcast3A_196 = vector.bitcast %get3A_195 : vector<16xi32> to vector<32xbf16>
      %unpack3A_197 = tpu.unpack_subelements %bitcast3A_196, 0 {pack_format = #tpu.pack_format<interleaved>} : vector<32xbf16> -> vector<16xf32>
      %unpack3A_198 = tpu.unpack_subelements %bitcast3A_196, 1 {pack_format = #tpu.pack_format<interleaved>} : vector<32xbf16> -> vector<16xf32>
      %get3A_199 = arith.constant 15 : i32
      %get3A_200 = arith.index_cast %get3A_199 : i32 to index
      %get3A_201 = arith.constant 64 : index
      %get3A_202 = tpu.vector_load %arg12[%get3A_200, %get3A_201] {strides = array<i32>} : memref<20x128xi32, #tpu.memory_space<vmem>>, vector<16xi32>,
      %bitcast3A_203 = vector.bitcast %get3A_202 : vector<16xi32> to vector<32xbf16>
      %unpack3A_204 = tpu.unpack_subelements %bitcast3A_203, 0 {pack_format = #tpu.pack_format<interleaved>} : vector<32xbf16> -> vector<16xf32>
      %unpack3A_205 = tpu.unpack_subelements %bitcast3A_203, 1 {pack_format = #tpu.pack_format<interleaved>} : vector<32xbf16> -> vector<16xf32>
      %get3A_206 = arith.constant 16 : i32
      %get3A_207 = arith.index_cast %get3A_206 : i32 to index
      %get3A_208 = arith.constant 64 : index
      %get3A_209 = tpu.vector_load %arg12[%get3A_207, %get3A_208] {strides = array<i32>} : memref<20x128xi32, #tpu.memory_space<vmem>>, vector<16xi32>,
      %bitcast3A_210 = vector.bitcast %get3A_209 : vector<16xi32> to vector<32xbf16>
      %unpack3A_211 = tpu.unpack_subelements %bitcast3A_210, 0 {pack_format = #tpu.pack_format<interleaved>} : vector<32xbf16> -> vector<16xf32>
      %unpack3A_212 = tpu.unpack_subelements %bitcast3A_210, 1 {pack_format = #tpu.pack_format<interleaved>} : vector<32xbf16> -> vector<16xf32>
      %get3A_213 = arith.constant 17 : i32
      %get3A_214 = arith.index_cast %get3A_213 : i32 to index
      %get3A_215 = arith.constant 64 : index
      %get3A_216 = tpu.vector_load %arg12[%get3A_214, %get3A_215] {strides = array<i32>} : memref<20x128xi32, #tpu.memory_space<vmem>>, vector<16xi32>,
      %bitcast3A_217 = vector.bitcast %get3A_216 : vector<16xi32> to vector<32xbf16>
      %unpack3A_218 = tpu.unpack_subelements %bitcast3A_217, 0 {pack_format = #tpu.pack_format<interleaved>} : vector<32xbf16> -> vector<16xf32>
      %unpack3A_219 = tpu.unpack_subelements %bitcast3A_217, 1 {pack_format = #tpu.pack_format<interleaved>} : vector<32xbf16> -> vector<16xf32>
      %get3A_220 = arith.constant 18 : i32
      %get3A_221 = arith.index_cast %get3A_220 : i32 to index
      %get3A_222 = arith.constant 64 : index
      %get3A_223 = tpu.vector_load %arg12[%get3A_221, %get3A_222] {strides = array<i32>} : memref<20x128xi32, #tpu.memory_space<vmem>>, vector<16xi32>,
      %bitcast3A_224 = vector.bitcast %get3A_223 : vector<16xi32> to vector<32xbf16>
      %unpack3A_225 = tpu.unpack_subelements %bitcast3A_224, 0 {pack_format = #tpu.pack_format<interleaved>} : vector<32xbf16> -> vector<16xf32>
      %unpack3A_226 = tpu.unpack_subelements %bitcast3A_224, 1 {pack_format = #tpu.pack_format<interleaved>} : vector<32xbf16> -> vector<16xf32>
      %get3A_227 = arith.constant 19 : i32
      %get3A_228 = arith.index_cast %get3A_227 : i32 to index
      %get3A_229 = arith.constant 64 : index
      %get3A_230 = tpu.vector_load %arg12[%get3A_228, %get3A_229] {strides = array<i32>} : memref<20x128xi32, #tpu.memory_space<vmem>>, vector<16xi32>,
      %bitcast3A_231 = vector.bitcast %get3A_230 : vector<16xi32> to vector<32xbf16>
      %unpack3A_232 = tpu.unpack_subelements %bitcast3A_231, 0 {pack_format = #tpu.pack_format<interleaved>} : vector<32xbf16> -> vector<16xf32>
      %unpack3A_233 = tpu.unpack_subelements %bitcast3A_231, 1 {pack_format = #tpu.pack_format<interleaved>} : vector<32xbf16> -> vector<16xf32>
      %add3A_234 = arith.addf %unpack3A, %unpack3A_106 : vector<16xf32>
      %add3A_235 = arith.addf %unpack3A_113, %unpack3A_120 : vector<16xf32>
      %add3A_236 = arith.addf %unpack3A_127, %unpack3A_134 : vector<16xf32>
      %add3A_237 = arith.addf %unpack3A_141, %unpack3A_148 : vector<16xf32>
      %add3A_238 = arith.addf %unpack3A_155, %unpack3A_162 : vector<16xf32>
      %add3A_239 = arith.addf %unpack3A_169, %unpack3A_176 : vector<16xf32>
      %add3A_240 = arith.addf %unpack3A_183, %unpack3A_190 : vector<16xf32>
      %add3A_241 = arith.addf %unpack3A_197, %unpack3A_204 : vector<16xf32>
      %add3A_242 = arith.addf %unpack3A_211, %unpack3A_218 : vector<16xf32>
      %add3A_243 = arith.addf %unpack3A_225, %unpack3A_232 : vector<16xf32>
      %add3A_244 = arith.addf %add3A_234, %add3A_235 : vector<16xf32>
      %add3A_245 = arith.addf %add3A_236, %add3A_237 : vector<16xf32>
      %add3A_246 = arith.addf %add3A_238, %add3A_239 : vector<16xf32>
      %add3A_247 = arith.addf %add3A_240, %add3A_241 : vector<16xf32>
      %add3A_248 = arith.addf %add3A_242, %add3A_243 : vector<16xf32>
      %add3A_249 = arith.addf %add3A_244, %add3A_245 : vector<16xf32>
      %add3A_250 = arith.addf %add3A_246, %add3A_247 : vector<16xf32>
      %add3A_251 = arith.addf %add3A_249, %add3A_250 : vector<16xf32>
      %add3A_252 = arith.addf %add3A_251, %add3A_248 : vector<16xf32>
      %add3A_253 = arith.addf %unpack3A_100, %unpack3A_107 : vector<16xf32>
      %add3A_254 = arith.addf %unpack3A_114, %unpack3A_121 : vector<16xf32>
      %add3A_255 = arith.addf %unpack3A_128, %unpack3A_135 : vector<16xf32>
      %add3A_256 = arith.addf %unpack3A_142, %unpack3A_149 : vector<16xf32>
      %add3A_257 = arith.addf %unpack3A_156, %unpack3A_163 : vector<16xf32>
      %add3A_258 = arith.addf %unpack3A_170, %unpack3A_177 : vector<16xf32>
      %add3A_259 = arith.addf %unpack3A_184, %unpack3A_191 : vector<16xf32>
      %add3A_260 = arith.addf %unpack3A_198, %unpack3A_205 : vector<16xf32>
      %add3A_261 = arith.addf %unpack3A_212, %unpack3A_219 : vector<16xf32>
      %add3A_262 = arith.addf %unpack3A_226, %unpack3A_233 : vector<16xf32>
      %add3A_263 = arith.addf %add3A_253, %add3A_254 : vector<16xf32>
      %add3A_264 = arith.addf %add3A_255, %add3A_256 : vector<16xf32>
      %add3A_265 = arith.addf %add3A_257, %add3A_258 : vector<16xf32>
      %add3A_266 = arith.addf %add3A_259, %add3A_260 : vector<16xf32>
      %add3A_267 = arith.addf %add3A_261, %add3A_262 : vector<16xf32>
      %add3A_268 = arith.addf %add3A_263, %add3A_264 : vector<16xf32>
      %add3A_269 = arith.addf %add3A_265, %add3A_266 : vector<16xf32>
      %add3A_270 = arith.addf %add3A_268, %add3A_269 : vector<16xf32>
      %add3A_271 = arith.addf %add3A_270, %add3A_267 : vector<16xf32>
      %div3A = arith.constant 2.000000e+01 : f32
      %div3A_272 = vector.broadcast %div3A : f32 to vector<16xf32>
      %div3A_273 = arith.divf %add3A_252, %div3A_272 : vector<16xf32>
      %div3A_274 = arith.constant 2.000000e+01 : f32
      %div3A_275 = vector.broadcast %div3A_274 : f32 to vector<16xf32>
      %div3A_276 = arith.divf %add3A_271, %div3A_275 : vector<16xf32>
      %pack3A = tpu.pack_subelements %div3A_273, %div3A_276 {pack_format = #tpu.pack_format<interleaved>, positions = array<i32: 0, 1>} : vector<16xf32>, vector<16xf32> -> vector<32xbf16>
      %get3A_277 = arith.constant 0 : i32
      %get3A_278 = arith.index_cast %get3A_277 : i32 to index
      %get3A_279 = arith.constant 80 : index
      %get3A_280 = tpu.vector_load %arg12[%get3A_278, %get3A_279] {strides = array<i32>} : memref<20x128xi32, #tpu.memory_space<vmem>>, vector<16xi32>,
      %bitcast3A_281 = vector.bitcast %get3A_280 : vector<16xi32> to vector<32xbf16>
      %unpack3A_282 = tpu.unpack_subelements %bitcast3A_281, 0 {pack_format = #tpu.pack_format<interleaved>} : vector<32xbf16> -> vector<16xf32>
      %unpack3A_283 = tpu.unpack_subelements %bitcast3A_281, 1 {pack_format = #tpu.pack_format<interleaved>} : vector<32xbf16> -> vector<16xf32>
      %get3A_284 = arith.constant 1 : i32
      %get3A_285 = arith.index_cast %get3A_284 : i32 to index
      %get3A_286 = arith.constant 80 : index
      %get3A_287 = tpu.vector_load %arg12[%get3A_285, %get3A_286] {strides = array<i32>} : memref<20x128xi32, #tpu.memory_space<vmem>>, vector<16xi32>,
      %bitcast3A_288 = vector.bitcast %get3A_287 : vector<16xi32> to vector<32xbf16>
      %unpack3A_289 = tpu.unpack_subelements %bitcast3A_288, 0 {pack_format = #tpu.pack_format<interleaved>} : vector<32xbf16> -> vector<16xf32>
      %unpack3A_290 = tpu.unpack_subelements %bitcast3A_288, 1 {pack_format = #tpu.pack_format<interleaved>} : vector<32xbf16> -> vector<16xf32>
      %get3A_291 = arith.constant 2 : i32
      %get3A_292 = arith.index_cast %get3A_291 : i32 to index
      %get3A_293 = arith.constant 80 : index
      %get3A_294 = tpu.vector_load %arg12[%get3A_292, %get3A_293] {strides = array<i32>} : memref<20x128xi32, #tpu.memory_space<vmem>>, vector<16xi32>,
      %bitcast3A_295 = vector.bitcast %get3A_294 : vector<16xi32> to vector<32xbf16>
      %unpack3A_296 = tpu.unpack_subelements %bitcast3A_295, 0 {pack_format = #tpu.pack_format<interleaved>} : vector<32xbf16> -> vector<16xf32>
      %unpack3A_297 = tpu.unpack_subelements %bitcast3A_295, 1 {pack_format = #tpu.pack_format<interleaved>} : vector<32xbf16> -> vector<16xf32>
      %get3A_298 = arith.constant 3 : i32
      %get3A_299 = arith.index_cast %get3A_298 : i32 to index
      %get3A_300 = arith.constant 80 : index
      %get3A_301 = tpu.vector_load %arg12[%get3A_299, %get3A_300] {strides = array<i32>} : memref<20x128xi32, #tpu.memory_space<vmem>>, vector<16xi32>,
      %bitcast3A_302 = vector.bitcast %get3A_301 : vector<16xi32> to vector<32xbf16>
      %unpack3A_303 = tpu.unpack_subelements %bitcast3A_302, 0 {pack_format = #tpu.pack_format<interleaved>} : vector<32xbf16> -> vector<16xf32>
      %unpack3A_304 = tpu.unpack_subelements %bitcast3A_302, 1 {pack_format = #tpu.pack_format<interleaved>} : vector<32xbf16> -> vector<16xf32>
      %get3A_305 = arith.constant 4 : i32
      %get3A_306 = arith.index_cast %get3A_305 : i32 to index
      %get3A_307 = arith.constant 80 : index
      %get3A_308 = tpu.vector_load %arg12[%get3A_306, %get3A_307] {strides = array<i32>} : memref<20x128xi32, #tpu.memory_space<vmem>>, vector<16xi32>,
      %bitcast3A_309 = vector.bitcast %get3A_308 : vector<16xi32> to vector<32xbf16>
      %unpack3A_310 = tpu.unpack_subelements %bitcast3A_309, 0 {pack_format = #tpu.pack_format<interleaved>} : vector<32xbf16> -> vector<16xf32>
      %unpack3A_311 = tpu.unpack_subelements %bitcast3A_309, 1 {pack_format = #tpu.pack_format<interleaved>} : vector<32xbf16> -> vector<16xf32>
      %get3A_312 = arith.constant 5 : i32
      %get3A_313 = arith.index_cast %get3A_312 : i32 to index
      %get3A_314 = arith.constant 80 : index
      %get3A_315 = tpu.vector_load %arg12[%get3A_313, %get3A_314] {strides = array<i32>} : memref<20x128xi32, #tpu.memory_space<vmem>>, vector<16xi32>,
      %bitcast3A_316 = vector.bitcast %get3A_315 : vector<16xi32> to vector<32xbf16>
      %unpack3A_317 = tpu.unpack_subelements %bitcast3A_316, 0 {pack_format = #tpu.pack_format<interleaved>} : vector<32xbf16> -> vector<16xf32>
      %unpack3A_318 = tpu.unpack_subelements %bitcast3A_316, 1 {pack_format = #tpu.pack_format<interleaved>} : vector<32xbf16> -> vector<16xf32>
      %get3A_319 = arith.constant 6 : i32
      %get3A_320 = arith.index_cast %get3A_319 : i32 to index
      %get3A_321 = arith.constant 80 : index
      %get3A_322 = tpu.vector_load %arg12[%get3A_320, %get3A_321] {strides = array<i32>} : memref<20x128xi32, #tpu.memory_space<vmem>>, vector<16xi32>,
      %bitcast3A_323 = vector.bitcast %get3A_322 : vector<16xi32> to vector<32xbf16>
      %unpack3A_324 = tpu.unpack_subelements %bitcast3A_323, 0 {pack_format = #tpu.pack_format<interleaved>} : vector<32xbf16> -> vector<16xf32>
      %unpack3A_325 = tpu.unpack_subelements %bitcast3A_323, 1 {pack_format = #tpu.pack_format<interleaved>} : vector<32xbf16> -> vector<16xf32>
      %get3A_326 = arith.constant 7 : i32
      %get3A_327 = arith.index_cast %get3A_326 : i32 to index
      %get3A_328 = arith.constant 80 : index
      %get3A_329 = tpu.vector_load %arg12[%get3A_327, %get3A_328] {strides = array<i32>} : memref<20x128xi32, #tpu.memory_space<vmem>>, vector<16xi32>,
      %bitcast3A_330 = vector.bitcast %get3A_329 : vector<16xi32> to vector<32xbf16>
      %unpack3A_331 = tpu.unpack_subelements %bitcast3A_330, 0 {pack_format = #tpu.pack_format<interleaved>} : vector<32xbf16> -> vector<16xf32>
      %unpack3A_332 = tpu.unpack_subelements %bitcast3A_330, 1 {pack_format = #tpu.pack_format<interleaved>} : vector<32xbf16> -> vector<16xf32>
      %get3A_333 = arith.constant 8 : i32
      %get3A_334 = arith.index_cast %get3A_333 : i32 to index
      %get3A_335 = arith.constant 80 : index
      %get3A_336 = tpu.vector_load %arg12[%get3A_334, %get3A_335] {strides = array<i32>} : memref<20x128xi32, #tpu.memory_space<vmem>>, vector<16xi32>,
      %bitcast3A_337 = vector.bitcast %get3A_336 : vector<16xi32> to vector<32xbf16>
      %unpack3A_338 = tpu.unpack_subelements %bitcast3A_337, 0 {pack_format = #tpu.pack_format<interleaved>} : vector<32xbf16> -> vector<16xf32>
      %unpack3A_339 = tpu.unpack_subelements %bitcast3A_337, 1 {pack_format = #tpu.pack_format<interleaved>} : vector<32xbf16> -> vector<16xf32>
      %get3A_340 = arith.constant 9 : i32
      %get3A_341 = arith.index_cast %get3A_340 : i32 to index
      %get3A_342 = arith.constant 80 : index
      %get3A_343 = tpu.vector_load %arg12[%get3A_341, %get3A_342] {strides = array<i32>} : memref<20x128xi32, #tpu.memory_space<vmem>>, vector<16xi32>,
      %bitcast3A_344 = vector.bitcast %get3A_343 : vector<16xi32> to vector<32xbf16>
      %unpack3A_345 = tpu.unpack_subelements %bitcast3A_344, 0 {pack_format = #tpu.pack_format<interleaved>} : vector<32xbf16> -> vector<16xf32>
      %unpack3A_346 = tpu.unpack_subelements %bitcast3A_344, 1 {pack_format = #tpu.pack_format<interleaved>} : vector<32xbf16> -> vector<16xf32>
      %get3A_347 = arith.constant 10 : i32
      %get3A_348 = arith.index_cast %get3A_347 : i32 to index
      %get3A_349 = arith.constant 80 : index
      %get3A_350 = tpu.vector_load %arg12[%get3A_348, %get3A_349] {strides = array<i32>} : memref<20x128xi32, #tpu.memory_space<vmem>>, vector<16xi32>,
      %bitcast3A_351 = vector.bitcast %get3A_350 : vector<16xi32> to vector<32xbf16>
      %unpack3A_352 = tpu.unpack_subelements %bitcast3A_351, 0 {pack_format = #tpu.pack_format<interleaved>} : vector<32xbf16> -> vector<16xf32>
      %unpack3A_353 = tpu.unpack_subelements %bitcast3A_351, 1 {pack_format = #tpu.pack_format<interleaved>} : vector<32xbf16> -> vector<16xf32>
      %get3A_354 = arith.constant 11 : i32
      %get3A_355 = arith.index_cast %get3A_354 : i32 to index
      %get3A_356 = arith.constant 80 : index
      %get3A_357 = tpu.vector_load %arg12[%get3A_355, %get3A_356] {strides = array<i32>} : memref<20x128xi32, #tpu.memory_space<vmem>>, vector<16xi32>,
      %bitcast3A_358 = vector.bitcast %get3A_357 : vector<16xi32> to vector<32xbf16>
      %unpack3A_359 = tpu.unpack_subelements %bitcast3A_358, 0 {pack_format = #tpu.pack_format<interleaved>} : vector<32xbf16> -> vector<16xf32>
      %unpack3A_360 = tpu.unpack_subelements %bitcast3A_358, 1 {pack_format = #tpu.pack_format<interleaved>} : vector<32xbf16> -> vector<16xf32>
      %get3A_361 = arith.constant 12 : i32
      %get3A_362 = arith.index_cast %get3A_361 : i32 to index
      %get3A_363 = arith.constant 80 : index
      %get3A_364 = tpu.vector_load %arg12[%get3A_362, %get3A_363] {strides = array<i32>} : memref<20x128xi32, #tpu.memory_space<vmem>>, vector<16xi32>,
      %bitcast3A_365 = vector.bitcast %get3A_364 : vector<16xi32> to vector<32xbf16>
      %unpack3A_366 = tpu.unpack_subelements %bitcast3A_365, 0 {pack_format = #tpu.pack_format<interleaved>} : vector<32xbf16> -> vector<16xf32>
      %unpack3A_367 = tpu.unpack_subelements %bitcast3A_365, 1 {pack_format = #tpu.pack_format<interleaved>} : vector<32xbf16> -> vector<16xf32>
      %get3A_368 = arith.constant 13 : i32
      %get3A_369 = arith.index_cast %get3A_368 : i32 to index
      %get3A_370 = arith.constant 80 : index
      %get3A_371 = tpu.vector_load %arg12[%get3A_369, %get3A_370] {strides = array<i32>} : memref<20x128xi32, #tpu.memory_space<vmem>>, vector<16xi32>,
      %bitcast3A_372 = vector.bitcast %get3A_371 : vector<16xi32> to vector<32xbf16>
      %unpack3A_373 = tpu.unpack_subelements %bitcast3A_372, 0 {pack_format = #tpu.pack_format<interleaved>} : vector<32xbf16> -> vector<16xf32>
      %unpack3A_374 = tpu.unpack_subelements %bitcast3A_372, 1 {pack_format = #tpu.pack_format<interleaved>} : vector<32xbf16> -> vector<16xf32>
      %get3A_375 = arith.constant 14 : i32
      %get3A_376 = arith.index_cast %get3A_375 : i32 to index
      %get3A_377 = arith.constant 80 : index
      %get3A_378 = tpu.vector_load %arg12[%get3A_376, %get3A_377] {strides = array<i32>} : memref<20x128xi32, #tpu.memory_space<vmem>>, vector<16xi32>,
      %bitcast3A_379 = vector.bitcast %get3A_378 : vector<16xi32> to vector<32xbf16>
      %unpack3A_380 = tpu.unpack_subelements %bitcast3A_379, 0 {pack_format = #tpu.pack_format<interleaved>} : vector<32xbf16> -> vector<16xf32>
      %unpack3A_381 = tpu.unpack_subelements %bitcast3A_379, 1 {pack_format = #tpu.pack_format<interleaved>} : vector<32xbf16> -> vector<16xf32>
      %get3A_382 = arith.constant 15 : i32
      %get3A_383 = arith.index_cast %get3A_382 : i32 to index
      %get3A_384 = arith.constant 80 : index
      %get3A_385 = tpu.vector_load %arg12[%get3A_383, %get3A_384] {strides = array<i32>} : memref<20x128xi32, #tpu.memory_space<vmem>>, vector<16xi32>,
      %bitcast3A_386 = vector.bitcast %get3A_385 : vector<16xi32> to vector<32xbf16>
      %unpack3A_387 = tpu.unpack_subelements %bitcast3A_386, 0 {pack_format = #tpu.pack_format<interleaved>} : vector<32xbf16> -> vector<16xf32>
      %unpack3A_388 = tpu.unpack_subelements %bitcast3A_386, 1 {pack_format = #tpu.pack_format<interleaved>} : vector<32xbf16> -> vector<16xf32>
      %get3A_389 = arith.constant 16 : i32
      %get3A_390 = arith.index_cast %get3A_389 : i32 to index
      %get3A_391 = arith.constant 80 : index
      %get3A_392 = tpu.vector_load %arg12[%get3A_390, %get3A_391] {strides = array<i32>} : memref<20x128xi32, #tpu.memory_space<vmem>>, vector<16xi32>,
      %bitcast3A_393 = vector.bitcast %get3A_392 : vector<16xi32> to vector<32xbf16>
      %unpack3A_394 = tpu.unpack_subelements %bitcast3A_393, 0 {pack_format = #tpu.pack_format<interleaved>} : vector<32xbf16> -> vector<16xf32>
      %unpack3A_395 = tpu.unpack_subelements %bitcast3A_393, 1 {pack_format = #tpu.pack_format<interleaved>} : vector<32xbf16> -> vector<16xf32>
      %get3A_396 = arith.constant 17 : i32
      %get3A_397 = arith.index_cast %get3A_396 : i32 to index
      %get3A_398 = arith.constant 80 : index
      %get3A_399 = tpu.vector_load %arg12[%get3A_397, %get3A_398] {strides = array<i32>} : memref<20x128xi32, #tpu.memory_space<vmem>>, vector<16xi32>,
      %bitcast3A_400 = vector.bitcast %get3A_399 : vector<16xi32> to vector<32xbf16>
      %unpack3A_401 = tpu.unpack_subelements %bitcast3A_400, 0 {pack_format = #tpu.pack_format<interleaved>} : vector<32xbf16> -> vector<16xf32>
      %unpack3A_402 = tpu.unpack_subelements %bitcast3A_400, 1 {pack_format = #tpu.pack_format<interleaved>} : vector<32xbf16> -> vector<16xf32>
      %get3A_403 = arith.constant 18 : i32
      %get3A_404 = arith.index_cast %get3A_403 : i32 to index
      %get3A_405 = arith.constant 80 : index
      %get3A_406 = tpu.vector_load %arg12[%get3A_404, %get3A_405] {strides = array<i32>} : memref<20x128xi32, #tpu.memory_space<vmem>>, vector<16xi32>,
      %bitcast3A_407 = vector.bitcast %get3A_406 : vector<16xi32> to vector<32xbf16>
      %unpack3A_408 = tpu.unpack_subelements %bitcast3A_407, 0 {pack_format = #tpu.pack_format<interleaved>} : vector<32xbf16> -> vector<16xf32>
      %unpack3A_409 = tpu.unpack_subelements %bitcast3A_407, 1 {pack_format = #tpu.pack_format<interleaved>} : vector<32xbf16> -> vector<16xf32>
      %get3A_410 = arith.constant 19 : i32
      %get3A_411 = arith.index_cast %get3A_410 : i32 to index
      %get3A_412 = arith.constant 80 : index
      %get3A_413 = tpu.vector_load %arg12[%get3A_411, %get3A_412] {strides = array<i32>} : memref<20x128xi32, #tpu.memory_space<vmem>>, vector<16xi32>,
      %bitcast3A_414 = vector.bitcast %get3A_413 : vector<16xi32> to vector<32xbf16>
      %unpack3A_415 = tpu.unpack_subelements %bitcast3A_414, 0 {pack_format = #tpu.pack_format<interleaved>} : vector<32xbf16> -> vector<16xf32>
      %unpack3A_416 = tpu.unpack_subelements %bitcast3A_414, 1 {pack_format = #tpu.pack_format<interleaved>} : vector<32xbf16> -> vector<16xf32>
      %add3A_417 = arith.addf %unpack3A_282, %unpack3A_289 : vector<16xf32>
      %add3A_418 = arith.addf %unpack3A_296, %unpack3A_303 : vector<16xf32>
      %add3A_419 = arith.addf %unpack3A_310, %unpack3A_317 : vector<16xf32>
      %add3A_420 = arith.addf %unpack3A_324, %unpack3A_331 : vector<16xf32>
      %add3A_421 = arith.addf %unpack3A_338, %unpack3A_345 : vector<16xf32>
      %add3A_422 = arith.addf %unpack3A_352, %unpack3A_359 : vector<16xf32>
      %add3A_423 = arith.addf %unpack3A_366, %unpack3A_373 : vector<16xf32>
      %add3A_424 = arith.addf %unpack3A_380, %unpack3A_387 : vector<16xf32>
      %add3A_425 = arith.addf %unpack3A_394, %unpack3A_401 : vector<16xf32>
      %add3A_426 = arith.addf %unpack3A_408, %unpack3A_415 : vector<16xf32>
      %add3A_427 = arith.addf %add3A_417, %add3A_418 : vector<16xf32>
      %add3A_428 = arith.addf %add3A_419, %add3A_420 : vector<16xf32>
      %add3A_429 = arith.addf %add3A_421, %add3A_422 : vector<16xf32>
      %add3A_430 = arith.addf %add3A_423, %add3A_424 : vector<16xf32>
      %add3A_431 = arith.addf %add3A_425, %add3A_426 : vector<16xf32>
      %add3A_432 = arith.addf %add3A_427, %add3A_428 : vector<16xf32>
      %add3A_433 = arith.addf %add3A_429, %add3A_430 : vector<16xf32>
      %add3A_434 = arith.addf %add3A_432, %add3A_433 : vector<16xf32>
      %add3A_435 = arith.addf %add3A_434, %add3A_431 : vector<16xf32>
      %add3A_436 = arith.addf %unpack3A_283, %unpack3A_290 : vector<16xf32>
      %add3A_437 = arith.addf %unpack3A_297, %unpack3A_304 : vector<16xf32>
      %add3A_438 = arith.addf %unpack3A_311, %unpack3A_318 : vector<16xf32>
      %add3A_439 = arith.addf %unpack3A_325, %unpack3A_332 : vector<16xf32>
      %add3A_440 = arith.addf %unpack3A_339, %unpack3A_346 : vector<16xf32>
      %add3A_441 = arith.addf %unpack3A_353, %unpack3A_360 : vector<16xf32>
      %add3A_442 = arith.addf %unpack3A_367, %unpack3A_374 : vector<16xf32>
      %add3A_443 = arith.addf %unpack3A_381, %unpack3A_388 : vector<16xf32>
      %add3A_444 = arith.addf %unpack3A_395, %unpack3A_402 : vector<16xf32>
      %add3A_445 = arith.addf %unpack3A_409, %unpack3A_416 : vector<16xf32>
      %add3A_446 = arith.addf %add3A_436, %add3A_437 : vector<16xf32>
      %add3A_447 = arith.addf %add3A_438, %add3A_439 : vector<16xf32>
      %add3A_448 = arith.addf %add3A_440, %add3A_441 : vector<16xf32>
      %add3A_449 = arith.addf %add3A_442, %add3A_443 : vector<16xf32>
      %add3A_450 = arith.addf %add3A_444, %add3A_445 : vector<16xf32>
      %add3A_451 = arith.addf %add3A_446, %add3A_447 : vector<16xf32>
      %add3A_452 = arith.addf %add3A_448, %add3A_449 : vector<16xf32>
      %add3A_453 = arith.addf %add3A_451, %add3A_452 : vector<16xf32>
      %add3A_454 = arith.addf %add3A_453, %add3A_450 : vector<16xf32>
      %div3A_455 = arith.constant 2.000000e+01 : f32
      %div3A_456 = vector.broadcast %div3A_455 : f32 to vector<16xf32>
      %div3A_457 = arith.divf %add3A_435, %div3A_456 : vector<16xf32>
      %div3A_458 = arith.constant 2.000000e+01 : f32
      %div3A_459 = vector.broadcast %div3A_458 : f32 to vector<16xf32>
      %div3A_460 = arith.divf %add3A_454, %div3A_459 : vector<16xf32>
      %pack3A_461 = tpu.pack_subelements %div3A_457, %div3A_460 {pack_format = #tpu.pack_format<interleaved>, positions = array<i32: 0, 1>} : vector<16xf32>, vector<16xf32> -> vector<32xbf16>
      %get3A_462 = arith.constant 0 : i32
      %get3A_463 = arith.index_cast %get3A_462 : i32 to index
      %get3A_464 = arith.constant 96 : index
      %get3A_465 = tpu.vector_load %arg12[%get3A_463, %get3A_464] {strides = array<i32>} : memref<20x128xi32, #tpu.memory_space<vmem>>, vector<16xi32>,
      %bitcast3A_466 = vector.bitcast %get3A_465 : vector<16xi32> to vector<32xbf16>
      %unpack3A_467 = tpu.unpack_subelements %bitcast3A_466, 0 {pack_format = #tpu.pack_format<interleaved>} : vector<32xbf16> -> vector<16xf32>
      %unpack3A_468 = tpu.unpack_subelements %bitcast3A_466, 1 {pack_format = #tpu.pack_format<interleaved>} : vector<32xbf16> -> vector<16xf32>
      %get3A_469 = arith.constant 1 : i32
      %get3A_470 = arith.index_cast %get3A_469 : i32 to index
      %get3A_471 = arith.constant 96 : index
      %get3A_472 = tpu.vector_load %arg12[%get3A_470, %get3A_471] {strides = array<i32>} : memref<20x128xi32, #tpu.memory_space<vmem>>, vector<16xi32>,
      %bitcast3A_473 = vector.bitcast %get3A_472 : vector<16xi32> to vector<32xbf16>
      %unpack3A_474 = tpu.unpack_subelements %bitcast3A_473, 0 {pack_format = #tpu.pack_format<interleaved>} : vector<32xbf16> -> vector<16xf32>
      %unpack3A_475 = tpu.unpack_subelements %bitcast3A_473, 1 {pack_format = #tpu.pack_format<interleaved>} : vector<32xbf16> -> vector<16xf32>
      %get3A_476 = arith.constant 2 : i32
      %get3A_477 = arith.index_cast %get3A_476 : i32 to index
      %get3A_478 = arith.constant 96 : index
      %get3A_479 = tpu.vector_load %arg12[%get3A_477, %get3A_478] {strides = array<i32>} : memref<20x128xi32, #tpu.memory_space<vmem>>, vector<16xi32>,
      %bitcast3A_480 = vector.bitcast %get3A_479 : vector<16xi32> to vector<32xbf16>
      %unpack3A_481 = tpu.unpack_subelements %bitcast3A_480, 0 {pack_format = #tpu.pack_format<interleaved>} : vector<32xbf16> -> vector<16xf32>
      %unpack3A_482 = tpu.unpack_subelements %bitcast3A_480, 1 {pack_format = #tpu.pack_format<interleaved>} : vector<32xbf16> -> vector<16xf32>
      %get3A_483 = arith.constant 3 : i32
      %get3A_484 = arith.index_cast %get3A_483 : i32 to index
      %get3A_485 = arith.constant 96 : index
      %get3A_486 = tpu.vector_load %arg12[%get3A_484, %get3A_485] {strides = array<i32>} : memref<20x128xi32, #tpu.memory_space<vmem>>, vector<16xi32>,
      %bitcast3A_487 = vector.bitcast %get3A_486 : vector<16xi32> to vector<32xbf16>
      %unpack3A_488 = tpu.unpack_subelements %bitcast3A_487, 0 {pack_format = #tpu.pack_format<interleaved>} : vector<32xbf16> -> vector<16xf32>
      %unpack3A_489 = tpu.unpack_subelements %bitcast3A_487, 1 {pack_format = #tpu.pack_format<interleaved>} : vector<32xbf16> -> vector<16xf32>
      %get3A_490 = arith.constant 4 : i32
      %get3A_491 = arith.index_cast %get3A_490 : i32 to index
      %get3A_492 = arith.constant 96 : index
      %get3A_493 = tpu.vector_load %arg12[%get3A_491, %get3A_492] {strides = array<i32>} : memref<20x128xi32, #tpu.memory_space<vmem>>, vector<16xi32>,
      %bitcast3A_494 = vector.bitcast %get3A_493 : vector<16xi32> to vector<32xbf16>
      %unpack3A_495 = tpu.unpack_subelements %bitcast3A_494, 0 {pack_format = #tpu.pack_format<interleaved>} : vector<32xbf16> -> vector<16xf32>
      %unpack3A_496 = tpu.unpack_subelements %bitcast3A_494, 1 {pack_format = #tpu.pack_format<interleaved>} : vector<32xbf16> -> vector<16xf32>
      %get3A_497 = arith.constant 5 : i32
      %get3A_498 = arith.index_cast %get3A_497 : i32 to index
      %get3A_499 = arith.constant 96 : index
      %get3A_500 = tpu.vector_load %arg12[%get3A_498, %get3A_499] {strides = array<i32>} : memref<20x128xi32, #tpu.memory_space<vmem>>, vector<16xi32>,
      %bitcast3A_501 = vector.bitcast %get3A_500 : vector<16xi32> to vector<32xbf16>
      %unpack3A_502 = tpu.unpack_subelements %bitcast3A_501, 0 {pack_format = #tpu.pack_format<interleaved>} : vector<32xbf16> -> vector<16xf32>
      %unpack3A_503 = tpu.unpack_subelements %bitcast3A_501, 1 {pack_format = #tpu.pack_format<interleaved>} : vector<32xbf16> -> vector<16xf32>
      %get3A_504 = arith.constant 6 : i32
      %get3A_505 = arith.index_cast %get3A_504 : i32 to index
      %get3A_506 = arith.constant 96 : index
      %get3A_507 = tpu.vector_load %arg12[%get3A_505, %get3A_506] {strides = array<i32>} : memref<20x128xi32, #tpu.memory_space<vmem>>, vector<16xi32>,
      %bitcast3A_508 = vector.bitcast %get3A_507 : vector<16xi32> to vector<32xbf16>
      %unpack3A_509 = tpu.unpack_subelements %bitcast3A_508, 0 {pack_format = #tpu.pack_format<interleaved>} : vector<32xbf16> -> vector<16xf32>
      %unpack3A_510 = tpu.unpack_subelements %bitcast3A_508, 1 {pack_format = #tpu.pack_format<interleaved>} : vector<32xbf16> -> vector<16xf32>
      %get3A_511 = arith.constant 7 : i32
      %get3A_512 = arith.index_cast %get3A_511 : i32 to index
      %get3A_513 = arith.constant 96 : index
      %get3A_514 = tpu.vector_load %arg12[%get3A_512, %get3A_513] {strides = array<i32>} : memref<20x128xi32, #tpu.memory_space<vmem>>, vector<16xi32>,
      %bitcast3A_515 = vector.bitcast %get3A_514 : vector<16xi32> to vector<32xbf16>
      %unpack3A_516 = tpu.unpack_subelements %bitcast3A_515, 0 {pack_format = #tpu.pack_format<interleaved>} : vector<32xbf16> -> vector<16xf32>
      %unpack3A_517 = tpu.unpack_subelements %bitcast3A_515, 1 {pack_format = #tpu.pack_format<interleaved>} : vector<32xbf16> -> vector<16xf32>
      %get3A_518 = arith.constant 8 : i32
      %get3A_519 = arith.index_cast %get3A_518 : i32 to index
      %get3A_520 = arith.constant 96 : index
      %get3A_521 = tpu.vector_load %arg12[%get3A_519, %get3A_520] {strides = array<i32>} : memref<20x128xi32, #tpu.memory_space<vmem>>, vector<16xi32>,
      %bitcast3A_522 = vector.bitcast %get3A_521 : vector<16xi32> to vector<32xbf16>
      %unpack3A_523 = tpu.unpack_subelements %bitcast3A_522, 0 {pack_format = #tpu.pack_format<interleaved>} : vector<32xbf16> -> vector<16xf32>
      %unpack3A_524 = tpu.unpack_subelements %bitcast3A_522, 1 {pack_format = #tpu.pack_format<interleaved>} : vector<32xbf16> -> vector<16xf32>
      %get3A_525 = arith.constant 9 : i32
      %get3A_526 = arith.index_cast %get3A_525 : i32 to index
      %get3A_527 = arith.constant 96 : index
      %get3A_528 = tpu.vector_load %arg12[%get3A_526, %get3A_527] {strides = array<i32>} : memref<20x128xi32, #tpu.memory_space<vmem>>, vector<16xi32>,
      %bitcast3A_529 = vector.bitcast %get3A_528 : vector<16xi32> to vector<32xbf16>
      %unpack3A_530 = tpu.unpack_subelements %bitcast3A_529, 0 {pack_format = #tpu.pack_format<interleaved>} : vector<32xbf16> -> vector<16xf32>
      %unpack3A_531 = tpu.unpack_subelements %bitcast3A_529, 1 {pack_format = #tpu.pack_format<interleaved>} : vector<32xbf16> -> vector<16xf32>
      %get3A_532 = arith.constant 10 : i32
      %get3A_533 = arith.index_cast %get3A_532 : i32 to index
      %get3A_534 = arith.constant 96 : index
      %get3A_535 = tpu.vector_load %arg12[%get3A_533, %get3A_534] {strides = array<i32>} : memref<20x128xi32, #tpu.memory_space<vmem>>, vector<16xi32>,
      %bitcast3A_536 = vector.bitcast %get3A_535 : vector<16xi32> to vector<32xbf16>
      %unpack3A_537 = tpu.unpack_subelements %bitcast3A_536, 0 {pack_format = #tpu.pack_format<interleaved>} : vector<32xbf16> -> vector<16xf32>
      %unpack3A_538 = tpu.unpack_subelements %bitcast3A_536, 1 {pack_format = #tpu.pack_format<interleaved>} : vector<32xbf16> -> vector<16xf32>
      %get3A_539 = arith.constant 11 : i32
      %get3A_540 = arith.index_cast %get3A_539 : i32 to index
      %get3A_541 = arith.constant 96 : index
      %get3A_542 = tpu.vector_load %arg12[%get3A_540, %get3A_541] {strides = array<i32>} : memref<20x128xi32, #tpu.memory_space<vmem>>, vector<16xi32>,
      %bitcast3A_543 = vector.bitcast %get3A_542 : vector<16xi32> to vector<32xbf16>
      %unpack3A_544 = tpu.unpack_subelements %bitcast3A_543, 0 {pack_format = #tpu.pack_format<interleaved>} : vector<32xbf16> -> vector<16xf32>
      %unpack3A_545 = tpu.unpack_subelements %bitcast3A_543, 1 {pack_format = #tpu.pack_format<interleaved>} : vector<32xbf16> -> vector<16xf32>
      %get3A_546 = arith.constant 12 : i32
      %get3A_547 = arith.index_cast %get3A_546 : i32 to index
      %get3A_548 = arith.constant 96 : index
      %get3A_549 = tpu.vector_load %arg12[%get3A_547, %get3A_548] {strides = array<i32>} : memref<20x128xi32, #tpu.memory_space<vmem>>, vector<16xi32>,
      %bitcast3A_550 = vector.bitcast %get3A_549 : vector<16xi32> to vector<32xbf16>
      %unpack3A_551 = tpu.unpack_subelements %bitcast3A_550, 0 {pack_format = #tpu.pack_format<interleaved>} : vector<32xbf16> -> vector<16xf32>
      %unpack3A_552 = tpu.unpack_subelements %bitcast3A_550, 1 {pack_format = #tpu.pack_format<interleaved>} : vector<32xbf16> -> vector<16xf32>
      %get3A_553 = arith.constant 13 : i32
      %get3A_554 = arith.index_cast %get3A_553 : i32 to index
      %get3A_555 = arith.constant 96 : index
      %get3A_556 = tpu.vector_load %arg12[%get3A_554, %get3A_555] {strides = array<i32>} : memref<20x128xi32, #tpu.memory_space<vmem>>, vector<16xi32>,
      %bitcast3A_557 = vector.bitcast %get3A_556 : vector<16xi32> to vector<32xbf16>
      %unpack3A_558 = tpu.unpack_subelements %bitcast3A_557, 0 {pack_format = #tpu.pack_format<interleaved>} : vector<32xbf16> -> vector<16xf32>
      %unpack3A_559 = tpu.unpack_subelements %bitcast3A_557, 1 {pack_format = #tpu.pack_format<interleaved>} : vector<32xbf16> -> vector<16xf32>
      %get3A_560 = arith.constant 14 : i32
      %get3A_561 = arith.index_cast %get3A_560 : i32 to index
      %get3A_562 = arith.constant 96 : index
      %get3A_563 = tpu.vector_load %arg12[%get3A_561, %get3A_562] {strides = array<i32>} : memref<20x128xi32, #tpu.memory_space<vmem>>, vector<16xi32>,
      %bitcast3A_564 = vector.bitcast %get3A_563 : vector<16xi32> to vector<32xbf16>
      %unpack3A_565 = tpu.unpack_subelements %bitcast3A_564, 0 {pack_format = #tpu.pack_format<interleaved>} : vector<32xbf16> -> vector<16xf32>
      %unpack3A_566 = tpu.unpack_subelements %bitcast3A_564, 1 {pack_format = #tpu.pack_format<interleaved>} : vector<32xbf16> -> vector<16xf32>
      %get3A_567 = arith.constant 15 : i32
      %get3A_568 = arith.index_cast %get3A_567 : i32 to index
      %get3A_569 = arith.constant 96 : index
      %get3A_570 = tpu.vector_load %arg12[%get3A_568, %get3A_569] {strides = array<i32>} : memref<20x128xi32, #tpu.memory_space<vmem>>, vector<16xi32>,
      %bitcast3A_571 = vector.bitcast %get3A_570 : vector<16xi32> to vector<32xbf16>
      %unpack3A_572 = tpu.unpack_subelements %bitcast3A_571, 0 {pack_format = #tpu.pack_format<interleaved>} : vector<32xbf16> -> vector<16xf32>
      %unpack3A_573 = tpu.unpack_subelements %bitcast3A_571, 1 {pack_format = #tpu.pack_format<interleaved>} : vector<32xbf16> -> vector<16xf32>
      %get3A_574 = arith.constant 16 : i32
      %get3A_575 = arith.index_cast %get3A_574 : i32 to index
      %get3A_576 = arith.constant 96 : index
      %get3A_577 = tpu.vector_load %arg12[%get3A_575, %get3A_576] {strides = array<i32>} : memref<20x128xi32, #tpu.memory_space<vmem>>, vector<16xi32>,
      %bitcast3A_578 = vector.bitcast %get3A_577 : vector<16xi32> to vector<32xbf16>
      %unpack3A_579 = tpu.unpack_subelements %bitcast3A_578, 0 {pack_format = #tpu.pack_format<interleaved>} : vector<32xbf16> -> vector<16xf32>
      %unpack3A_580 = tpu.unpack_subelements %bitcast3A_578, 1 {pack_format = #tpu.pack_format<interleaved>} : vector<32xbf16> -> vector<16xf32>
      %get3A_581 = arith.constant 17 : i32
      %get3A_582 = arith.index_cast %get3A_581 : i32 to index
      %get3A_583 = arith.constant 96 : index
      %get3A_584 = tpu.vector_load %arg12[%get3A_582, %get3A_583] {strides = array<i32>} : memref<20x128xi32, #tpu.memory_space<vmem>>, vector<16xi32>,
      %bitcast3A_585 = vector.bitcast %get3A_584 : vector<16xi32> to vector<32xbf16>
      %unpack3A_586 = tpu.unpack_subelements %bitcast3A_585, 0 {pack_format = #tpu.pack_format<interleaved>} : vector<32xbf16> -> vector<16xf32>
      %unpack3A_587 = tpu.unpack_subelements %bitcast3A_585, 1 {pack_format = #tpu.pack_format<interleaved>} : vector<32xbf16> -> vector<16xf32>
      %get3A_588 = arith.constant 18 : i32
      %get3A_589 = arith.index_cast %get3A_588 : i32 to index
      %get3A_590 = arith.constant 96 : index
      %get3A_591 = tpu.vector_load %arg12[%get3A_589, %get3A_590] {strides = array<i32>} : memref<20x128xi32, #tpu.memory_space<vmem>>, vector<16xi32>,
      %bitcast3A_592 = vector.bitcast %get3A_591 : vector<16xi32> to vector<32xbf16>
      %unpack3A_593 = tpu.unpack_subelements %bitcast3A_592, 0 {pack_format = #tpu.pack_format<interleaved>} : vector<32xbf16> -> vector<16xf32>
      %unpack3A_594 = tpu.unpack_subelements %bitcast3A_592, 1 {pack_format = #tpu.pack_format<interleaved>} : vector<32xbf16> -> vector<16xf32>
      %get3A_595 = arith.constant 19 : i32
      %get3A_596 = arith.index_cast %get3A_595 : i32 to index
      %get3A_597 = arith.constant 96 : index
      %get3A_598 = tpu.vector_load %arg12[%get3A_596, %get3A_597] {strides = array<i32>} : memref<20x128xi32, #tpu.memory_space<vmem>>, vector<16xi32>,
      %bitcast3A_599 = vector.bitcast %get3A_598 : vector<16xi32> to vector<32xbf16>
      %unpack3A_600 = tpu.unpack_subelements %bitcast3A_599, 0 {pack_format = #tpu.pack_format<interleaved>} : vector<32xbf16> -> vector<16xf32>
      %unpack3A_601 = tpu.unpack_subelements %bitcast3A_599, 1 {pack_format = #tpu.pack_format<interleaved>} : vector<32xbf16> -> vector<16xf32>
      %add3A_602 = arith.addf %unpack3A_467, %unpack3A_474 : vector<16xf32>
      %add3A_603 = arith.addf %unpack3A_481, %unpack3A_488 : vector<16xf32>
      %add3A_604 = arith.addf %unpack3A_495, %unpack3A_502 : vector<16xf32>
      %add3A_605 = arith.addf %unpack3A_509, %unpack3A_516 : vector<16xf32>
      %add3A_606 = arith.addf %unpack3A_523, %unpack3A_530 : vector<16xf32>
      %add3A_607 = arith.addf %unpack3A_537, %unpack3A_544 : vector<16xf32>
      %add3A_608 = arith.addf %unpack3A_551, %unpack3A_558 : vector<16xf32>
      %add3A_609 = arith.addf %unpack3A_565, %unpack3A_572 : vector<16xf32>
      %add3A_610 = arith.addf %unpack3A_579, %unpack3A_586 : vector<16xf32>
      %add3A_611 = arith.addf %unpack3A_593, %unpack3A_600 : vector<16xf32>
      %add3A_612 = arith.addf %add3A_602, %add3A_603 : vector<16xf32>
      %add3A_613 = arith.addf %add3A_604, %add3A_605 : vector<16xf32>
      %add3A_614 = arith.addf %add3A_606, %add3A_607 : vector<16xf32>
      %add3A_615 = arith.addf %add3A_608, %add3A_609 : vector<16xf32>
      %add3A_616 = arith.addf %add3A_610, %add3A_611 : vector<16xf32>
      %add3A_617 = arith.addf %add3A_612, %add3A_613 : vector<16xf32>
      %add3A_618 = arith.addf %add3A_614, %add3A_615 : vector<16xf32>
      %add3A_619 = arith.addf %add3A_617, %add3A_618 : vector<16xf32>
      %add3A_620 = arith.addf %add3A_619, %add3A_616 : vector<16xf32>
      %add3A_621 = arith.addf %unpack3A_468, %unpack3A_475 : vector<16xf32>
      %add3A_622 = arith.addf %unpack3A_482, %unpack3A_489 : vector<16xf32>
      %add3A_623 = arith.addf %unpack3A_496, %unpack3A_503 : vector<16xf32>
      %add3A_624 = arith.addf %unpack3A_510, %unpack3A_517 : vector<16xf32>
      %add3A_625 = arith.addf %unpack3A_524, %unpack3A_531 : vector<16xf32>
      %add3A_626 = arith.addf %unpack3A_538, %unpack3A_545 : vector<16xf32>
      %add3A_627 = arith.addf %unpack3A_552, %unpack3A_559 : vector<16xf32>
      %add3A_628 = arith.addf %unpack3A_566, %unpack3A_573 : vector<16xf32>
      %add3A_629 = arith.addf %unpack3A_580, %unpack3A_587 : vector<16xf32>
      %add3A_630 = arith.addf %unpack3A_594, %unpack3A_601 : vector<16xf32>
      %add3A_631 = arith.addf %add3A_621, %add3A_622 : vector<16xf32>
      %add3A_632 = arith.addf %add3A_623, %add3A_624 : vector<16xf32>
      %add3A_633 = arith.addf %add3A_625, %add3A_626 : vector<16xf32>
      %add3A_634 = arith.addf %add3A_627, %add3A_628 : vector<16xf32>
      %add3A_635 = arith.addf %add3A_629, %add3A_630 : vector<16xf32>
      %add3A_636 = arith.addf %add3A_631, %add3A_632 : vector<16xf32>
      %add3A_637 = arith.addf %add3A_633, %add3A_634 : vector<16xf32>
      %add3A_638 = arith.addf %add3A_636, %add3A_637 : vector<16xf32>
      %add3A_639 = arith.addf %add3A_638, %add3A_635 : vector<16xf32>
      %div3A_640 = arith.constant 2.000000e+01 : f32
      %div3A_641 = vector.broadcast %div3A_640 : f32 to vector<16xf32>
      %div3A_642 = arith.divf %add3A_620, %div3A_641 : vector<16xf32>
      %div3A_643 = arith.constant 2.000000e+01 : f32
      %div3A_644 = vector.broadcast %div3A_643 : f32 to vector<16xf32>
      %div3A_645 = arith.divf %add3A_639, %div3A_644 : vector<16xf32>
      %pack3A_646 = tpu.pack_subelements %div3A_642, %div3A_645 {pack_format = #tpu.pack_format<interleaved>, positions = array<i32: 0, 1>} : vector<16xf32>, vector<16xf32> -> vector<32xbf16>
      %get3A_647 = arith.constant 0 : i32
      %get3A_648 = arith.index_cast %get3A_647 : i32 to index
      %get3A_649 = arith.constant 112 : index
      %get3A_650 = tpu.vector_load %arg12[%get3A_648, %get3A_649] {strides = array<i32>} : memref<20x128xi32, #tpu.memory_space<vmem>>, vector<16xi32>,
      %bitcast3A_651 = vector.bitcast %get3A_650 : vector<16xi32> to vector<32xbf16>
      %unpack3A_652 = tpu.unpack_subelements %bitcast3A_651, 0 {pack_format = #tpu.pack_format<interleaved>} : vector<32xbf16> -> vector<16xf32>
      %unpack3A_653 = tpu.unpack_subelements %bitcast3A_651, 1 {pack_format = #tpu.pack_format<interleaved>} : vector<32xbf16> -> vector<16xf32>
      %get3A_654 = arith.constant 1 : i32
      %get3A_655 = arith.index_cast %get3A_654 : i32 to index
      %get3A_656 = arith.constant 112 : index
      %get3A_657 = tpu.vector_load %arg12[%get3A_655, %get3A_656] {strides = array<i32>} : memref<20x128xi32, #tpu.memory_space<vmem>>, vector<16xi32>,
      %bitcast3A_658 = vector.bitcast %get3A_657 : vector<16xi32> to vector<32xbf16>
      %unpack3A_659 = tpu.unpack_subelements %bitcast3A_658, 0 {pack_format = #tpu.pack_format<interleaved>} : vector<32xbf16> -> vector<16xf32>
      %unpack3A_660 = tpu.unpack_subelements %bitcast3A_658, 1 {pack_format = #tpu.pack_format<interleaved>} : vector<32xbf16> -> vector<16xf32>
      %get3A_661 = arith.constant 2 : i32
      %get3A_662 = arith.index_cast %get3A_661 : i32 to index
      %get3A_663 = arith.constant 112 : index
      %get3A_664 = tpu.vector_load %arg12[%get3A_662, %get3A_663] {strides = array<i32>} : memref<20x128xi32, #tpu.memory_space<vmem>>, vector<16xi32>,
      %bitcast3A_665 = vector.bitcast %get3A_664 : vector<16xi32> to vector<32xbf16>
      %unpack3A_666 = tpu.unpack_subelements %bitcast3A_665, 0 {pack_format = #tpu.pack_format<interleaved>} : vector<32xbf16> -> vector<16xf32>
      %unpack3A_667 = tpu.unpack_subelements %bitcast3A_665, 1 {pack_format = #tpu.pack_format<interleaved>} : vector<32xbf16> -> vector<16xf32>
      %get3A_668 = arith.constant 3 : i32
      %get3A_669 = arith.index_cast %get3A_668 : i32 to index
      %get3A_670 = arith.constant 112 : index
      %get3A_671 = tpu.vector_load %arg12[%get3A_669, %get3A_670] {strides = array<i32>} : memref<20x128xi32, #tpu.memory_space<vmem>>, vector<16xi32>,
      %bitcast3A_672 = vector.bitcast %get3A_671 : vector<16xi32> to vector<32xbf16>
      %unpack3A_673 = tpu.unpack_subelements %bitcast3A_672, 0 {pack_format = #tpu.pack_format<interleaved>} : vector<32xbf16> -> vector<16xf32>
      %unpack3A_674 = tpu.unpack_subelements %bitcast3A_672, 1 {pack_format = #tpu.pack_format<interleaved>} : vector<32xbf16> -> vector<16xf32>
      %get3A_675 = arith.constant 4 : i32
      %get3A_676 = arith.index_cast %get3A_675 : i32 to index
      %get3A_677 = arith.constant 112 : index
      %get3A_678 = tpu.vector_load %arg12[%get3A_676, %get3A_677] {strides = array<i32>} : memref<20x128xi32, #tpu.memory_space<vmem>>, vector<16xi32>,
      %bitcast3A_679 = vector.bitcast %get3A_678 : vector<16xi32> to vector<32xbf16>
      %unpack3A_680 = tpu.unpack_subelements %bitcast3A_679, 0 {pack_format = #tpu.pack_format<interleaved>} : vector<32xbf16> -> vector<16xf32>
      %unpack3A_681 = tpu.unpack_subelements %bitcast3A_679, 1 {pack_format = #tpu.pack_format<interleaved>} : vector<32xbf16> -> vector<16xf32>
      %get3A_682 = arith.constant 5 : i32
      %get3A_683 = arith.index_cast %get3A_682 : i32 to index
      %get3A_684 = arith.constant 112 : index
      %get3A_685 = tpu.vector_load %arg12[%get3A_683, %get3A_684] {strides = array<i32>} : memref<20x128xi32, #tpu.memory_space<vmem>>, vector<16xi32>,
      %bitcast3A_686 = vector.bitcast %get3A_685 : vector<16xi32> to vector<32xbf16>
      %unpack3A_687 = tpu.unpack_subelements %bitcast3A_686, 0 {pack_format = #tpu.pack_format<interleaved>} : vector<32xbf16> -> vector<16xf32>
      %unpack3A_688 = tpu.unpack_subelements %bitcast3A_686, 1 {pack_format = #tpu.pack_format<interleaved>} : vector<32xbf16> -> vector<16xf32>
      %get3A_689 = arith.constant 6 : i32
      %get3A_690 = arith.index_cast %get3A_689 : i32 to index
      %get3A_691 = arith.constant 112 : index
      %get3A_692 = tpu.vector_load %arg12[%get3A_690, %get3A_691] {strides = array<i32>} : memref<20x128xi32, #tpu.memory_space<vmem>>, vector<16xi32>,
      %bitcast3A_693 = vector.bitcast %get3A_692 : vector<16xi32> to vector<32xbf16>
      %unpack3A_694 = tpu.unpack_subelements %bitcast3A_693, 0 {pack_format = #tpu.pack_format<interleaved>} : vector<32xbf16> -> vector<16xf32>
      %unpack3A_695 = tpu.unpack_subelements %bitcast3A_693, 1 {pack_format = #tpu.pack_format<interleaved>} : vector<32xbf16> -> vector<16xf32>
      %get3A_696 = arith.constant 7 : i32
      %get3A_697 = arith.index_cast %get3A_696 : i32 to index
      %get3A_698 = arith.constant 112 : index
      %get3A_699 = tpu.vector_load %arg12[%get3A_697, %get3A_698] {strides = array<i32>} : memref<20x128xi32, #tpu.memory_space<vmem>>, vector<16xi32>,
      %bitcast3A_700 = vector.bitcast %get3A_699 : vector<16xi32> to vector<32xbf16>
      %unpack3A_701 = tpu.unpack_subelements %bitcast3A_700, 0 {pack_format = #tpu.pack_format<interleaved>} : vector<32xbf16> -> vector<16xf32>
      %unpack3A_702 = tpu.unpack_subelements %bitcast3A_700, 1 {pack_format = #tpu.pack_format<interleaved>} : vector<32xbf16> -> vector<16xf32>
      %get3A_703 = arith.constant 8 : i32
      %get3A_704 = arith.index_cast %get3A_703 : i32 to index
      %get3A_705 = arith.constant 112 : index
      %get3A_706 = tpu.vector_load %arg12[%get3A_704, %get3A_705] {strides = array<i32>} : memref<20x128xi32, #tpu.memory_space<vmem>>, vector<16xi32>,
      %bitcast3A_707 = vector.bitcast %get3A_706 : vector<16xi32> to vector<32xbf16>
      %unpack3A_708 = tpu.unpack_subelements %bitcast3A_707, 0 {pack_format = #tpu.pack_format<interleaved>} : vector<32xbf16> -> vector<16xf32>
      %unpack3A_709 = tpu.unpack_subelements %bitcast3A_707, 1 {pack_format = #tpu.pack_format<interleaved>} : vector<32xbf16> -> vector<16xf32>
      %get3A_710 = arith.constant 9 : i32
      %get3A_711 = arith.index_cast %get3A_710 : i32 to index
      %get3A_712 = arith.constant 112 : index
      %get3A_713 = tpu.vector_load %arg12[%get3A_711, %get3A_712] {strides = array<i32>} : memref<20x128xi32, #tpu.memory_space<vmem>>, vector<16xi32>,
      %bitcast3A_714 = vector.bitcast %get3A_713 : vector<16xi32> to vector<32xbf16>
      %unpack3A_715 = tpu.unpack_subelements %bitcast3A_714, 0 {pack_format = #tpu.pack_format<interleaved>} : vector<32xbf16> -> vector<16xf32>
      %unpack3A_716 = tpu.unpack_subelements %bitcast3A_714, 1 {pack_format = #tpu.pack_format<interleaved>} : vector<32xbf16> -> vector<16xf32>
      %get3A_717 = arith.constant 10 : i32
      %get3A_718 = arith.index_cast %get3A_717 : i32 to index
      %get3A_719 = arith.constant 112 : index
      %get3A_720 = tpu.vector_load %arg12[%get3A_718, %get3A_719] {strides = array<i32>} : memref<20x128xi32, #tpu.memory_space<vmem>>, vector<16xi32>,
      %bitcast3A_721 = vector.bitcast %get3A_720 : vector<16xi32> to vector<32xbf16>
      %unpack3A_722 = tpu.unpack_subelements %bitcast3A_721, 0 {pack_format = #tpu.pack_format<interleaved>} : vector<32xbf16> -> vector<16xf32>
      %unpack3A_723 = tpu.unpack_subelements %bitcast3A_721, 1 {pack_format = #tpu.pack_format<interleaved>} : vector<32xbf16> -> vector<16xf32>
      %get3A_724 = arith.constant 11 : i32
      %get3A_725 = arith.index_cast %get3A_724 : i32 to index
      %get3A_726 = arith.constant 112 : index
      %get3A_727 = tpu.vector_load %arg12[%get3A_725, %get3A_726] {strides = array<i32>} : memref<20x128xi32, #tpu.memory_space<vmem>>, vector<16xi32>,
      %bitcast3A_728 = vector.bitcast %get3A_727 : vector<16xi32> to vector<32xbf16>
      %unpack3A_729 = tpu.unpack_subelements %bitcast3A_728, 0 {pack_format = #tpu.pack_format<interleaved>} : vector<32xbf16> -> vector<16xf32>
      %unpack3A_730 = tpu.unpack_subelements %bitcast3A_728, 1 {pack_format = #tpu.pack_format<interleaved>} : vector<32xbf16> -> vector<16xf32>
      %get3A_731 = arith.constant 12 : i32
      %get3A_732 = arith.index_cast %get3A_731 : i32 to index
      %get3A_733 = arith.constant 112 : index
      %get3A_734 = tpu.vector_load %arg12[%get3A_732, %get3A_733] {strides = array<i32>} : memref<20x128xi32, #tpu.memory_space<vmem>>, vector<16xi32>,
      %bitcast3A_735 = vector.bitcast %get3A_734 : vector<16xi32> to vector<32xbf16>
      %unpack3A_736 = tpu.unpack_subelements %bitcast3A_735, 0 {pack_format = #tpu.pack_format<interleaved>} : vector<32xbf16> -> vector<16xf32>
      %unpack3A_737 = tpu.unpack_subelements %bitcast3A_735, 1 {pack_format = #tpu.pack_format<interleaved>} : vector<32xbf16> -> vector<16xf32>
      %get3A_738 = arith.constant 13 : i32
      %get3A_739 = arith.index_cast %get3A_738 : i32 to index
      %get3A_740 = arith.constant 112 : index
      %get3A_741 = tpu.vector_load %arg12[%get3A_739, %get3A_740] {strides = array<i32>} : memref<20x128xi32, #tpu.memory_space<vmem>>, vector<16xi32>,
      %bitcast3A_742 = vector.bitcast %get3A_741 : vector<16xi32> to vector<32xbf16>
      %unpack3A_743 = tpu.unpack_subelements %bitcast3A_742, 0 {pack_format = #tpu.pack_format<interleaved>} : vector<32xbf16> -> vector<16xf32>
      %unpack3A_744 = tpu.unpack_subelements %bitcast3A_742, 1 {pack_format = #tpu.pack_format<interleaved>} : vector<32xbf16> -> vector<16xf32>
      %get3A_745 = arith.constant 14 : i32
      %get3A_746 = arith.index_cast %get3A_745 : i32 to index
      %get3A_747 = arith.constant 112 : index
      %get3A_748 = tpu.vector_load %arg12[%get3A_746, %get3A_747] {strides = array<i32>} : memref<20x128xi32, #tpu.memory_space<vmem>>, vector<16xi32>,
      %bitcast3A_749 = vector.bitcast %get3A_748 : vector<16xi32> to vector<32xbf16>
      %unpack3A_750 = tpu.unpack_subelements %bitcast3A_749, 0 {pack_format = #tpu.pack_format<interleaved>} : vector<32xbf16> -> vector<16xf32>
      %unpack3A_751 = tpu.unpack_subelements %bitcast3A_749, 1 {pack_format = #tpu.pack_format<interleaved>} : vector<32xbf16> -> vector<16xf32>
      %get3A_752 = arith.constant 15 : i32
      %get3A_753 = arith.index_cast %get3A_752 : i32 to index
      %get3A_754 = arith.constant 112 : index
      %get3A_755 = tpu.vector_load %arg12[%get3A_753, %get3A_754] {strides = array<i32>} : memref<20x128xi32, #tpu.memory_space<vmem>>, vector<16xi32>,
      %bitcast3A_756 = vector.bitcast %get3A_755 : vector<16xi32> to vector<32xbf16>
      %unpack3A_757 = tpu.unpack_subelements %bitcast3A_756, 0 {pack_format = #tpu.pack_format<interleaved>} : vector<32xbf16> -> vector<16xf32>
      %unpack3A_758 = tpu.unpack_subelements %bitcast3A_756, 1 {pack_format = #tpu.pack_format<interleaved>} : vector<32xbf16> -> vector<16xf32>
      %get3A_759 = arith.constant 16 : i32
      %get3A_760 = arith.index_cast %get3A_759 : i32 to index
      %get3A_761 = arith.constant 112 : index
      %get3A_762 = tpu.vector_load %arg12[%get3A_760, %get3A_761] {strides = array<i32>} : memref<20x128xi32, #tpu.memory_space<vmem>>, vector<16xi32>,
      %bitcast3A_763 = vector.bitcast %get3A_762 : vector<16xi32> to vector<32xbf16>
      %unpack3A_764 = tpu.unpack_subelements %bitcast3A_763, 0 {pack_format = #tpu.pack_format<interleaved>} : vector<32xbf16> -> vector<16xf32>
      %unpack3A_765 = tpu.unpack_subelements %bitcast3A_763, 1 {pack_format = #tpu.pack_format<interleaved>} : vector<32xbf16> -> vector<16xf32>
      %get3A_766 = arith.constant 17 : i32
      %get3A_767 = arith.index_cast %get3A_766 : i32 to index
      %get3A_768 = arith.constant 112 : index
      %get3A_769 = tpu.vector_load %arg12[%get3A_767, %get3A_768] {strides = array<i32>} : memref<20x128xi32, #tpu.memory_space<vmem>>, vector<16xi32>,
      %bitcast3A_770 = vector.bitcast %get3A_769 : vector<16xi32> to vector<32xbf16>
      %unpack3A_771 = tpu.unpack_subelements %bitcast3A_770, 0 {pack_format = #tpu.pack_format<interleaved>} : vector<32xbf16> -> vector<16xf32>
      %unpack3A_772 = tpu.unpack_subelements %bitcast3A_770, 1 {pack_format = #tpu.pack_format<interleaved>} : vector<32xbf16> -> vector<16xf32>
      %get3A_773 = arith.constant 18 : i32
      %get3A_774 = arith.index_cast %get3A_773 : i32 to index
      %get3A_775 = arith.constant 112 : index
      %get3A_776 = tpu.vector_load %arg12[%get3A_774, %get3A_775] {strides = array<i32>} : memref<20x128xi32, #tpu.memory_space<vmem>>, vector<16xi32>,
      %bitcast3A_777 = vector.bitcast %get3A_776 : vector<16xi32> to vector<32xbf16>
      %unpack3A_778 = tpu.unpack_subelements %bitcast3A_777, 0 {pack_format = #tpu.pack_format<interleaved>} : vector<32xbf16> -> vector<16xf32>
      %unpack3A_779 = tpu.unpack_subelements %bitcast3A_777, 1 {pack_format = #tpu.pack_format<interleaved>} : vector<32xbf16> -> vector<16xf32>
      %get3A_780 = arith.constant 19 : i32
      %get3A_781 = arith.index_cast %get3A_780 : i32 to index
      %get3A_782 = arith.constant 112 : index
      %get3A_783 = tpu.vector_load %arg12[%get3A_781, %get3A_782] {strides = array<i32>} : memref<20x128xi32, #tpu.memory_space<vmem>>, vector<16xi32>,
      %bitcast3A_784 = vector.bitcast %get3A_783 : vector<16xi32> to vector<32xbf16>
      %unpack3A_785 = tpu.unpack_subelements %bitcast3A_784, 0 {pack_format = #tpu.pack_format<interleaved>} : vector<32xbf16> -> vector<16xf32>
      %unpack3A_786 = tpu.unpack_subelements %bitcast3A_784, 1 {pack_format = #tpu.pack_format<interleaved>} : vector<32xbf16> -> vector<16xf32>
      %add3A_787 = arith.addf %unpack3A_652, %unpack3A_659 : vector<16xf32>
      %add3A_788 = arith.addf %unpack3A_666, %unpack3A_673 : vector<16xf32>
      %add3A_789 = arith.addf %unpack3A_680, %unpack3A_687 : vector<16xf32>
      %add3A_790 = arith.addf %unpack3A_694, %unpack3A_701 : vector<16xf32>
      %add3A_791 = arith.addf %unpack3A_708, %unpack3A_715 : vector<16xf32>
      %add3A_792 = arith.addf %unpack3A_722, %unpack3A_729 : vector<16xf32>
      %add3A_793 = arith.addf %unpack3A_736, %unpack3A_743 : vector<16xf32>
      %add3A_794 = arith.addf %unpack3A_750, %unpack3A_757 : vector<16xf32>
      %add3A_795 = arith.addf %unpack3A_764, %unpack3A_771 : vector<16xf32>
      %add3A_796 = arith.addf %unpack3A_778, %unpack3A_785 : vector<16xf32>
      %add3A_797 = arith.addf %add3A_787, %add3A_788 : vector<16xf32>
      %add3A_798 = arith.addf %add3A_789, %add3A_790 : vector<16xf32>
      %add3A_799 = arith.addf %add3A_791, %add3A_792 : vector<16xf32>
      %add3A_800 = arith.addf %add3A_793, %add3A_794 : vector<16xf32>
      %add3A_801 = arith.addf %add3A_795, %add3A_796 : vector<16xf32>
      %add3A_802 = arith.addf %add3A_797, %add3A_798 : vector<16xf32>
      %add3A_803 = arith.addf %add3A_799, %add3A_800 : vector<16xf32>
      %add3A_804 = arith.addf %add3A_802, %add3A_803 : vector<16xf32>
      %add3A_805 = arith.addf %add3A_804, %add3A_801 : vector<16xf32>
      %add3A_806 = arith.addf %unpack3A_653, %unpack3A_660 : vector<16xf32>
      %add3A_807 = arith.addf %unpack3A_667, %unpack3A_674 : vector<16xf32>
      %add3A_808 = arith.addf %unpack3A_681, %unpack3A_688 : vector<16xf32>
      %add3A_809 = arith.addf %unpack3A_695, %unpack3A_702 : vector<16xf32>
      %add3A_810 = arith.addf %unpack3A_709, %unpack3A_716 : vector<16xf32>
      %add3A_811 = arith.addf %unpack3A_723, %unpack3A_730 : vector<16xf32>
      %add3A_812 = arith.addf %unpack3A_737, %unpack3A_744 : vector<16xf32>
      %add3A_813 = arith.addf %unpack3A_751, %unpack3A_758 : vector<16xf32>
      %add3A_814 = arith.addf %unpack3A_765, %unpack3A_772 : vector<16xf32>
      %add3A_815 = arith.addf %unpack3A_779, %unpack3A_786 : vector<16xf32>
      %add3A_816 = arith.addf %add3A_806, %add3A_807 : vector<16xf32>
      %add3A_817 = arith.addf %add3A_808, %add3A_809 : vector<16xf32>
      %add3A_818 = arith.addf %add3A_810, %add3A_811 : vector<16xf32>
      %add3A_819 = arith.addf %add3A_812, %add3A_813 : vector<16xf32>
      %add3A_820 = arith.addf %add3A_814, %add3A_815 : vector<16xf32>
      %add3A_821 = arith.addf %add3A_816, %add3A_817 : vector<16xf32>
      %add3A_822 = arith.addf %add3A_818, %add3A_819 : vector<16xf32>
      %add3A_823 = arith.addf %add3A_821, %add3A_822 : vector<16xf32>
      %add3A_824 = arith.addf %add3A_823, %add3A_820 : vector<16xf32>
      %div3A_825 = arith.constant 2.000000e+01 : f32
      %div3A_826 = vector.broadcast %div3A_825 : f32 to vector<16xf32>
      %div3A_827 = arith.divf %add3A_805, %div3A_826 : vector<16xf32>
      %div3A_828 = arith.constant 2.000000e+01 : f32
      %div3A_829 = vector.broadcast %div3A_828 : f32 to vector<16xf32>
      %div3A_830 = arith.divf %add3A_824, %div3A_829 : vector<16xf32>
      %pack3A_831 = tpu.pack_subelements %div3A_827, %div3A_830 {pack_format = #tpu.pack_format<interleaved>, positions = array<i32: 0, 1>} : vector<16xf32>, vector<16xf32> -> vector<32xbf16>
      %add3A_832 = arith.constant 2 : i32
      %add3A_833 = arith.addi %mul3A_89, %add3A_832 : i32
      %min3A_834 = arith.constant 127 : i32
      %min3A_835 = arith.minsi %add3A_833, %min3A_834 : i32
      %dma_start3A_836 = arith.constant 0 : i32
      %dma_start3A_837 = tpu.memref_slice %arg8[%min3A_835, %dma_start3A_836] : memref<128x20xi32, #tpu.memory_space<vmem>> -> memref<1x20xi32, #tpu.memory_space<vmem>>
      %dma_start3A_838 = tpu.memref_squeeze %dma_start3A_837 : memref<1x20xi32, #tpu.memory_space<vmem>> -> memref<20xi32, #tpu.memory_space<vmem>>
      %dma_start3A_839 = arith.constant 0 : i32
      %dma_start3A_840 = arith.constant 0 : i32
      %dma_start3A_841 = tpu.memref_slice %arg5[%dma_start3A_839, %dma_start3A_840] : memref<100001x128xi32, #tpu.memory_space<hbm>> -> memref<100001x128xi32, #tpu.memory_space<hbm>>
      tpu.enqueue_indirect_dma source(%dma_start3A_841 : memref<100001x128xi32, #tpu.memory_space<hbm>>) target(%arg12 : memref<20x128xi32, #tpu.memory_space<vmem>>) offsets(%dma_start3A_838 : memref<20xi32, #tpu.memory_space<vmem>>) semaphore(%arg21 : memref<!tpu.dma_semaphore, #tpu.memory_space<semaphore_mem>>)
      %get3A_842 = arith.index_cast %mul3A_89 : i32 to index
      %get3A_843 = arith.constant 0 : index
      %get3A_844 = tpu.vector_load %arg11[%get3A_842, %get3A_843] {strides = array<i32>} : memref<128x128xi32, #tpu.memory_space<vmem>>, vector<16xi32>,
      %bitcast3A_845 = vector.bitcast %get3A_844 : vector<16xi32> to vector<32xbf16>
      %mul3A_846 = arith.mulf %bitcast3A_845, %pack3A : vector<32xbf16>
      %get3A_847 = arith.index_cast %mul3A_89 : i32 to index
      %get3A_848 = arith.constant 16 : index
      %get3A_849 = tpu.vector_load %arg11[%get3A_847, %get3A_848] {strides = array<i32>} : memref<128x128xi32, #tpu.memory_space<vmem>>, vector<16xi32>,
      %bitcast3A_850 = vector.bitcast %get3A_849 : vector<16xi32> to vector<32xbf16>
      %mul3A_851 = arith.mulf %bitcast3A_850, %pack3A_461 : vector<32xbf16>
      %get3A_852 = arith.index_cast %mul3A_89 : i32 to index
      %get3A_853 = arith.constant 32 : index
      %get3A_854 = tpu.vector_load %arg11[%get3A_852, %get3A_853] {strides = array<i32>} : memref<128x128xi32, #tpu.memory_space<vmem>>, vector<16xi32>,
      %bitcast3A_855 = vector.bitcast %get3A_854 : vector<16xi32> to vector<32xbf16>
      %mul3A_856 = arith.mulf %bitcast3A_855, %pack3A_646 : vector<32xbf16>
      %get3A_857 = arith.index_cast %mul3A_89 : i32 to index
      %get3A_858 = arith.constant 48 : index
      %get3A_859 = tpu.vector_load %arg11[%get3A_857, %get3A_858] {strides = array<i32>} : memref<128x128xi32, #tpu.memory_space<vmem>>, vector<16xi32>,
      %bitcast3A_860 = vector.bitcast %get3A_859 : vector<16xi32> to vector<32xbf16>
      %mul3A_861 = arith.mulf %bitcast3A_860, %pack3A_831 : vector<32xbf16>
      %add3A_862 = arith.addf %mul3A_846, %mul3A_851 : vector<32xbf16>
      %add3A_863 = arith.addf %mul3A_856, %mul3A_861 : vector<32xbf16>
      %add3A_864 = arith.addf %add3A_862, %add3A_863 : vector<32xbf16>
      %unpack3A_865 = tpu.unpack_subelements %add3A_864, 0 {pack_format = #tpu.pack_format<interleaved>} : vector<32xbf16> -> vector<16xf32>
      %unpack3A_866 = tpu.unpack_subelements %add3A_864, 1 {pack_format = #tpu.pack_format<interleaved>} : vector<32xbf16> -> vector<16xf32>
      %add3A_867 = arith.addf %unpack3A_865, %unpack3A_866 : vector<16xf32>
      %swap3A = arith.index_cast %mul3A_89 : i32 to index
      %swap3A_868 = arith.constant 0 : index
      %swap3A_869 = tpu.vector_load %arg16[%swap3A, %swap3A_868] {strides = array<i32>} : memref<128x16xf32, #tpu.memory_space<vmem>>, vector<16xf32>,
      tpu.vector_store %arg16[%swap3A, %swap3A_868], %add3A_867 {strides = array<i32>} : memref<128x16xf32, #tpu.memory_space<vmem>>, vector<16xf32>,
      %dma_wait3A_870 = arith.constant 0 : i32
      %dma_wait3A_871 = arith.constant 0 : i32
      %dma_wait3A_872 = tpu.memref_slice %arg10[%dma_wait3A_870, %dma_wait3A_871] : memref<128x128xi32, #tpu.memory_space<vmem>> -> memref<1x128xi32, #tpu.memory_space<vmem>>
      %dma_wait3A_873 = tpu.memref_squeeze %dma_wait3A_872 : memref<1x128xi32, #tpu.memory_space<vmem>> -> memref<128xi32, #tpu.memory_space<vmem>>
      %dma_wait3A_874 = arith.constant 0 : i32
      %dma_wait3A_875 = arith.constant 0 : i32
      %dma_wait3A_876 = tpu.memref_slice %arg5[%dma_wait3A_874, %dma_wait3A_875] : memref<100001x128xi32, #tpu.memory_space<hbm>> -> memref<100001x128xi32, #tpu.memory_space<hbm>>
      tpu.wait_indirect_dma semaphore(%arg23 : memref<!tpu.dma_semaphore, #tpu.memory_space<semaphore_mem>>) src(%dma_wait3A_876 : memref<100001x128xi32, #tpu.memory_space<hbm>>) dst(%arg14 : memref<128x128xi32, #tpu.memory_space<vmem>>)
      %ge3A = arith.constant 2 : i32
      %ge3A_877 = arith.cmpi sge, %mul3A_89, %ge3A : i32
      %convert_element_type3A = arith.extui %ge3A_877 : i1 to i32
      %cond3A = arith.constant 0 : i32
      %cond3A_878 = arith.cmpi ne, %convert_element_type3A, %cond3A : i32
      scf.if %cond3A_878 {
        %dma_wait3A_1718 = arith.constant 0 : i32
        %dma_wait3A_1719 = tpu.memref_slice %arg7[%mul3A_2, %dma_wait3A_1718] : memref<4096x128xf32, #tpu.memory_space<hbm>> -> memref<1x128xf32, #tpu.memory_space<hbm>>
        %dma_wait3A_1720 = tpu.memref_squeeze %dma_wait3A_1719 : memref<1x128xf32, #tpu.memory_space<hbm>> -> memref<128xf32, #tpu.memory_space<hbm>>
        %dma_wait3A_1721 = arith.constant 0 : i32
        %dma_wait3A_1722 = tpu.memref_slice %arg7[%mul3A_2, %dma_wait3A_1721] : memref<4096x128xf32, #tpu.memory_space<hbm>> -> memref<1x128xf32, #tpu.memory_space<hbm>>
        %dma_wait3A_1723 = tpu.memref_squeeze %dma_wait3A_1722 : memref<1x128xf32, #tpu.memory_space<hbm>> -> memref<128xf32, #tpu.memory_space<hbm>>
        tpu.wait_dma2 semaphore(%arg25 : memref<!tpu.dma_semaphore, #tpu.memory_space<semaphore_mem>>) src(%arg17 : memref<128xf32, #tpu.memory_space<vmem>>) dst(%dma_wait3A_1723 : memref<128xf32, #tpu.memory_space<hbm>>)
      } else {
      }
      %parallel_loop3A = arith.constant 0 : i32
      %parallel_loop3A_879 = arith.constant 8 : i32
      %parallel_loop3A_880 = arith.constant 1 : i32
      scf.for %parallel_loop3A_1718 = %parallel_loop3A to %parallel_loop3A_879 step %parallel_loop3A_880  : i32 {
        %parallel_loop3A_1719 = arith.constant 16 : i32
        %parallel_loop3A_1720 = arith.muli %parallel_loop3A_1718, %parallel_loop3A_1719 : i32
        %parallel_loop3A_1721 = arith.constant 0 : i32
        %parallel_loop3A_1722 = arith.addi %parallel_loop3A_1720, %parallel_loop3A_1721 : i32
        %parallel_loop3A_1723 = arith.index_cast %parallel_loop3A_1722 : i32 to index
        %parallel_loop3A_1724 = arith.constant 0 : index
        %parallel_loop3A_1725 = tpu.vector_load %arg14[%parallel_loop3A_1723, %parallel_loop3A_1724] {strides = array<i32>} : memref<128x128xi32, #tpu.memory_space<vmem>>, vector<16xi32>,
        %parallel_loop3A_1726 = vector.bitcast %parallel_loop3A_1725 : vector<16xi32> to vector<32xbf16>
        %parallel_loop3A_1727 = arith.mulf %parallel_loop3A_1726, %pack3A : vector<32xbf16>
        %parallel_loop3A_1728 = arith.index_cast %parallel_loop3A_1722 : i32 to index
        %parallel_loop3A_1729 = arith.constant 16 : index
        %parallel_loop3A_1730 = tpu.vector_load %arg14[%parallel_loop3A_1728, %parallel_loop3A_1729] {strides = array<i32>} : memref<128x128xi32, #tpu.memory_space<vmem>>, vector<16xi32>,
        %parallel_loop3A_1731 = vector.bitcast %parallel_loop3A_1730 : vector<16xi32> to vector<32xbf16>
        %parallel_loop3A_1732 = arith.mulf %parallel_loop3A_1731, %pack3A_461 : vector<32xbf16>
        %parallel_loop3A_1733 = arith.index_cast %parallel_loop3A_1722 : i32 to index
        %parallel_loop3A_1734 = arith.constant 32 : index
        %parallel_loop3A_1735 = tpu.vector_load %arg14[%parallel_loop3A_1733, %parallel_loop3A_1734] {strides = array<i32>} : memref<128x128xi32, #tpu.memory_space<vmem>>, vector<16xi32>,
        %parallel_loop3A_1736 = vector.bitcast %parallel_loop3A_1735 : vector<16xi32> to vector<32xbf16>
        %parallel_loop3A_1737 = arith.mulf %parallel_loop3A_1736, %pack3A_646 : vector<32xbf16>
        %parallel_loop3A_1738 = arith.index_cast %parallel_loop3A_1722 : i32 to index
        %parallel_loop3A_1739 = arith.constant 48 : index
        %parallel_loop3A_1740 = tpu.vector_load %arg14[%parallel_loop3A_1738, %parallel_loop3A_1739] {strides = array<i32>} : memref<128x128xi32, #tpu.memory_space<vmem>>, vector<16xi32>,
        %parallel_loop3A_1741 = vector.bitcast %parallel_loop3A_1740 : vector<16xi32> to vector<32xbf16>
        %parallel_loop3A_1742 = arith.mulf %parallel_loop3A_1741, %pack3A_831 : vector<32xbf16>
        %parallel_loop3A_1743 = arith.addf %parallel_loop3A_1727, %parallel_loop3A_1732 : vector<32xbf16>
        %parallel_loop3A_1744 = arith.addf %parallel_loop3A_1737, %parallel_loop3A_1742 : vector<32xbf16>
        %parallel_loop3A_1745 = arith.addf %parallel_loop3A_1743, %parallel_loop3A_1744 : vector<32xbf16>
        %parallel_loop3A_1746 = tpu.unpack_subelements %parallel_loop3A_1745, 0 {pack_format = #tpu.pack_format<interleaved>} : vector<32xbf16> -> vector<16xf32>
        %parallel_loop3A_1747 = tpu.unpack_subelements %parallel_loop3A_1745, 1 {pack_format = #tpu.pack_format<interleaved>} : vector<32xbf16> -> vector<16xf32>
        %parallel_loop3A_1748 = arith.addf %parallel_loop3A_1746, %parallel_loop3A_1747 : vector<16xf32>
        %parallel_loop3A_1749 = arith.constant 0 : i32
        %parallel_loop3A_1750 = arith.addi %parallel_loop3A_1720, %parallel_loop3A_1749 : i32
        %parallel_loop3A_1751 = arith.index_cast %parallel_loop3A_1750 : i32 to index
        %parallel_loop3A_1752 = arith.constant 0 : index
        %parallel_loop3A_1753 = tpu.vector_load %arg19[%parallel_loop3A_1751, %parallel_loop3A_1752] {strides = array<i32>} : memref<128x17xf32, #tpu.memory_space<vmem>>, vector<16xf32>,
        tpu.vector_store %arg19[%parallel_loop3A_1751, %parallel_loop3A_1752], %parallel_loop3A_1748 {strides = array<i32>} : memref<128x17xf32, #tpu.memory_space<vmem>>, vector<16xf32>,
        %parallel_loop3A_1754 = arith.constant 1 : i32
        %parallel_loop3A_1755 = arith.addi %parallel_loop3A_1720, %parallel_loop3A_1754 : i32
        %parallel_loop3A_1756 = arith.index_cast %parallel_loop3A_1755 : i32 to index
        %parallel_loop3A_1757 = arith.constant 0 : index
        %parallel_loop3A_1758 = tpu.vector_load %arg14[%parallel_loop3A_1756, %parallel_loop3A_1757] {strides = array<i32>} : memref<128x128xi32, #tpu.memory_space<vmem>>, vector<16xi32>,
        %parallel_loop3A_1759 = vector.bitcast %parallel_loop3A_1758 : vector<16xi32> to vector<32xbf16>
        %parallel_loop3A_1760 = arith.mulf %parallel_loop3A_1759, %pack3A : vector<32xbf16>
        %parallel_loop3A_1761 = arith.index_cast %parallel_loop3A_1755 : i32 to index
        %parallel_loop3A_1762 = arith.constant 16 : index
        %parallel_loop3A_1763 = tpu.vector_load %arg14[%parallel_loop3A_1761, %parallel_loop3A_1762] {strides = array<i32>} : memref<128x128xi32, #tpu.memory_space<vmem>>, vector<16xi32>,
        %parallel_loop3A_1764 = vector.bitcast %parallel_loop3A_1763 : vector<16xi32> to vector<32xbf16>
        %parallel_loop3A_1765 = arith.mulf %parallel_loop3A_1764, %pack3A_461 : vector<32xbf16>
        %parallel_loop3A_1766 = arith.index_cast %parallel_loop3A_1755 : i32 to index
        %parallel_loop3A_1767 = arith.constant 32 : index
        %parallel_loop3A_1768 = tpu.vector_load %arg14[%parallel_loop3A_1766, %parallel_loop3A_1767] {strides = array<i32>} : memref<128x128xi32, #tpu.memory_space<vmem>>, vector<16xi32>,
        %parallel_loop3A_1769 = vector.bitcast %parallel_loop3A_1768 : vector<16xi32> to vector<32xbf16>
        %parallel_loop3A_1770 = arith.mulf %parallel_loop3A_1769, %pack3A_646 : vector<32xbf16>
        %parallel_loop3A_1771 = arith.index_cast %parallel_loop3A_1755 : i32 to index
        %parallel_loop3A_1772 = arith.constant 48 : index
        %parallel_loop3A_1773 = tpu.vector_load %arg14[%parallel_loop3A_1771, %parallel_loop3A_1772] {strides = array<i32>} : memref<128x128xi32, #tpu.memory_space<vmem>>, vector<16xi32>,
        %parallel_loop3A_1774 = vector.bitcast %parallel_loop3A_1773 : vector<16xi32> to vector<32xbf16>
        %parallel_loop3A_1775 = arith.mulf %parallel_loop3A_1774, %pack3A_831 : vector<32xbf16>
        %parallel_loop3A_1776 = arith.addf %parallel_loop3A_1760, %parallel_loop3A_1765 : vector<32xbf16>
        %parallel_loop3A_1777 = arith.addf %parallel_loop3A_1770, %parallel_loop3A_1775 : vector<32xbf16>
        %parallel_loop3A_1778 = arith.addf %parallel_loop3A_1776, %parallel_loop3A_1777 : vector<32xbf16>
        %parallel_loop3A_1779 = tpu.unpack_subelements %parallel_loop3A_1778, 0 {pack_format = #tpu.pack_format<interleaved>} : vector<32xbf16> -> vector<16xf32>
        %parallel_loop3A_1780 = tpu.unpack_subelements %parallel_loop3A_1778, 1 {pack_format = #tpu.pack_format<interleaved>} : vector<32xbf16> -> vector<16xf32>
        %parallel_loop3A_1781 = arith.addf %parallel_loop3A_1779, %parallel_loop3A_1780 : vector<16xf32>
        %parallel_loop3A_1782 = arith.constant 1 : i32
        %parallel_loop3A_1783 = arith.addi %parallel_loop3A_1720, %parallel_loop3A_1782 : i32
        %parallel_loop3A_1784 = arith.index_cast %parallel_loop3A_1783 : i32 to index
        %parallel_loop3A_1785 = arith.constant 0 : index
        %parallel_loop3A_1786 = tpu.vector_load %arg19[%parallel_loop3A_1784, %parallel_loop3A_1785] {strides = array<i32>} : memref<128x17xf32, #tpu.memory_space<vmem>>, vector<16xf32>,
        tpu.vector_store %arg19[%parallel_loop3A_1784, %parallel_loop3A_1785], %parallel_loop3A_1781 {strides = array<i32>} : memref<128x17xf32, #tpu.memory_space<vmem>>, vector<16xf32>,
        %parallel_loop3A_1787 = arith.constant 2 : i32
        %parallel_loop3A_1788 = arith.addi %parallel_loop3A_1720, %parallel_loop3A_1787 : i32
        %parallel_loop3A_1789 = arith.index_cast %parallel_loop3A_1788 : i32 to index
        %parallel_loop3A_1790 = arith.constant 0 : index
        %parallel_loop3A_1791 = tpu.vector_load %arg14[%parallel_loop3A_1789, %parallel_loop3A_1790] {strides = array<i32>} : memref<128x128xi32, #tpu.memory_space<vmem>>, vector<16xi32>,
        %parallel_loop3A_1792 = vector.bitcast %parallel_loop3A_1791 : vector<16xi32> to vector<32xbf16>
        %parallel_loop3A_1793 = arith.mulf %parallel_loop3A_1792, %pack3A : vector<32xbf16>
        %parallel_loop3A_1794 = arith.index_cast %parallel_loop3A_1788 : i32 to index
        %parallel_loop3A_1795 = arith.constant 16 : index
        %parallel_loop3A_1796 = tpu.vector_load %arg14[%parallel_loop3A_1794, %parallel_loop3A_1795] {strides = array<i32>} : memref<128x128xi32, #tpu.memory_space<vmem>>, vector<16xi32>,
        %parallel_loop3A_1797 = vector.bitcast %parallel_loop3A_1796 : vector<16xi32> to vector<32xbf16>
        %parallel_loop3A_1798 = arith.mulf %parallel_loop3A_1797, %pack3A_461 : vector<32xbf16>
        %parallel_loop3A_1799 = arith.index_cast %parallel_loop3A_1788 : i32 to index
        %parallel_loop3A_1800 = arith.constant 32 : index
        %parallel_loop3A_1801 = tpu.vector_load %arg14[%parallel_loop3A_1799, %parallel_loop3A_1800] {strides = array<i32>} : memref<128x128xi32, #tpu.memory_space<vmem>>, vector<16xi32>,
        %parallel_loop3A_1802 = vector.bitcast %parallel_loop3A_1801 : vector<16xi32> to vector<32xbf16>
        %parallel_loop3A_1803 = arith.mulf %parallel_loop3A_1802, %pack3A_646 : vector<32xbf16>
        %parallel_loop3A_1804 = arith.index_cast %parallel_loop3A_1788 : i32 to index
        %parallel_loop3A_1805 = arith.constant 48 : index
        %parallel_loop3A_1806 = tpu.vector_load %arg14[%parallel_loop3A_1804, %parallel_loop3A_1805] {strides = array<i32>} : memref<128x128xi32, #tpu.memory_space<vmem>>, vector<16xi32>,
        %parallel_loop3A_1807 = vector.bitcast %parallel_loop3A_1806 : vector<16xi32> to vector<32xbf16>
        %parallel_loop3A_1808 = arith.mulf %parallel_loop3A_1807, %pack3A_831 : vector<32xbf16>
        %parallel_loop3A_1809 = arith.addf %parallel_loop3A_1793, %parallel_loop3A_1798 : vector<32xbf16>
        %parallel_loop3A_1810 = arith.addf %parallel_loop3A_1803, %parallel_loop3A_1808 : vector<32xbf16>
        %parallel_loop3A_1811 = arith.addf %parallel_loop3A_1809, %parallel_loop3A_1810 : vector<32xbf16>
        %parallel_loop3A_1812 = tpu.unpack_subelements %parallel_loop3A_1811, 0 {pack_format = #tpu.pack_format<interleaved>} : vector<32xbf16> -> vector<16xf32>
        %parallel_loop3A_1813 = tpu.unpack_subelements %parallel_loop3A_1811, 1 {pack_format = #tpu.pack_format<interleaved>} : vector<32xbf16> -> vector<16xf32>
        %parallel_loop3A_1814 = arith.addf %parallel_loop3A_1812, %parallel_loop3A_1813 : vector<16xf32>
        %parallel_loop3A_1815 = arith.constant 2 : i32
        %parallel_loop3A_1816 = arith.addi %parallel_loop3A_1720, %parallel_loop3A_1815 : i32
        %parallel_loop3A_1817 = arith.index_cast %parallel_loop3A_1816 : i32 to index
        %parallel_loop3A_1818 = arith.constant 0 : index
        %parallel_loop3A_1819 = tpu.vector_load %arg19[%parallel_loop3A_1817, %parallel_loop3A_1818] {strides = array<i32>} : memref<128x17xf32, #tpu.memory_space<vmem>>, vector<16xf32>,
        tpu.vector_store %arg19[%parallel_loop3A_1817, %parallel_loop3A_1818], %parallel_loop3A_1814 {strides = array<i32>} : memref<128x17xf32, #tpu.memory_space<vmem>>, vector<16xf32>,
        %parallel_loop3A_1820 = arith.constant 3 : i32
        %parallel_loop3A_1821 = arith.addi %parallel_loop3A_1720, %parallel_loop3A_1820 : i32
        %parallel_loop3A_1822 = arith.index_cast %parallel_loop3A_1821 : i32 to index
        %parallel_loop3A_1823 = arith.constant 0 : index
        %parallel_loop3A_1824 = tpu.vector_load %arg14[%parallel_loop3A_1822, %parallel_loop3A_1823] {strides = array<i32>} : memref<128x128xi32, #tpu.memory_space<vmem>>, vector<16xi32>,
        %parallel_loop3A_1825 = vector.bitcast %parallel_loop3A_1824 : vector<16xi32> to vector<32xbf16>
        %parallel_loop3A_1826 = arith.mulf %parallel_loop3A_1825, %pack3A : vector<32xbf16>
        %parallel_loop3A_1827 = arith.index_cast %parallel_loop3A_1821 : i32 to index
        %parallel_loop3A_1828 = arith.constant 16 : index
        %parallel_loop3A_1829 = tpu.vector_load %arg14[%parallel_loop3A_1827, %parallel_loop3A_1828] {strides = array<i32>} : memref<128x128xi32, #tpu.memory_space<vmem>>, vector<16xi32>,
        %parallel_loop3A_1830 = vector.bitcast %parallel_loop3A_1829 : vector<16xi32> to vector<32xbf16>
        %parallel_loop3A_1831 = arith.mulf %parallel_loop3A_1830, %pack3A_461 : vector<32xbf16>
        %parallel_loop3A_1832 = arith.index_cast %parallel_loop3A_1821 : i32 to index
        %parallel_loop3A_1833 = arith.constant 32 : index
        %parallel_loop3A_1834 = tpu.vector_load %arg14[%parallel_loop3A_1832, %parallel_loop3A_1833] {strides = array<i32>} : memref<128x128xi32, #tpu.memory_space<vmem>>, vector<16xi32>,
        %parallel_loop3A_1835 = vector.bitcast %parallel_loop3A_1834 : vector<16xi32> to vector<32xbf16>
        %parallel_loop3A_1836 = arith.mulf %parallel_loop3A_1835, %pack3A_646 : vector<32xbf16>
        %parallel_loop3A_1837 = arith.index_cast %parallel_loop3A_1821 : i32 to index
        %parallel_loop3A_1838 = arith.constant 48 : index
        %parallel_loop3A_1839 = tpu.vector_load %arg14[%parallel_loop3A_1837, %parallel_loop3A_1838] {strides = array<i32>} : memref<128x128xi32, #tpu.memory_space<vmem>>, vector<16xi32>,
        %parallel_loop3A_1840 = vector.bitcast %parallel_loop3A_1839 : vector<16xi32> to vector<32xbf16>
        %parallel_loop3A_1841 = arith.mulf %parallel_loop3A_1840, %pack3A_831 : vector<32xbf16>
        %parallel_loop3A_1842 = arith.addf %parallel_loop3A_1826, %parallel_loop3A_1831 : vector<32xbf16>
        %parallel_loop3A_1843 = arith.addf %parallel_loop3A_1836, %parallel_loop3A_1841 : vector<32xbf16>
        %parallel_loop3A_1844 = arith.addf %parallel_loop3A_1842, %parallel_loop3A_1843 : vector<32xbf16>
        %parallel_loop3A_1845 = tpu.unpack_subelements %parallel_loop3A_1844, 0 {pack_format = #tpu.pack_format<interleaved>} : vector<32xbf16> -> vector<16xf32>
        %parallel_loop3A_1846 = tpu.unpack_subelements %parallel_loop3A_1844, 1 {pack_format = #tpu.pack_format<interleaved>} : vector<32xbf16> -> vector<16xf32>
        %parallel_loop3A_1847 = arith.addf %parallel_loop3A_1845, %parallel_loop3A_1846 : vector<16xf32>
        %parallel_loop3A_1848 = arith.constant 3 : i32
        %parallel_loop3A_1849 = arith.addi %parallel_loop3A_1720, %parallel_loop3A_1848 : i32
        %parallel_loop3A_1850 = arith.index_cast %parallel_loop3A_1849 : i32 to index
        %parallel_loop3A_1851 = arith.constant 0 : index
        %parallel_loop3A_1852 = tpu.vector_load %arg19[%parallel_loop3A_1850, %parallel_loop3A_1851] {strides = array<i32>} : memref<128x17xf32, #tpu.memory_space<vmem>>, vector<16xf32>,
        tpu.vector_store %arg19[%parallel_loop3A_1850, %parallel_loop3A_1851], %parallel_loop3A_1847 {strides = array<i32>} : memref<128x17xf32, #tpu.memory_space<vmem>>, vector<16xf32>,
        %parallel_loop3A_1853 = arith.constant 4 : i32
        %parallel_loop3A_1854 = arith.addi %parallel_loop3A_1720, %parallel_loop3A_1853 : i32
        %parallel_loop3A_1855 = arith.index_cast %parallel_loop3A_1854 : i32 to index
        %parallel_loop3A_1856 = arith.constant 0 : index
        %parallel_loop3A_1857 = tpu.vector_load %arg14[%parallel_loop3A_1855, %parallel_loop3A_1856] {strides = array<i32>} : memref<128x128xi32, #tpu.memory_space<vmem>>, vector<16xi32>,
        %parallel_loop3A_1858 = vector.bitcast %parallel_loop3A_1857 : vector<16xi32> to vector<32xbf16>
        %parallel_loop3A_1859 = arith.mulf %parallel_loop3A_1858, %pack3A : vector<32xbf16>
        %parallel_loop3A_1860 = arith.index_cast %parallel_loop3A_1854 : i32 to index
        %parallel_loop3A_1861 = arith.constant 16 : index
        %parallel_loop3A_1862 = tpu.vector_load %arg14[%parallel_loop3A_1860, %parallel_loop3A_1861] {strides = array<i32>} : memref<128x128xi32, #tpu.memory_space<vmem>>, vector<16xi32>,
        %parallel_loop3A_1863 = vector.bitcast %parallel_loop3A_1862 : vector<16xi32> to vector<32xbf16>
        %parallel_loop3A_1864 = arith.mulf %parallel_loop3A_1863, %pack3A_461 : vector<32xbf16>
        %parallel_loop3A_1865 = arith.index_cast %parallel_loop3A_1854 : i32 to index
        %parallel_loop3A_1866 = arith.constant 32 : index
        %parallel_loop3A_1867 = tpu.vector_load %arg14[%parallel_loop3A_1865, %parallel_loop3A_1866] {strides = array<i32>} : memref<128x128xi32, #tpu.memory_space<vmem>>, vector<16xi32>,
        %parallel_loop3A_1868 = vector.bitcast %parallel_loop3A_1867 : vector<16xi32> to vector<32xbf16>
        %parallel_loop3A_1869 = arith.mulf %parallel_loop3A_1868, %pack3A_646 : vector<32xbf16>
        %parallel_loop3A_1870 = arith.index_cast %parallel_loop3A_1854 : i32 to index
        %parallel_loop3A_1871 = arith.constant 48 : index
        %parallel_loop3A_1872 = tpu.vector_load %arg14[%parallel_loop3A_1870, %parallel_loop3A_1871] {strides = array<i32>} : memref<128x128xi32, #tpu.memory_space<vmem>>, vector<16xi32>,
        %parallel_loop3A_1873 = vector.bitcast %parallel_loop3A_1872 : vector<16xi32> to vector<32xbf16>
        %parallel_loop3A_1874 = arith.mulf %parallel_loop3A_1873, %pack3A_831 : vector<32xbf16>
        %parallel_loop3A_1875 = arith.addf %parallel_loop3A_1859, %parallel_loop3A_1864 : vector<32xbf16>
        %parallel_loop3A_1876 = arith.addf %parallel_loop3A_1869, %parallel_loop3A_1874 : vector<32xbf16>
        %parallel_loop3A_1877 = arith.addf %parallel_loop3A_1875, %parallel_loop3A_1876 : vector<32xbf16>
        %parallel_loop3A_1878 = tpu.unpack_subelements %parallel_loop3A_1877, 0 {pack_format = #tpu.pack_format<interleaved>} : vector<32xbf16> -> vector<16xf32>
        %parallel_loop3A_1879 = tpu.unpack_subelements %parallel_loop3A_1877, 1 {pack_format = #tpu.pack_format<interleaved>} : vector<32xbf16> -> vector<16xf32>
        %parallel_loop3A_1880 = arith.addf %parallel_loop3A_1878, %parallel_loop3A_1879 : vector<16xf32>
        %parallel_loop3A_1881 = arith.constant 4 : i32
        %parallel_loop3A_1882 = arith.addi %parallel_loop3A_1720, %parallel_loop3A_1881 : i32
        %parallel_loop3A_1883 = arith.index_cast %parallel_loop3A_1882 : i32 to index
        %parallel_loop3A_1884 = arith.constant 0 : index
        %parallel_loop3A_1885 = tpu.vector_load %arg19[%parallel_loop3A_1883, %parallel_loop3A_1884] {strides = array<i32>} : memref<128x17xf32, #tpu.memory_space<vmem>>, vector<16xf32>,
        tpu.vector_store %arg19[%parallel_loop3A_1883, %parallel_loop3A_1884], %parallel_loop3A_1880 {strides = array<i32>} : memref<128x17xf32, #tpu.memory_space<vmem>>, vector<16xf32>,
        %parallel_loop3A_1886 = arith.constant 5 : i32
        %parallel_loop3A_1887 = arith.addi %parallel_loop3A_1720, %parallel_loop3A_1886 : i32
        %parallel_loop3A_1888 = arith.index_cast %parallel_loop3A_1887 : i32 to index
        %parallel_loop3A_1889 = arith.constant 0 : index
        %parallel_loop3A_1890 = tpu.vector_load %arg14[%parallel_loop3A_1888, %parallel_loop3A_1889] {strides = array<i32>} : memref<128x128xi32, #tpu.memory_space<vmem>>, vector<16xi32>,
        %parallel_loop3A_1891 = vector.bitcast %parallel_loop3A_1890 : vector<16xi32> to vector<32xbf16>
        %parallel_loop3A_1892 = arith.mulf %parallel_loop3A_1891, %pack3A : vector<32xbf16>
        %parallel_loop3A_1893 = arith.index_cast %parallel_loop3A_1887 : i32 to index
        %parallel_loop3A_1894 = arith.constant 16 : index
        %parallel_loop3A_1895 = tpu.vector_load %arg14[%parallel_loop3A_1893, %parallel_loop3A_1894] {strides = array<i32>} : memref<128x128xi32, #tpu.memory_space<vmem>>, vector<16xi32>,
        %parallel_loop3A_1896 = vector.bitcast %parallel_loop3A_1895 : vector<16xi32> to vector<32xbf16>
        %parallel_loop3A_1897 = arith.mulf %parallel_loop3A_1896, %pack3A_461 : vector<32xbf16>
        %parallel_loop3A_1898 = arith.index_cast %parallel_loop3A_1887 : i32 to index
        %parallel_loop3A_1899 = arith.constant 32 : index
        %parallel_loop3A_1900 = tpu.vector_load %arg14[%parallel_loop3A_1898, %parallel_loop3A_1899] {strides = array<i32>} : memref<128x128xi32, #tpu.memory_space<vmem>>, vector<16xi32>,
        %parallel_loop3A_1901 = vector.bitcast %parallel_loop3A_1900 : vector<16xi32> to vector<32xbf16>
        %parallel_loop3A_1902 = arith.mulf %parallel_loop3A_1901, %pack3A_646 : vector<32xbf16>
        %parallel_loop3A_1903 = arith.index_cast %parallel_loop3A_1887 : i32 to index
        %parallel_loop3A_1904 = arith.constant 48 : index
        %parallel_loop3A_1905 = tpu.vector_load %arg14[%parallel_loop3A_1903, %parallel_loop3A_1904] {strides = array<i32>} : memref<128x128xi32, #tpu.memory_space<vmem>>, vector<16xi32>,
        %parallel_loop3A_1906 = vector.bitcast %parallel_loop3A_1905 : vector<16xi32> to vector<32xbf16>
        %parallel_loop3A_1907 = arith.mulf %parallel_loop3A_1906, %pack3A_831 : vector<32xbf16>
        %parallel_loop3A_1908 = arith.addf %parallel_loop3A_1892, %parallel_loop3A_1897 : vector<32xbf16>
        %parallel_loop3A_1909 = arith.addf %parallel_loop3A_1902, %parallel_loop3A_1907 : vector<32xbf16>
        %parallel_loop3A_1910 = arith.addf %parallel_loop3A_1908, %parallel_loop3A_1909 : vector<32xbf16>
        %parallel_loop3A_1911 = tpu.unpack_subelements %parallel_loop3A_1910, 0 {pack_format = #tpu.pack_format<interleaved>} : vector<32xbf16> -> vector<16xf32>
        %parallel_loop3A_1912 = tpu.unpack_subelements %parallel_loop3A_1910, 1 {pack_format = #tpu.pack_format<interleaved>} : vector<32xbf16> -> vector<16xf32>
        %parallel_loop3A_1913 = arith.addf %parallel_loop3A_1911, %parallel_loop3A_1912 : vector<16xf32>
        %parallel_loop3A_1914 = arith.constant 5 : i32
        %parallel_loop3A_1915 = arith.addi %parallel_loop3A_1720, %parallel_loop3A_1914 : i32
        %parallel_loop3A_1916 = arith.index_cast %parallel_loop3A_1915 : i32 to index
        %parallel_loop3A_1917 = arith.constant 0 : index
        %parallel_loop3A_1918 = tpu.vector_load %arg19[%parallel_loop3A_1916, %parallel_loop3A_1917] {strides = array<i32>} : memref<128x17xf32, #tpu.memory_space<vmem>>, vector<16xf32>,
        tpu.vector_store %arg19[%parallel_loop3A_1916, %parallel_loop3A_1917], %parallel_loop3A_1913 {strides = array<i32>} : memref<128x17xf32, #tpu.memory_space<vmem>>, vector<16xf32>,
        %parallel_loop3A_1919 = arith.constant 6 : i32
        %parallel_loop3A_1920 = arith.addi %parallel_loop3A_1720, %parallel_loop3A_1919 : i32
        %parallel_loop3A_1921 = arith.index_cast %parallel_loop3A_1920 : i32 to index
        %parallel_loop3A_1922 = arith.constant 0 : index
        %parallel_loop3A_1923 = tpu.vector_load %arg14[%parallel_loop3A_1921, %parallel_loop3A_1922] {strides = array<i32>} : memref<128x128xi32, #tpu.memory_space<vmem>>, vector<16xi32>,
        %parallel_loop3A_1924 = vector.bitcast %parallel_loop3A_1923 : vector<16xi32> to vector<32xbf16>
        %parallel_loop3A_1925 = arith.mulf %parallel_loop3A_1924, %pack3A : vector<32xbf16>
        %parallel_loop3A_1926 = arith.index_cast %parallel_loop3A_1920 : i32 to index
        %parallel_loop3A_1927 = arith.constant 16 : index
        %parallel_loop3A_1928 = tpu.vector_load %arg14[%parallel_loop3A_1926, %parallel_loop3A_1927] {strides = array<i32>} : memref<128x128xi32, #tpu.memory_space<vmem>>, vector<16xi32>,
        %parallel_loop3A_1929 = vector.bitcast %parallel_loop3A_1928 : vector<16xi32> to vector<32xbf16>
        %parallel_loop3A_1930 = arith.mulf %parallel_loop3A_1929, %pack3A_461 : vector<32xbf16>
        %parallel_loop3A_1931 = arith.index_cast %parallel_loop3A_1920 : i32 to index
        %parallel_loop3A_1932 = arith.constant 32 : index
        %parallel_loop3A_1933 = tpu.vector_load %arg14[%parallel_loop3A_1931, %parallel_loop3A_1932] {strides = array<i32>} : memref<128x128xi32, #tpu.memory_space<vmem>>, vector<16xi32>,
        %parallel_loop3A_1934 = vector.bitcast %parallel_loop3A_1933 : vector<16xi32> to vector<32xbf16>
        %parallel_loop3A_1935 = arith.mulf %parallel_loop3A_1934, %pack3A_646 : vector<32xbf16>
        %parallel_loop3A_1936 = arith.index_cast %parallel_loop3A_1920 : i32 to index
        %parallel_loop3A_1937 = arith.constant 48 : index
        %parallel_loop3A_1938 = tpu.vector_load %arg14[%parallel_loop3A_1936, %parallel_loop3A_1937] {strides = array<i32>} : memref<128x128xi32, #tpu.memory_space<vmem>>, vector<16xi32>,
        %parallel_loop3A_1939 = vector.bitcast %parallel_loop3A_1938 : vector<16xi32> to vector<32xbf16>
        %parallel_loop3A_1940 = arith.mulf %parallel_loop3A_1939, %pack3A_831 : vector<32xbf16>
        %parallel_loop3A_1941 = arith.addf %parallel_loop3A_1925, %parallel_loop3A_1930 : vector<32xbf16>
        %parallel_loop3A_1942 = arith.addf %parallel_loop3A_1935, %parallel_loop3A_1940 : vector<32xbf16>
        %parallel_loop3A_1943 = arith.addf %parallel_loop3A_1941, %parallel_loop3A_1942 : vector<32xbf16>
        %parallel_loop3A_1944 = tpu.unpack_subelements %parallel_loop3A_1943, 0 {pack_format = #tpu.pack_format<interleaved>} : vector<32xbf16> -> vector<16xf32>
        %parallel_loop3A_1945 = tpu.unpack_subelements %parallel_loop3A_1943, 1 {pack_format = #tpu.pack_format<interleaved>} : vector<32xbf16> -> vector<16xf32>
        %parallel_loop3A_1946 = arith.addf %parallel_loop3A_1944, %parallel_loop3A_1945 : vector<16xf32>
        %parallel_loop3A_1947 = arith.constant 6 : i32
        %parallel_loop3A_1948 = arith.addi %parallel_loop3A_1720, %parallel_loop3A_1947 : i32
        %parallel_loop3A_1949 = arith.index_cast %parallel_loop3A_1948 : i32 to index
        %parallel_loop3A_1950 = arith.constant 0 : index
        %parallel_loop3A_1951 = tpu.vector_load %arg19[%parallel_loop3A_1949, %parallel_loop3A_1950] {strides = array<i32>} : memref<128x17xf32, #tpu.memory_space<vmem>>, vector<16xf32>,
        tpu.vector_store %arg19[%parallel_loop3A_1949, %parallel_loop3A_1950], %parallel_loop3A_1946 {strides = array<i32>} : memref<128x17xf32, #tpu.memory_space<vmem>>, vector<16xf32>,
        %parallel_loop3A_1952 = arith.constant 7 : i32
        %parallel_loop3A_1953 = arith.addi %parallel_loop3A_1720, %parallel_loop3A_1952 : i32
        %parallel_loop3A_1954 = arith.index_cast %parallel_loop3A_1953 : i32 to index
        %parallel_loop3A_1955 = arith.constant 0 : index
        %parallel_loop3A_1956 = tpu.vector_load %arg14[%parallel_loop3A_1954, %parallel_loop3A_1955] {strides = array<i32>} : memref<128x128xi32, #tpu.memory_space<vmem>>, vector<16xi32>,
        %parallel_loop3A_1957 = vector.bitcast %parallel_loop3A_1956 : vector<16xi32> to vector<32xbf16>
        %parallel_loop3A_1958 = arith.mulf %parallel_loop3A_1957, %pack3A : vector<32xbf16>
        %parallel_loop3A_1959 = arith.index_cast %parallel_loop3A_1953 : i32 to index
        %parallel_loop3A_1960 = arith.constant 16 : index
        %parallel_loop3A_1961 = tpu.vector_load %arg14[%parallel_loop3A_1959, %parallel_loop3A_1960] {strides = array<i32>} : memref<128x128xi32, #tpu.memory_space<vmem>>, vector<16xi32>,
        %parallel_loop3A_1962 = vector.bitcast %parallel_loop3A_1961 : vector<16xi32> to vector<32xbf16>
        %parallel_loop3A_1963 = arith.mulf %parallel_loop3A_1962, %pack3A_461 : vector<32xbf16>
        %parallel_loop3A_1964 = arith.index_cast %parallel_loop3A_1953 : i32 to index
        %parallel_loop3A_1965 = arith.constant 32 : index
        %parallel_loop3A_1966 = tpu.vector_load %arg14[%parallel_loop3A_1964, %parallel_loop3A_1965] {strides = array<i32>} : memref<128x128xi32, #tpu.memory_space<vmem>>, vector<16xi32>,
        %parallel_loop3A_1967 = vector.bitcast %parallel_loop3A_1966 : vector<16xi32> to vector<32xbf16>
        %parallel_loop3A_1968 = arith.mulf %parallel_loop3A_1967, %pack3A_646 : vector<32xbf16>
        %parallel_loop3A_1969 = arith.index_cast %parallel_loop3A_1953 : i32 to index
        %parallel_loop3A_1970 = arith.constant 48 : index
        %parallel_loop3A_1971 = tpu.vector_load %arg14[%parallel_loop3A_1969, %parallel_loop3A_1970] {strides = array<i32>} : memref<128x128xi32, #tpu.memory_space<vmem>>, vector<16xi32>,
        %parallel_loop3A_1972 = vector.bitcast %parallel_loop3A_1971 : vector<16xi32> to vector<32xbf16>
        %parallel_loop3A_1973 = arith.mulf %parallel_loop3A_1972, %pack3A_831 : vector<32xbf16>
        %parallel_loop3A_1974 = arith.addf %parallel_loop3A_1958, %parallel_loop3A_1963 : vector<32xbf16>
        %parallel_loop3A_1975 = arith.addf %parallel_loop3A_1968, %parallel_loop3A_1973 : vector<32xbf16>
        %parallel_loop3A_1976 = arith.addf %parallel_loop3A_1974, %parallel_loop3A_1975 : vector<32xbf16>
        %parallel_loop3A_1977 = tpu.unpack_subelements %parallel_loop3A_1976, 0 {pack_format = #tpu.pack_format<interleaved>} : vector<32xbf16> -> vector<16xf32>
        %parallel_loop3A_1978 = tpu.unpack_subelements %parallel_loop3A_1976, 1 {pack_format = #tpu.pack_format<interleaved>} : vector<32xbf16> -> vector<16xf32>
        %parallel_loop3A_1979 = arith.addf %parallel_loop3A_1977, %parallel_loop3A_1978 : vector<16xf32>
        %parallel_loop3A_1980 = arith.constant 7 : i32
        %parallel_loop3A_1981 = arith.addi %parallel_loop3A_1720, %parallel_loop3A_1980 : i32
        %parallel_loop3A_1982 = arith.index_cast %parallel_loop3A_1981 : i32 to index
        %parallel_loop3A_1983 = arith.constant 0 : index
        %parallel_loop3A_1984 = tpu.vector_load %arg19[%parallel_loop3A_1982, %parallel_loop3A_1983] {strides = array<i32>} : memref<128x17xf32, #tpu.memory_space<vmem>>, vector<16xf32>,
        tpu.vector_store %arg19[%parallel_loop3A_1982, %parallel_loop3A_1983], %parallel_loop3A_1979 {strides = array<i32>} : memref<128x17xf32, #tpu.memory_space<vmem>>, vector<16xf32>,
        %parallel_loop3A_1985 = arith.constant 8 : i32
        %parallel_loop3A_1986 = arith.addi %parallel_loop3A_1720, %parallel_loop3A_1985 : i32
        %parallel_loop3A_1987 = arith.index_cast %parallel_loop3A_1986 : i32 to index
        %parallel_loop3A_1988 = arith.constant 0 : index
        %parallel_loop3A_1989 = tpu.vector_load %arg14[%parallel_loop3A_1987, %parallel_loop3A_1988] {strides = array<i32>} : memref<128x128xi32, #tpu.memory_space<vmem>>, vector<16xi32>,
        %parallel_loop3A_1990 = vector.bitcast %parallel_loop3A_1989 : vector<16xi32> to vector<32xbf16>
        %parallel_loop3A_1991 = arith.mulf %parallel_loop3A_1990, %pack3A : vector<32xbf16>
        %parallel_loop3A_1992 = arith.index_cast %parallel_loop3A_1986 : i32 to index
        %parallel_loop3A_1993 = arith.constant 16 : index
        %parallel_loop3A_1994 = tpu.vector_load %arg14[%parallel_loop3A_1992, %parallel_loop3A_1993] {strides = array<i32>} : memref<128x128xi32, #tpu.memory_space<vmem>>, vector<16xi32>,
        %parallel_loop3A_1995 = vector.bitcast %parallel_loop3A_1994 : vector<16xi32> to vector<32xbf16>
        %parallel_loop3A_1996 = arith.mulf %parallel_loop3A_1995, %pack3A_461 : vector<32xbf16>
        %parallel_loop3A_1997 = arith.index_cast %parallel_loop3A_1986 : i32 to index
        %parallel_loop3A_1998 = arith.constant 32 : index
        %parallel_loop3A_1999 = tpu.vector_load %arg14[%parallel_loop3A_1997, %parallel_loop3A_1998] {strides = array<i32>} : memref<128x128xi32, #tpu.memory_space<vmem>>, vector<16xi32>,
        %parallel_loop3A_2000 = vector.bitcast %parallel_loop3A_1999 : vector<16xi32> to vector<32xbf16>
        %parallel_loop3A_2001 = arith.mulf %parallel_loop3A_2000, %pack3A_646 : vector<32xbf16>
        %parallel_loop3A_2002 = arith.index_cast %parallel_loop3A_1986 : i32 to index
        %parallel_loop3A_2003 = arith.constant 48 : index
        %parallel_loop3A_2004 = tpu.vector_load %arg14[%parallel_loop3A_2002, %parallel_loop3A_2003] {strides = array<i32>} : memref<128x128xi32, #tpu.memory_space<vmem>>, vector<16xi32>,
        %parallel_loop3A_2005 = vector.bitcast %parallel_loop3A_2004 : vector<16xi32> to vector<32xbf16>
        %parallel_loop3A_2006 = arith.mulf %parallel_loop3A_2005, %pack3A_831 : vector<32xbf16>
        %parallel_loop3A_2007 = arith.addf %parallel_loop3A_1991, %parallel_loop3A_1996 : vector<32xbf16>
        %parallel_loop3A_2008 = arith.addf %parallel_loop3A_2001, %parallel_loop3A_2006 : vector<32xbf16>
        %parallel_loop3A_2009 = arith.addf %parallel_loop3A_2007, %parallel_loop3A_2008 : vector<32xbf16>
        %parallel_loop3A_2010 = tpu.unpack_subelements %parallel_loop3A_2009, 0 {pack_format = #tpu.pack_format<interleaved>} : vector<32xbf16> -> vector<16xf32>
        %parallel_loop3A_2011 = tpu.unpack_subelements %parallel_loop3A_2009, 1 {pack_format = #tpu.pack_format<interleaved>} : vector<32xbf16> -> vector<16xf32>
        %parallel_loop3A_2012 = arith.addf %parallel_loop3A_2010, %parallel_loop3A_2011 : vector<16xf32>
        %parallel_loop3A_2013 = arith.constant 8 : i32
        %parallel_loop3A_2014 = arith.addi %parallel_loop3A_1720, %parallel_loop3A_2013 : i32
        %parallel_loop3A_2015 = arith.index_cast %parallel_loop3A_2014 : i32 to index
        %parallel_loop3A_2016 = arith.constant 0 : index
        %parallel_loop3A_2017 = tpu.vector_load %arg19[%parallel_loop3A_2015, %parallel_loop3A_2016] {strides = array<i32>} : memref<128x17xf32, #tpu.memory_space<vmem>>, vector<16xf32>,
        tpu.vector_store %arg19[%parallel_loop3A_2015, %parallel_loop3A_2016], %parallel_loop3A_2012 {strides = array<i32>} : memref<128x17xf32, #tpu.memory_space<vmem>>, vector<16xf32>,
        %parallel_loop3A_2018 = arith.constant 9 : i32
        %parallel_loop3A_2019 = arith.addi %parallel_loop3A_1720, %parallel_loop3A_2018 : i32
        %parallel_loop3A_2020 = arith.index_cast %parallel_loop3A_2019 : i32 to index
        %parallel_loop3A_2021 = arith.constant 0 : index
        %parallel_loop3A_2022 = tpu.vector_load %arg14[%parallel_loop3A_2020, %parallel_loop3A_2021] {strides = array<i32>} : memref<128x128xi32, #tpu.memory_space<vmem>>, vector<16xi32>,
        %parallel_loop3A_2023 = vector.bitcast %parallel_loop3A_2022 : vector<16xi32> to vector<32xbf16>
        %parallel_loop3A_2024 = arith.mulf %parallel_loop3A_2023, %pack3A : vector<32xbf16>
        %parallel_loop3A_2025 = arith.index_cast %parallel_loop3A_2019 : i32 to index
        %parallel_loop3A_2026 = arith.constant 16 : index
        %parallel_loop3A_2027 = tpu.vector_load %arg14[%parallel_loop3A_2025, %parallel_loop3A_2026] {strides = array<i32>} : memref<128x128xi32, #tpu.memory_space<vmem>>, vector<16xi32>,
        %parallel_loop3A_2028 = vector.bitcast %parallel_loop3A_2027 : vector<16xi32> to vector<32xbf16>
        %parallel_loop3A_2029 = arith.mulf %parallel_loop3A_2028, %pack3A_461 : vector<32xbf16>
        %parallel_loop3A_2030 = arith.index_cast %parallel_loop3A_2019 : i32 to index
        %parallel_loop3A_2031 = arith.constant 32 : index
        %parallel_loop3A_2032 = tpu.vector_load %arg14[%parallel_loop3A_2030, %parallel_loop3A_2031] {strides = array<i32>} : memref<128x128xi32, #tpu.memory_space<vmem>>, vector<16xi32>,
        %parallel_loop3A_2033 = vector.bitcast %parallel_loop3A_2032 : vector<16xi32> to vector<32xbf16>
        %parallel_loop3A_2034 = arith.mulf %parallel_loop3A_2033, %pack3A_646 : vector<32xbf16>
        %parallel_loop3A_2035 = arith.index_cast %parallel_loop3A_2019 : i32 to index
        %parallel_loop3A_2036 = arith.constant 48 : index
        %parallel_loop3A_2037 = tpu.vector_load %arg14[%parallel_loop3A_2035, %parallel_loop3A_2036] {strides = array<i32>} : memref<128x128xi32, #tpu.memory_space<vmem>>, vector<16xi32>,
        %parallel_loop3A_2038 = vector.bitcast %parallel_loop3A_2037 : vector<16xi32> to vector<32xbf16>
        %parallel_loop3A_2039 = arith.mulf %parallel_loop3A_2038, %pack3A_831 : vector<32xbf16>
        %parallel_loop3A_2040 = arith.addf %parallel_loop3A_2024, %parallel_loop3A_2029 : vector<32xbf16>
        %parallel_loop3A_2041 = arith.addf %parallel_loop3A_2034, %parallel_loop3A_2039 : vector<32xbf16>
        %parallel_loop3A_2042 = arith.addf %parallel_loop3A_2040, %parallel_loop3A_2041 : vector<32xbf16>
        %parallel_loop3A_2043 = tpu.unpack_subelements %parallel_loop3A_2042, 0 {pack_format = #tpu.pack_format<interleaved>} : vector<32xbf16> -> vector<16xf32>
        %parallel_loop3A_2044 = tpu.unpack_subelements %parallel_loop3A_2042, 1 {pack_format = #tpu.pack_format<interleaved>} : vector<32xbf16> -> vector<16xf32>
        %parallel_loop3A_2045 = arith.addf %parallel_loop3A_2043, %parallel_loop3A_2044 : vector<16xf32>
        %parallel_loop3A_2046 = arith.constant 9 : i32
        %parallel_loop3A_2047 = arith.addi %parallel_loop3A_1720, %parallel_loop3A_2046 : i32
        %parallel_loop3A_2048 = arith.index_cast %parallel_loop3A_2047 : i32 to index
        %parallel_loop3A_2049 = arith.constant 0 : index
        %parallel_loop3A_2050 = tpu.vector_load %arg19[%parallel_loop3A_2048, %parallel_loop3A_2049] {strides = array<i32>} : memref<128x17xf32, #tpu.memory_space<vmem>>, vector<16xf32>,
        tpu.vector_store %arg19[%parallel_loop3A_2048, %parallel_loop3A_2049], %parallel_loop3A_2045 {strides = array<i32>} : memref<128x17xf32, #tpu.memory_space<vmem>>, vector<16xf32>,
        %parallel_loop3A_2051 = arith.constant 10 : i32
        %parallel_loop3A_2052 = arith.addi %parallel_loop3A_1720, %parallel_loop3A_2051 : i32
        %parallel_loop3A_2053 = arith.index_cast %parallel_loop3A_2052 : i32 to index
        %parallel_loop3A_2054 = arith.constant 0 : index
        %parallel_loop3A_2055 = tpu.vector_load %arg14[%parallel_loop3A_2053, %parallel_loop3A_2054] {strides = array<i32>} : memref<128x128xi32, #tpu.memory_space<vmem>>, vector<16xi32>,
        %parallel_loop3A_2056 = vector.bitcast %parallel_loop3A_2055 : vector<16xi32> to vector<32xbf16>
        %parallel_loop3A_2057 = arith.mulf %parallel_loop3A_2056, %pack3A : vector<32xbf16>
        %parallel_loop3A_2058 = arith.index_cast %parallel_loop3A_2052 : i32 to index
        %parallel_loop3A_2059 = arith.constant 16 : index
        %parallel_loop3A_2060 = tpu.vector_load %arg14[%parallel_loop3A_2058, %parallel_loop3A_2059] {strides = array<i32>} : memref<128x128xi32, #tpu.memory_space<vmem>>, vector<16xi32>,
        %parallel_loop3A_2061 = vector.bitcast %parallel_loop3A_2060 : vector<16xi32> to vector<32xbf16>
        %parallel_loop3A_2062 = arith.mulf %parallel_loop3A_2061, %pack3A_461 : vector<32xbf16>
        %parallel_loop3A_2063 = arith.index_cast %parallel_loop3A_2052 : i32 to index
        %parallel_loop3A_2064 = arith.constant 32 : index
        %parallel_loop3A_2065 = tpu.vector_load %arg14[%parallel_loop3A_2063, %parallel_loop3A_2064] {strides = array<i32>} : memref<128x128xi32, #tpu.memory_space<vmem>>, vector<16xi32>,
        %parallel_loop3A_2066 = vector.bitcast %parallel_loop3A_2065 : vector<16xi32> to vector<32xbf16>
        %parallel_loop3A_2067 = arith.mulf %parallel_loop3A_2066, %pack3A_646 : vector<32xbf16>
        %parallel_loop3A_2068 = arith.index_cast %parallel_loop3A_2052 : i32 to index
        %parallel_loop3A_2069 = arith.constant 48 : index
        %parallel_loop3A_2070 = tpu.vector_load %arg14[%parallel_loop3A_2068, %parallel_loop3A_2069] {strides = array<i32>} : memref<128x128xi32, #tpu.memory_space<vmem>>, vector<16xi32>,
        %parallel_loop3A_2071 = vector.bitcast %parallel_loop3A_2070 : vector<16xi32> to vector<32xbf16>
        %parallel_loop3A_2072 = arith.mulf %parallel_loop3A_2071, %pack3A_831 : vector<32xbf16>
        %parallel_loop3A_2073 = arith.addf %parallel_loop3A_2057, %parallel_loop3A_2062 : vector<32xbf16>
        %parallel_loop3A_2074 = arith.addf %parallel_loop3A_2067, %parallel_loop3A_2072 : vector<32xbf16>
        %parallel_loop3A_2075 = arith.addf %parallel_loop3A_2073, %parallel_loop3A_2074 : vector<32xbf16>
        %parallel_loop3A_2076 = tpu.unpack_subelements %parallel_loop3A_2075, 0 {pack_format = #tpu.pack_format<interleaved>} : vector<32xbf16> -> vector<16xf32>
        %parallel_loop3A_2077 = tpu.unpack_subelements %parallel_loop3A_2075, 1 {pack_format = #tpu.pack_format<interleaved>} : vector<32xbf16> -> vector<16xf32>
        %parallel_loop3A_2078 = arith.addf %parallel_loop3A_2076, %parallel_loop3A_2077 : vector<16xf32>
        %parallel_loop3A_2079 = arith.constant 10 : i32
        %parallel_loop3A_2080 = arith.addi %parallel_loop3A_1720, %parallel_loop3A_2079 : i32
        %parallel_loop3A_2081 = arith.index_cast %parallel_loop3A_2080 : i32 to index
        %parallel_loop3A_2082 = arith.constant 0 : index
        %parallel_loop3A_2083 = tpu.vector_load %arg19[%parallel_loop3A_2081, %parallel_loop3A_2082] {strides = array<i32>} : memref<128x17xf32, #tpu.memory_space<vmem>>, vector<16xf32>,
        tpu.vector_store %arg19[%parallel_loop3A_2081, %parallel_loop3A_2082], %parallel_loop3A_2078 {strides = array<i32>} : memref<128x17xf32, #tpu.memory_space<vmem>>, vector<16xf32>,
        %parallel_loop3A_2084 = arith.constant 11 : i32
        %parallel_loop3A_2085 = arith.addi %parallel_loop3A_1720, %parallel_loop3A_2084 : i32
        %parallel_loop3A_2086 = arith.index_cast %parallel_loop3A_2085 : i32 to index
        %parallel_loop3A_2087 = arith.constant 0 : index
        %parallel_loop3A_2088 = tpu.vector_load %arg14[%parallel_loop3A_2086, %parallel_loop3A_2087] {strides = array<i32>} : memref<128x128xi32, #tpu.memory_space<vmem>>, vector<16xi32>,
        %parallel_loop3A_2089 = vector.bitcast %parallel_loop3A_2088 : vector<16xi32> to vector<32xbf16>
        %parallel_loop3A_2090 = arith.mulf %parallel_loop3A_2089, %pack3A : vector<32xbf16>
        %parallel_loop3A_2091 = arith.index_cast %parallel_loop3A_2085 : i32 to index
        %parallel_loop3A_2092 = arith.constant 16 : index
        %parallel_loop3A_2093 = tpu.vector_load %arg14[%parallel_loop3A_2091, %parallel_loop3A_2092] {strides = array<i32>} : memref<128x128xi32, #tpu.memory_space<vmem>>, vector<16xi32>,
        %parallel_loop3A_2094 = vector.bitcast %parallel_loop3A_2093 : vector<16xi32> to vector<32xbf16>
        %parallel_loop3A_2095 = arith.mulf %parallel_loop3A_2094, %pack3A_461 : vector<32xbf16>
        %parallel_loop3A_2096 = arith.index_cast %parallel_loop3A_2085 : i32 to index
        %parallel_loop3A_2097 = arith.constant 32 : index
        %parallel_loop3A_2098 = tpu.vector_load %arg14[%parallel_loop3A_2096, %parallel_loop3A_2097] {strides = array<i32>} : memref<128x128xi32, #tpu.memory_space<vmem>>, vector<16xi32>,
        %parallel_loop3A_2099 = vector.bitcast %parallel_loop3A_2098 : vector<16xi32> to vector<32xbf16>
        %parallel_loop3A_2100 = arith.mulf %parallel_loop3A_2099, %pack3A_646 : vector<32xbf16>
        %parallel_loop3A_2101 = arith.index_cast %parallel_loop3A_2085 : i32 to index
        %parallel_loop3A_2102 = arith.constant 48 : index
        %parallel_loop3A_2103 = tpu.vector_load %arg14[%parallel_loop3A_2101, %parallel_loop3A_2102] {strides = array<i32>} : memref<128x128xi32, #tpu.memory_space<vmem>>, vector<16xi32>,
        %parallel_loop3A_2104 = vector.bitcast %parallel_loop3A_2103 : vector<16xi32> to vector<32xbf16>
        %parallel_loop3A_2105 = arith.mulf %parallel_loop3A_2104, %pack3A_831 : vector<32xbf16>
        %parallel_loop3A_2106 = arith.addf %parallel_loop3A_2090, %parallel_loop3A_2095 : vector<32xbf16>
        %parallel_loop3A_2107 = arith.addf %parallel_loop3A_2100, %parallel_loop3A_2105 : vector<32xbf16>
        %parallel_loop3A_2108 = arith.addf %parallel_loop3A_2106, %parallel_loop3A_2107 : vector<32xbf16>
        %parallel_loop3A_2109 = tpu.unpack_subelements %parallel_loop3A_2108, 0 {pack_format = #tpu.pack_format<interleaved>} : vector<32xbf16> -> vector<16xf32>
        %parallel_loop3A_2110 = tpu.unpack_subelements %parallel_loop3A_2108, 1 {pack_format = #tpu.pack_format<interleaved>} : vector<32xbf16> -> vector<16xf32>
        %parallel_loop3A_2111 = arith.addf %parallel_loop3A_2109, %parallel_loop3A_2110 : vector<16xf32>
        %parallel_loop3A_2112 = arith.constant 11 : i32
        %parallel_loop3A_2113 = arith.addi %parallel_loop3A_1720, %parallel_loop3A_2112 : i32
        %parallel_loop3A_2114 = arith.index_cast %parallel_loop3A_2113 : i32 to index
        %parallel_loop3A_2115 = arith.constant 0 : index
        %parallel_loop3A_2116 = tpu.vector_load %arg19[%parallel_loop3A_2114, %parallel_loop3A_2115] {strides = array<i32>} : memref<128x17xf32, #tpu.memory_space<vmem>>, vector<16xf32>,
        tpu.vector_store %arg19[%parallel_loop3A_2114, %parallel_loop3A_2115], %parallel_loop3A_2111 {strides = array<i32>} : memref<128x17xf32, #tpu.memory_space<vmem>>, vector<16xf32>,
        %parallel_loop3A_2117 = arith.constant 12 : i32
        %parallel_loop3A_2118 = arith.addi %parallel_loop3A_1720, %parallel_loop3A_2117 : i32
        %parallel_loop3A_2119 = arith.index_cast %parallel_loop3A_2118 : i32 to index
        %parallel_loop3A_2120 = arith.constant 0 : index
        %parallel_loop3A_2121 = tpu.vector_load %arg14[%parallel_loop3A_2119, %parallel_loop3A_2120] {strides = array<i32>} : memref<128x128xi32, #tpu.memory_space<vmem>>, vector<16xi32>,
        %parallel_loop3A_2122 = vector.bitcast %parallel_loop3A_2121 : vector<16xi32> to vector<32xbf16>
        %parallel_loop3A_2123 = arith.mulf %parallel_loop3A_2122, %pack3A : vector<32xbf16>
        %parallel_loop3A_2124 = arith.index_cast %parallel_loop3A_2118 : i32 to index
        %parallel_loop3A_2125 = arith.constant 16 : index
        %parallel_loop3A_2126 = tpu.vector_load %arg14[%parallel_loop3A_2124, %parallel_loop3A_2125] {strides = array<i32>} : memref<128x128xi32, #tpu.memory_space<vmem>>, vector<16xi32>,
        %parallel_loop3A_2127 = vector.bitcast %parallel_loop3A_2126 : vector<16xi32> to vector<32xbf16>
        %parallel_loop3A_2128 = arith.mulf %parallel_loop3A_2127, %pack3A_461 : vector<32xbf16>
        %parallel_loop3A_2129 = arith.index_cast %parallel_loop3A_2118 : i32 to index
        %parallel_loop3A_2130 = arith.constant 32 : index
        %parallel_loop3A_2131 = tpu.vector_load %arg14[%parallel_loop3A_2129, %parallel_loop3A_2130] {strides = array<i32>} : memref<128x128xi32, #tpu.memory_space<vmem>>, vector<16xi32>,
        %parallel_loop3A_2132 = vector.bitcast %parallel_loop3A_2131 : vector<16xi32> to vector<32xbf16>
        %parallel_loop3A_2133 = arith.mulf %parallel_loop3A_2132, %pack3A_646 : vector<32xbf16>
        %parallel_loop3A_2134 = arith.index_cast %parallel_loop3A_2118 : i32 to index
        %parallel_loop3A_2135 = arith.constant 48 : index
        %parallel_loop3A_2136 = tpu.vector_load %arg14[%parallel_loop3A_2134, %parallel_loop3A_2135] {strides = array<i32>} : memref<128x128xi32, #tpu.memory_space<vmem>>, vector<16xi32>,
        %parallel_loop3A_2137 = vector.bitcast %parallel_loop3A_2136 : vector<16xi32> to vector<32xbf16>
        %parallel_loop3A_2138 = arith.mulf %parallel_loop3A_2137, %pack3A_831 : vector<32xbf16>
        %parallel_loop3A_2139 = arith.addf %parallel_loop3A_2123, %parallel_loop3A_2128 : vector<32xbf16>
        %parallel_loop3A_2140 = arith.addf %parallel_loop3A_2133, %parallel_loop3A_2138 : vector<32xbf16>
        %parallel_loop3A_2141 = arith.addf %parallel_loop3A_2139, %parallel_loop3A_2140 : vector<32xbf16>
        %parallel_loop3A_2142 = tpu.unpack_subelements %parallel_loop3A_2141, 0 {pack_format = #tpu.pack_format<interleaved>} : vector<32xbf16> -> vector<16xf32>
        %parallel_loop3A_2143 = tpu.unpack_subelements %parallel_loop3A_2141, 1 {pack_format = #tpu.pack_format<interleaved>} : vector<32xbf16> -> vector<16xf32>
        %parallel_loop3A_2144 = arith.addf %parallel_loop3A_2142, %parallel_loop3A_2143 : vector<16xf32>
        %parallel_loop3A_2145 = arith.constant 12 : i32
        %parallel_loop3A_2146 = arith.addi %parallel_loop3A_1720, %parallel_loop3A_2145 : i32
        %parallel_loop3A_2147 = arith.index_cast %parallel_loop3A_2146 : i32 to index
        %parallel_loop3A_2148 = arith.constant 0 : index
        %parallel_loop3A_2149 = tpu.vector_load %arg19[%parallel_loop3A_2147, %parallel_loop3A_2148] {strides = array<i32>} : memref<128x17xf32, #tpu.memory_space<vmem>>, vector<16xf32>,
        tpu.vector_store %arg19[%parallel_loop3A_2147, %parallel_loop3A_2148], %parallel_loop3A_2144 {strides = array<i32>} : memref<128x17xf32, #tpu.memory_space<vmem>>, vector<16xf32>,
        %parallel_loop3A_2150 = arith.constant 13 : i32
        %parallel_loop3A_2151 = arith.addi %parallel_loop3A_1720, %parallel_loop3A_2150 : i32
        %parallel_loop3A_2152 = arith.index_cast %parallel_loop3A_2151 : i32 to index
        %parallel_loop3A_2153 = arith.constant 0 : index
        %parallel_loop3A_2154 = tpu.vector_load %arg14[%parallel_loop3A_2152, %parallel_loop3A_2153] {strides = array<i32>} : memref<128x128xi32, #tpu.memory_space<vmem>>, vector<16xi32>,
        %parallel_loop3A_2155 = vector.bitcast %parallel_loop3A_2154 : vector<16xi32> to vector<32xbf16>
        %parallel_loop3A_2156 = arith.mulf %parallel_loop3A_2155, %pack3A : vector<32xbf16>
        %parallel_loop3A_2157 = arith.index_cast %parallel_loop3A_2151 : i32 to index
        %parallel_loop3A_2158 = arith.constant 16 : index
        %parallel_loop3A_2159 = tpu.vector_load %arg14[%parallel_loop3A_2157, %parallel_loop3A_2158] {strides = array<i32>} : memref<128x128xi32, #tpu.memory_space<vmem>>, vector<16xi32>,
        %parallel_loop3A_2160 = vector.bitcast %parallel_loop3A_2159 : vector<16xi32> to vector<32xbf16>
        %parallel_loop3A_2161 = arith.mulf %parallel_loop3A_2160, %pack3A_461 : vector<32xbf16>
        %parallel_loop3A_2162 = arith.index_cast %parallel_loop3A_2151 : i32 to index
        %parallel_loop3A_2163 = arith.constant 32 : index
        %parallel_loop3A_2164 = tpu.vector_load %arg14[%parallel_loop3A_2162, %parallel_loop3A_2163] {strides = array<i32>} : memref<128x128xi32, #tpu.memory_space<vmem>>, vector<16xi32>,
        %parallel_loop3A_2165 = vector.bitcast %parallel_loop3A_2164 : vector<16xi32> to vector<32xbf16>
        %parallel_loop3A_2166 = arith.mulf %parallel_loop3A_2165, %pack3A_646 : vector<32xbf16>
        %parallel_loop3A_2167 = arith.index_cast %parallel_loop3A_2151 : i32 to index
        %parallel_loop3A_2168 = arith.constant 48 : index
        %parallel_loop3A_2169 = tpu.vector_load %arg14[%parallel_loop3A_2167, %parallel_loop3A_2168] {strides = array<i32>} : memref<128x128xi32, #tpu.memory_space<vmem>>, vector<16xi32>,
        %parallel_loop3A_2170 = vector.bitcast %parallel_loop3A_2169 : vector<16xi32> to vector<32xbf16>
        %parallel_loop3A_2171 = arith.mulf %parallel_loop3A_2170, %pack3A_831 : vector<32xbf16>
        %parallel_loop3A_2172 = arith.addf %parallel_loop3A_2156, %parallel_loop3A_2161 : vector<32xbf16>
        %parallel_loop3A_2173 = arith.addf %parallel_loop3A_2166, %parallel_loop3A_2171 : vector<32xbf16>
        %parallel_loop3A_2174 = arith.addf %parallel_loop3A_2172, %parallel_loop3A_2173 : vector<32xbf16>
        %parallel_loop3A_2175 = tpu.unpack_subelements %parallel_loop3A_2174, 0 {pack_format = #tpu.pack_format<interleaved>} : vector<32xbf16> -> vector<16xf32>
        %parallel_loop3A_2176 = tpu.unpack_subelements %parallel_loop3A_2174, 1 {pack_format = #tpu.pack_format<interleaved>} : vector<32xbf16> -> vector<16xf32>
        %parallel_loop3A_2177 = arith.addf %parallel_loop3A_2175, %parallel_loop3A_2176 : vector<16xf32>
        %parallel_loop3A_2178 = arith.constant 13 : i32
        %parallel_loop3A_2179 = arith.addi %parallel_loop3A_1720, %parallel_loop3A_2178 : i32
        %parallel_loop3A_2180 = arith.index_cast %parallel_loop3A_2179 : i32 to index
        %parallel_loop3A_2181 = arith.constant 0 : index
        %parallel_loop3A_2182 = tpu.vector_load %arg19[%parallel_loop3A_2180, %parallel_loop3A_2181] {strides = array<i32>} : memref<128x17xf32, #tpu.memory_space<vmem>>, vector<16xf32>,
        tpu.vector_store %arg19[%parallel_loop3A_2180, %parallel_loop3A_2181], %parallel_loop3A_2177 {strides = array<i32>} : memref<128x17xf32, #tpu.memory_space<vmem>>, vector<16xf32>,
        %parallel_loop3A_2183 = arith.constant 14 : i32
        %parallel_loop3A_2184 = arith.addi %parallel_loop3A_1720, %parallel_loop3A_2183 : i32
        %parallel_loop3A_2185 = arith.index_cast %parallel_loop3A_2184 : i32 to index
        %parallel_loop3A_2186 = arith.constant 0 : index
        %parallel_loop3A_2187 = tpu.vector_load %arg14[%parallel_loop3A_2185, %parallel_loop3A_2186] {strides = array<i32>} : memref<128x128xi32, #tpu.memory_space<vmem>>, vector<16xi32>,
        %parallel_loop3A_2188 = vector.bitcast %parallel_loop3A_2187 : vector<16xi32> to vector<32xbf16>
        %parallel_loop3A_2189 = arith.mulf %parallel_loop3A_2188, %pack3A : vector<32xbf16>
        %parallel_loop3A_2190 = arith.index_cast %parallel_loop3A_2184 : i32 to index
        %parallel_loop3A_2191 = arith.constant 16 : index
        %parallel_loop3A_2192 = tpu.vector_load %arg14[%parallel_loop3A_2190, %parallel_loop3A_2191] {strides = array<i32>} : memref<128x128xi32, #tpu.memory_space<vmem>>, vector<16xi32>,
        %parallel_loop3A_2193 = vector.bitcast %parallel_loop3A_2192 : vector<16xi32> to vector<32xbf16>
        %parallel_loop3A_2194 = arith.mulf %parallel_loop3A_2193, %pack3A_461 : vector<32xbf16>
        %parallel_loop3A_2195 = arith.index_cast %parallel_loop3A_2184 : i32 to index
        %parallel_loop3A_2196 = arith.constant 32 : index
        %parallel_loop3A_2197 = tpu.vector_load %arg14[%parallel_loop3A_2195, %parallel_loop3A_2196] {strides = array<i32>} : memref<128x128xi32, #tpu.memory_space<vmem>>, vector<16xi32>,
        %parallel_loop3A_2198 = vector.bitcast %parallel_loop3A_2197 : vector<16xi32> to vector<32xbf16>
        %parallel_loop3A_2199 = arith.mulf %parallel_loop3A_2198, %pack3A_646 : vector<32xbf16>
        %parallel_loop3A_2200 = arith.index_cast %parallel_loop3A_2184 : i32 to index
        %parallel_loop3A_2201 = arith.constant 48 : index
        %parallel_loop3A_2202 = tpu.vector_load %arg14[%parallel_loop3A_2200, %parallel_loop3A_2201] {strides = array<i32>} : memref<128x128xi32, #tpu.memory_space<vmem>>, vector<16xi32>,
        %parallel_loop3A_2203 = vector.bitcast %parallel_loop3A_2202 : vector<16xi32> to vector<32xbf16>
        %parallel_loop3A_2204 = arith.mulf %parallel_loop3A_2203, %pack3A_831 : vector<32xbf16>
        %parallel_loop3A_2205 = arith.addf %parallel_loop3A_2189, %parallel_loop3A_2194 : vector<32xbf16>
        %parallel_loop3A_2206 = arith.addf %parallel_loop3A_2199, %parallel_loop3A_2204 : vector<32xbf16>
        %parallel_loop3A_2207 = arith.addf %parallel_loop3A_2205, %parallel_loop3A_2206 : vector<32xbf16>
        %parallel_loop3A_2208 = tpu.unpack_subelements %parallel_loop3A_2207, 0 {pack_format = #tpu.pack_format<interleaved>} : vector<32xbf16> -> vector<16xf32>
        %parallel_loop3A_2209 = tpu.unpack_subelements %parallel_loop3A_2207, 1 {pack_format = #tpu.pack_format<interleaved>} : vector<32xbf16> -> vector<16xf32>
        %parallel_loop3A_2210 = arith.addf %parallel_loop3A_2208, %parallel_loop3A_2209 : vector<16xf32>
        %parallel_loop3A_2211 = arith.constant 14 : i32
        %parallel_loop3A_2212 = arith.addi %parallel_loop3A_1720, %parallel_loop3A_2211 : i32
        %parallel_loop3A_2213 = arith.index_cast %parallel_loop3A_2212 : i32 to index
        %parallel_loop3A_2214 = arith.constant 0 : index
        %parallel_loop3A_2215 = tpu.vector_load %arg19[%parallel_loop3A_2213, %parallel_loop3A_2214] {strides = array<i32>} : memref<128x17xf32, #tpu.memory_space<vmem>>, vector<16xf32>,
        tpu.vector_store %arg19[%parallel_loop3A_2213, %parallel_loop3A_2214], %parallel_loop3A_2210 {strides = array<i32>} : memref<128x17xf32, #tpu.memory_space<vmem>>, vector<16xf32>,
        %parallel_loop3A_2216 = arith.constant 15 : i32
        %parallel_loop3A_2217 = arith.addi %parallel_loop3A_1720, %parallel_loop3A_2216 : i32
        %parallel_loop3A_2218 = arith.index_cast %parallel_loop3A_2217 : i32 to index
        %parallel_loop3A_2219 = arith.constant 0 : index
        %parallel_loop3A_2220 = tpu.vector_load %arg14[%parallel_loop3A_2218, %parallel_loop3A_2219] {strides = array<i32>} : memref<128x128xi32, #tpu.memory_space<vmem>>, vector<16xi32>,
        %parallel_loop3A_2221 = vector.bitcast %parallel_loop3A_2220 : vector<16xi32> to vector<32xbf16>
        %parallel_loop3A_2222 = arith.mulf %parallel_loop3A_2221, %pack3A : vector<32xbf16>
        %parallel_loop3A_2223 = arith.index_cast %parallel_loop3A_2217 : i32 to index
        %parallel_loop3A_2224 = arith.constant 16 : index
        %parallel_loop3A_2225 = tpu.vector_load %arg14[%parallel_loop3A_2223, %parallel_loop3A_2224] {strides = array<i32>} : memref<128x128xi32, #tpu.memory_space<vmem>>, vector<16xi32>,
        %parallel_loop3A_2226 = vector.bitcast %parallel_loop3A_2225 : vector<16xi32> to vector<32xbf16>
        %parallel_loop3A_2227 = arith.mulf %parallel_loop3A_2226, %pack3A_461 : vector<32xbf16>
        %parallel_loop3A_2228 = arith.index_cast %parallel_loop3A_2217 : i32 to index
        %parallel_loop3A_2229 = arith.constant 32 : index
        %parallel_loop3A_2230 = tpu.vector_load %arg14[%parallel_loop3A_2228, %parallel_loop3A_2229] {strides = array<i32>} : memref<128x128xi32, #tpu.memory_space<vmem>>, vector<16xi32>,
        %parallel_loop3A_2231 = vector.bitcast %parallel_loop3A_2230 : vector<16xi32> to vector<32xbf16>
        %parallel_loop3A_2232 = arith.mulf %parallel_loop3A_2231, %pack3A_646 : vector<32xbf16>
        %parallel_loop3A_2233 = arith.index_cast %parallel_loop3A_2217 : i32 to index
        %parallel_loop3A_2234 = arith.constant 48 : index
        %parallel_loop3A_2235 = tpu.vector_load %arg14[%parallel_loop3A_2233, %parallel_loop3A_2234] {strides = array<i32>} : memref<128x128xi32, #tpu.memory_space<vmem>>, vector<16xi32>,
        %parallel_loop3A_2236 = vector.bitcast %parallel_loop3A_2235 : vector<16xi32> to vector<32xbf16>
        %parallel_loop3A_2237 = arith.mulf %parallel_loop3A_2236, %pack3A_831 : vector<32xbf16>
        %parallel_loop3A_2238 = arith.addf %parallel_loop3A_2222, %parallel_loop3A_2227 : vector<32xbf16>
        %parallel_loop3A_2239 = arith.addf %parallel_loop3A_2232, %parallel_loop3A_2237 : vector<32xbf16>
        %parallel_loop3A_2240 = arith.addf %parallel_loop3A_2238, %parallel_loop3A_2239 : vector<32xbf16>
        %parallel_loop3A_2241 = tpu.unpack_subelements %parallel_loop3A_2240, 0 {pack_format = #tpu.pack_format<interleaved>} : vector<32xbf16> -> vector<16xf32>
        %parallel_loop3A_2242 = tpu.unpack_subelements %parallel_loop3A_2240, 1 {pack_format = #tpu.pack_format<interleaved>} : vector<32xbf16> -> vector<16xf32>
        %parallel_loop3A_2243 = arith.addf %parallel_loop3A_2241, %parallel_loop3A_2242 : vector<16xf32>
        %parallel_loop3A_2244 = arith.constant 15 : i32
        %parallel_loop3A_2245 = arith.addi %parallel_loop3A_1720, %parallel_loop3A_2244 : i32
        %parallel_loop3A_2246 = arith.index_cast %parallel_loop3A_2245 : i32 to index
        %parallel_loop3A_2247 = arith.constant 0 : index
        %parallel_loop3A_2248 = tpu.vector_load %arg19[%parallel_loop3A_2246, %parallel_loop3A_2247] {strides = array<i32>} : memref<128x17xf32, #tpu.memory_space<vmem>>, vector<16xf32>,
        tpu.vector_store %arg19[%parallel_loop3A_2246, %parallel_loop3A_2247], %parallel_loop3A_2243 {strides = array<i32>} : memref<128x17xf32, #tpu.memory_space<vmem>>, vector<16xf32>,
        %parallel_loop3A_2249 = vector.broadcast %parallel_loop3A_1720 : i32 to vector<16xi32>
        %parallel_loop3A_2250 = arith.addi %parallel_loop3A_2249, %iota3A : vector<16xi32>
        %parallel_loop3A_2251 = arith.constant 0 : i32
        %parallel_loop3A_2252 = vector.broadcast %parallel_loop3A_2251 : i32 to vector<16xi32>
        %parallel_loop3A_2253 = tpu.vector_load_idx %arg19[%parallel_loop3A_2250, %parallel_loop3A_2252] : memref<128x17xf32, #tpu.memory_space<vmem>>[vector<16xi32>, vector<16xi32>], vector<16xf32>,
        %parallel_loop3A_2254 = arith.constant 1 : i32
        %parallel_loop3A_2255 = vector.broadcast %parallel_loop3A_2254 : i32 to vector<16xi32>
        %parallel_loop3A_2256 = tpu.vector_load_idx %arg19[%parallel_loop3A_2250, %parallel_loop3A_2255] : memref<128x17xf32, #tpu.memory_space<vmem>>[vector<16xi32>, vector<16xi32>], vector<16xf32>,
        %parallel_loop3A_2257 = arith.constant 2 : i32
        %parallel_loop3A_2258 = vector.broadcast %parallel_loop3A_2257 : i32 to vector<16xi32>
        %parallel_loop3A_2259 = tpu.vector_load_idx %arg19[%parallel_loop3A_2250, %parallel_loop3A_2258] : memref<128x17xf32, #tpu.memory_space<vmem>>[vector<16xi32>, vector<16xi32>], vector<16xf32>,
        %parallel_loop3A_2260 = arith.constant 3 : i32
        %parallel_loop3A_2261 = vector.broadcast %parallel_loop3A_2260 : i32 to vector<16xi32>
        %parallel_loop3A_2262 = tpu.vector_load_idx %arg19[%parallel_loop3A_2250, %parallel_loop3A_2261] : memref<128x17xf32, #tpu.memory_space<vmem>>[vector<16xi32>, vector<16xi32>], vector<16xf32>,
        %parallel_loop3A_2263 = arith.constant 4 : i32
        %parallel_loop3A_2264 = vector.broadcast %parallel_loop3A_2263 : i32 to vector<16xi32>
        %parallel_loop3A_2265 = tpu.vector_load_idx %arg19[%parallel_loop3A_2250, %parallel_loop3A_2264] : memref<128x17xf32, #tpu.memory_space<vmem>>[vector<16xi32>, vector<16xi32>], vector<16xf32>,
        %parallel_loop3A_2266 = arith.constant 5 : i32
        %parallel_loop3A_2267 = vector.broadcast %parallel_loop3A_2266 : i32 to vector<16xi32>
        %parallel_loop3A_2268 = tpu.vector_load_idx %arg19[%parallel_loop3A_2250, %parallel_loop3A_2267] : memref<128x17xf32, #tpu.memory_space<vmem>>[vector<16xi32>, vector<16xi32>], vector<16xf32>,
        %parallel_loop3A_2269 = arith.constant 6 : i32
        %parallel_loop3A_2270 = vector.broadcast %parallel_loop3A_2269 : i32 to vector<16xi32>
        %parallel_loop3A_2271 = tpu.vector_load_idx %arg19[%parallel_loop3A_2250, %parallel_loop3A_2270] : memref<128x17xf32, #tpu.memory_space<vmem>>[vector<16xi32>, vector<16xi32>], vector<16xf32>,
        %parallel_loop3A_2272 = arith.constant 7 : i32
        %parallel_loop3A_2273 = vector.broadcast %parallel_loop3A_2272 : i32 to vector<16xi32>
        %parallel_loop3A_2274 = tpu.vector_load_idx %arg19[%parallel_loop3A_2250, %parallel_loop3A_2273] : memref<128x17xf32, #tpu.memory_space<vmem>>[vector<16xi32>, vector<16xi32>], vector<16xf32>,
        %parallel_loop3A_2275 = arith.constant 8 : i32
        %parallel_loop3A_2276 = vector.broadcast %parallel_loop3A_2275 : i32 to vector<16xi32>
        %parallel_loop3A_2277 = tpu.vector_load_idx %arg19[%parallel_loop3A_2250, %parallel_loop3A_2276] : memref<128x17xf32, #tpu.memory_space<vmem>>[vector<16xi32>, vector<16xi32>], vector<16xf32>,
        %parallel_loop3A_2278 = arith.constant 9 : i32
        %parallel_loop3A_2279 = vector.broadcast %parallel_loop3A_2278 : i32 to vector<16xi32>
        %parallel_loop3A_2280 = tpu.vector_load_idx %arg19[%parallel_loop3A_2250, %parallel_loop3A_2279] : memref<128x17xf32, #tpu.memory_space<vmem>>[vector<16xi32>, vector<16xi32>], vector<16xf32>,
        %parallel_loop3A_2281 = arith.constant 10 : i32
        %parallel_loop3A_2282 = vector.broadcast %parallel_loop3A_2281 : i32 to vector<16xi32>
        %parallel_loop3A_2283 = tpu.vector_load_idx %arg19[%parallel_loop3A_2250, %parallel_loop3A_2282] : memref<128x17xf32, #tpu.memory_space<vmem>>[vector<16xi32>, vector<16xi32>], vector<16xf32>,
        %parallel_loop3A_2284 = arith.constant 11 : i32
        %parallel_loop3A_2285 = vector.broadcast %parallel_loop3A_2284 : i32 to vector<16xi32>
        %parallel_loop3A_2286 = tpu.vector_load_idx %arg19[%parallel_loop3A_2250, %parallel_loop3A_2285] : memref<128x17xf32, #tpu.memory_space<vmem>>[vector<16xi32>, vector<16xi32>], vector<16xf32>,
        %parallel_loop3A_2287 = arith.constant 12 : i32
        %parallel_loop3A_2288 = vector.broadcast %parallel_loop3A_2287 : i32 to vector<16xi32>
        %parallel_loop3A_2289 = tpu.vector_load_idx %arg19[%parallel_loop3A_2250, %parallel_loop3A_2288] : memref<128x17xf32, #tpu.memory_space<vmem>>[vector<16xi32>, vector<16xi32>], vector<16xf32>,
        %parallel_loop3A_2290 = arith.constant 13 : i32
        %parallel_loop3A_2291 = vector.broadcast %parallel_loop3A_2290 : i32 to vector<16xi32>
        %parallel_loop3A_2292 = tpu.vector_load_idx %arg19[%parallel_loop3A_2250, %parallel_loop3A_2291] : memref<128x17xf32, #tpu.memory_space<vmem>>[vector<16xi32>, vector<16xi32>], vector<16xf32>,
        %parallel_loop3A_2293 = arith.constant 14 : i32
        %parallel_loop3A_2294 = vector.broadcast %parallel_loop3A_2293 : i32 to vector<16xi32>
        %parallel_loop3A_2295 = tpu.vector_load_idx %arg19[%parallel_loop3A_2250, %parallel_loop3A_2294] : memref<128x17xf32, #tpu.memory_space<vmem>>[vector<16xi32>, vector<16xi32>], vector<16xf32>,
        %parallel_loop3A_2296 = arith.constant 15 : i32
        %parallel_loop3A_2297 = vector.broadcast %parallel_loop3A_2296 : i32 to vector<16xi32>
        %parallel_loop3A_2298 = tpu.vector_load_idx %arg19[%parallel_loop3A_2250, %parallel_loop3A_2297] : memref<128x17xf32, #tpu.memory_space<vmem>>[vector<16xi32>, vector<16xi32>], vector<16xf32>,
        %parallel_loop3A_2299 = arith.addf %parallel_loop3A_2253, %parallel_loop3A_2256 : vector<16xf32>
        %parallel_loop3A_2300 = arith.addf %parallel_loop3A_2259, %parallel_loop3A_2262 : vector<16xf32>
        %parallel_loop3A_2301 = arith.addf %parallel_loop3A_2265, %parallel_loop3A_2268 : vector<16xf32>
        %parallel_loop3A_2302 = arith.addf %parallel_loop3A_2271, %parallel_loop3A_2274 : vector<16xf32>
        %parallel_loop3A_2303 = arith.addf %parallel_loop3A_2277, %parallel_loop3A_2280 : vector<16xf32>
        %parallel_loop3A_2304 = arith.addf %parallel_loop3A_2283, %parallel_loop3A_2286 : vector<16xf32>
        %parallel_loop3A_2305 = arith.addf %parallel_loop3A_2289, %parallel_loop3A_2292 : vector<16xf32>
        %parallel_loop3A_2306 = arith.addf %parallel_loop3A_2295, %parallel_loop3A_2298 : vector<16xf32>
        %parallel_loop3A_2307 = arith.addf %parallel_loop3A_2299, %parallel_loop3A_2300 : vector<16xf32>
        %parallel_loop3A_2308 = arith.addf %parallel_loop3A_2301, %parallel_loop3A_2302 : vector<16xf32>
        %parallel_loop3A_2309 = arith.addf %parallel_loop3A_2303, %parallel_loop3A_2304 : vector<16xf32>
        %parallel_loop3A_2310 = arith.addf %parallel_loop3A_2305, %parallel_loop3A_2306 : vector<16xf32>
        %parallel_loop3A_2311 = arith.addf %parallel_loop3A_2307, %parallel_loop3A_2308 : vector<16xf32>
        %parallel_loop3A_2312 = arith.addf %parallel_loop3A_2309, %parallel_loop3A_2310 : vector<16xf32>
        %parallel_loop3A_2313 = arith.addf %parallel_loop3A_2311, %parallel_loop3A_2312 : vector<16xf32>
        %parallel_loop3A_2314 = arith.index_cast %parallel_loop3A_1720 : i32 to index
        %parallel_loop3A_2315 = tpu.vector_load %arg17[%parallel_loop3A_2314] {strides = array<i32>} : memref<128xf32, #tpu.memory_space<vmem>>, vector<16xf32>,
        tpu.vector_store %arg17[%parallel_loop3A_2314], %parallel_loop3A_2313 {strides = array<i32>} : memref<128xf32, #tpu.memory_space<vmem>>, vector<16xf32>,
      } {sc.loop_unroll_factor = 1 : i64, sc.parallel_access}
      %add3A_881 = arith.addi %mul3A_2, %mul3A_89 : i32
      %dma_start3A_882 = arith.constant 0 : i32
      %dma_start3A_883 = tpu.memref_slice %arg7[%add3A_881, %dma_start3A_882] : memref<4096x128xf32, #tpu.memory_space<hbm>> -> memref<1x128xf32, #tpu.memory_space<hbm>>
      %dma_start3A_884 = tpu.memref_squeeze %dma_start3A_883 : memref<1x128xf32, #tpu.memory_space<hbm>> -> memref<128xf32, #tpu.memory_space<hbm>>
      %dma_start3A_885 = arith.constant 0 : i32
      %dma_start3A_886 = tpu.memref_slice %arg7[%add3A_881, %dma_start3A_885] : memref<4096x128xf32, #tpu.memory_space<hbm>> -> memref<1x128xf32, #tpu.memory_space<hbm>>
      %dma_start3A_887 = tpu.memref_squeeze %dma_start3A_886 : memref<1x128xf32, #tpu.memory_space<hbm>> -> memref<128xf32, #tpu.memory_space<hbm>>
      tpu.enqueue_dma source(%arg17 : memref<128xf32, #tpu.memory_space<vmem>>) target(%dma_start3A_887 : memref<128xf32, #tpu.memory_space<hbm>>) target_semaphore(%arg25 : memref<!tpu.dma_semaphore, #tpu.memory_space<semaphore_mem>>)
      %add3A_888 = arith.constant 2 : i32
      %add3A_889 = arith.addi %mul3A_89, %add3A_888 : i32
      %min3A_890 = arith.constant 127 : i32
      %min3A_891 = arith.minsi %add3A_889, %min3A_890 : i32
      %dma_start3A_892 = arith.constant 0 : i32
      %dma_start3A_893 = tpu.memref_slice %arg10[%min3A_891, %dma_start3A_892] : memref<128x128xi32, #tpu.memory_space<vmem>> -> memref<1x128xi32, #tpu.memory_space<vmem>>
      %dma_start3A_894 = tpu.memref_squeeze %dma_start3A_893 : memref<1x128xi32, #tpu.memory_space<vmem>> -> memref<128xi32, #tpu.memory_space<vmem>>
      %dma_start3A_895 = arith.constant 0 : i32
      %dma_start3A_896 = arith.constant 0 : i32
      %dma_start3A_897 = tpu.memref_slice %arg5[%dma_start3A_895, %dma_start3A_896] : memref<100001x128xi32, #tpu.memory_space<hbm>> -> memref<100001x128xi32, #tpu.memory_space<hbm>>
      tpu.enqueue_indirect_dma source(%dma_start3A_897 : memref<100001x128xi32, #tpu.memory_space<hbm>>) target(%arg14 : memref<128x128xi32, #tpu.memory_space<vmem>>) offsets(%dma_start3A_894 : memref<128xi32, #tpu.memory_space<vmem>>) semaphore(%arg23 : memref<!tpu.dma_semaphore, #tpu.memory_space<semaphore_mem>>)
      %add3A_898 = arith.constant 1 : i32
      %add3A_899 = arith.addi %mul3A_89, %add3A_898 : i32
      %dma_wait3A_900 = arith.constant 0 : i32
      %dma_wait3A_901 = arith.constant 0 : i32
      %dma_wait3A_902 = tpu.memref_slice %arg8[%dma_wait3A_900, %dma_wait3A_901] : memref<128x20xi32, #tpu.memory_space<vmem>> -> memref<1x20xi32, #tpu.memory_space<vmem>>
      %dma_wait3A_903 = tpu.memref_squeeze %dma_wait3A_902 : memref<1x20xi32, #tpu.memory_space<vmem>> -> memref<20xi32, #tpu.memory_space<vmem>>
      %dma_wait3A_904 = arith.constant 0 : i32
      %dma_wait3A_905 = arith.constant 0 : i32
      %dma_wait3A_906 = tpu.memref_slice %arg5[%dma_wait3A_904, %dma_wait3A_905] : memref<100001x128xi32, #tpu.memory_space<hbm>> -> memref<100001x128xi32, #tpu.memory_space<hbm>>
      tpu.wait_indirect_dma semaphore(%arg22 : memref<!tpu.dma_semaphore, #tpu.memory_space<semaphore_mem>>) src(%dma_wait3A_906 : memref<100001x128xi32, #tpu.memory_space<hbm>>) dst(%arg13 : memref<20x128xi32, #tpu.memory_space<vmem>>)
      %get3A_907 = arith.constant 0 : i32
      %get3A_908 = arith.index_cast %get3A_907 : i32 to index
      %get3A_909 = arith.constant 64 : index
      %get3A_910 = tpu.vector_load %arg13[%get3A_908, %get3A_909] {strides = array<i32>} : memref<20x128xi32, #tpu.memory_space<vmem>>, vector<16xi32>,
      %bitcast3A_911 = vector.bitcast %get3A_910 : vector<16xi32> to vector<32xbf16>
      %unpack3A_912 = tpu.unpack_subelements %bitcast3A_911, 0 {pack_format = #tpu.pack_format<interleaved>} : vector<32xbf16> -> vector<16xf32>
      %unpack3A_913 = tpu.unpack_subelements %bitcast3A_911, 1 {pack_format = #tpu.pack_format<interleaved>} : vector<32xbf16> -> vector<16xf32>
      %get3A_914 = arith.constant 1 : i32
      %get3A_915 = arith.index_cast %get3A_914 : i32 to index
      %get3A_916 = arith.constant 64 : index
      %get3A_917 = tpu.vector_load %arg13[%get3A_915, %get3A_916] {strides = array<i32>} : memref<20x128xi32, #tpu.memory_space<vmem>>, vector<16xi32>,
      %bitcast3A_918 = vector.bitcast %get3A_917 : vector<16xi32> to vector<32xbf16>
      %unpack3A_919 = tpu.unpack_subelements %bitcast3A_918, 0 {pack_format = #tpu.pack_format<interleaved>} : vector<32xbf16> -> vector<16xf32>
      %unpack3A_920 = tpu.unpack_subelements %bitcast3A_918, 1 {pack_format = #tpu.pack_format<interleaved>} : vector<32xbf16> -> vector<16xf32>
      %get3A_921 = arith.constant 2 : i32
      %get3A_922 = arith.index_cast %get3A_921 : i32 to index
      %get3A_923 = arith.constant 64 : index
      %get3A_924 = tpu.vector_load %arg13[%get3A_922, %get3A_923] {strides = array<i32>} : memref<20x128xi32, #tpu.memory_space<vmem>>, vector<16xi32>,
      %bitcast3A_925 = vector.bitcast %get3A_924 : vector<16xi32> to vector<32xbf16>
      %unpack3A_926 = tpu.unpack_subelements %bitcast3A_925, 0 {pack_format = #tpu.pack_format<interleaved>} : vector<32xbf16> -> vector<16xf32>
      %unpack3A_927 = tpu.unpack_subelements %bitcast3A_925, 1 {pack_format = #tpu.pack_format<interleaved>} : vector<32xbf16> -> vector<16xf32>
      %get3A_928 = arith.constant 3 : i32
      %get3A_929 = arith.index_cast %get3A_928 : i32 to index
      %get3A_930 = arith.constant 64 : index
      %get3A_931 = tpu.vector_load %arg13[%get3A_929, %get3A_930] {strides = array<i32>} : memref<20x128xi32, #tpu.memory_space<vmem>>, vector<16xi32>,
      %bitcast3A_932 = vector.bitcast %get3A_931 : vector<16xi32> to vector<32xbf16>
      %unpack3A_933 = tpu.unpack_subelements %bitcast3A_932, 0 {pack_format = #tpu.pack_format<interleaved>} : vector<32xbf16> -> vector<16xf32>
      %unpack3A_934 = tpu.unpack_subelements %bitcast3A_932, 1 {pack_format = #tpu.pack_format<interleaved>} : vector<32xbf16> -> vector<16xf32>
      %get3A_935 = arith.constant 4 : i32
      %get3A_936 = arith.index_cast %get3A_935 : i32 to index
      %get3A_937 = arith.constant 64 : index
      %get3A_938 = tpu.vector_load %arg13[%get3A_936, %get3A_937] {strides = array<i32>} : memref<20x128xi32, #tpu.memory_space<vmem>>, vector<16xi32>,
      %bitcast3A_939 = vector.bitcast %get3A_938 : vector<16xi32> to vector<32xbf16>
      %unpack3A_940 = tpu.unpack_subelements %bitcast3A_939, 0 {pack_format = #tpu.pack_format<interleaved>} : vector<32xbf16> -> vector<16xf32>
      %unpack3A_941 = tpu.unpack_subelements %bitcast3A_939, 1 {pack_format = #tpu.pack_format<interleaved>} : vector<32xbf16> -> vector<16xf32>
      %get3A_942 = arith.constant 5 : i32
      %get3A_943 = arith.index_cast %get3A_942 : i32 to index
      %get3A_944 = arith.constant 64 : index
      %get3A_945 = tpu.vector_load %arg13[%get3A_943, %get3A_944] {strides = array<i32>} : memref<20x128xi32, #tpu.memory_space<vmem>>, vector<16xi32>,
      %bitcast3A_946 = vector.bitcast %get3A_945 : vector<16xi32> to vector<32xbf16>
      %unpack3A_947 = tpu.unpack_subelements %bitcast3A_946, 0 {pack_format = #tpu.pack_format<interleaved>} : vector<32xbf16> -> vector<16xf32>
      %unpack3A_948 = tpu.unpack_subelements %bitcast3A_946, 1 {pack_format = #tpu.pack_format<interleaved>} : vector<32xbf16> -> vector<16xf32>
      %get3A_949 = arith.constant 6 : i32
      %get3A_950 = arith.index_cast %get3A_949 : i32 to index
      %get3A_951 = arith.constant 64 : index
      %get3A_952 = tpu.vector_load %arg13[%get3A_950, %get3A_951] {strides = array<i32>} : memref<20x128xi32, #tpu.memory_space<vmem>>, vector<16xi32>,
      %bitcast3A_953 = vector.bitcast %get3A_952 : vector<16xi32> to vector<32xbf16>
      %unpack3A_954 = tpu.unpack_subelements %bitcast3A_953, 0 {pack_format = #tpu.pack_format<interleaved>} : vector<32xbf16> -> vector<16xf32>
      %unpack3A_955 = tpu.unpack_subelements %bitcast3A_953, 1 {pack_format = #tpu.pack_format<interleaved>} : vector<32xbf16> -> vector<16xf32>
      %get3A_956 = arith.constant 7 : i32
      %get3A_957 = arith.index_cast %get3A_956 : i32 to index
      %get3A_958 = arith.constant 64 : index
      %get3A_959 = tpu.vector_load %arg13[%get3A_957, %get3A_958] {strides = array<i32>} : memref<20x128xi32, #tpu.memory_space<vmem>>, vector<16xi32>,
      %bitcast3A_960 = vector.bitcast %get3A_959 : vector<16xi32> to vector<32xbf16>
      %unpack3A_961 = tpu.unpack_subelements %bitcast3A_960, 0 {pack_format = #tpu.pack_format<interleaved>} : vector<32xbf16> -> vector<16xf32>
      %unpack3A_962 = tpu.unpack_subelements %bitcast3A_960, 1 {pack_format = #tpu.pack_format<interleaved>} : vector<32xbf16> -> vector<16xf32>
      %get3A_963 = arith.constant 8 : i32
      %get3A_964 = arith.index_cast %get3A_963 : i32 to index
      %get3A_965 = arith.constant 64 : index
      %get3A_966 = tpu.vector_load %arg13[%get3A_964, %get3A_965] {strides = array<i32>} : memref<20x128xi32, #tpu.memory_space<vmem>>, vector<16xi32>,
      %bitcast3A_967 = vector.bitcast %get3A_966 : vector<16xi32> to vector<32xbf16>
      %unpack3A_968 = tpu.unpack_subelements %bitcast3A_967, 0 {pack_format = #tpu.pack_format<interleaved>} : vector<32xbf16> -> vector<16xf32>
      %unpack3A_969 = tpu.unpack_subelements %bitcast3A_967, 1 {pack_format = #tpu.pack_format<interleaved>} : vector<32xbf16> -> vector<16xf32>
      %get3A_970 = arith.constant 9 : i32
      %get3A_971 = arith.index_cast %get3A_970 : i32 to index
      %get3A_972 = arith.constant 64 : index
      %get3A_973 = tpu.vector_load %arg13[%get3A_971, %get3A_972] {strides = array<i32>} : memref<20x128xi32, #tpu.memory_space<vmem>>, vector<16xi32>,
      %bitcast3A_974 = vector.bitcast %get3A_973 : vector<16xi32> to vector<32xbf16>
      %unpack3A_975 = tpu.unpack_subelements %bitcast3A_974, 0 {pack_format = #tpu.pack_format<interleaved>} : vector<32xbf16> -> vector<16xf32>
      %unpack3A_976 = tpu.unpack_subelements %bitcast3A_974, 1 {pack_format = #tpu.pack_format<interleaved>} : vector<32xbf16> -> vector<16xf32>
      %get3A_977 = arith.constant 10 : i32
      %get3A_978 = arith.index_cast %get3A_977 : i32 to index
      %get3A_979 = arith.constant 64 : index
      %get3A_980 = tpu.vector_load %arg13[%get3A_978, %get3A_979] {strides = array<i32>} : memref<20x128xi32, #tpu.memory_space<vmem>>, vector<16xi32>,
      %bitcast3A_981 = vector.bitcast %get3A_980 : vector<16xi32> to vector<32xbf16>
      %unpack3A_982 = tpu.unpack_subelements %bitcast3A_981, 0 {pack_format = #tpu.pack_format<interleaved>} : vector<32xbf16> -> vector<16xf32>
      %unpack3A_983 = tpu.unpack_subelements %bitcast3A_981, 1 {pack_format = #tpu.pack_format<interleaved>} : vector<32xbf16> -> vector<16xf32>
      %get3A_984 = arith.constant 11 : i32
      %get3A_985 = arith.index_cast %get3A_984 : i32 to index
      %get3A_986 = arith.constant 64 : index
      %get3A_987 = tpu.vector_load %arg13[%get3A_985, %get3A_986] {strides = array<i32>} : memref<20x128xi32, #tpu.memory_space<vmem>>, vector<16xi32>,
      %bitcast3A_988 = vector.bitcast %get3A_987 : vector<16xi32> to vector<32xbf16>
      %unpack3A_989 = tpu.unpack_subelements %bitcast3A_988, 0 {pack_format = #tpu.pack_format<interleaved>} : vector<32xbf16> -> vector<16xf32>
      %unpack3A_990 = tpu.unpack_subelements %bitcast3A_988, 1 {pack_format = #tpu.pack_format<interleaved>} : vector<32xbf16> -> vector<16xf32>
      %get3A_991 = arith.constant 12 : i32
      %get3A_992 = arith.index_cast %get3A_991 : i32 to index
      %get3A_993 = arith.constant 64 : index
      %get3A_994 = tpu.vector_load %arg13[%get3A_992, %get3A_993] {strides = array<i32>} : memref<20x128xi32, #tpu.memory_space<vmem>>, vector<16xi32>,
      %bitcast3A_995 = vector.bitcast %get3A_994 : vector<16xi32> to vector<32xbf16>
      %unpack3A_996 = tpu.unpack_subelements %bitcast3A_995, 0 {pack_format = #tpu.pack_format<interleaved>} : vector<32xbf16> -> vector<16xf32>
      %unpack3A_997 = tpu.unpack_subelements %bitcast3A_995, 1 {pack_format = #tpu.pack_format<interleaved>} : vector<32xbf16> -> vector<16xf32>
      %get3A_998 = arith.constant 13 : i32
      %get3A_999 = arith.index_cast %get3A_998 : i32 to index
      %get3A_1000 = arith.constant 64 : index
      %get3A_1001 = tpu.vector_load %arg13[%get3A_999, %get3A_1000] {strides = array<i32>} : memref<20x128xi32, #tpu.memory_space<vmem>>, vector<16xi32>,
      %bitcast3A_1002 = vector.bitcast %get3A_1001 : vector<16xi32> to vector<32xbf16>
      %unpack3A_1003 = tpu.unpack_subelements %bitcast3A_1002, 0 {pack_format = #tpu.pack_format<interleaved>} : vector<32xbf16> -> vector<16xf32>
      %unpack3A_1004 = tpu.unpack_subelements %bitcast3A_1002, 1 {pack_format = #tpu.pack_format<interleaved>} : vector<32xbf16> -> vector<16xf32>
      %get3A_1005 = arith.constant 14 : i32
      %get3A_1006 = arith.index_cast %get3A_1005 : i32 to index
      %get3A_1007 = arith.constant 64 : index
      %get3A_1008 = tpu.vector_load %arg13[%get3A_1006, %get3A_1007] {strides = array<i32>} : memref<20x128xi32, #tpu.memory_space<vmem>>, vector<16xi32>,
      %bitcast3A_1009 = vector.bitcast %get3A_1008 : vector<16xi32> to vector<32xbf16>
      %unpack3A_1010 = tpu.unpack_subelements %bitcast3A_1009, 0 {pack_format = #tpu.pack_format<interleaved>} : vector<32xbf16> -> vector<16xf32>
      %unpack3A_1011 = tpu.unpack_subelements %bitcast3A_1009, 1 {pack_format = #tpu.pack_format<interleaved>} : vector<32xbf16> -> vector<16xf32>
      %get3A_1012 = arith.constant 15 : i32
      %get3A_1013 = arith.index_cast %get3A_1012 : i32 to index
      %get3A_1014 = arith.constant 64 : index
      %get3A_1015 = tpu.vector_load %arg13[%get3A_1013, %get3A_1014] {strides = array<i32>} : memref<20x128xi32, #tpu.memory_space<vmem>>, vector<16xi32>,
      %bitcast3A_1016 = vector.bitcast %get3A_1015 : vector<16xi32> to vector<32xbf16>
      %unpack3A_1017 = tpu.unpack_subelements %bitcast3A_1016, 0 {pack_format = #tpu.pack_format<interleaved>} : vector<32xbf16> -> vector<16xf32>
      %unpack3A_1018 = tpu.unpack_subelements %bitcast3A_1016, 1 {pack_format = #tpu.pack_format<interleaved>} : vector<32xbf16> -> vector<16xf32>
      %get3A_1019 = arith.constant 16 : i32
      %get3A_1020 = arith.index_cast %get3A_1019 : i32 to index
      %get3A_1021 = arith.constant 64 : index
      %get3A_1022 = tpu.vector_load %arg13[%get3A_1020, %get3A_1021] {strides = array<i32>} : memref<20x128xi32, #tpu.memory_space<vmem>>, vector<16xi32>,
      %bitcast3A_1023 = vector.bitcast %get3A_1022 : vector<16xi32> to vector<32xbf16>
      %unpack3A_1024 = tpu.unpack_subelements %bitcast3A_1023, 0 {pack_format = #tpu.pack_format<interleaved>} : vector<32xbf16> -> vector<16xf32>
      %unpack3A_1025 = tpu.unpack_subelements %bitcast3A_1023, 1 {pack_format = #tpu.pack_format<interleaved>} : vector<32xbf16> -> vector<16xf32>
      %get3A_1026 = arith.constant 17 : i32
      %get3A_1027 = arith.index_cast %get3A_1026 : i32 to index
      %get3A_1028 = arith.constant 64 : index
      %get3A_1029 = tpu.vector_load %arg13[%get3A_1027, %get3A_1028] {strides = array<i32>} : memref<20x128xi32, #tpu.memory_space<vmem>>, vector<16xi32>,
      %bitcast3A_1030 = vector.bitcast %get3A_1029 : vector<16xi32> to vector<32xbf16>
      %unpack3A_1031 = tpu.unpack_subelements %bitcast3A_1030, 0 {pack_format = #tpu.pack_format<interleaved>} : vector<32xbf16> -> vector<16xf32>
      %unpack3A_1032 = tpu.unpack_subelements %bitcast3A_1030, 1 {pack_format = #tpu.pack_format<interleaved>} : vector<32xbf16> -> vector<16xf32>
      %get3A_1033 = arith.constant 18 : i32
      %get3A_1034 = arith.index_cast %get3A_1033 : i32 to index
      %get3A_1035 = arith.constant 64 : index
      %get3A_1036 = tpu.vector_load %arg13[%get3A_1034, %get3A_1035] {strides = array<i32>} : memref<20x128xi32, #tpu.memory_space<vmem>>, vector<16xi32>,
      %bitcast3A_1037 = vector.bitcast %get3A_1036 : vector<16xi32> to vector<32xbf16>
      %unpack3A_1038 = tpu.unpack_subelements %bitcast3A_1037, 0 {pack_format = #tpu.pack_format<interleaved>} : vector<32xbf16> -> vector<16xf32>
      %unpack3A_1039 = tpu.unpack_subelements %bitcast3A_1037, 1 {pack_format = #tpu.pack_format<interleaved>} : vector<32xbf16> -> vector<16xf32>
      %get3A_1040 = arith.constant 19 : i32
      %get3A_1041 = arith.index_cast %get3A_1040 : i32 to index
      %get3A_1042 = arith.constant 64 : index
      %get3A_1043 = tpu.vector_load %arg13[%get3A_1041, %get3A_1042] {strides = array<i32>} : memref<20x128xi32, #tpu.memory_space<vmem>>, vector<16xi32>,
      %bitcast3A_1044 = vector.bitcast %get3A_1043 : vector<16xi32> to vector<32xbf16>
      %unpack3A_1045 = tpu.unpack_subelements %bitcast3A_1044, 0 {pack_format = #tpu.pack_format<interleaved>} : vector<32xbf16> -> vector<16xf32>
      %unpack3A_1046 = tpu.unpack_subelements %bitcast3A_1044, 1 {pack_format = #tpu.pack_format<interleaved>} : vector<32xbf16> -> vector<16xf32>
      %add3A_1047 = arith.addf %unpack3A_912, %unpack3A_919 : vector<16xf32>
      %add3A_1048 = arith.addf %unpack3A_926, %unpack3A_933 : vector<16xf32>
      %add3A_1049 = arith.addf %unpack3A_940, %unpack3A_947 : vector<16xf32>
      %add3A_1050 = arith.addf %unpack3A_954, %unpack3A_961 : vector<16xf32>
      %add3A_1051 = arith.addf %unpack3A_968, %unpack3A_975 : vector<16xf32>
      %add3A_1052 = arith.addf %unpack3A_982, %unpack3A_989 : vector<16xf32>
      %add3A_1053 = arith.addf %unpack3A_996, %unpack3A_1003 : vector<16xf32>
      %add3A_1054 = arith.addf %unpack3A_1010, %unpack3A_1017 : vector<16xf32>
      %add3A_1055 = arith.addf %unpack3A_1024, %unpack3A_1031 : vector<16xf32>
      %add3A_1056 = arith.addf %unpack3A_1038, %unpack3A_1045 : vector<16xf32>
      %add3A_1057 = arith.addf %add3A_1047, %add3A_1048 : vector<16xf32>
      %add3A_1058 = arith.addf %add3A_1049, %add3A_1050 : vector<16xf32>
      %add3A_1059 = arith.addf %add3A_1051, %add3A_1052 : vector<16xf32>
      %add3A_1060 = arith.addf %add3A_1053, %add3A_1054 : vector<16xf32>
      %add3A_1061 = arith.addf %add3A_1055, %add3A_1056 : vector<16xf32>
      %add3A_1062 = arith.addf %add3A_1057, %add3A_1058 : vector<16xf32>
      %add3A_1063 = arith.addf %add3A_1059, %add3A_1060 : vector<16xf32>
      %add3A_1064 = arith.addf %add3A_1062, %add3A_1063 : vector<16xf32>
      %add3A_1065 = arith.addf %add3A_1064, %add3A_1061 : vector<16xf32>
      %add3A_1066 = arith.addf %unpack3A_913, %unpack3A_920 : vector<16xf32>
      %add3A_1067 = arith.addf %unpack3A_927, %unpack3A_934 : vector<16xf32>
      %add3A_1068 = arith.addf %unpack3A_941, %unpack3A_948 : vector<16xf32>
      %add3A_1069 = arith.addf %unpack3A_955, %unpack3A_962 : vector<16xf32>
      %add3A_1070 = arith.addf %unpack3A_969, %unpack3A_976 : vector<16xf32>
      %add3A_1071 = arith.addf %unpack3A_983, %unpack3A_990 : vector<16xf32>
      %add3A_1072 = arith.addf %unpack3A_997, %unpack3A_1004 : vector<16xf32>
      %add3A_1073 = arith.addf %unpack3A_1011, %unpack3A_1018 : vector<16xf32>
      %add3A_1074 = arith.addf %unpack3A_1025, %unpack3A_1032 : vector<16xf32>
      %add3A_1075 = arith.addf %unpack3A_1039, %unpack3A_1046 : vector<16xf32>
      %add3A_1076 = arith.addf %add3A_1066, %add3A_1067 : vector<16xf32>
      %add3A_1077 = arith.addf %add3A_1068, %add3A_1069 : vector<16xf32>
      %add3A_1078 = arith.addf %add3A_1070, %add3A_1071 : vector<16xf32>
      %add3A_1079 = arith.addf %add3A_1072, %add3A_1073 : vector<16xf32>
      %add3A_1080 = arith.addf %add3A_1074, %add3A_1075 : vector<16xf32>
      %add3A_1081 = arith.addf %add3A_1076, %add3A_1077 : vector<16xf32>
      %add3A_1082 = arith.addf %add3A_1078, %add3A_1079 : vector<16xf32>
      %add3A_1083 = arith.addf %add3A_1081, %add3A_1082 : vector<16xf32>
      %add3A_1084 = arith.addf %add3A_1083, %add3A_1080 : vector<16xf32>
      %div3A_1085 = arith.constant 2.000000e+01 : f32
      %div3A_1086 = vector.broadcast %div3A_1085 : f32 to vector<16xf32>
      %div3A_1087 = arith.divf %add3A_1065, %div3A_1086 : vector<16xf32>
      %div3A_1088 = arith.constant 2.000000e+01 : f32
      %div3A_1089 = vector.broadcast %div3A_1088 : f32 to vector<16xf32>
      %div3A_1090 = arith.divf %add3A_1084, %div3A_1089 : vector<16xf32>
      %pack3A_1091 = tpu.pack_subelements %div3A_1087, %div3A_1090 {pack_format = #tpu.pack_format<interleaved>, positions = array<i32: 0, 1>} : vector<16xf32>, vector<16xf32> -> vector<32xbf16>
      %get3A_1092 = arith.constant 0 : i32
      %get3A_1093 = arith.index_cast %get3A_1092 : i32 to index
      %get3A_1094 = arith.constant 80 : index
      %get3A_1095 = tpu.vector_load %arg13[%get3A_1093, %get3A_1094] {strides = array<i32>} : memref<20x128xi32, #tpu.memory_space<vmem>>, vector<16xi32>,
      %bitcast3A_1096 = vector.bitcast %get3A_1095 : vector<16xi32> to vector<32xbf16>
      %unpack3A_1097 = tpu.unpack_subelements %bitcast3A_1096, 0 {pack_format = #tpu.pack_format<interleaved>} : vector<32xbf16> -> vector<16xf32>
      %unpack3A_1098 = tpu.unpack_subelements %bitcast3A_1096, 1 {pack_format = #tpu.pack_format<interleaved>} : vector<32xbf16> -> vector<16xf32>
      %get3A_1099 = arith.constant 1 : i32
      %get3A_1100 = arith.index_cast %get3A_1099 : i32 to index
      %get3A_1101 = arith.constant 80 : index
      %get3A_1102 = tpu.vector_load %arg13[%get3A_1100, %get3A_1101] {strides = array<i32>} : memref<20x128xi32, #tpu.memory_space<vmem>>, vector<16xi32>,
      %bitcast3A_1103 = vector.bitcast %get3A_1102 : vector<16xi32> to vector<32xbf16>
      %unpack3A_1104 = tpu.unpack_subelements %bitcast3A_1103, 0 {pack_format = #tpu.pack_format<interleaved>} : vector<32xbf16> -> vector<16xf32>
      %unpack3A_1105 = tpu.unpack_subelements %bitcast3A_1103, 1 {pack_format = #tpu.pack_format<interleaved>} : vector<32xbf16> -> vector<16xf32>
      %get3A_1106 = arith.constant 2 : i32
      %get3A_1107 = arith.index_cast %get3A_1106 : i32 to index
      %get3A_1108 = arith.constant 80 : index
      %get3A_1109 = tpu.vector_load %arg13[%get3A_1107, %get3A_1108] {strides = array<i32>} : memref<20x128xi32, #tpu.memory_space<vmem>>, vector<16xi32>,
      %bitcast3A_1110 = vector.bitcast %get3A_1109 : vector<16xi32> to vector<32xbf16>
      %unpack3A_1111 = tpu.unpack_subelements %bitcast3A_1110, 0 {pack_format = #tpu.pack_format<interleaved>} : vector<32xbf16> -> vector<16xf32>
      %unpack3A_1112 = tpu.unpack_subelements %bitcast3A_1110, 1 {pack_format = #tpu.pack_format<interleaved>} : vector<32xbf16> -> vector<16xf32>
      %get3A_1113 = arith.constant 3 : i32
      %get3A_1114 = arith.index_cast %get3A_1113 : i32 to index
      %get3A_1115 = arith.constant 80 : index
      %get3A_1116 = tpu.vector_load %arg13[%get3A_1114, %get3A_1115] {strides = array<i32>} : memref<20x128xi32, #tpu.memory_space<vmem>>, vector<16xi32>,
      %bitcast3A_1117 = vector.bitcast %get3A_1116 : vector<16xi32> to vector<32xbf16>
      %unpack3A_1118 = tpu.unpack_subelements %bitcast3A_1117, 0 {pack_format = #tpu.pack_format<interleaved>} : vector<32xbf16> -> vector<16xf32>
      %unpack3A_1119 = tpu.unpack_subelements %bitcast3A_1117, 1 {pack_format = #tpu.pack_format<interleaved>} : vector<32xbf16> -> vector<16xf32>
      %get3A_1120 = arith.constant 4 : i32
      %get3A_1121 = arith.index_cast %get3A_1120 : i32 to index
      %get3A_1122 = arith.constant 80 : index
      %get3A_1123 = tpu.vector_load %arg13[%get3A_1121, %get3A_1122] {strides = array<i32>} : memref<20x128xi32, #tpu.memory_space<vmem>>, vector<16xi32>,
      %bitcast3A_1124 = vector.bitcast %get3A_1123 : vector<16xi32> to vector<32xbf16>
      %unpack3A_1125 = tpu.unpack_subelements %bitcast3A_1124, 0 {pack_format = #tpu.pack_format<interleaved>} : vector<32xbf16> -> vector<16xf32>
      %unpack3A_1126 = tpu.unpack_subelements %bitcast3A_1124, 1 {pack_format = #tpu.pack_format<interleaved>} : vector<32xbf16> -> vector<16xf32>
      %get3A_1127 = arith.constant 5 : i32
      %get3A_1128 = arith.index_cast %get3A_1127 : i32 to index
      %get3A_1129 = arith.constant 80 : index
      %get3A_1130 = tpu.vector_load %arg13[%get3A_1128, %get3A_1129] {strides = array<i32>} : memref<20x128xi32, #tpu.memory_space<vmem>>, vector<16xi32>,
      %bitcast3A_1131 = vector.bitcast %get3A_1130 : vector<16xi32> to vector<32xbf16>
      %unpack3A_1132 = tpu.unpack_subelements %bitcast3A_1131, 0 {pack_format = #tpu.pack_format<interleaved>} : vector<32xbf16> -> vector<16xf32>
      %unpack3A_1133 = tpu.unpack_subelements %bitcast3A_1131, 1 {pack_format = #tpu.pack_format<interleaved>} : vector<32xbf16> -> vector<16xf32>
      %get3A_1134 = arith.constant 6 : i32
      %get3A_1135 = arith.index_cast %get3A_1134 : i32 to index
      %get3A_1136 = arith.constant 80 : index
      %get3A_1137 = tpu.vector_load %arg13[%get3A_1135, %get3A_1136] {strides = array<i32>} : memref<20x128xi32, #tpu.memory_space<vmem>>, vector<16xi32>,
      %bitcast3A_1138 = vector.bitcast %get3A_1137 : vector<16xi32> to vector<32xbf16>
      %unpack3A_1139 = tpu.unpack_subelements %bitcast3A_1138, 0 {pack_format = #tpu.pack_format<interleaved>} : vector<32xbf16> -> vector<16xf32>
      %unpack3A_1140 = tpu.unpack_subelements %bitcast3A_1138, 1 {pack_format = #tpu.pack_format<interleaved>} : vector<32xbf16> -> vector<16xf32>
      %get3A_1141 = arith.constant 7 : i32
      %get3A_1142 = arith.index_cast %get3A_1141 : i32 to index
      %get3A_1143 = arith.constant 80 : index
      %get3A_1144 = tpu.vector_load %arg13[%get3A_1142, %get3A_1143] {strides = array<i32>} : memref<20x128xi32, #tpu.memory_space<vmem>>, vector<16xi32>,
      %bitcast3A_1145 = vector.bitcast %get3A_1144 : vector<16xi32> to vector<32xbf16>
      %unpack3A_1146 = tpu.unpack_subelements %bitcast3A_1145, 0 {pack_format = #tpu.pack_format<interleaved>} : vector<32xbf16> -> vector<16xf32>
      %unpack3A_1147 = tpu.unpack_subelements %bitcast3A_1145, 1 {pack_format = #tpu.pack_format<interleaved>} : vector<32xbf16> -> vector<16xf32>
      %get3A_1148 = arith.constant 8 : i32
      %get3A_1149 = arith.index_cast %get3A_1148 : i32 to index
      %get3A_1150 = arith.constant 80 : index
      %get3A_1151 = tpu.vector_load %arg13[%get3A_1149, %get3A_1150] {strides = array<i32>} : memref<20x128xi32, #tpu.memory_space<vmem>>, vector<16xi32>,
      %bitcast3A_1152 = vector.bitcast %get3A_1151 : vector<16xi32> to vector<32xbf16>
      %unpack3A_1153 = tpu.unpack_subelements %bitcast3A_1152, 0 {pack_format = #tpu.pack_format<interleaved>} : vector<32xbf16> -> vector<16xf32>
      %unpack3A_1154 = tpu.unpack_subelements %bitcast3A_1152, 1 {pack_format = #tpu.pack_format<interleaved>} : vector<32xbf16> -> vector<16xf32>
      %get3A_1155 = arith.constant 9 : i32
      %get3A_1156 = arith.index_cast %get3A_1155 : i32 to index
      %get3A_1157 = arith.constant 80 : index
      %get3A_1158 = tpu.vector_load %arg13[%get3A_1156, %get3A_1157] {strides = array<i32>} : memref<20x128xi32, #tpu.memory_space<vmem>>, vector<16xi32>,
      %bitcast3A_1159 = vector.bitcast %get3A_1158 : vector<16xi32> to vector<32xbf16>
      %unpack3A_1160 = tpu.unpack_subelements %bitcast3A_1159, 0 {pack_format = #tpu.pack_format<interleaved>} : vector<32xbf16> -> vector<16xf32>
      %unpack3A_1161 = tpu.unpack_subelements %bitcast3A_1159, 1 {pack_format = #tpu.pack_format<interleaved>} : vector<32xbf16> -> vector<16xf32>
      %get3A_1162 = arith.constant 10 : i32
      %get3A_1163 = arith.index_cast %get3A_1162 : i32 to index
      %get3A_1164 = arith.constant 80 : index
      %get3A_1165 = tpu.vector_load %arg13[%get3A_1163, %get3A_1164] {strides = array<i32>} : memref<20x128xi32, #tpu.memory_space<vmem>>, vector<16xi32>,
      %bitcast3A_1166 = vector.bitcast %get3A_1165 : vector<16xi32> to vector<32xbf16>
      %unpack3A_1167 = tpu.unpack_subelements %bitcast3A_1166, 0 {pack_format = #tpu.pack_format<interleaved>} : vector<32xbf16> -> vector<16xf32>
      %unpack3A_1168 = tpu.unpack_subelements %bitcast3A_1166, 1 {pack_format = #tpu.pack_format<interleaved>} : vector<32xbf16> -> vector<16xf32>
      %get3A_1169 = arith.constant 11 : i32
      %get3A_1170 = arith.index_cast %get3A_1169 : i32 to index
      %get3A_1171 = arith.constant 80 : index
      %get3A_1172 = tpu.vector_load %arg13[%get3A_1170, %get3A_1171] {strides = array<i32>} : memref<20x128xi32, #tpu.memory_space<vmem>>, vector<16xi32>,
      %bitcast3A_1173 = vector.bitcast %get3A_1172 : vector<16xi32> to vector<32xbf16>
      %unpack3A_1174 = tpu.unpack_subelements %bitcast3A_1173, 0 {pack_format = #tpu.pack_format<interleaved>} : vector<32xbf16> -> vector<16xf32>
      %unpack3A_1175 = tpu.unpack_subelements %bitcast3A_1173, 1 {pack_format = #tpu.pack_format<interleaved>} : vector<32xbf16> -> vector<16xf32>
      %get3A_1176 = arith.constant 12 : i32
      %get3A_1177 = arith.index_cast %get3A_1176 : i32 to index
      %get3A_1178 = arith.constant 80 : index
      %get3A_1179 = tpu.vector_load %arg13[%get3A_1177, %get3A_1178] {strides = array<i32>} : memref<20x128xi32, #tpu.memory_space<vmem>>, vector<16xi32>,
      %bitcast3A_1180 = vector.bitcast %get3A_1179 : vector<16xi32> to vector<32xbf16>
      %unpack3A_1181 = tpu.unpack_subelements %bitcast3A_1180, 0 {pack_format = #tpu.pack_format<interleaved>} : vector<32xbf16> -> vector<16xf32>
      %unpack3A_1182 = tpu.unpack_subelements %bitcast3A_1180, 1 {pack_format = #tpu.pack_format<interleaved>} : vector<32xbf16> -> vector<16xf32>
      %get3A_1183 = arith.constant 13 : i32
      %get3A_1184 = arith.index_cast %get3A_1183 : i32 to index
      %get3A_1185 = arith.constant 80 : index
      %get3A_1186 = tpu.vector_load %arg13[%get3A_1184, %get3A_1185] {strides = array<i32>} : memref<20x128xi32, #tpu.memory_space<vmem>>, vector<16xi32>,
      %bitcast3A_1187 = vector.bitcast %get3A_1186 : vector<16xi32> to vector<32xbf16>
      %unpack3A_1188 = tpu.unpack_subelements %bitcast3A_1187, 0 {pack_format = #tpu.pack_format<interleaved>} : vector<32xbf16> -> vector<16xf32>
      %unpack3A_1189 = tpu.unpack_subelements %bitcast3A_1187, 1 {pack_format = #tpu.pack_format<interleaved>} : vector<32xbf16> -> vector<16xf32>
      %get3A_1190 = arith.constant 14 : i32
      %get3A_1191 = arith.index_cast %get3A_1190 : i32 to index
      %get3A_1192 = arith.constant 80 : index
      %get3A_1193 = tpu.vector_load %arg13[%get3A_1191, %get3A_1192] {strides = array<i32>} : memref<20x128xi32, #tpu.memory_space<vmem>>, vector<16xi32>,
      %bitcast3A_1194 = vector.bitcast %get3A_1193 : vector<16xi32> to vector<32xbf16>
      %unpack3A_1195 = tpu.unpack_subelements %bitcast3A_1194, 0 {pack_format = #tpu.pack_format<interleaved>} : vector<32xbf16> -> vector<16xf32>
      %unpack3A_1196 = tpu.unpack_subelements %bitcast3A_1194, 1 {pack_format = #tpu.pack_format<interleaved>} : vector<32xbf16> -> vector<16xf32>
      %get3A_1197 = arith.constant 15 : i32
      %get3A_1198 = arith.index_cast %get3A_1197 : i32 to index
      %get3A_1199 = arith.constant 80 : index
      %get3A_1200 = tpu.vector_load %arg13[%get3A_1198, %get3A_1199] {strides = array<i32>} : memref<20x128xi32, #tpu.memory_space<vmem>>, vector<16xi32>,
      %bitcast3A_1201 = vector.bitcast %get3A_1200 : vector<16xi32> to vector<32xbf16>
      %unpack3A_1202 = tpu.unpack_subelements %bitcast3A_1201, 0 {pack_format = #tpu.pack_format<interleaved>} : vector<32xbf16> -> vector<16xf32>
      %unpack3A_1203 = tpu.unpack_subelements %bitcast3A_1201, 1 {pack_format = #tpu.pack_format<interleaved>} : vector<32xbf16> -> vector<16xf32>
      %get3A_1204 = arith.constant 16 : i32
      %get3A_1205 = arith.index_cast %get3A_1204 : i32 to index
      %get3A_1206 = arith.constant 80 : index
      %get3A_1207 = tpu.vector_load %arg13[%get3A_1205, %get3A_1206] {strides = array<i32>} : memref<20x128xi32, #tpu.memory_space<vmem>>, vector<16xi32>,
      %bitcast3A_1208 = vector.bitcast %get3A_1207 : vector<16xi32> to vector<32xbf16>
      %unpack3A_1209 = tpu.unpack_subelements %bitcast3A_1208, 0 {pack_format = #tpu.pack_format<interleaved>} : vector<32xbf16> -> vector<16xf32>
      %unpack3A_1210 = tpu.unpack_subelements %bitcast3A_1208, 1 {pack_format = #tpu.pack_format<interleaved>} : vector<32xbf16> -> vector<16xf32>
      %get3A_1211 = arith.constant 17 : i32
      %get3A_1212 = arith.index_cast %get3A_1211 : i32 to index
      %get3A_1213 = arith.constant 80 : index
      %get3A_1214 = tpu.vector_load %arg13[%get3A_1212, %get3A_1213] {strides = array<i32>} : memref<20x128xi32, #tpu.memory_space<vmem>>, vector<16xi32>,
      %bitcast3A_1215 = vector.bitcast %get3A_1214 : vector<16xi32> to vector<32xbf16>
      %unpack3A_1216 = tpu.unpack_subelements %bitcast3A_1215, 0 {pack_format = #tpu.pack_format<interleaved>} : vector<32xbf16> -> vector<16xf32>
      %unpack3A_1217 = tpu.unpack_subelements %bitcast3A_1215, 1 {pack_format = #tpu.pack_format<interleaved>} : vector<32xbf16> -> vector<16xf32>
      %get3A_1218 = arith.constant 18 : i32
      %get3A_1219 = arith.index_cast %get3A_1218 : i32 to index
      %get3A_1220 = arith.constant 80 : index
      %get3A_1221 = tpu.vector_load %arg13[%get3A_1219, %get3A_1220] {strides = array<i32>} : memref<20x128xi32, #tpu.memory_space<vmem>>, vector<16xi32>,
      %bitcast3A_1222 = vector.bitcast %get3A_1221 : vector<16xi32> to vector<32xbf16>
      %unpack3A_1223 = tpu.unpack_subelements %bitcast3A_1222, 0 {pack_format = #tpu.pack_format<interleaved>} : vector<32xbf16> -> vector<16xf32>
      %unpack3A_1224 = tpu.unpack_subelements %bitcast3A_1222, 1 {pack_format = #tpu.pack_format<interleaved>} : vector<32xbf16> -> vector<16xf32>
      %get3A_1225 = arith.constant 19 : i32
      %get3A_1226 = arith.index_cast %get3A_1225 : i32 to index
      %get3A_1227 = arith.constant 80 : index
      %get3A_1228 = tpu.vector_load %arg13[%get3A_1226, %get3A_1227] {strides = array<i32>} : memref<20x128xi32, #tpu.memory_space<vmem>>, vector<16xi32>,
      %bitcast3A_1229 = vector.bitcast %get3A_1228 : vector<16xi32> to vector<32xbf16>
      %unpack3A_1230 = tpu.unpack_subelements %bitcast3A_1229, 0 {pack_format = #tpu.pack_format<interleaved>} : vector<32xbf16> -> vector<16xf32>
      %unpack3A_1231 = tpu.unpack_subelements %bitcast3A_1229, 1 {pack_format = #tpu.pack_format<interleaved>} : vector<32xbf16> -> vector<16xf32>
      %add3A_1232 = arith.addf %unpack3A_1097, %unpack3A_1104 : vector<16xf32>
      %add3A_1233 = arith.addf %unpack3A_1111, %unpack3A_1118 : vector<16xf32>
      %add3A_1234 = arith.addf %unpack3A_1125, %unpack3A_1132 : vector<16xf32>
      %add3A_1235 = arith.addf %unpack3A_1139, %unpack3A_1146 : vector<16xf32>
      %add3A_1236 = arith.addf %unpack3A_1153, %unpack3A_1160 : vector<16xf32>
      %add3A_1237 = arith.addf %unpack3A_1167, %unpack3A_1174 : vector<16xf32>
      %add3A_1238 = arith.addf %unpack3A_1181, %unpack3A_1188 : vector<16xf32>
      %add3A_1239 = arith.addf %unpack3A_1195, %unpack3A_1202 : vector<16xf32>
      %add3A_1240 = arith.addf %unpack3A_1209, %unpack3A_1216 : vector<16xf32>
      %add3A_1241 = arith.addf %unpack3A_1223, %unpack3A_1230 : vector<16xf32>
      %add3A_1242 = arith.addf %add3A_1232, %add3A_1233 : vector<16xf32>
      %add3A_1243 = arith.addf %add3A_1234, %add3A_1235 : vector<16xf32>
      %add3A_1244 = arith.addf %add3A_1236, %add3A_1237 : vector<16xf32>
      %add3A_1245 = arith.addf %add3A_1238, %add3A_1239 : vector<16xf32>
      %add3A_1246 = arith.addf %add3A_1240, %add3A_1241 : vector<16xf32>
      %add3A_1247 = arith.addf %add3A_1242, %add3A_1243 : vector<16xf32>
      %add3A_1248 = arith.addf %add3A_1244, %add3A_1245 : vector<16xf32>
      %add3A_1249 = arith.addf %add3A_1247, %add3A_1248 : vector<16xf32>
      %add3A_1250 = arith.addf %add3A_1249, %add3A_1246 : vector<16xf32>
      %add3A_1251 = arith.addf %unpack3A_1098, %unpack3A_1105 : vector<16xf32>
      %add3A_1252 = arith.addf %unpack3A_1112, %unpack3A_1119 : vector<16xf32>
      %add3A_1253 = arith.addf %unpack3A_1126, %unpack3A_1133 : vector<16xf32>
      %add3A_1254 = arith.addf %unpack3A_1140, %unpack3A_1147 : vector<16xf32>
      %add3A_1255 = arith.addf %unpack3A_1154, %unpack3A_1161 : vector<16xf32>
      %add3A_1256 = arith.addf %unpack3A_1168, %unpack3A_1175 : vector<16xf32>
      %add3A_1257 = arith.addf %unpack3A_1182, %unpack3A_1189 : vector<16xf32>
      %add3A_1258 = arith.addf %unpack3A_1196, %unpack3A_1203 : vector<16xf32>
      %add3A_1259 = arith.addf %unpack3A_1210, %unpack3A_1217 : vector<16xf32>
      %add3A_1260 = arith.addf %unpack3A_1224, %unpack3A_1231 : vector<16xf32>
      %add3A_1261 = arith.addf %add3A_1251, %add3A_1252 : vector<16xf32>
      %add3A_1262 = arith.addf %add3A_1253, %add3A_1254 : vector<16xf32>
      %add3A_1263 = arith.addf %add3A_1255, %add3A_1256 : vector<16xf32>
      %add3A_1264 = arith.addf %add3A_1257, %add3A_1258 : vector<16xf32>
      %add3A_1265 = arith.addf %add3A_1259, %add3A_1260 : vector<16xf32>
      %add3A_1266 = arith.addf %add3A_1261, %add3A_1262 : vector<16xf32>
      %add3A_1267 = arith.addf %add3A_1263, %add3A_1264 : vector<16xf32>
      %add3A_1268 = arith.addf %add3A_1266, %add3A_1267 : vector<16xf32>
      %add3A_1269 = arith.addf %add3A_1268, %add3A_1265 : vector<16xf32>
      %div3A_1270 = arith.constant 2.000000e+01 : f32
      %div3A_1271 = vector.broadcast %div3A_1270 : f32 to vector<16xf32>
      %div3A_1272 = arith.divf %add3A_1250, %div3A_1271 : vector<16xf32>
      %div3A_1273 = arith.constant 2.000000e+01 : f32
      %div3A_1274 = vector.broadcast %div3A_1273 : f32 to vector<16xf32>
      %div3A_1275 = arith.divf %add3A_1269, %div3A_1274 : vector<16xf32>
      %pack3A_1276 = tpu.pack_subelements %div3A_1272, %div3A_1275 {pack_format = #tpu.pack_format<interleaved>, positions = array<i32: 0, 1>} : vector<16xf32>, vector<16xf32> -> vector<32xbf16>
      %get3A_1277 = arith.constant 0 : i32
      %get3A_1278 = arith.index_cast %get3A_1277 : i32 to index
      %get3A_1279 = arith.constant 96 : index
      %get3A_1280 = tpu.vector_load %arg13[%get3A_1278, %get3A_1279] {strides = array<i32>} : memref<20x128xi32, #tpu.memory_space<vmem>>, vector<16xi32>,
      %bitcast3A_1281 = vector.bitcast %get3A_1280 : vector<16xi32> to vector<32xbf16>
      %unpack3A_1282 = tpu.unpack_subelements %bitcast3A_1281, 0 {pack_format = #tpu.pack_format<interleaved>} : vector<32xbf16> -> vector<16xf32>
      %unpack3A_1283 = tpu.unpack_subelements %bitcast3A_1281, 1 {pack_format = #tpu.pack_format<interleaved>} : vector<32xbf16> -> vector<16xf32>
      %get3A_1284 = arith.constant 1 : i32
      %get3A_1285 = arith.index_cast %get3A_1284 : i32 to index
      %get3A_1286 = arith.constant 96 : index
      %get3A_1287 = tpu.vector_load %arg13[%get3A_1285, %get3A_1286] {strides = array<i32>} : memref<20x128xi32, #tpu.memory_space<vmem>>, vector<16xi32>,
      %bitcast3A_1288 = vector.bitcast %get3A_1287 : vector<16xi32> to vector<32xbf16>
      %unpack3A_1289 = tpu.unpack_subelements %bitcast3A_1288, 0 {pack_format = #tpu.pack_format<interleaved>} : vector<32xbf16> -> vector<16xf32>
      %unpack3A_1290 = tpu.unpack_subelements %bitcast3A_1288, 1 {pack_format = #tpu.pack_format<interleaved>} : vector<32xbf16> -> vector<16xf32>
      %get3A_1291 = arith.constant 2 : i32
      %get3A_1292 = arith.index_cast %get3A_1291 : i32 to index
      %get3A_1293 = arith.constant 96 : index
      %get3A_1294 = tpu.vector_load %arg13[%get3A_1292, %get3A_1293] {strides = array<i32>} : memref<20x128xi32, #tpu.memory_space<vmem>>, vector<16xi32>,
      %bitcast3A_1295 = vector.bitcast %get3A_1294 : vector<16xi32> to vector<32xbf16>
      %unpack3A_1296 = tpu.unpack_subelements %bitcast3A_1295, 0 {pack_format = #tpu.pack_format<interleaved>} : vector<32xbf16> -> vector<16xf32>
      %unpack3A_1297 = tpu.unpack_subelements %bitcast3A_1295, 1 {pack_format = #tpu.pack_format<interleaved>} : vector<32xbf16> -> vector<16xf32>
      %get3A_1298 = arith.constant 3 : i32
      %get3A_1299 = arith.index_cast %get3A_1298 : i32 to index
      %get3A_1300 = arith.constant 96 : index
      %get3A_1301 = tpu.vector_load %arg13[%get3A_1299, %get3A_1300] {strides = array<i32>} : memref<20x128xi32, #tpu.memory_space<vmem>>, vector<16xi32>,
      %bitcast3A_1302 = vector.bitcast %get3A_1301 : vector<16xi32> to vector<32xbf16>
      %unpack3A_1303 = tpu.unpack_subelements %bitcast3A_1302, 0 {pack_format = #tpu.pack_format<interleaved>} : vector<32xbf16> -> vector<16xf32>
      %unpack3A_1304 = tpu.unpack_subelements %bitcast3A_1302, 1 {pack_format = #tpu.pack_format<interleaved>} : vector<32xbf16> -> vector<16xf32>
      %get3A_1305 = arith.constant 4 : i32
      %get3A_1306 = arith.index_cast %get3A_1305 : i32 to index
      %get3A_1307 = arith.constant 96 : index
      %get3A_1308 = tpu.vector_load %arg13[%get3A_1306, %get3A_1307] {strides = array<i32>} : memref<20x128xi32, #tpu.memory_space<vmem>>, vector<16xi32>,
      %bitcast3A_1309 = vector.bitcast %get3A_1308 : vector<16xi32> to vector<32xbf16>
      %unpack3A_1310 = tpu.unpack_subelements %bitcast3A_1309, 0 {pack_format = #tpu.pack_format<interleaved>} : vector<32xbf16> -> vector<16xf32>
      %unpack3A_1311 = tpu.unpack_subelements %bitcast3A_1309, 1 {pack_format = #tpu.pack_format<interleaved>} : vector<32xbf16> -> vector<16xf32>
      %get3A_1312 = arith.constant 5 : i32
      %get3A_1313 = arith.index_cast %get3A_1312 : i32 to index
      %get3A_1314 = arith.constant 96 : index
      %get3A_1315 = tpu.vector_load %arg13[%get3A_1313, %get3A_1314] {strides = array<i32>} : memref<20x128xi32, #tpu.memory_space<vmem>>, vector<16xi32>,
      %bitcast3A_1316 = vector.bitcast %get3A_1315 : vector<16xi32> to vector<32xbf16>
      %unpack3A_1317 = tpu.unpack_subelements %bitcast3A_1316, 0 {pack_format = #tpu.pack_format<interleaved>} : vector<32xbf16> -> vector<16xf32>
      %unpack3A_1318 = tpu.unpack_subelements %bitcast3A_1316, 1 {pack_format = #tpu.pack_format<interleaved>} : vector<32xbf16> -> vector<16xf32>
      %get3A_1319 = arith.constant 6 : i32
      %get3A_1320 = arith.index_cast %get3A_1319 : i32 to index
      %get3A_1321 = arith.constant 96 : index
      %get3A_1322 = tpu.vector_load %arg13[%get3A_1320, %get3A_1321] {strides = array<i32>} : memref<20x128xi32, #tpu.memory_space<vmem>>, vector<16xi32>,
      %bitcast3A_1323 = vector.bitcast %get3A_1322 : vector<16xi32> to vector<32xbf16>
      %unpack3A_1324 = tpu.unpack_subelements %bitcast3A_1323, 0 {pack_format = #tpu.pack_format<interleaved>} : vector<32xbf16> -> vector<16xf32>
      %unpack3A_1325 = tpu.unpack_subelements %bitcast3A_1323, 1 {pack_format = #tpu.pack_format<interleaved>} : vector<32xbf16> -> vector<16xf32>
      %get3A_1326 = arith.constant 7 : i32
      %get3A_1327 = arith.index_cast %get3A_1326 : i32 to index
      %get3A_1328 = arith.constant 96 : index
      %get3A_1329 = tpu.vector_load %arg13[%get3A_1327, %get3A_1328] {strides = array<i32>} : memref<20x128xi32, #tpu.memory_space<vmem>>, vector<16xi32>,
      %bitcast3A_1330 = vector.bitcast %get3A_1329 : vector<16xi32> to vector<32xbf16>
      %unpack3A_1331 = tpu.unpack_subelements %bitcast3A_1330, 0 {pack_format = #tpu.pack_format<interleaved>} : vector<32xbf16> -> vector<16xf32>
      %unpack3A_1332 = tpu.unpack_subelements %bitcast3A_1330, 1 {pack_format = #tpu.pack_format<interleaved>} : vector<32xbf16> -> vector<16xf32>
      %get3A_1333 = arith.constant 8 : i32
      %get3A_1334 = arith.index_cast %get3A_1333 : i32 to index
      %get3A_1335 = arith.constant 96 : index
      %get3A_1336 = tpu.vector_load %arg13[%get3A_1334, %get3A_1335] {strides = array<i32>} : memref<20x128xi32, #tpu.memory_space<vmem>>, vector<16xi32>,
      %bitcast3A_1337 = vector.bitcast %get3A_1336 : vector<16xi32> to vector<32xbf16>
      %unpack3A_1338 = tpu.unpack_subelements %bitcast3A_1337, 0 {pack_format = #tpu.pack_format<interleaved>} : vector<32xbf16> -> vector<16xf32>
      %unpack3A_1339 = tpu.unpack_subelements %bitcast3A_1337, 1 {pack_format = #tpu.pack_format<interleaved>} : vector<32xbf16> -> vector<16xf32>
      %get3A_1340 = arith.constant 9 : i32
      %get3A_1341 = arith.index_cast %get3A_1340 : i32 to index
      %get3A_1342 = arith.constant 96 : index
      %get3A_1343 = tpu.vector_load %arg13[%get3A_1341, %get3A_1342] {strides = array<i32>} : memref<20x128xi32, #tpu.memory_space<vmem>>, vector<16xi32>,
      %bitcast3A_1344 = vector.bitcast %get3A_1343 : vector<16xi32> to vector<32xbf16>
      %unpack3A_1345 = tpu.unpack_subelements %bitcast3A_1344, 0 {pack_format = #tpu.pack_format<interleaved>} : vector<32xbf16> -> vector<16xf32>
      %unpack3A_1346 = tpu.unpack_subelements %bitcast3A_1344, 1 {pack_format = #tpu.pack_format<interleaved>} : vector<32xbf16> -> vector<16xf32>
      %get3A_1347 = arith.constant 10 : i32
      %get3A_1348 = arith.index_cast %get3A_1347 : i32 to index
      %get3A_1349 = arith.constant 96 : index
      %get3A_1350 = tpu.vector_load %arg13[%get3A_1348, %get3A_1349] {strides = array<i32>} : memref<20x128xi32, #tpu.memory_space<vmem>>, vector<16xi32>,
      %bitcast3A_1351 = vector.bitcast %get3A_1350 : vector<16xi32> to vector<32xbf16>
      %unpack3A_1352 = tpu.unpack_subelements %bitcast3A_1351, 0 {pack_format = #tpu.pack_format<interleaved>} : vector<32xbf16> -> vector<16xf32>
      %unpack3A_1353 = tpu.unpack_subelements %bitcast3A_1351, 1 {pack_format = #tpu.pack_format<interleaved>} : vector<32xbf16> -> vector<16xf32>
      %get3A_1354 = arith.constant 11 : i32
      %get3A_1355 = arith.index_cast %get3A_1354 : i32 to index
      %get3A_1356 = arith.constant 96 : index
      %get3A_1357 = tpu.vector_load %arg13[%get3A_1355, %get3A_1356] {strides = array<i32>} : memref<20x128xi32, #tpu.memory_space<vmem>>, vector<16xi32>,
      %bitcast3A_1358 = vector.bitcast %get3A_1357 : vector<16xi32> to vector<32xbf16>
      %unpack3A_1359 = tpu.unpack_subelements %bitcast3A_1358, 0 {pack_format = #tpu.pack_format<interleaved>} : vector<32xbf16> -> vector<16xf32>
      %unpack3A_1360 = tpu.unpack_subelements %bitcast3A_1358, 1 {pack_format = #tpu.pack_format<interleaved>} : vector<32xbf16> -> vector<16xf32>
      %get3A_1361 = arith.constant 12 : i32
      %get3A_1362 = arith.index_cast %get3A_1361 : i32 to index
      %get3A_1363 = arith.constant 96 : index
      %get3A_1364 = tpu.vector_load %arg13[%get3A_1362, %get3A_1363] {strides = array<i32>} : memref<20x128xi32, #tpu.memory_space<vmem>>, vector<16xi32>,
      %bitcast3A_1365 = vector.bitcast %get3A_1364 : vector<16xi32> to vector<32xbf16>
      %unpack3A_1366 = tpu.unpack_subelements %bitcast3A_1365, 0 {pack_format = #tpu.pack_format<interleaved>} : vector<32xbf16> -> vector<16xf32>
      %unpack3A_1367 = tpu.unpack_subelements %bitcast3A_1365, 1 {pack_format = #tpu.pack_format<interleaved>} : vector<32xbf16> -> vector<16xf32>
      %get3A_1368 = arith.constant 13 : i32
      %get3A_1369 = arith.index_cast %get3A_1368 : i32 to index
      %get3A_1370 = arith.constant 96 : index
      %get3A_1371 = tpu.vector_load %arg13[%get3A_1369, %get3A_1370] {strides = array<i32>} : memref<20x128xi32, #tpu.memory_space<vmem>>, vector<16xi32>,
      %bitcast3A_1372 = vector.bitcast %get3A_1371 : vector<16xi32> to vector<32xbf16>
      %unpack3A_1373 = tpu.unpack_subelements %bitcast3A_1372, 0 {pack_format = #tpu.pack_format<interleaved>} : vector<32xbf16> -> vector<16xf32>
      %unpack3A_1374 = tpu.unpack_subelements %bitcast3A_1372, 1 {pack_format = #tpu.pack_format<interleaved>} : vector<32xbf16> -> vector<16xf32>
      %get3A_1375 = arith.constant 14 : i32
      %get3A_1376 = arith.index_cast %get3A_1375 : i32 to index
      %get3A_1377 = arith.constant 96 : index
      %get3A_1378 = tpu.vector_load %arg13[%get3A_1376, %get3A_1377] {strides = array<i32>} : memref<20x128xi32, #tpu.memory_space<vmem>>, vector<16xi32>,
      %bitcast3A_1379 = vector.bitcast %get3A_1378 : vector<16xi32> to vector<32xbf16>
      %unpack3A_1380 = tpu.unpack_subelements %bitcast3A_1379, 0 {pack_format = #tpu.pack_format<interleaved>} : vector<32xbf16> -> vector<16xf32>
      %unpack3A_1381 = tpu.unpack_subelements %bitcast3A_1379, 1 {pack_format = #tpu.pack_format<interleaved>} : vector<32xbf16> -> vector<16xf32>
      %get3A_1382 = arith.constant 15 : i32
      %get3A_1383 = arith.index_cast %get3A_1382 : i32 to index
      %get3A_1384 = arith.constant 96 : index
      %get3A_1385 = tpu.vector_load %arg13[%get3A_1383, %get3A_1384] {strides = array<i32>} : memref<20x128xi32, #tpu.memory_space<vmem>>, vector<16xi32>,
      %bitcast3A_1386 = vector.bitcast %get3A_1385 : vector<16xi32> to vector<32xbf16>
      %unpack3A_1387 = tpu.unpack_subelements %bitcast3A_1386, 0 {pack_format = #tpu.pack_format<interleaved>} : vector<32xbf16> -> vector<16xf32>
      %unpack3A_1388 = tpu.unpack_subelements %bitcast3A_1386, 1 {pack_format = #tpu.pack_format<interleaved>} : vector<32xbf16> -> vector<16xf32>
      %get3A_1389 = arith.constant 16 : i32
      %get3A_1390 = arith.index_cast %get3A_1389 : i32 to index
      %get3A_1391 = arith.constant 96 : index
      %get3A_1392 = tpu.vector_load %arg13[%get3A_1390, %get3A_1391] {strides = array<i32>} : memref<20x128xi32, #tpu.memory_space<vmem>>, vector<16xi32>,
      %bitcast3A_1393 = vector.bitcast %get3A_1392 : vector<16xi32> to vector<32xbf16>
      %unpack3A_1394 = tpu.unpack_subelements %bitcast3A_1393, 0 {pack_format = #tpu.pack_format<interleaved>} : vector<32xbf16> -> vector<16xf32>
      %unpack3A_1395 = tpu.unpack_subelements %bitcast3A_1393, 1 {pack_format = #tpu.pack_format<interleaved>} : vector<32xbf16> -> vector<16xf32>
      %get3A_1396 = arith.constant 17 : i32
      %get3A_1397 = arith.index_cast %get3A_1396 : i32 to index
      %get3A_1398 = arith.constant 96 : index
      %get3A_1399 = tpu.vector_load %arg13[%get3A_1397, %get3A_1398] {strides = array<i32>} : memref<20x128xi32, #tpu.memory_space<vmem>>, vector<16xi32>,
      %bitcast3A_1400 = vector.bitcast %get3A_1399 : vector<16xi32> to vector<32xbf16>
      %unpack3A_1401 = tpu.unpack_subelements %bitcast3A_1400, 0 {pack_format = #tpu.pack_format<interleaved>} : vector<32xbf16> -> vector<16xf32>
      %unpack3A_1402 = tpu.unpack_subelements %bitcast3A_1400, 1 {pack_format = #tpu.pack_format<interleaved>} : vector<32xbf16> -> vector<16xf32>
      %get3A_1403 = arith.constant 18 : i32
      %get3A_1404 = arith.index_cast %get3A_1403 : i32 to index
      %get3A_1405 = arith.constant 96 : index
      %get3A_1406 = tpu.vector_load %arg13[%get3A_1404, %get3A_1405] {strides = array<i32>} : memref<20x128xi32, #tpu.memory_space<vmem>>, vector<16xi32>,
      %bitcast3A_1407 = vector.bitcast %get3A_1406 : vector<16xi32> to vector<32xbf16>
      %unpack3A_1408 = tpu.unpack_subelements %bitcast3A_1407, 0 {pack_format = #tpu.pack_format<interleaved>} : vector<32xbf16> -> vector<16xf32>
      %unpack3A_1409 = tpu.unpack_subelements %bitcast3A_1407, 1 {pack_format = #tpu.pack_format<interleaved>} : vector<32xbf16> -> vector<16xf32>
      %get3A_1410 = arith.constant 19 : i32
      %get3A_1411 = arith.index_cast %get3A_1410 : i32 to index
      %get3A_1412 = arith.constant 96 : index
      %get3A_1413 = tpu.vector_load %arg13[%get3A_1411, %get3A_1412] {strides = array<i32>} : memref<20x128xi32, #tpu.memory_space<vmem>>, vector<16xi32>,
      %bitcast3A_1414 = vector.bitcast %get3A_1413 : vector<16xi32> to vector<32xbf16>
      %unpack3A_1415 = tpu.unpack_subelements %bitcast3A_1414, 0 {pack_format = #tpu.pack_format<interleaved>} : vector<32xbf16> -> vector<16xf32>
      %unpack3A_1416 = tpu.unpack_subelements %bitcast3A_1414, 1 {pack_format = #tpu.pack_format<interleaved>} : vector<32xbf16> -> vector<16xf32>
      %add3A_1417 = arith.addf %unpack3A_1282, %unpack3A_1289 : vector<16xf32>
      %add3A_1418 = arith.addf %unpack3A_1296, %unpack3A_1303 : vector<16xf32>
      %add3A_1419 = arith.addf %unpack3A_1310, %unpack3A_1317 : vector<16xf32>
      %add3A_1420 = arith.addf %unpack3A_1324, %unpack3A_1331 : vector<16xf32>
      %add3A_1421 = arith.addf %unpack3A_1338, %unpack3A_1345 : vector<16xf32>
      %add3A_1422 = arith.addf %unpack3A_1352, %unpack3A_1359 : vector<16xf32>
      %add3A_1423 = arith.addf %unpack3A_1366, %unpack3A_1373 : vector<16xf32>
      %add3A_1424 = arith.addf %unpack3A_1380, %unpack3A_1387 : vector<16xf32>
      %add3A_1425 = arith.addf %unpack3A_1394, %unpack3A_1401 : vector<16xf32>
      %add3A_1426 = arith.addf %unpack3A_1408, %unpack3A_1415 : vector<16xf32>
      %add3A_1427 = arith.addf %add3A_1417, %add3A_1418 : vector<16xf32>
      %add3A_1428 = arith.addf %add3A_1419, %add3A_1420 : vector<16xf32>
      %add3A_1429 = arith.addf %add3A_1421, %add3A_1422 : vector<16xf32>
      %add3A_1430 = arith.addf %add3A_1423, %add3A_1424 : vector<16xf32>
      %add3A_1431 = arith.addf %add3A_1425, %add3A_1426 : vector<16xf32>
      %add3A_1432 = arith.addf %add3A_1427, %add3A_1428 : vector<16xf32>
      %add3A_1433 = arith.addf %add3A_1429, %add3A_1430 : vector<16xf32>
      %add3A_1434 = arith.addf %add3A_1432, %add3A_1433 : vector<16xf32>
      %add3A_1435 = arith.addf %add3A_1434, %add3A_1431 : vector<16xf32>
      %add3A_1436 = arith.addf %unpack3A_1283, %unpack3A_1290 : vector<16xf32>
      %add3A_1437 = arith.addf %unpack3A_1297, %unpack3A_1304 : vector<16xf32>
      %add3A_1438 = arith.addf %unpack3A_1311, %unpack3A_1318 : vector<16xf32>
      %add3A_1439 = arith.addf %unpack3A_1325, %unpack3A_1332 : vector<16xf32>
      %add3A_1440 = arith.addf %unpack3A_1339, %unpack3A_1346 : vector<16xf32>
      %add3A_1441 = arith.addf %unpack3A_1353, %unpack3A_1360 : vector<16xf32>
      %add3A_1442 = arith.addf %unpack3A_1367, %unpack3A_1374 : vector<16xf32>
      %add3A_1443 = arith.addf %unpack3A_1381, %unpack3A_1388 : vector<16xf32>
      %add3A_1444 = arith.addf %unpack3A_1395, %unpack3A_1402 : vector<16xf32>
      %add3A_1445 = arith.addf %unpack3A_1409, %unpack3A_1416 : vector<16xf32>
      %add3A_1446 = arith.addf %add3A_1436, %add3A_1437 : vector<16xf32>
      %add3A_1447 = arith.addf %add3A_1438, %add3A_1439 : vector<16xf32>
      %add3A_1448 = arith.addf %add3A_1440, %add3A_1441 : vector<16xf32>
      %add3A_1449 = arith.addf %add3A_1442, %add3A_1443 : vector<16xf32>
      %add3A_1450 = arith.addf %add3A_1444, %add3A_1445 : vector<16xf32>
      %add3A_1451 = arith.addf %add3A_1446, %add3A_1447 : vector<16xf32>
      %add3A_1452 = arith.addf %add3A_1448, %add3A_1449 : vector<16xf32>
      %add3A_1453 = arith.addf %add3A_1451, %add3A_1452 : vector<16xf32>
      %add3A_1454 = arith.addf %add3A_1453, %add3A_1450 : vector<16xf32>
      %div3A_1455 = arith.constant 2.000000e+01 : f32
      %div3A_1456 = vector.broadcast %div3A_1455 : f32 to vector<16xf32>
      %div3A_1457 = arith.divf %add3A_1435, %div3A_1456 : vector<16xf32>
      %div3A_1458 = arith.constant 2.000000e+01 : f32
      %div3A_1459 = vector.broadcast %div3A_1458 : f32 to vector<16xf32>
      %div3A_1460 = arith.divf %add3A_1454, %div3A_1459 : vector<16xf32>
      %pack3A_1461 = tpu.pack_subelements %div3A_1457, %div3A_1460 {pack_format = #tpu.pack_format<interleaved>, positions = array<i32: 0, 1>} : vector<16xf32>, vector<16xf32> -> vector<32xbf16>
      %get3A_1462 = arith.constant 0 : i32
      %get3A_1463 = arith.index_cast %get3A_1462 : i32 to index
      %get3A_1464 = arith.constant 112 : index
      %get3A_1465 = tpu.vector_load %arg13[%get3A_1463, %get3A_1464] {strides = array<i32>} : memref<20x128xi32, #tpu.memory_space<vmem>>, vector<16xi32>,
      %bitcast3A_1466 = vector.bitcast %get3A_1465 : vector<16xi32> to vector<32xbf16>
      %unpack3A_1467 = tpu.unpack_subelements %bitcast3A_1466, 0 {pack_format = #tpu.pack_format<interleaved>} : vector<32xbf16> -> vector<16xf32>
      %unpack3A_1468 = tpu.unpack_subelements %bitcast3A_1466, 1 {pack_format = #tpu.pack_format<interleaved>} : vector<32xbf16> -> vector<16xf32>
      %get3A_1469 = arith.constant 1 : i32
      %get3A_1470 = arith.index_cast %get3A_1469 : i32 to index
      %get3A_1471 = arith.constant 112 : index
      %get3A_1472 = tpu.vector_load %arg13[%get3A_1470, %get3A_1471] {strides = array<i32>} : memref<20x128xi32, #tpu.memory_space<vmem>>, vector<16xi32>,
      %bitcast3A_1473 = vector.bitcast %get3A_1472 : vector<16xi32> to vector<32xbf16>
      %unpack3A_1474 = tpu.unpack_subelements %bitcast3A_1473, 0 {pack_format = #tpu.pack_format<interleaved>} : vector<32xbf16> -> vector<16xf32>
      %unpack3A_1475 = tpu.unpack_subelements %bitcast3A_1473, 1 {pack_format = #tpu.pack_format<interleaved>} : vector<32xbf16> -> vector<16xf32>
      %get3A_1476 = arith.constant 2 : i32
      %get3A_1477 = arith.index_cast %get3A_1476 : i32 to index
      %get3A_1478 = arith.constant 112 : index
      %get3A_1479 = tpu.vector_load %arg13[%get3A_1477, %get3A_1478] {strides = array<i32>} : memref<20x128xi32, #tpu.memory_space<vmem>>, vector<16xi32>,
      %bitcast3A_1480 = vector.bitcast %get3A_1479 : vector<16xi32> to vector<32xbf16>
      %unpack3A_1481 = tpu.unpack_subelements %bitcast3A_1480, 0 {pack_format = #tpu.pack_format<interleaved>} : vector<32xbf16> -> vector<16xf32>
      %unpack3A_1482 = tpu.unpack_subelements %bitcast3A_1480, 1 {pack_format = #tpu.pack_format<interleaved>} : vector<32xbf16> -> vector<16xf32>
      %get3A_1483 = arith.constant 3 : i32
      %get3A_1484 = arith.index_cast %get3A_1483 : i32 to index
      %get3A_1485 = arith.constant 112 : index
      %get3A_1486 = tpu.vector_load %arg13[%get3A_1484, %get3A_1485] {strides = array<i32>} : memref<20x128xi32, #tpu.memory_space<vmem>>, vector<16xi32>,
      %bitcast3A_1487 = vector.bitcast %get3A_1486 : vector<16xi32> to vector<32xbf16>
      %unpack3A_1488 = tpu.unpack_subelements %bitcast3A_1487, 0 {pack_format = #tpu.pack_format<interleaved>} : vector<32xbf16> -> vector<16xf32>
      %unpack3A_1489 = tpu.unpack_subelements %bitcast3A_1487, 1 {pack_format = #tpu.pack_format<interleaved>} : vector<32xbf16> -> vector<16xf32>
      %get3A_1490 = arith.constant 4 : i32
      %get3A_1491 = arith.index_cast %get3A_1490 : i32 to index
      %get3A_1492 = arith.constant 112 : index
      %get3A_1493 = tpu.vector_load %arg13[%get3A_1491, %get3A_1492] {strides = array<i32>} : memref<20x128xi32, #tpu.memory_space<vmem>>, vector<16xi32>,
      %bitcast3A_1494 = vector.bitcast %get3A_1493 : vector<16xi32> to vector<32xbf16>
      %unpack3A_1495 = tpu.unpack_subelements %bitcast3A_1494, 0 {pack_format = #tpu.pack_format<interleaved>} : vector<32xbf16> -> vector<16xf32>
      %unpack3A_1496 = tpu.unpack_subelements %bitcast3A_1494, 1 {pack_format = #tpu.pack_format<interleaved>} : vector<32xbf16> -> vector<16xf32>
      %get3A_1497 = arith.constant 5 : i32
      %get3A_1498 = arith.index_cast %get3A_1497 : i32 to index
      %get3A_1499 = arith.constant 112 : index
      %get3A_1500 = tpu.vector_load %arg13[%get3A_1498, %get3A_1499] {strides = array<i32>} : memref<20x128xi32, #tpu.memory_space<vmem>>, vector<16xi32>,
      %bitcast3A_1501 = vector.bitcast %get3A_1500 : vector<16xi32> to vector<32xbf16>
      %unpack3A_1502 = tpu.unpack_subelements %bitcast3A_1501, 0 {pack_format = #tpu.pack_format<interleaved>} : vector<32xbf16> -> vector<16xf32>
      %unpack3A_1503 = tpu.unpack_subelements %bitcast3A_1501, 1 {pack_format = #tpu.pack_format<interleaved>} : vector<32xbf16> -> vector<16xf32>
      %get3A_1504 = arith.constant 6 : i32
      %get3A_1505 = arith.index_cast %get3A_1504 : i32 to index
      %get3A_1506 = arith.constant 112 : index
      %get3A_1507 = tpu.vector_load %arg13[%get3A_1505, %get3A_1506] {strides = array<i32>} : memref<20x128xi32, #tpu.memory_space<vmem>>, vector<16xi32>,
      %bitcast3A_1508 = vector.bitcast %get3A_1507 : vector<16xi32> to vector<32xbf16>
      %unpack3A_1509 = tpu.unpack_subelements %bitcast3A_1508, 0 {pack_format = #tpu.pack_format<interleaved>} : vector<32xbf16> -> vector<16xf32>
      %unpack3A_1510 = tpu.unpack_subelements %bitcast3A_1508, 1 {pack_format = #tpu.pack_format<interleaved>} : vector<32xbf16> -> vector<16xf32>
      %get3A_1511 = arith.constant 7 : i32
      %get3A_1512 = arith.index_cast %get3A_1511 : i32 to index
      %get3A_1513 = arith.constant 112 : index
      %get3A_1514 = tpu.vector_load %arg13[%get3A_1512, %get3A_1513] {strides = array<i32>} : memref<20x128xi32, #tpu.memory_space<vmem>>, vector<16xi32>,
      %bitcast3A_1515 = vector.bitcast %get3A_1514 : vector<16xi32> to vector<32xbf16>
      %unpack3A_1516 = tpu.unpack_subelements %bitcast3A_1515, 0 {pack_format = #tpu.pack_format<interleaved>} : vector<32xbf16> -> vector<16xf32>
      %unpack3A_1517 = tpu.unpack_subelements %bitcast3A_1515, 1 {pack_format = #tpu.pack_format<interleaved>} : vector<32xbf16> -> vector<16xf32>
      %get3A_1518 = arith.constant 8 : i32
      %get3A_1519 = arith.index_cast %get3A_1518 : i32 to index
      %get3A_1520 = arith.constant 112 : index
      %get3A_1521 = tpu.vector_load %arg13[%get3A_1519, %get3A_1520] {strides = array<i32>} : memref<20x128xi32, #tpu.memory_space<vmem>>, vector<16xi32>,
      %bitcast3A_1522 = vector.bitcast %get3A_1521 : vector<16xi32> to vector<32xbf16>
      %unpack3A_1523 = tpu.unpack_subelements %bitcast3A_1522, 0 {pack_format = #tpu.pack_format<interleaved>} : vector<32xbf16> -> vector<16xf32>
      %unpack3A_1524 = tpu.unpack_subelements %bitcast3A_1522, 1 {pack_format = #tpu.pack_format<interleaved>} : vector<32xbf16> -> vector<16xf32>
      %get3A_1525 = arith.constant 9 : i32
      %get3A_1526 = arith.index_cast %get3A_1525 : i32 to index
      %get3A_1527 = arith.constant 112 : index
      %get3A_1528 = tpu.vector_load %arg13[%get3A_1526, %get3A_1527] {strides = array<i32>} : memref<20x128xi32, #tpu.memory_space<vmem>>, vector<16xi32>,
      %bitcast3A_1529 = vector.bitcast %get3A_1528 : vector<16xi32> to vector<32xbf16>
      %unpack3A_1530 = tpu.unpack_subelements %bitcast3A_1529, 0 {pack_format = #tpu.pack_format<interleaved>} : vector<32xbf16> -> vector<16xf32>
      %unpack3A_1531 = tpu.unpack_subelements %bitcast3A_1529, 1 {pack_format = #tpu.pack_format<interleaved>} : vector<32xbf16> -> vector<16xf32>
      %get3A_1532 = arith.constant 10 : i32
      %get3A_1533 = arith.index_cast %get3A_1532 : i32 to index
      %get3A_1534 = arith.constant 112 : index
      %get3A_1535 = tpu.vector_load %arg13[%get3A_1533, %get3A_1534] {strides = array<i32>} : memref<20x128xi32, #tpu.memory_space<vmem>>, vector<16xi32>,
      %bitcast3A_1536 = vector.bitcast %get3A_1535 : vector<16xi32> to vector<32xbf16>
      %unpack3A_1537 = tpu.unpack_subelements %bitcast3A_1536, 0 {pack_format = #tpu.pack_format<interleaved>} : vector<32xbf16> -> vector<16xf32>
      %unpack3A_1538 = tpu.unpack_subelements %bitcast3A_1536, 1 {pack_format = #tpu.pack_format<interleaved>} : vector<32xbf16> -> vector<16xf32>
      %get3A_1539 = arith.constant 11 : i32
      %get3A_1540 = arith.index_cast %get3A_1539 : i32 to index
      %get3A_1541 = arith.constant 112 : index
      %get3A_1542 = tpu.vector_load %arg13[%get3A_1540, %get3A_1541] {strides = array<i32>} : memref<20x128xi32, #tpu.memory_space<vmem>>, vector<16xi32>,
      %bitcast3A_1543 = vector.bitcast %get3A_1542 : vector<16xi32> to vector<32xbf16>
      %unpack3A_1544 = tpu.unpack_subelements %bitcast3A_1543, 0 {pack_format = #tpu.pack_format<interleaved>} : vector<32xbf16> -> vector<16xf32>
      %unpack3A_1545 = tpu.unpack_subelements %bitcast3A_1543, 1 {pack_format = #tpu.pack_format<interleaved>} : vector<32xbf16> -> vector<16xf32>
      %get3A_1546 = arith.constant 12 : i32
      %get3A_1547 = arith.index_cast %get3A_1546 : i32 to index
      %get3A_1548 = arith.constant 112 : index
      %get3A_1549 = tpu.vector_load %arg13[%get3A_1547, %get3A_1548] {strides = array<i32>} : memref<20x128xi32, #tpu.memory_space<vmem>>, vector<16xi32>,
      %bitcast3A_1550 = vector.bitcast %get3A_1549 : vector<16xi32> to vector<32xbf16>
      %unpack3A_1551 = tpu.unpack_subelements %bitcast3A_1550, 0 {pack_format = #tpu.pack_format<interleaved>} : vector<32xbf16> -> vector<16xf32>
      %unpack3A_1552 = tpu.unpack_subelements %bitcast3A_1550, 1 {pack_format = #tpu.pack_format<interleaved>} : vector<32xbf16> -> vector<16xf32>
      %get3A_1553 = arith.constant 13 : i32
      %get3A_1554 = arith.index_cast %get3A_1553 : i32 to index
      %get3A_1555 = arith.constant 112 : index
      %get3A_1556 = tpu.vector_load %arg13[%get3A_1554, %get3A_1555] {strides = array<i32>} : memref<20x128xi32, #tpu.memory_space<vmem>>, vector<16xi32>,
      %bitcast3A_1557 = vector.bitcast %get3A_1556 : vector<16xi32> to vector<32xbf16>
      %unpack3A_1558 = tpu.unpack_subelements %bitcast3A_1557, 0 {pack_format = #tpu.pack_format<interleaved>} : vector<32xbf16> -> vector<16xf32>
      %unpack3A_1559 = tpu.unpack_subelements %bitcast3A_1557, 1 {pack_format = #tpu.pack_format<interleaved>} : vector<32xbf16> -> vector<16xf32>
      %get3A_1560 = arith.constant 14 : i32
      %get3A_1561 = arith.index_cast %get3A_1560 : i32 to index
      %get3A_1562 = arith.constant 112 : index
      %get3A_1563 = tpu.vector_load %arg13[%get3A_1561, %get3A_1562] {strides = array<i32>} : memref<20x128xi32, #tpu.memory_space<vmem>>, vector<16xi32>,
      %bitcast3A_1564 = vector.bitcast %get3A_1563 : vector<16xi32> to vector<32xbf16>
      %unpack3A_1565 = tpu.unpack_subelements %bitcast3A_1564, 0 {pack_format = #tpu.pack_format<interleaved>} : vector<32xbf16> -> vector<16xf32>
      %unpack3A_1566 = tpu.unpack_subelements %bitcast3A_1564, 1 {pack_format = #tpu.pack_format<interleaved>} : vector<32xbf16> -> vector<16xf32>
      %get3A_1567 = arith.constant 15 : i32
      %get3A_1568 = arith.index_cast %get3A_1567 : i32 to index
      %get3A_1569 = arith.constant 112 : index
      %get3A_1570 = tpu.vector_load %arg13[%get3A_1568, %get3A_1569] {strides = array<i32>} : memref<20x128xi32, #tpu.memory_space<vmem>>, vector<16xi32>,
      %bitcast3A_1571 = vector.bitcast %get3A_1570 : vector<16xi32> to vector<32xbf16>
      %unpack3A_1572 = tpu.unpack_subelements %bitcast3A_1571, 0 {pack_format = #tpu.pack_format<interleaved>} : vector<32xbf16> -> vector<16xf32>
      %unpack3A_1573 = tpu.unpack_subelements %bitcast3A_1571, 1 {pack_format = #tpu.pack_format<interleaved>} : vector<32xbf16> -> vector<16xf32>
      %get3A_1574 = arith.constant 16 : i32
      %get3A_1575 = arith.index_cast %get3A_1574 : i32 to index
      %get3A_1576 = arith.constant 112 : index
      %get3A_1577 = tpu.vector_load %arg13[%get3A_1575, %get3A_1576] {strides = array<i32>} : memref<20x128xi32, #tpu.memory_space<vmem>>, vector<16xi32>,
      %bitcast3A_1578 = vector.bitcast %get3A_1577 : vector<16xi32> to vector<32xbf16>
      %unpack3A_1579 = tpu.unpack_subelements %bitcast3A_1578, 0 {pack_format = #tpu.pack_format<interleaved>} : vector<32xbf16> -> vector<16xf32>
      %unpack3A_1580 = tpu.unpack_subelements %bitcast3A_1578, 1 {pack_format = #tpu.pack_format<interleaved>} : vector<32xbf16> -> vector<16xf32>
      %get3A_1581 = arith.constant 17 : i32
      %get3A_1582 = arith.index_cast %get3A_1581 : i32 to index
      %get3A_1583 = arith.constant 112 : index
      %get3A_1584 = tpu.vector_load %arg13[%get3A_1582, %get3A_1583] {strides = array<i32>} : memref<20x128xi32, #tpu.memory_space<vmem>>, vector<16xi32>,
      %bitcast3A_1585 = vector.bitcast %get3A_1584 : vector<16xi32> to vector<32xbf16>
      %unpack3A_1586 = tpu.unpack_subelements %bitcast3A_1585, 0 {pack_format = #tpu.pack_format<interleaved>} : vector<32xbf16> -> vector<16xf32>
      %unpack3A_1587 = tpu.unpack_subelements %bitcast3A_1585, 1 {pack_format = #tpu.pack_format<interleaved>} : vector<32xbf16> -> vector<16xf32>
      %get3A_1588 = arith.constant 18 : i32
      %get3A_1589 = arith.index_cast %get3A_1588 : i32 to index
      %get3A_1590 = arith.constant 112 : index
      %get3A_1591 = tpu.vector_load %arg13[%get3A_1589, %get3A_1590] {strides = array<i32>} : memref<20x128xi32, #tpu.memory_space<vmem>>, vector<16xi32>,
      %bitcast3A_1592 = vector.bitcast %get3A_1591 : vector<16xi32> to vector<32xbf16>
      %unpack3A_1593 = tpu.unpack_subelements %bitcast3A_1592, 0 {pack_format = #tpu.pack_format<interleaved>} : vector<32xbf16> -> vector<16xf32>
      %unpack3A_1594 = tpu.unpack_subelements %bitcast3A_1592, 1 {pack_format = #tpu.pack_format<interleaved>} : vector<32xbf16> -> vector<16xf32>
      %get3A_1595 = arith.constant 19 : i32
      %get3A_1596 = arith.index_cast %get3A_1595 : i32 to index
      %get3A_1597 = arith.constant 112 : index
      %get3A_1598 = tpu.vector_load %arg13[%get3A_1596, %get3A_1597] {strides = array<i32>} : memref<20x128xi32, #tpu.memory_space<vmem>>, vector<16xi32>,
      %bitcast3A_1599 = vector.bitcast %get3A_1598 : vector<16xi32> to vector<32xbf16>
      %unpack3A_1600 = tpu.unpack_subelements %bitcast3A_1599, 0 {pack_format = #tpu.pack_format<interleaved>} : vector<32xbf16> -> vector<16xf32>
      %unpack3A_1601 = tpu.unpack_subelements %bitcast3A_1599, 1 {pack_format = #tpu.pack_format<interleaved>} : vector<32xbf16> -> vector<16xf32>
      %add3A_1602 = arith.addf %unpack3A_1467, %unpack3A_1474 : vector<16xf32>
      %add3A_1603 = arith.addf %unpack3A_1481, %unpack3A_1488 : vector<16xf32>
      %add3A_1604 = arith.addf %unpack3A_1495, %unpack3A_1502 : vector<16xf32>
      %add3A_1605 = arith.addf %unpack3A_1509, %unpack3A_1516 : vector<16xf32>
      %add3A_1606 = arith.addf %unpack3A_1523, %unpack3A_1530 : vector<16xf32>
      %add3A_1607 = arith.addf %unpack3A_1537, %unpack3A_1544 : vector<16xf32>
      %add3A_1608 = arith.addf %unpack3A_1551, %unpack3A_1558 : vector<16xf32>
      %add3A_1609 = arith.addf %unpack3A_1565, %unpack3A_1572 : vector<16xf32>
      %add3A_1610 = arith.addf %unpack3A_1579, %unpack3A_1586 : vector<16xf32>
      %add3A_1611 = arith.addf %unpack3A_1593, %unpack3A_1600 : vector<16xf32>
      %add3A_1612 = arith.addf %add3A_1602, %add3A_1603 : vector<16xf32>
      %add3A_1613 = arith.addf %add3A_1604, %add3A_1605 : vector<16xf32>
      %add3A_1614 = arith.addf %add3A_1606, %add3A_1607 : vector<16xf32>
      %add3A_1615 = arith.addf %add3A_1608, %add3A_1609 : vector<16xf32>
      %add3A_1616 = arith.addf %add3A_1610, %add3A_1611 : vector<16xf32>
      %add3A_1617 = arith.addf %add3A_1612, %add3A_1613 : vector<16xf32>
      %add3A_1618 = arith.addf %add3A_1614, %add3A_1615 : vector<16xf32>
      %add3A_1619 = arith.addf %add3A_1617, %add3A_1618 : vector<16xf32>
      %add3A_1620 = arith.addf %add3A_1619, %add3A_1616 : vector<16xf32>
      %add3A_1621 = arith.addf %unpack3A_1468, %unpack3A_1475 : vector<16xf32>
      %add3A_1622 = arith.addf %unpack3A_1482, %unpack3A_1489 : vector<16xf32>
      %add3A_1623 = arith.addf %unpack3A_1496, %unpack3A_1503 : vector<16xf32>
      %add3A_1624 = arith.addf %unpack3A_1510, %unpack3A_1517 : vector<16xf32>
      %add3A_1625 = arith.addf %unpack3A_1524, %unpack3A_1531 : vector<16xf32>
      %add3A_1626 = arith.addf %unpack3A_1538, %unpack3A_1545 : vector<16xf32>
      %add3A_1627 = arith.addf %unpack3A_1552, %unpack3A_1559 : vector<16xf32>
      %add3A_1628 = arith.addf %unpack3A_1566, %unpack3A_1573 : vector<16xf32>
      %add3A_1629 = arith.addf %unpack3A_1580, %unpack3A_1587 : vector<16xf32>
      %add3A_1630 = arith.addf %unpack3A_1594, %unpack3A_1601 : vector<16xf32>
      %add3A_1631 = arith.addf %add3A_1621, %add3A_1622 : vector<16xf32>
      %add3A_1632 = arith.addf %add3A_1623, %add3A_1624 : vector<16xf32>
      %add3A_1633 = arith.addf %add3A_1625, %add3A_1626 : vector<16xf32>
      %add3A_1634 = arith.addf %add3A_1627, %add3A_1628 : vector<16xf32>
      %add3A_1635 = arith.addf %add3A_1629, %add3A_1630 : vector<16xf32>
      %add3A_1636 = arith.addf %add3A_1631, %add3A_1632 : vector<16xf32>
      %add3A_1637 = arith.addf %add3A_1633, %add3A_1634 : vector<16xf32>
      %add3A_1638 = arith.addf %add3A_1636, %add3A_1637 : vector<16xf32>
      %add3A_1639 = arith.addf %add3A_1638, %add3A_1635 : vector<16xf32>
      %div3A_1640 = arith.constant 2.000000e+01 : f32
      %div3A_1641 = vector.broadcast %div3A_1640 : f32 to vector<16xf32>
      %div3A_1642 = arith.divf %add3A_1620, %div3A_1641 : vector<16xf32>
      %div3A_1643 = arith.constant 2.000000e+01 : f32
      %div3A_1644 = vector.broadcast %div3A_1643 : f32 to vector<16xf32>
      %div3A_1645 = arith.divf %add3A_1639, %div3A_1644 : vector<16xf32>
      %pack3A_1646 = tpu.pack_subelements %div3A_1642, %div3A_1645 {pack_format = #tpu.pack_format<interleaved>, positions = array<i32: 0, 1>} : vector<16xf32>, vector<16xf32> -> vector<32xbf16>
      %add3A_1647 = arith.constant 2 : i32
      %add3A_1648 = arith.addi %add3A_899, %add3A_1647 : i32
      %min3A_1649 = arith.constant 127 : i32
      %min3A_1650 = arith.minsi %add3A_1648, %min3A_1649 : i32
      %dma_start3A_1651 = arith.constant 0 : i32
      %dma_start3A_1652 = tpu.memref_slice %arg8[%min3A_1650, %dma_start3A_1651] : memref<128x20xi32, #tpu.memory_space<vmem>> -> memref<1x20xi32, #tpu.memory_space<vmem>>
      %dma_start3A_1653 = tpu.memref_squeeze %dma_start3A_1652 : memref<1x20xi32, #tpu.memory_space<vmem>> -> memref<20xi32, #tpu.memory_space<vmem>>
      %dma_start3A_1654 = arith.constant 0 : i32
      %dma_start3A_1655 = arith.constant 0 : i32
      %dma_start3A_1656 = tpu.memref_slice %arg5[%dma_start3A_1654, %dma_start3A_1655] : memref<100001x128xi32, #tpu.memory_space<hbm>> -> memref<100001x128xi32, #tpu.memory_space<hbm>>
      tpu.enqueue_indirect_dma source(%dma_start3A_1656 : memref<100001x128xi32, #tpu.memory_space<hbm>>) target(%arg13 : memref<20x128xi32, #tpu.memory_space<vmem>>) offsets(%dma_start3A_1653 : memref<20xi32, #tpu.memory_space<vmem>>) semaphore(%arg22 : memref<!tpu.dma_semaphore, #tpu.memory_space<semaphore_mem>>)
      %get3A_1657 = arith.index_cast %add3A_899 : i32 to index
      %get3A_1658 = arith.constant 0 : index
      %get3A_1659 = tpu.vector_load %arg11[%get3A_1657, %get3A_1658] {strides = array<i32>} : memref<128x128xi32, #tpu.memory_space<vmem>>, vector<16xi32>,
      %bitcast3A_1660 = vector.bitcast %get3A_1659 : vector<16xi32> to vector<32xbf16>
      %mul3A_1661 = arith.mulf %bitcast3A_1660, %pack3A_1091 : vector<32xbf16>
      %get3A_1662 = arith.index_cast %add3A_899 : i32 to index
      %get3A_1663 = arith.constant 16 : index
      %get3A_1664 = tpu.vector_load %arg11[%get3A_1662, %get3A_1663] {strides = array<i32>} : memref<128x128xi32, #tpu.memory_space<vmem>>, vector<16xi32>,
      %bitcast3A_1665 = vector.bitcast %get3A_1664 : vector<16xi32> to vector<32xbf16>
      %mul3A_1666 = arith.mulf %bitcast3A_1665, %pack3A_1276 : vector<32xbf16>
      %get3A_1667 = arith.index_cast %add3A_899 : i32 to index
      %get3A_1668 = arith.constant 32 : index
      %get3A_1669 = tpu.vector_load %arg11[%get3A_1667, %get3A_1668] {strides = array<i32>} : memref<128x128xi32, #tpu.memory_space<vmem>>, vector<16xi32>,
      %bitcast3A_1670 = vector.bitcast %get3A_1669 : vector<16xi32> to vector<32xbf16>
      %mul3A_1671 = arith.mulf %bitcast3A_1670, %pack3A_1461 : vector<32xbf16>
      %get3A_1672 = arith.index_cast %add3A_899 : i32 to index
      %get3A_1673 = arith.constant 48 : index
      %get3A_1674 = tpu.vector_load %arg11[%get3A_1672, %get3A_1673] {strides = array<i32>} : memref<128x128xi32, #tpu.memory_space<vmem>>, vector<16xi32>,
      %bitcast3A_1675 = vector.bitcast %get3A_1674 : vector<16xi32> to vector<32xbf16>
      %mul3A_1676 = arith.mulf %bitcast3A_1675, %pack3A_1646 : vector<32xbf16>
      %add3A_1677 = arith.addf %mul3A_1661, %mul3A_1666 : vector<32xbf16>
      %add3A_1678 = arith.addf %mul3A_1671, %mul3A_1676 : vector<32xbf16>
      %add3A_1679 = arith.addf %add3A_1677, %add3A_1678 : vector<32xbf16>
      %unpack3A_1680 = tpu.unpack_subelements %add3A_1679, 0 {pack_format = #tpu.pack_format<interleaved>} : vector<32xbf16> -> vector<16xf32>
      %unpack3A_1681 = tpu.unpack_subelements %add3A_1679, 1 {pack_format = #tpu.pack_format<interleaved>} : vector<32xbf16> -> vector<16xf32>
      %add3A_1682 = arith.addf %unpack3A_1680, %unpack3A_1681 : vector<16xf32>
      %swap3A_1683 = arith.index_cast %add3A_899 : i32 to index
      %swap3A_1684 = arith.constant 0 : index
      %swap3A_1685 = tpu.vector_load %arg16[%swap3A_1683, %swap3A_1684] {strides = array<i32>} : memref<128x16xf32, #tpu.memory_space<vmem>>, vector<16xf32>,
      tpu.vector_store %arg16[%swap3A_1683, %swap3A_1684], %add3A_1682 {strides = array<i32>} : memref<128x16xf32, #tpu.memory_space<vmem>>, vector<16xf32>,
      %dma_wait3A_1686 = arith.constant 0 : i32
      %dma_wait3A_1687 = arith.constant 0 : i32
      %dma_wait3A_1688 = tpu.memref_slice %arg10[%dma_wait3A_1686, %dma_wait3A_1687] : memref<128x128xi32, #tpu.memory_space<vmem>> -> memref<1x128xi32, #tpu.memory_space<vmem>>
      %dma_wait3A_1689 = tpu.memref_squeeze %dma_wait3A_1688 : memref<1x128xi32, #tpu.memory_space<vmem>> -> memref<128xi32, #tpu.memory_space<vmem>>
      %dma_wait3A_1690 = arith.constant 0 : i32
      %dma_wait3A_1691 = arith.constant 0 : i32
      %dma_wait3A_1692 = tpu.memref_slice %arg5[%dma_wait3A_1690, %dma_wait3A_1691] : memref<100001x128xi32, #tpu.memory_space<hbm>> -> memref<100001x128xi32, #tpu.memory_space<hbm>>
      tpu.wait_indirect_dma semaphore(%arg24 : memref<!tpu.dma_semaphore, #tpu.memory_space<semaphore_mem>>) src(%dma_wait3A_1692 : memref<100001x128xi32, #tpu.memory_space<hbm>>) dst(%arg15 : memref<128x128xi32, #tpu.memory_space<vmem>>)
      %ge3A_1693 = arith.constant 2 : i32
      %ge3A_1694 = arith.cmpi sge, %add3A_899, %ge3A_1693 : i32
      %convert_element_type3A_1695 = arith.extui %ge3A_1694 : i1 to i32
      %cond3A_1696 = arith.constant 0 : i32
      %cond3A_1697 = arith.cmpi ne, %convert_element_type3A_1695, %cond3A_1696 : i32
      scf.if %cond3A_1697 {
        %dma_wait3A_1718 = arith.constant 0 : i32
        %dma_wait3A_1719 = tpu.memref_slice %arg7[%mul3A_2, %dma_wait3A_1718] : memref<4096x128xf32, #tpu.memory_space<hbm>> -> memref<1x128xf32, #tpu.memory_space<hbm>>
        %dma_wait3A_1720 = tpu.memref_squeeze %dma_wait3A_1719 : memref<1x128xf32, #tpu.memory_space<hbm>> -> memref<128xf32, #tpu.memory_space<hbm>>
        %dma_wait3A_1721 = arith.constant 0 : i32
        %dma_wait3A_1722 = tpu.memref_slice %arg7[%mul3A_2, %dma_wait3A_1721] : memref<4096x128xf32, #tpu.memory_space<hbm>> -> memref<1x128xf32, #tpu.memory_space<hbm>>
        %dma_wait3A_1723 = tpu.memref_squeeze %dma_wait3A_1722 : memref<1x128xf32, #tpu.memory_space<hbm>> -> memref<128xf32, #tpu.memory_space<hbm>>
        tpu.wait_dma2 semaphore(%arg26 : memref<!tpu.dma_semaphore, #tpu.memory_space<semaphore_mem>>) src(%arg18 : memref<128xf32, #tpu.memory_space<vmem>>) dst(%dma_wait3A_1723 : memref<128xf32, #tpu.memory_space<hbm>>)
      } else {
      }
      %parallel_loop3A_1698 = arith.constant 0 : i32
      %parallel_loop3A_1699 = arith.constant 8 : i32
      %parallel_loop3A_1700 = arith.constant 1 : i32
      scf.for %parallel_loop3A_1718 = %parallel_loop3A_1698 to %parallel_loop3A_1699 step %parallel_loop3A_1700  : i32 {
        %parallel_loop3A_1719 = arith.constant 16 : i32
        %parallel_loop3A_1720 = arith.muli %parallel_loop3A_1718, %parallel_loop3A_1719 : i32
        %parallel_loop3A_1721 = arith.constant 0 : i32
        %parallel_loop3A_1722 = arith.addi %parallel_loop3A_1720, %parallel_loop3A_1721 : i32
        %parallel_loop3A_1723 = arith.index_cast %parallel_loop3A_1722 : i32 to index
        %parallel_loop3A_1724 = arith.constant 0 : index
        %parallel_loop3A_1725 = tpu.vector_load %arg15[%parallel_loop3A_1723, %parallel_loop3A_1724] {strides = array<i32>} : memref<128x128xi32, #tpu.memory_space<vmem>>, vector<16xi32>,
        %parallel_loop3A_1726 = vector.bitcast %parallel_loop3A_1725 : vector<16xi32> to vector<32xbf16>
        %parallel_loop3A_1727 = arith.mulf %parallel_loop3A_1726, %pack3A_1091 : vector<32xbf16>
        %parallel_loop3A_1728 = arith.index_cast %parallel_loop3A_1722 : i32 to index
        %parallel_loop3A_1729 = arith.constant 16 : index
        %parallel_loop3A_1730 = tpu.vector_load %arg15[%parallel_loop3A_1728, %parallel_loop3A_1729] {strides = array<i32>} : memref<128x128xi32, #tpu.memory_space<vmem>>, vector<16xi32>,
        %parallel_loop3A_1731 = vector.bitcast %parallel_loop3A_1730 : vector<16xi32> to vector<32xbf16>
        %parallel_loop3A_1732 = arith.mulf %parallel_loop3A_1731, %pack3A_1276 : vector<32xbf16>
        %parallel_loop3A_1733 = arith.index_cast %parallel_loop3A_1722 : i32 to index
        %parallel_loop3A_1734 = arith.constant 32 : index
        %parallel_loop3A_1735 = tpu.vector_load %arg15[%parallel_loop3A_1733, %parallel_loop3A_1734] {strides = array<i32>} : memref<128x128xi32, #tpu.memory_space<vmem>>, vector<16xi32>,
        %parallel_loop3A_1736 = vector.bitcast %parallel_loop3A_1735 : vector<16xi32> to vector<32xbf16>
        %parallel_loop3A_1737 = arith.mulf %parallel_loop3A_1736, %pack3A_1461 : vector<32xbf16>
        %parallel_loop3A_1738 = arith.index_cast %parallel_loop3A_1722 : i32 to index
        %parallel_loop3A_1739 = arith.constant 48 : index
        %parallel_loop3A_1740 = tpu.vector_load %arg15[%parallel_loop3A_1738, %parallel_loop3A_1739] {strides = array<i32>} : memref<128x128xi32, #tpu.memory_space<vmem>>, vector<16xi32>,
        %parallel_loop3A_1741 = vector.bitcast %parallel_loop3A_1740 : vector<16xi32> to vector<32xbf16>
        %parallel_loop3A_1742 = arith.mulf %parallel_loop3A_1741, %pack3A_1646 : vector<32xbf16>
        %parallel_loop3A_1743 = arith.addf %parallel_loop3A_1727, %parallel_loop3A_1732 : vector<32xbf16>
        %parallel_loop3A_1744 = arith.addf %parallel_loop3A_1737, %parallel_loop3A_1742 : vector<32xbf16>
        %parallel_loop3A_1745 = arith.addf %parallel_loop3A_1743, %parallel_loop3A_1744 : vector<32xbf16>
        %parallel_loop3A_1746 = tpu.unpack_subelements %parallel_loop3A_1745, 0 {pack_format = #tpu.pack_format<interleaved>} : vector<32xbf16> -> vector<16xf32>
        %parallel_loop3A_1747 = tpu.unpack_subelements %parallel_loop3A_1745, 1 {pack_format = #tpu.pack_format<interleaved>} : vector<32xbf16> -> vector<16xf32>
        %parallel_loop3A_1748 = arith.addf %parallel_loop3A_1746, %parallel_loop3A_1747 : vector<16xf32>
        %parallel_loop3A_1749 = arith.constant 0 : i32
        %parallel_loop3A_1750 = arith.addi %parallel_loop3A_1720, %parallel_loop3A_1749 : i32
        %parallel_loop3A_1751 = arith.index_cast %parallel_loop3A_1750 : i32 to index
        %parallel_loop3A_1752 = arith.constant 0 : index
        %parallel_loop3A_1753 = tpu.vector_load %arg19[%parallel_loop3A_1751, %parallel_loop3A_1752] {strides = array<i32>} : memref<128x17xf32, #tpu.memory_space<vmem>>, vector<16xf32>,
        tpu.vector_store %arg19[%parallel_loop3A_1751, %parallel_loop3A_1752], %parallel_loop3A_1748 {strides = array<i32>} : memref<128x17xf32, #tpu.memory_space<vmem>>, vector<16xf32>,
        %parallel_loop3A_1754 = arith.constant 1 : i32
        %parallel_loop3A_1755 = arith.addi %parallel_loop3A_1720, %parallel_loop3A_1754 : i32
        %parallel_loop3A_1756 = arith.index_cast %parallel_loop3A_1755 : i32 to index
        %parallel_loop3A_1757 = arith.constant 0 : index
        %parallel_loop3A_1758 = tpu.vector_load %arg15[%parallel_loop3A_1756, %parallel_loop3A_1757] {strides = array<i32>} : memref<128x128xi32, #tpu.memory_space<vmem>>, vector<16xi32>,
        %parallel_loop3A_1759 = vector.bitcast %parallel_loop3A_1758 : vector<16xi32> to vector<32xbf16>
        %parallel_loop3A_1760 = arith.mulf %parallel_loop3A_1759, %pack3A_1091 : vector<32xbf16>
        %parallel_loop3A_1761 = arith.index_cast %parallel_loop3A_1755 : i32 to index
        %parallel_loop3A_1762 = arith.constant 16 : index
        %parallel_loop3A_1763 = tpu.vector_load %arg15[%parallel_loop3A_1761, %parallel_loop3A_1762] {strides = array<i32>} : memref<128x128xi32, #tpu.memory_space<vmem>>, vector<16xi32>,
        %parallel_loop3A_1764 = vector.bitcast %parallel_loop3A_1763 : vector<16xi32> to vector<32xbf16>
        %parallel_loop3A_1765 = arith.mulf %parallel_loop3A_1764, %pack3A_1276 : vector<32xbf16>
        %parallel_loop3A_1766 = arith.index_cast %parallel_loop3A_1755 : i32 to index
        %parallel_loop3A_1767 = arith.constant 32 : index
        %parallel_loop3A_1768 = tpu.vector_load %arg15[%parallel_loop3A_1766, %parallel_loop3A_1767] {strides = array<i32>} : memref<128x128xi32, #tpu.memory_space<vmem>>, vector<16xi32>,
        %parallel_loop3A_1769 = vector.bitcast %parallel_loop3A_1768 : vector<16xi32> to vector<32xbf16>
        %parallel_loop3A_1770 = arith.mulf %parallel_loop3A_1769, %pack3A_1461 : vector<32xbf16>
        %parallel_loop3A_1771 = arith.index_cast %parallel_loop3A_1755 : i32 to index
        %parallel_loop3A_1772 = arith.constant 48 : index
        %parallel_loop3A_1773 = tpu.vector_load %arg15[%parallel_loop3A_1771, %parallel_loop3A_1772] {strides = array<i32>} : memref<128x128xi32, #tpu.memory_space<vmem>>, vector<16xi32>,
        %parallel_loop3A_1774 = vector.bitcast %parallel_loop3A_1773 : vector<16xi32> to vector<32xbf16>
        %parallel_loop3A_1775 = arith.mulf %parallel_loop3A_1774, %pack3A_1646 : vector<32xbf16>
        %parallel_loop3A_1776 = arith.addf %parallel_loop3A_1760, %parallel_loop3A_1765 : vector<32xbf16>
        %parallel_loop3A_1777 = arith.addf %parallel_loop3A_1770, %parallel_loop3A_1775 : vector<32xbf16>
        %parallel_loop3A_1778 = arith.addf %parallel_loop3A_1776, %parallel_loop3A_1777 : vector<32xbf16>
        %parallel_loop3A_1779 = tpu.unpack_subelements %parallel_loop3A_1778, 0 {pack_format = #tpu.pack_format<interleaved>} : vector<32xbf16> -> vector<16xf32>
        %parallel_loop3A_1780 = tpu.unpack_subelements %parallel_loop3A_1778, 1 {pack_format = #tpu.pack_format<interleaved>} : vector<32xbf16> -> vector<16xf32>
        %parallel_loop3A_1781 = arith.addf %parallel_loop3A_1779, %parallel_loop3A_1780 : vector<16xf32>
        %parallel_loop3A_1782 = arith.constant 1 : i32
        %parallel_loop3A_1783 = arith.addi %parallel_loop3A_1720, %parallel_loop3A_1782 : i32
        %parallel_loop3A_1784 = arith.index_cast %parallel_loop3A_1783 : i32 to index
        %parallel_loop3A_1785 = arith.constant 0 : index
        %parallel_loop3A_1786 = tpu.vector_load %arg19[%parallel_loop3A_1784, %parallel_loop3A_1785] {strides = array<i32>} : memref<128x17xf32, #tpu.memory_space<vmem>>, vector<16xf32>,
        tpu.vector_store %arg19[%parallel_loop3A_1784, %parallel_loop3A_1785], %parallel_loop3A_1781 {strides = array<i32>} : memref<128x17xf32, #tpu.memory_space<vmem>>, vector<16xf32>,
        %parallel_loop3A_1787 = arith.constant 2 : i32
        %parallel_loop3A_1788 = arith.addi %parallel_loop3A_1720, %parallel_loop3A_1787 : i32
        %parallel_loop3A_1789 = arith.index_cast %parallel_loop3A_1788 : i32 to index
        %parallel_loop3A_1790 = arith.constant 0 : index
        %parallel_loop3A_1791 = tpu.vector_load %arg15[%parallel_loop3A_1789, %parallel_loop3A_1790] {strides = array<i32>} : memref<128x128xi32, #tpu.memory_space<vmem>>, vector<16xi32>,
        %parallel_loop3A_1792 = vector.bitcast %parallel_loop3A_1791 : vector<16xi32> to vector<32xbf16>
        %parallel_loop3A_1793 = arith.mulf %parallel_loop3A_1792, %pack3A_1091 : vector<32xbf16>
        %parallel_loop3A_1794 = arith.index_cast %parallel_loop3A_1788 : i32 to index
        %parallel_loop3A_1795 = arith.constant 16 : index
        %parallel_loop3A_1796 = tpu.vector_load %arg15[%parallel_loop3A_1794, %parallel_loop3A_1795] {strides = array<i32>} : memref<128x128xi32, #tpu.memory_space<vmem>>, vector<16xi32>,
        %parallel_loop3A_1797 = vector.bitcast %parallel_loop3A_1796 : vector<16xi32> to vector<32xbf16>
        %parallel_loop3A_1798 = arith.mulf %parallel_loop3A_1797, %pack3A_1276 : vector<32xbf16>
        %parallel_loop3A_1799 = arith.index_cast %parallel_loop3A_1788 : i32 to index
        %parallel_loop3A_1800 = arith.constant 32 : index
        %parallel_loop3A_1801 = tpu.vector_load %arg15[%parallel_loop3A_1799, %parallel_loop3A_1800] {strides = array<i32>} : memref<128x128xi32, #tpu.memory_space<vmem>>, vector<16xi32>,
        %parallel_loop3A_1802 = vector.bitcast %parallel_loop3A_1801 : vector<16xi32> to vector<32xbf16>
        %parallel_loop3A_1803 = arith.mulf %parallel_loop3A_1802, %pack3A_1461 : vector<32xbf16>
        %parallel_loop3A_1804 = arith.index_cast %parallel_loop3A_1788 : i32 to index
        %parallel_loop3A_1805 = arith.constant 48 : index
        %parallel_loop3A_1806 = tpu.vector_load %arg15[%parallel_loop3A_1804, %parallel_loop3A_1805] {strides = array<i32>} : memref<128x128xi32, #tpu.memory_space<vmem>>, vector<16xi32>,
        %parallel_loop3A_1807 = vector.bitcast %parallel_loop3A_1806 : vector<16xi32> to vector<32xbf16>
        %parallel_loop3A_1808 = arith.mulf %parallel_loop3A_1807, %pack3A_1646 : vector<32xbf16>
        %parallel_loop3A_1809 = arith.addf %parallel_loop3A_1793, %parallel_loop3A_1798 : vector<32xbf16>
        %parallel_loop3A_1810 = arith.addf %parallel_loop3A_1803, %parallel_loop3A_1808 : vector<32xbf16>
        %parallel_loop3A_1811 = arith.addf %parallel_loop3A_1809, %parallel_loop3A_1810 : vector<32xbf16>
        %parallel_loop3A_1812 = tpu.unpack_subelements %parallel_loop3A_1811, 0 {pack_format = #tpu.pack_format<interleaved>} : vector<32xbf16> -> vector<16xf32>
        %parallel_loop3A_1813 = tpu.unpack_subelements %parallel_loop3A_1811, 1 {pack_format = #tpu.pack_format<interleaved>} : vector<32xbf16> -> vector<16xf32>
        %parallel_loop3A_1814 = arith.addf %parallel_loop3A_1812, %parallel_loop3A_1813 : vector<16xf32>
        %parallel_loop3A_1815 = arith.constant 2 : i32
        %parallel_loop3A_1816 = arith.addi %parallel_loop3A_1720, %parallel_loop3A_1815 : i32
        %parallel_loop3A_1817 = arith.index_cast %parallel_loop3A_1816 : i32 to index
        %parallel_loop3A_1818 = arith.constant 0 : index
        %parallel_loop3A_1819 = tpu.vector_load %arg19[%parallel_loop3A_1817, %parallel_loop3A_1818] {strides = array<i32>} : memref<128x17xf32, #tpu.memory_space<vmem>>, vector<16xf32>,
        tpu.vector_store %arg19[%parallel_loop3A_1817, %parallel_loop3A_1818], %parallel_loop3A_1814 {strides = array<i32>} : memref<128x17xf32, #tpu.memory_space<vmem>>, vector<16xf32>,
        %parallel_loop3A_1820 = arith.constant 3 : i32
        %parallel_loop3A_1821 = arith.addi %parallel_loop3A_1720, %parallel_loop3A_1820 : i32
        %parallel_loop3A_1822 = arith.index_cast %parallel_loop3A_1821 : i32 to index
        %parallel_loop3A_1823 = arith.constant 0 : index
        %parallel_loop3A_1824 = tpu.vector_load %arg15[%parallel_loop3A_1822, %parallel_loop3A_1823] {strides = array<i32>} : memref<128x128xi32, #tpu.memory_space<vmem>>, vector<16xi32>,
        %parallel_loop3A_1825 = vector.bitcast %parallel_loop3A_1824 : vector<16xi32> to vector<32xbf16>
        %parallel_loop3A_1826 = arith.mulf %parallel_loop3A_1825, %pack3A_1091 : vector<32xbf16>
        %parallel_loop3A_1827 = arith.index_cast %parallel_loop3A_1821 : i32 to index
        %parallel_loop3A_1828 = arith.constant 16 : index
        %parallel_loop3A_1829 = tpu.vector_load %arg15[%parallel_loop3A_1827, %parallel_loop3A_1828] {strides = array<i32>} : memref<128x128xi32, #tpu.memory_space<vmem>>, vector<16xi32>,
        %parallel_loop3A_1830 = vector.bitcast %parallel_loop3A_1829 : vector<16xi32> to vector<32xbf16>
        %parallel_loop3A_1831 = arith.mulf %parallel_loop3A_1830, %pack3A_1276 : vector<32xbf16>
        %parallel_loop3A_1832 = arith.index_cast %parallel_loop3A_1821 : i32 to index
        %parallel_loop3A_1833 = arith.constant 32 : index
        %parallel_loop3A_1834 = tpu.vector_load %arg15[%parallel_loop3A_1832, %parallel_loop3A_1833] {strides = array<i32>} : memref<128x128xi32, #tpu.memory_space<vmem>>, vector<16xi32>,
        %parallel_loop3A_1835 = vector.bitcast %parallel_loop3A_1834 : vector<16xi32> to vector<32xbf16>
        %parallel_loop3A_1836 = arith.mulf %parallel_loop3A_1835, %pack3A_1461 : vector<32xbf16>
        %parallel_loop3A_1837 = arith.index_cast %parallel_loop3A_1821 : i32 to index
        %parallel_loop3A_1838 = arith.constant 48 : index
        %parallel_loop3A_1839 = tpu.vector_load %arg15[%parallel_loop3A_1837, %parallel_loop3A_1838] {strides = array<i32>} : memref<128x128xi32, #tpu.memory_space<vmem>>, vector<16xi32>,
        %parallel_loop3A_1840 = vector.bitcast %parallel_loop3A_1839 : vector<16xi32> to vector<32xbf16>
        %parallel_loop3A_1841 = arith.mulf %parallel_loop3A_1840, %pack3A_1646 : vector<32xbf16>
        %parallel_loop3A_1842 = arith.addf %parallel_loop3A_1826, %parallel_loop3A_1831 : vector<32xbf16>
        %parallel_loop3A_1843 = arith.addf %parallel_loop3A_1836, %parallel_loop3A_1841 : vector<32xbf16>
        %parallel_loop3A_1844 = arith.addf %parallel_loop3A_1842, %parallel_loop3A_1843 : vector<32xbf16>
        %parallel_loop3A_1845 = tpu.unpack_subelements %parallel_loop3A_1844, 0 {pack_format = #tpu.pack_format<interleaved>} : vector<32xbf16> -> vector<16xf32>
        %parallel_loop3A_1846 = tpu.unpack_subelements %parallel_loop3A_1844, 1 {pack_format = #tpu.pack_format<interleaved>} : vector<32xbf16> -> vector<16xf32>
        %parallel_loop3A_1847 = arith.addf %parallel_loop3A_1845, %parallel_loop3A_1846 : vector<16xf32>
        %parallel_loop3A_1848 = arith.constant 3 : i32
        %parallel_loop3A_1849 = arith.addi %parallel_loop3A_1720, %parallel_loop3A_1848 : i32
        %parallel_loop3A_1850 = arith.index_cast %parallel_loop3A_1849 : i32 to index
        %parallel_loop3A_1851 = arith.constant 0 : index
        %parallel_loop3A_1852 = tpu.vector_load %arg19[%parallel_loop3A_1850, %parallel_loop3A_1851] {strides = array<i32>} : memref<128x17xf32, #tpu.memory_space<vmem>>, vector<16xf32>,
        tpu.vector_store %arg19[%parallel_loop3A_1850, %parallel_loop3A_1851], %parallel_loop3A_1847 {strides = array<i32>} : memref<128x17xf32, #tpu.memory_space<vmem>>, vector<16xf32>,
        %parallel_loop3A_1853 = arith.constant 4 : i32
        %parallel_loop3A_1854 = arith.addi %parallel_loop3A_1720, %parallel_loop3A_1853 : i32
        %parallel_loop3A_1855 = arith.index_cast %parallel_loop3A_1854 : i32 to index
        %parallel_loop3A_1856 = arith.constant 0 : index
        %parallel_loop3A_1857 = tpu.vector_load %arg15[%parallel_loop3A_1855, %parallel_loop3A_1856] {strides = array<i32>} : memref<128x128xi32, #tpu.memory_space<vmem>>, vector<16xi32>,
        %parallel_loop3A_1858 = vector.bitcast %parallel_loop3A_1857 : vector<16xi32> to vector<32xbf16>
        %parallel_loop3A_1859 = arith.mulf %parallel_loop3A_1858, %pack3A_1091 : vector<32xbf16>
        %parallel_loop3A_1860 = arith.index_cast %parallel_loop3A_1854 : i32 to index
        %parallel_loop3A_1861 = arith.constant 16 : index
        %parallel_loop3A_1862 = tpu.vector_load %arg15[%parallel_loop3A_1860, %parallel_loop3A_1861] {strides = array<i32>} : memref<128x128xi32, #tpu.memory_space<vmem>>, vector<16xi32>,
        %parallel_loop3A_1863 = vector.bitcast %parallel_loop3A_1862 : vector<16xi32> to vector<32xbf16>
        %parallel_loop3A_1864 = arith.mulf %parallel_loop3A_1863, %pack3A_1276 : vector<32xbf16>
        %parallel_loop3A_1865 = arith.index_cast %parallel_loop3A_1854 : i32 to index
        %parallel_loop3A_1866 = arith.constant 32 : index
        %parallel_loop3A_1867 = tpu.vector_load %arg15[%parallel_loop3A_1865, %parallel_loop3A_1866] {strides = array<i32>} : memref<128x128xi32, #tpu.memory_space<vmem>>, vector<16xi32>,
        %parallel_loop3A_1868 = vector.bitcast %parallel_loop3A_1867 : vector<16xi32> to vector<32xbf16>
        %parallel_loop3A_1869 = arith.mulf %parallel_loop3A_1868, %pack3A_1461 : vector<32xbf16>
        %parallel_loop3A_1870 = arith.index_cast %parallel_loop3A_1854 : i32 to index
        %parallel_loop3A_1871 = arith.constant 48 : index
        %parallel_loop3A_1872 = tpu.vector_load %arg15[%parallel_loop3A_1870, %parallel_loop3A_1871] {strides = array<i32>} : memref<128x128xi32, #tpu.memory_space<vmem>>, vector<16xi32>,
        %parallel_loop3A_1873 = vector.bitcast %parallel_loop3A_1872 : vector<16xi32> to vector<32xbf16>
        %parallel_loop3A_1874 = arith.mulf %parallel_loop3A_1873, %pack3A_1646 : vector<32xbf16>
        %parallel_loop3A_1875 = arith.addf %parallel_loop3A_1859, %parallel_loop3A_1864 : vector<32xbf16>
        %parallel_loop3A_1876 = arith.addf %parallel_loop3A_1869, %parallel_loop3A_1874 : vector<32xbf16>
        %parallel_loop3A_1877 = arith.addf %parallel_loop3A_1875, %parallel_loop3A_1876 : vector<32xbf16>
        %parallel_loop3A_1878 = tpu.unpack_subelements %parallel_loop3A_1877, 0 {pack_format = #tpu.pack_format<interleaved>} : vector<32xbf16> -> vector<16xf32>
        %parallel_loop3A_1879 = tpu.unpack_subelements %parallel_loop3A_1877, 1 {pack_format = #tpu.pack_format<interleaved>} : vector<32xbf16> -> vector<16xf32>
        %parallel_loop3A_1880 = arith.addf %parallel_loop3A_1878, %parallel_loop3A_1879 : vector<16xf32>
        %parallel_loop3A_1881 = arith.constant 4 : i32
        %parallel_loop3A_1882 = arith.addi %parallel_loop3A_1720, %parallel_loop3A_1881 : i32
        %parallel_loop3A_1883 = arith.index_cast %parallel_loop3A_1882 : i32 to index
        %parallel_loop3A_1884 = arith.constant 0 : index
        %parallel_loop3A_1885 = tpu.vector_load %arg19[%parallel_loop3A_1883, %parallel_loop3A_1884] {strides = array<i32>} : memref<128x17xf32, #tpu.memory_space<vmem>>, vector<16xf32>,
        tpu.vector_store %arg19[%parallel_loop3A_1883, %parallel_loop3A_1884], %parallel_loop3A_1880 {strides = array<i32>} : memref<128x17xf32, #tpu.memory_space<vmem>>, vector<16xf32>,
        %parallel_loop3A_1886 = arith.constant 5 : i32
        %parallel_loop3A_1887 = arith.addi %parallel_loop3A_1720, %parallel_loop3A_1886 : i32
        %parallel_loop3A_1888 = arith.index_cast %parallel_loop3A_1887 : i32 to index
        %parallel_loop3A_1889 = arith.constant 0 : index
        %parallel_loop3A_1890 = tpu.vector_load %arg15[%parallel_loop3A_1888, %parallel_loop3A_1889] {strides = array<i32>} : memref<128x128xi32, #tpu.memory_space<vmem>>, vector<16xi32>,
        %parallel_loop3A_1891 = vector.bitcast %parallel_loop3A_1890 : vector<16xi32> to vector<32xbf16>
        %parallel_loop3A_1892 = arith.mulf %parallel_loop3A_1891, %pack3A_1091 : vector<32xbf16>
        %parallel_loop3A_1893 = arith.index_cast %parallel_loop3A_1887 : i32 to index
        %parallel_loop3A_1894 = arith.constant 16 : index
        %parallel_loop3A_1895 = tpu.vector_load %arg15[%parallel_loop3A_1893, %parallel_loop3A_1894] {strides = array<i32>} : memref<128x128xi32, #tpu.memory_space<vmem>>, vector<16xi32>,
        %parallel_loop3A_1896 = vector.bitcast %parallel_loop3A_1895 : vector<16xi32> to vector<32xbf16>
        %parallel_loop3A_1897 = arith.mulf %parallel_loop3A_1896, %pack3A_1276 : vector<32xbf16>
        %parallel_loop3A_1898 = arith.index_cast %parallel_loop3A_1887 : i32 to index
        %parallel_loop3A_1899 = arith.constant 32 : index
        %parallel_loop3A_1900 = tpu.vector_load %arg15[%parallel_loop3A_1898, %parallel_loop3A_1899] {strides = array<i32>} : memref<128x128xi32, #tpu.memory_space<vmem>>, vector<16xi32>,
        %parallel_loop3A_1901 = vector.bitcast %parallel_loop3A_1900 : vector<16xi32> to vector<32xbf16>
        %parallel_loop3A_1902 = arith.mulf %parallel_loop3A_1901, %pack3A_1461 : vector<32xbf16>
        %parallel_loop3A_1903 = arith.index_cast %parallel_loop3A_1887 : i32 to index
        %parallel_loop3A_1904 = arith.constant 48 : index
        %parallel_loop3A_1905 = tpu.vector_load %arg15[%parallel_loop3A_1903, %parallel_loop3A_1904] {strides = array<i32>} : memref<128x128xi32, #tpu.memory_space<vmem>>, vector<16xi32>,
        %parallel_loop3A_1906 = vector.bitcast %parallel_loop3A_1905 : vector<16xi32> to vector<32xbf16>
        %parallel_loop3A_1907 = arith.mulf %parallel_loop3A_1906, %pack3A_1646 : vector<32xbf16>
        %parallel_loop3A_1908 = arith.addf %parallel_loop3A_1892, %parallel_loop3A_1897 : vector<32xbf16>
        %parallel_loop3A_1909 = arith.addf %parallel_loop3A_1902, %parallel_loop3A_1907 : vector<32xbf16>
        %parallel_loop3A_1910 = arith.addf %parallel_loop3A_1908, %parallel_loop3A_1909 : vector<32xbf16>
        %parallel_loop3A_1911 = tpu.unpack_subelements %parallel_loop3A_1910, 0 {pack_format = #tpu.pack_format<interleaved>} : vector<32xbf16> -> vector<16xf32>
        %parallel_loop3A_1912 = tpu.unpack_subelements %parallel_loop3A_1910, 1 {pack_format = #tpu.pack_format<interleaved>} : vector<32xbf16> -> vector<16xf32>
        %parallel_loop3A_1913 = arith.addf %parallel_loop3A_1911, %parallel_loop3A_1912 : vector<16xf32>
        %parallel_loop3A_1914 = arith.constant 5 : i32
        %parallel_loop3A_1915 = arith.addi %parallel_loop3A_1720, %parallel_loop3A_1914 : i32
        %parallel_loop3A_1916 = arith.index_cast %parallel_loop3A_1915 : i32 to index
        %parallel_loop3A_1917 = arith.constant 0 : index
        %parallel_loop3A_1918 = tpu.vector_load %arg19[%parallel_loop3A_1916, %parallel_loop3A_1917] {strides = array<i32>} : memref<128x17xf32, #tpu.memory_space<vmem>>, vector<16xf32>,
        tpu.vector_store %arg19[%parallel_loop3A_1916, %parallel_loop3A_1917], %parallel_loop3A_1913 {strides = array<i32>} : memref<128x17xf32, #tpu.memory_space<vmem>>, vector<16xf32>,
        %parallel_loop3A_1919 = arith.constant 6 : i32
        %parallel_loop3A_1920 = arith.addi %parallel_loop3A_1720, %parallel_loop3A_1919 : i32
        %parallel_loop3A_1921 = arith.index_cast %parallel_loop3A_1920 : i32 to index
        %parallel_loop3A_1922 = arith.constant 0 : index
        %parallel_loop3A_1923 = tpu.vector_load %arg15[%parallel_loop3A_1921, %parallel_loop3A_1922] {strides = array<i32>} : memref<128x128xi32, #tpu.memory_space<vmem>>, vector<16xi32>,
        %parallel_loop3A_1924 = vector.bitcast %parallel_loop3A_1923 : vector<16xi32> to vector<32xbf16>
        %parallel_loop3A_1925 = arith.mulf %parallel_loop3A_1924, %pack3A_1091 : vector<32xbf16>
        %parallel_loop3A_1926 = arith.index_cast %parallel_loop3A_1920 : i32 to index
        %parallel_loop3A_1927 = arith.constant 16 : index
        %parallel_loop3A_1928 = tpu.vector_load %arg15[%parallel_loop3A_1926, %parallel_loop3A_1927] {strides = array<i32>} : memref<128x128xi32, #tpu.memory_space<vmem>>, vector<16xi32>,
        %parallel_loop3A_1929 = vector.bitcast %parallel_loop3A_1928 : vector<16xi32> to vector<32xbf16>
        %parallel_loop3A_1930 = arith.mulf %parallel_loop3A_1929, %pack3A_1276 : vector<32xbf16>
        %parallel_loop3A_1931 = arith.index_cast %parallel_loop3A_1920 : i32 to index
        %parallel_loop3A_1932 = arith.constant 32 : index
        %parallel_loop3A_1933 = tpu.vector_load %arg15[%parallel_loop3A_1931, %parallel_loop3A_1932] {strides = array<i32>} : memref<128x128xi32, #tpu.memory_space<vmem>>, vector<16xi32>,
        %parallel_loop3A_1934 = vector.bitcast %parallel_loop3A_1933 : vector<16xi32> to vector<32xbf16>
        %parallel_loop3A_1935 = arith.mulf %parallel_loop3A_1934, %pack3A_1461 : vector<32xbf16>
        %parallel_loop3A_1936 = arith.index_cast %parallel_loop3A_1920 : i32 to index
        %parallel_loop3A_1937 = arith.constant 48 : index
        %parallel_loop3A_1938 = tpu.vector_load %arg15[%parallel_loop3A_1936, %parallel_loop3A_1937] {strides = array<i32>} : memref<128x128xi32, #tpu.memory_space<vmem>>, vector<16xi32>,
        %parallel_loop3A_1939 = vector.bitcast %parallel_loop3A_1938 : vector<16xi32> to vector<32xbf16>
        %parallel_loop3A_1940 = arith.mulf %parallel_loop3A_1939, %pack3A_1646 : vector<32xbf16>
        %parallel_loop3A_1941 = arith.addf %parallel_loop3A_1925, %parallel_loop3A_1930 : vector<32xbf16>
        %parallel_loop3A_1942 = arith.addf %parallel_loop3A_1935, %parallel_loop3A_1940 : vector<32xbf16>
        %parallel_loop3A_1943 = arith.addf %parallel_loop3A_1941, %parallel_loop3A_1942 : vector<32xbf16>
        %parallel_loop3A_1944 = tpu.unpack_subelements %parallel_loop3A_1943, 0 {pack_format = #tpu.pack_format<interleaved>} : vector<32xbf16> -> vector<16xf32>
        %parallel_loop3A_1945 = tpu.unpack_subelements %parallel_loop3A_1943, 1 {pack_format = #tpu.pack_format<interleaved>} : vector<32xbf16> -> vector<16xf32>
        %parallel_loop3A_1946 = arith.addf %parallel_loop3A_1944, %parallel_loop3A_1945 : vector<16xf32>
        %parallel_loop3A_1947 = arith.constant 6 : i32
        %parallel_loop3A_1948 = arith.addi %parallel_loop3A_1720, %parallel_loop3A_1947 : i32
        %parallel_loop3A_1949 = arith.index_cast %parallel_loop3A_1948 : i32 to index
        %parallel_loop3A_1950 = arith.constant 0 : index
        %parallel_loop3A_1951 = tpu.vector_load %arg19[%parallel_loop3A_1949, %parallel_loop3A_1950] {strides = array<i32>} : memref<128x17xf32, #tpu.memory_space<vmem>>, vector<16xf32>,
        tpu.vector_store %arg19[%parallel_loop3A_1949, %parallel_loop3A_1950], %parallel_loop3A_1946 {strides = array<i32>} : memref<128x17xf32, #tpu.memory_space<vmem>>, vector<16xf32>,
        %parallel_loop3A_1952 = arith.constant 7 : i32
        %parallel_loop3A_1953 = arith.addi %parallel_loop3A_1720, %parallel_loop3A_1952 : i32
        %parallel_loop3A_1954 = arith.index_cast %parallel_loop3A_1953 : i32 to index
        %parallel_loop3A_1955 = arith.constant 0 : index
        %parallel_loop3A_1956 = tpu.vector_load %arg15[%parallel_loop3A_1954, %parallel_loop3A_1955] {strides = array<i32>} : memref<128x128xi32, #tpu.memory_space<vmem>>, vector<16xi32>,
        %parallel_loop3A_1957 = vector.bitcast %parallel_loop3A_1956 : vector<16xi32> to vector<32xbf16>
        %parallel_loop3A_1958 = arith.mulf %parallel_loop3A_1957, %pack3A_1091 : vector<32xbf16>
        %parallel_loop3A_1959 = arith.index_cast %parallel_loop3A_1953 : i32 to index
        %parallel_loop3A_1960 = arith.constant 16 : index
        %parallel_loop3A_1961 = tpu.vector_load %arg15[%parallel_loop3A_1959, %parallel_loop3A_1960] {strides = array<i32>} : memref<128x128xi32, #tpu.memory_space<vmem>>, vector<16xi32>,
        %parallel_loop3A_1962 = vector.bitcast %parallel_loop3A_1961 : vector<16xi32> to vector<32xbf16>
        %parallel_loop3A_1963 = arith.mulf %parallel_loop3A_1962, %pack3A_1276 : vector<32xbf16>
        %parallel_loop3A_1964 = arith.index_cast %parallel_loop3A_1953 : i32 to index
        %parallel_loop3A_1965 = arith.constant 32 : index
        %parallel_loop3A_1966 = tpu.vector_load %arg15[%parallel_loop3A_1964, %parallel_loop3A_1965] {strides = array<i32>} : memref<128x128xi32, #tpu.memory_space<vmem>>, vector<16xi32>,
        %parallel_loop3A_1967 = vector.bitcast %parallel_loop3A_1966 : vector<16xi32> to vector<32xbf16>
        %parallel_loop3A_1968 = arith.mulf %parallel_loop3A_1967, %pack3A_1461 : vector<32xbf16>
        %parallel_loop3A_1969 = arith.index_cast %parallel_loop3A_1953 : i32 to index
        %parallel_loop3A_1970 = arith.constant 48 : index
        %parallel_loop3A_1971 = tpu.vector_load %arg15[%parallel_loop3A_1969, %parallel_loop3A_1970] {strides = array<i32>} : memref<128x128xi32, #tpu.memory_space<vmem>>, vector<16xi32>,
        %parallel_loop3A_1972 = vector.bitcast %parallel_loop3A_1971 : vector<16xi32> to vector<32xbf16>
        %parallel_loop3A_1973 = arith.mulf %parallel_loop3A_1972, %pack3A_1646 : vector<32xbf16>
        %parallel_loop3A_1974 = arith.addf %parallel_loop3A_1958, %parallel_loop3A_1963 : vector<32xbf16>
        %parallel_loop3A_1975 = arith.addf %parallel_loop3A_1968, %parallel_loop3A_1973 : vector<32xbf16>
        %parallel_loop3A_1976 = arith.addf %parallel_loop3A_1974, %parallel_loop3A_1975 : vector<32xbf16>
        %parallel_loop3A_1977 = tpu.unpack_subelements %parallel_loop3A_1976, 0 {pack_format = #tpu.pack_format<interleaved>} : vector<32xbf16> -> vector<16xf32>
        %parallel_loop3A_1978 = tpu.unpack_subelements %parallel_loop3A_1976, 1 {pack_format = #tpu.pack_format<interleaved>} : vector<32xbf16> -> vector<16xf32>
        %parallel_loop3A_1979 = arith.addf %parallel_loop3A_1977, %parallel_loop3A_1978 : vector<16xf32>
        %parallel_loop3A_1980 = arith.constant 7 : i32
        %parallel_loop3A_1981 = arith.addi %parallel_loop3A_1720, %parallel_loop3A_1980 : i32
        %parallel_loop3A_1982 = arith.index_cast %parallel_loop3A_1981 : i32 to index
        %parallel_loop3A_1983 = arith.constant 0 : index
        %parallel_loop3A_1984 = tpu.vector_load %arg19[%parallel_loop3A_1982, %parallel_loop3A_1983] {strides = array<i32>} : memref<128x17xf32, #tpu.memory_space<vmem>>, vector<16xf32>,
        tpu.vector_store %arg19[%parallel_loop3A_1982, %parallel_loop3A_1983], %parallel_loop3A_1979 {strides = array<i32>} : memref<128x17xf32, #tpu.memory_space<vmem>>, vector<16xf32>,
        %parallel_loop3A_1985 = arith.constant 8 : i32
        %parallel_loop3A_1986 = arith.addi %parallel_loop3A_1720, %parallel_loop3A_1985 : i32
        %parallel_loop3A_1987 = arith.index_cast %parallel_loop3A_1986 : i32 to index
        %parallel_loop3A_1988 = arith.constant 0 : index
        %parallel_loop3A_1989 = tpu.vector_load %arg15[%parallel_loop3A_1987, %parallel_loop3A_1988] {strides = array<i32>} : memref<128x128xi32, #tpu.memory_space<vmem>>, vector<16xi32>,
        %parallel_loop3A_1990 = vector.bitcast %parallel_loop3A_1989 : vector<16xi32> to vector<32xbf16>
        %parallel_loop3A_1991 = arith.mulf %parallel_loop3A_1990, %pack3A_1091 : vector<32xbf16>
        %parallel_loop3A_1992 = arith.index_cast %parallel_loop3A_1986 : i32 to index
        %parallel_loop3A_1993 = arith.constant 16 : index
        %parallel_loop3A_1994 = tpu.vector_load %arg15[%parallel_loop3A_1992, %parallel_loop3A_1993] {strides = array<i32>} : memref<128x128xi32, #tpu.memory_space<vmem>>, vector<16xi32>,
        %parallel_loop3A_1995 = vector.bitcast %parallel_loop3A_1994 : vector<16xi32> to vector<32xbf16>
        %parallel_loop3A_1996 = arith.mulf %parallel_loop3A_1995, %pack3A_1276 : vector<32xbf16>
        %parallel_loop3A_1997 = arith.index_cast %parallel_loop3A_1986 : i32 to index
        %parallel_loop3A_1998 = arith.constant 32 : index
        %parallel_loop3A_1999 = tpu.vector_load %arg15[%parallel_loop3A_1997, %parallel_loop3A_1998] {strides = array<i32>} : memref<128x128xi32, #tpu.memory_space<vmem>>, vector<16xi32>,
        %parallel_loop3A_2000 = vector.bitcast %parallel_loop3A_1999 : vector<16xi32> to vector<32xbf16>
        %parallel_loop3A_2001 = arith.mulf %parallel_loop3A_2000, %pack3A_1461 : vector<32xbf16>
        %parallel_loop3A_2002 = arith.index_cast %parallel_loop3A_1986 : i32 to index
        %parallel_loop3A_2003 = arith.constant 48 : index
        %parallel_loop3A_2004 = tpu.vector_load %arg15[%parallel_loop3A_2002, %parallel_loop3A_2003] {strides = array<i32>} : memref<128x128xi32, #tpu.memory_space<vmem>>, vector<16xi32>,
        %parallel_loop3A_2005 = vector.bitcast %parallel_loop3A_2004 : vector<16xi32> to vector<32xbf16>
        %parallel_loop3A_2006 = arith.mulf %parallel_loop3A_2005, %pack3A_1646 : vector<32xbf16>
        %parallel_loop3A_2007 = arith.addf %parallel_loop3A_1991, %parallel_loop3A_1996 : vector<32xbf16>
        %parallel_loop3A_2008 = arith.addf %parallel_loop3A_2001, %parallel_loop3A_2006 : vector<32xbf16>
        %parallel_loop3A_2009 = arith.addf %parallel_loop3A_2007, %parallel_loop3A_2008 : vector<32xbf16>
        %parallel_loop3A_2010 = tpu.unpack_subelements %parallel_loop3A_2009, 0 {pack_format = #tpu.pack_format<interleaved>} : vector<32xbf16> -> vector<16xf32>
        %parallel_loop3A_2011 = tpu.unpack_subelements %parallel_loop3A_2009, 1 {pack_format = #tpu.pack_format<interleaved>} : vector<32xbf16> -> vector<16xf32>
        %parallel_loop3A_2012 = arith.addf %parallel_loop3A_2010, %parallel_loop3A_2011 : vector<16xf32>
        %parallel_loop3A_2013 = arith.constant 8 : i32
        %parallel_loop3A_2014 = arith.addi %parallel_loop3A_1720, %parallel_loop3A_2013 : i32
        %parallel_loop3A_2015 = arith.index_cast %parallel_loop3A_2014 : i32 to index
        %parallel_loop3A_2016 = arith.constant 0 : index
        %parallel_loop3A_2017 = tpu.vector_load %arg19[%parallel_loop3A_2015, %parallel_loop3A_2016] {strides = array<i32>} : memref<128x17xf32, #tpu.memory_space<vmem>>, vector<16xf32>,
        tpu.vector_store %arg19[%parallel_loop3A_2015, %parallel_loop3A_2016], %parallel_loop3A_2012 {strides = array<i32>} : memref<128x17xf32, #tpu.memory_space<vmem>>, vector<16xf32>,
        %parallel_loop3A_2018 = arith.constant 9 : i32
        %parallel_loop3A_2019 = arith.addi %parallel_loop3A_1720, %parallel_loop3A_2018 : i32
        %parallel_loop3A_2020 = arith.index_cast %parallel_loop3A_2019 : i32 to index
        %parallel_loop3A_2021 = arith.constant 0 : index
        %parallel_loop3A_2022 = tpu.vector_load %arg15[%parallel_loop3A_2020, %parallel_loop3A_2021] {strides = array<i32>} : memref<128x128xi32, #tpu.memory_space<vmem>>, vector<16xi32>,
        %parallel_loop3A_2023 = vector.bitcast %parallel_loop3A_2022 : vector<16xi32> to vector<32xbf16>
        %parallel_loop3A_2024 = arith.mulf %parallel_loop3A_2023, %pack3A_1091 : vector<32xbf16>
        %parallel_loop3A_2025 = arith.index_cast %parallel_loop3A_2019 : i32 to index
        %parallel_loop3A_2026 = arith.constant 16 : index
        %parallel_loop3A_2027 = tpu.vector_load %arg15[%parallel_loop3A_2025, %parallel_loop3A_2026] {strides = array<i32>} : memref<128x128xi32, #tpu.memory_space<vmem>>, vector<16xi32>,
        %parallel_loop3A_2028 = vector.bitcast %parallel_loop3A_2027 : vector<16xi32> to vector<32xbf16>
        %parallel_loop3A_2029 = arith.mulf %parallel_loop3A_2028, %pack3A_1276 : vector<32xbf16>
        %parallel_loop3A_2030 = arith.index_cast %parallel_loop3A_2019 : i32 to index
        %parallel_loop3A_2031 = arith.constant 32 : index
        %parallel_loop3A_2032 = tpu.vector_load %arg15[%parallel_loop3A_2030, %parallel_loop3A_2031] {strides = array<i32>} : memref<128x128xi32, #tpu.memory_space<vmem>>, vector<16xi32>,
        %parallel_loop3A_2033 = vector.bitcast %parallel_loop3A_2032 : vector<16xi32> to vector<32xbf16>
        %parallel_loop3A_2034 = arith.mulf %parallel_loop3A_2033, %pack3A_1461 : vector<32xbf16>
        %parallel_loop3A_2035 = arith.index_cast %parallel_loop3A_2019 : i32 to index
        %parallel_loop3A_2036 = arith.constant 48 : index
        %parallel_loop3A_2037 = tpu.vector_load %arg15[%parallel_loop3A_2035, %parallel_loop3A_2036] {strides = array<i32>} : memref<128x128xi32, #tpu.memory_space<vmem>>, vector<16xi32>,
        %parallel_loop3A_2038 = vector.bitcast %parallel_loop3A_2037 : vector<16xi32> to vector<32xbf16>
        %parallel_loop3A_2039 = arith.mulf %parallel_loop3A_2038, %pack3A_1646 : vector<32xbf16>
        %parallel_loop3A_2040 = arith.addf %parallel_loop3A_2024, %parallel_loop3A_2029 : vector<32xbf16>
        %parallel_loop3A_2041 = arith.addf %parallel_loop3A_2034, %parallel_loop3A_2039 : vector<32xbf16>
        %parallel_loop3A_2042 = arith.addf %parallel_loop3A_2040, %parallel_loop3A_2041 : vector<32xbf16>
        %parallel_loop3A_2043 = tpu.unpack_subelements %parallel_loop3A_2042, 0 {pack_format = #tpu.pack_format<interleaved>} : vector<32xbf16> -> vector<16xf32>
        %parallel_loop3A_2044 = tpu.unpack_subelements %parallel_loop3A_2042, 1 {pack_format = #tpu.pack_format<interleaved>} : vector<32xbf16> -> vector<16xf32>
        %parallel_loop3A_2045 = arith.addf %parallel_loop3A_2043, %parallel_loop3A_2044 : vector<16xf32>
        %parallel_loop3A_2046 = arith.constant 9 : i32
        %parallel_loop3A_2047 = arith.addi %parallel_loop3A_1720, %parallel_loop3A_2046 : i32
        %parallel_loop3A_2048 = arith.index_cast %parallel_loop3A_2047 : i32 to index
        %parallel_loop3A_2049 = arith.constant 0 : index
        %parallel_loop3A_2050 = tpu.vector_load %arg19[%parallel_loop3A_2048, %parallel_loop3A_2049] {strides = array<i32>} : memref<128x17xf32, #tpu.memory_space<vmem>>, vector<16xf32>,
        tpu.vector_store %arg19[%parallel_loop3A_2048, %parallel_loop3A_2049], %parallel_loop3A_2045 {strides = array<i32>} : memref<128x17xf32, #tpu.memory_space<vmem>>, vector<16xf32>,
        %parallel_loop3A_2051 = arith.constant 10 : i32
        %parallel_loop3A_2052 = arith.addi %parallel_loop3A_1720, %parallel_loop3A_2051 : i32
        %parallel_loop3A_2053 = arith.index_cast %parallel_loop3A_2052 : i32 to index
        %parallel_loop3A_2054 = arith.constant 0 : index
        %parallel_loop3A_2055 = tpu.vector_load %arg15[%parallel_loop3A_2053, %parallel_loop3A_2054] {strides = array<i32>} : memref<128x128xi32, #tpu.memory_space<vmem>>, vector<16xi32>,
        %parallel_loop3A_2056 = vector.bitcast %parallel_loop3A_2055 : vector<16xi32> to vector<32xbf16>
        %parallel_loop3A_2057 = arith.mulf %parallel_loop3A_2056, %pack3A_1091 : vector<32xbf16>
        %parallel_loop3A_2058 = arith.index_cast %parallel_loop3A_2052 : i32 to index
        %parallel_loop3A_2059 = arith.constant 16 : index
        %parallel_loop3A_2060 = tpu.vector_load %arg15[%parallel_loop3A_2058, %parallel_loop3A_2059] {strides = array<i32>} : memref<128x128xi32, #tpu.memory_space<vmem>>, vector<16xi32>,
        %parallel_loop3A_2061 = vector.bitcast %parallel_loop3A_2060 : vector<16xi32> to vector<32xbf16>
        %parallel_loop3A_2062 = arith.mulf %parallel_loop3A_2061, %pack3A_1276 : vector<32xbf16>
        %parallel_loop3A_2063 = arith.index_cast %parallel_loop3A_2052 : i32 to index
        %parallel_loop3A_2064 = arith.constant 32 : index
        %parallel_loop3A_2065 = tpu.vector_load %arg15[%parallel_loop3A_2063, %parallel_loop3A_2064] {strides = array<i32>} : memref<128x128xi32, #tpu.memory_space<vmem>>, vector<16xi32>,
        %parallel_loop3A_2066 = vector.bitcast %parallel_loop3A_2065 : vector<16xi32> to vector<32xbf16>
        %parallel_loop3A_2067 = arith.mulf %parallel_loop3A_2066, %pack3A_1461 : vector<32xbf16>
        %parallel_loop3A_2068 = arith.index_cast %parallel_loop3A_2052 : i32 to index
        %parallel_loop3A_2069 = arith.constant 48 : index
        %parallel_loop3A_2070 = tpu.vector_load %arg15[%parallel_loop3A_2068, %parallel_loop3A_2069] {strides = array<i32>} : memref<128x128xi32, #tpu.memory_space<vmem>>, vector<16xi32>,
        %parallel_loop3A_2071 = vector.bitcast %parallel_loop3A_2070 : vector<16xi32> to vector<32xbf16>
        %parallel_loop3A_2072 = arith.mulf %parallel_loop3A_2071, %pack3A_1646 : vector<32xbf16>
        %parallel_loop3A_2073 = arith.addf %parallel_loop3A_2057, %parallel_loop3A_2062 : vector<32xbf16>
        %parallel_loop3A_2074 = arith.addf %parallel_loop3A_2067, %parallel_loop3A_2072 : vector<32xbf16>
        %parallel_loop3A_2075 = arith.addf %parallel_loop3A_2073, %parallel_loop3A_2074 : vector<32xbf16>
        %parallel_loop3A_2076 = tpu.unpack_subelements %parallel_loop3A_2075, 0 {pack_format = #tpu.pack_format<interleaved>} : vector<32xbf16> -> vector<16xf32>
        %parallel_loop3A_2077 = tpu.unpack_subelements %parallel_loop3A_2075, 1 {pack_format = #tpu.pack_format<interleaved>} : vector<32xbf16> -> vector<16xf32>
        %parallel_loop3A_2078 = arith.addf %parallel_loop3A_2076, %parallel_loop3A_2077 : vector<16xf32>
        %parallel_loop3A_2079 = arith.constant 10 : i32
        %parallel_loop3A_2080 = arith.addi %parallel_loop3A_1720, %parallel_loop3A_2079 : i32
        %parallel_loop3A_2081 = arith.index_cast %parallel_loop3A_2080 : i32 to index
        %parallel_loop3A_2082 = arith.constant 0 : index
        %parallel_loop3A_2083 = tpu.vector_load %arg19[%parallel_loop3A_2081, %parallel_loop3A_2082] {strides = array<i32>} : memref<128x17xf32, #tpu.memory_space<vmem>>, vector<16xf32>,
        tpu.vector_store %arg19[%parallel_loop3A_2081, %parallel_loop3A_2082], %parallel_loop3A_2078 {strides = array<i32>} : memref<128x17xf32, #tpu.memory_space<vmem>>, vector<16xf32>,
        %parallel_loop3A_2084 = arith.constant 11 : i32
        %parallel_loop3A_2085 = arith.addi %parallel_loop3A_1720, %parallel_loop3A_2084 : i32
        %parallel_loop3A_2086 = arith.index_cast %parallel_loop3A_2085 : i32 to index
        %parallel_loop3A_2087 = arith.constant 0 : index
        %parallel_loop3A_2088 = tpu.vector_load %arg15[%parallel_loop3A_2086, %parallel_loop3A_2087] {strides = array<i32>} : memref<128x128xi32, #tpu.memory_space<vmem>>, vector<16xi32>,
        %parallel_loop3A_2089 = vector.bitcast %parallel_loop3A_2088 : vector<16xi32> to vector<32xbf16>
        %parallel_loop3A_2090 = arith.mulf %parallel_loop3A_2089, %pack3A_1091 : vector<32xbf16>
        %parallel_loop3A_2091 = arith.index_cast %parallel_loop3A_2085 : i32 to index
        %parallel_loop3A_2092 = arith.constant 16 : index
        %parallel_loop3A_2093 = tpu.vector_load %arg15[%parallel_loop3A_2091, %parallel_loop3A_2092] {strides = array<i32>} : memref<128x128xi32, #tpu.memory_space<vmem>>, vector<16xi32>,
        %parallel_loop3A_2094 = vector.bitcast %parallel_loop3A_2093 : vector<16xi32> to vector<32xbf16>
        %parallel_loop3A_2095 = arith.mulf %parallel_loop3A_2094, %pack3A_1276 : vector<32xbf16>
        %parallel_loop3A_2096 = arith.index_cast %parallel_loop3A_2085 : i32 to index
        %parallel_loop3A_2097 = arith.constant 32 : index
        %parallel_loop3A_2098 = tpu.vector_load %arg15[%parallel_loop3A_2096, %parallel_loop3A_2097] {strides = array<i32>} : memref<128x128xi32, #tpu.memory_space<vmem>>, vector<16xi32>,
        %parallel_loop3A_2099 = vector.bitcast %parallel_loop3A_2098 : vector<16xi32> to vector<32xbf16>
        %parallel_loop3A_2100 = arith.mulf %parallel_loop3A_2099, %pack3A_1461 : vector<32xbf16>
        %parallel_loop3A_2101 = arith.index_cast %parallel_loop3A_2085 : i32 to index
        %parallel_loop3A_2102 = arith.constant 48 : index
        %parallel_loop3A_2103 = tpu.vector_load %arg15[%parallel_loop3A_2101, %parallel_loop3A_2102] {strides = array<i32>} : memref<128x128xi32, #tpu.memory_space<vmem>>, vector<16xi32>,
        %parallel_loop3A_2104 = vector.bitcast %parallel_loop3A_2103 : vector<16xi32> to vector<32xbf16>
        %parallel_loop3A_2105 = arith.mulf %parallel_loop3A_2104, %pack3A_1646 : vector<32xbf16>
        %parallel_loop3A_2106 = arith.addf %parallel_loop3A_2090, %parallel_loop3A_2095 : vector<32xbf16>
        %parallel_loop3A_2107 = arith.addf %parallel_loop3A_2100, %parallel_loop3A_2105 : vector<32xbf16>
        %parallel_loop3A_2108 = arith.addf %parallel_loop3A_2106, %parallel_loop3A_2107 : vector<32xbf16>
        %parallel_loop3A_2109 = tpu.unpack_subelements %parallel_loop3A_2108, 0 {pack_format = #tpu.pack_format<interleaved>} : vector<32xbf16> -> vector<16xf32>
        %parallel_loop3A_2110 = tpu.unpack_subelements %parallel_loop3A_2108, 1 {pack_format = #tpu.pack_format<interleaved>} : vector<32xbf16> -> vector<16xf32>
        %parallel_loop3A_2111 = arith.addf %parallel_loop3A_2109, %parallel_loop3A_2110 : vector<16xf32>
        %parallel_loop3A_2112 = arith.constant 11 : i32
        %parallel_loop3A_2113 = arith.addi %parallel_loop3A_1720, %parallel_loop3A_2112 : i32
        %parallel_loop3A_2114 = arith.index_cast %parallel_loop3A_2113 : i32 to index
        %parallel_loop3A_2115 = arith.constant 0 : index
        %parallel_loop3A_2116 = tpu.vector_load %arg19[%parallel_loop3A_2114, %parallel_loop3A_2115] {strides = array<i32>} : memref<128x17xf32, #tpu.memory_space<vmem>>, vector<16xf32>,
        tpu.vector_store %arg19[%parallel_loop3A_2114, %parallel_loop3A_2115], %parallel_loop3A_2111 {strides = array<i32>} : memref<128x17xf32, #tpu.memory_space<vmem>>, vector<16xf32>,
        %parallel_loop3A_2117 = arith.constant 12 : i32
        %parallel_loop3A_2118 = arith.addi %parallel_loop3A_1720, %parallel_loop3A_2117 : i32
        %parallel_loop3A_2119 = arith.index_cast %parallel_loop3A_2118 : i32 to index
        %parallel_loop3A_2120 = arith.constant 0 : index
        %parallel_loop3A_2121 = tpu.vector_load %arg15[%parallel_loop3A_2119, %parallel_loop3A_2120] {strides = array<i32>} : memref<128x128xi32, #tpu.memory_space<vmem>>, vector<16xi32>,
        %parallel_loop3A_2122 = vector.bitcast %parallel_loop3A_2121 : vector<16xi32> to vector<32xbf16>
        %parallel_loop3A_2123 = arith.mulf %parallel_loop3A_2122, %pack3A_1091 : vector<32xbf16>
        %parallel_loop3A_2124 = arith.index_cast %parallel_loop3A_2118 : i32 to index
        %parallel_loop3A_2125 = arith.constant 16 : index
        %parallel_loop3A_2126 = tpu.vector_load %arg15[%parallel_loop3A_2124, %parallel_loop3A_2125] {strides = array<i32>} : memref<128x128xi32, #tpu.memory_space<vmem>>, vector<16xi32>,
        %parallel_loop3A_2127 = vector.bitcast %parallel_loop3A_2126 : vector<16xi32> to vector<32xbf16>
        %parallel_loop3A_2128 = arith.mulf %parallel_loop3A_2127, %pack3A_1276 : vector<32xbf16>
        %parallel_loop3A_2129 = arith.index_cast %parallel_loop3A_2118 : i32 to index
        %parallel_loop3A_2130 = arith.constant 32 : index
        %parallel_loop3A_2131 = tpu.vector_load %arg15[%parallel_loop3A_2129, %parallel_loop3A_2130] {strides = array<i32>} : memref<128x128xi32, #tpu.memory_space<vmem>>, vector<16xi32>,
        %parallel_loop3A_2132 = vector.bitcast %parallel_loop3A_2131 : vector<16xi32> to vector<32xbf16>
        %parallel_loop3A_2133 = arith.mulf %parallel_loop3A_2132, %pack3A_1461 : vector<32xbf16>
        %parallel_loop3A_2134 = arith.index_cast %parallel_loop3A_2118 : i32 to index
        %parallel_loop3A_2135 = arith.constant 48 : index
        %parallel_loop3A_2136 = tpu.vector_load %arg15[%parallel_loop3A_2134, %parallel_loop3A_2135] {strides = array<i32>} : memref<128x128xi32, #tpu.memory_space<vmem>>, vector<16xi32>,
        %parallel_loop3A_2137 = vector.bitcast %parallel_loop3A_2136 : vector<16xi32> to vector<32xbf16>
        %parallel_loop3A_2138 = arith.mulf %parallel_loop3A_2137, %pack3A_1646 : vector<32xbf16>
        %parallel_loop3A_2139 = arith.addf %parallel_loop3A_2123, %parallel_loop3A_2128 : vector<32xbf16>
        %parallel_loop3A_2140 = arith.addf %parallel_loop3A_2133, %parallel_loop3A_2138 : vector<32xbf16>
        %parallel_loop3A_2141 = arith.addf %parallel_loop3A_2139, %parallel_loop3A_2140 : vector<32xbf16>
        %parallel_loop3A_2142 = tpu.unpack_subelements %parallel_loop3A_2141, 0 {pack_format = #tpu.pack_format<interleaved>} : vector<32xbf16> -> vector<16xf32>
        %parallel_loop3A_2143 = tpu.unpack_subelements %parallel_loop3A_2141, 1 {pack_format = #tpu.pack_format<interleaved>} : vector<32xbf16> -> vector<16xf32>
        %parallel_loop3A_2144 = arith.addf %parallel_loop3A_2142, %parallel_loop3A_2143 : vector<16xf32>
        %parallel_loop3A_2145 = arith.constant 12 : i32
        %parallel_loop3A_2146 = arith.addi %parallel_loop3A_1720, %parallel_loop3A_2145 : i32
        %parallel_loop3A_2147 = arith.index_cast %parallel_loop3A_2146 : i32 to index
        %parallel_loop3A_2148 = arith.constant 0 : index
        %parallel_loop3A_2149 = tpu.vector_load %arg19[%parallel_loop3A_2147, %parallel_loop3A_2148] {strides = array<i32>} : memref<128x17xf32, #tpu.memory_space<vmem>>, vector<16xf32>,
        tpu.vector_store %arg19[%parallel_loop3A_2147, %parallel_loop3A_2148], %parallel_loop3A_2144 {strides = array<i32>} : memref<128x17xf32, #tpu.memory_space<vmem>>, vector<16xf32>,
        %parallel_loop3A_2150 = arith.constant 13 : i32
        %parallel_loop3A_2151 = arith.addi %parallel_loop3A_1720, %parallel_loop3A_2150 : i32
        %parallel_loop3A_2152 = arith.index_cast %parallel_loop3A_2151 : i32 to index
        %parallel_loop3A_2153 = arith.constant 0 : index
        %parallel_loop3A_2154 = tpu.vector_load %arg15[%parallel_loop3A_2152, %parallel_loop3A_2153] {strides = array<i32>} : memref<128x128xi32, #tpu.memory_space<vmem>>, vector<16xi32>,
        %parallel_loop3A_2155 = vector.bitcast %parallel_loop3A_2154 : vector<16xi32> to vector<32xbf16>
        %parallel_loop3A_2156 = arith.mulf %parallel_loop3A_2155, %pack3A_1091 : vector<32xbf16>
        %parallel_loop3A_2157 = arith.index_cast %parallel_loop3A_2151 : i32 to index
        %parallel_loop3A_2158 = arith.constant 16 : index
        %parallel_loop3A_2159 = tpu.vector_load %arg15[%parallel_loop3A_2157, %parallel_loop3A_2158] {strides = array<i32>} : memref<128x128xi32, #tpu.memory_space<vmem>>, vector<16xi32>,
        %parallel_loop3A_2160 = vector.bitcast %parallel_loop3A_2159 : vector<16xi32> to vector<32xbf16>
        %parallel_loop3A_2161 = arith.mulf %parallel_loop3A_2160, %pack3A_1276 : vector<32xbf16>
        %parallel_loop3A_2162 = arith.index_cast %parallel_loop3A_2151 : i32 to index
        %parallel_loop3A_2163 = arith.constant 32 : index
        %parallel_loop3A_2164 = tpu.vector_load %arg15[%parallel_loop3A_2162, %parallel_loop3A_2163] {strides = array<i32>} : memref<128x128xi32, #tpu.memory_space<vmem>>, vector<16xi32>,
        %parallel_loop3A_2165 = vector.bitcast %parallel_loop3A_2164 : vector<16xi32> to vector<32xbf16>
        %parallel_loop3A_2166 = arith.mulf %parallel_loop3A_2165, %pack3A_1461 : vector<32xbf16>
        %parallel_loop3A_2167 = arith.index_cast %parallel_loop3A_2151 : i32 to index
        %parallel_loop3A_2168 = arith.constant 48 : index
        %parallel_loop3A_2169 = tpu.vector_load %arg15[%parallel_loop3A_2167, %parallel_loop3A_2168] {strides = array<i32>} : memref<128x128xi32, #tpu.memory_space<vmem>>, vector<16xi32>,
        %parallel_loop3A_2170 = vector.bitcast %parallel_loop3A_2169 : vector<16xi32> to vector<32xbf16>
        %parallel_loop3A_2171 = arith.mulf %parallel_loop3A_2170, %pack3A_1646 : vector<32xbf16>
        %parallel_loop3A_2172 = arith.addf %parallel_loop3A_2156, %parallel_loop3A_2161 : vector<32xbf16>
        %parallel_loop3A_2173 = arith.addf %parallel_loop3A_2166, %parallel_loop3A_2171 : vector<32xbf16>
        %parallel_loop3A_2174 = arith.addf %parallel_loop3A_2172, %parallel_loop3A_2173 : vector<32xbf16>
        %parallel_loop3A_2175 = tpu.unpack_subelements %parallel_loop3A_2174, 0 {pack_format = #tpu.pack_format<interleaved>} : vector<32xbf16> -> vector<16xf32>
        %parallel_loop3A_2176 = tpu.unpack_subelements %parallel_loop3A_2174, 1 {pack_format = #tpu.pack_format<interleaved>} : vector<32xbf16> -> vector<16xf32>
        %parallel_loop3A_2177 = arith.addf %parallel_loop3A_2175, %parallel_loop3A_2176 : vector<16xf32>
        %parallel_loop3A_2178 = arith.constant 13 : i32
        %parallel_loop3A_2179 = arith.addi %parallel_loop3A_1720, %parallel_loop3A_2178 : i32
        %parallel_loop3A_2180 = arith.index_cast %parallel_loop3A_2179 : i32 to index
        %parallel_loop3A_2181 = arith.constant 0 : index
        %parallel_loop3A_2182 = tpu.vector_load %arg19[%parallel_loop3A_2180, %parallel_loop3A_2181] {strides = array<i32>} : memref<128x17xf32, #tpu.memory_space<vmem>>, vector<16xf32>,
        tpu.vector_store %arg19[%parallel_loop3A_2180, %parallel_loop3A_2181], %parallel_loop3A_2177 {strides = array<i32>} : memref<128x17xf32, #tpu.memory_space<vmem>>, vector<16xf32>,
        %parallel_loop3A_2183 = arith.constant 14 : i32
        %parallel_loop3A_2184 = arith.addi %parallel_loop3A_1720, %parallel_loop3A_2183 : i32
        %parallel_loop3A_2185 = arith.index_cast %parallel_loop3A_2184 : i32 to index
        %parallel_loop3A_2186 = arith.constant 0 : index
        %parallel_loop3A_2187 = tpu.vector_load %arg15[%parallel_loop3A_2185, %parallel_loop3A_2186] {strides = array<i32>} : memref<128x128xi32, #tpu.memory_space<vmem>>, vector<16xi32>,
        %parallel_loop3A_2188 = vector.bitcast %parallel_loop3A_2187 : vector<16xi32> to vector<32xbf16>
        %parallel_loop3A_2189 = arith.mulf %parallel_loop3A_2188, %pack3A_1091 : vector<32xbf16>
        %parallel_loop3A_2190 = arith.index_cast %parallel_loop3A_2184 : i32 to index
        %parallel_loop3A_2191 = arith.constant 16 : index
        %parallel_loop3A_2192 = tpu.vector_load %arg15[%parallel_loop3A_2190, %parallel_loop3A_2191] {strides = array<i32>} : memref<128x128xi32, #tpu.memory_space<vmem>>, vector<16xi32>,
        %parallel_loop3A_2193 = vector.bitcast %parallel_loop3A_2192 : vector<16xi32> to vector<32xbf16>
        %parallel_loop3A_2194 = arith.mulf %parallel_loop3A_2193, %pack3A_1276 : vector<32xbf16>
        %parallel_loop3A_2195 = arith.index_cast %parallel_loop3A_2184 : i32 to index
        %parallel_loop3A_2196 = arith.constant 32 : index
        %parallel_loop3A_2197 = tpu.vector_load %arg15[%parallel_loop3A_2195, %parallel_loop3A_2196] {strides = array<i32>} : memref<128x128xi32, #tpu.memory_space<vmem>>, vector<16xi32>,
        %parallel_loop3A_2198 = vector.bitcast %parallel_loop3A_2197 : vector<16xi32> to vector<32xbf16>
        %parallel_loop3A_2199 = arith.mulf %parallel_loop3A_2198, %pack3A_1461 : vector<32xbf16>
        %parallel_loop3A_2200 = arith.index_cast %parallel_loop3A_2184 : i32 to index
        %parallel_loop3A_2201 = arith.constant 48 : index
        %parallel_loop3A_2202 = tpu.vector_load %arg15[%parallel_loop3A_2200, %parallel_loop3A_2201] {strides = array<i32>} : memref<128x128xi32, #tpu.memory_space<vmem>>, vector<16xi32>,
        %parallel_loop3A_2203 = vector.bitcast %parallel_loop3A_2202 : vector<16xi32> to vector<32xbf16>
        %parallel_loop3A_2204 = arith.mulf %parallel_loop3A_2203, %pack3A_1646 : vector<32xbf16>
        %parallel_loop3A_2205 = arith.addf %parallel_loop3A_2189, %parallel_loop3A_2194 : vector<32xbf16>
        %parallel_loop3A_2206 = arith.addf %parallel_loop3A_2199, %parallel_loop3A_2204 : vector<32xbf16>
        %parallel_loop3A_2207 = arith.addf %parallel_loop3A_2205, %parallel_loop3A_2206 : vector<32xbf16>
        %parallel_loop3A_2208 = tpu.unpack_subelements %parallel_loop3A_2207, 0 {pack_format = #tpu.pack_format<interleaved>} : vector<32xbf16> -> vector<16xf32>
        %parallel_loop3A_2209 = tpu.unpack_subelements %parallel_loop3A_2207, 1 {pack_format = #tpu.pack_format<interleaved>} : vector<32xbf16> -> vector<16xf32>
        %parallel_loop3A_2210 = arith.addf %parallel_loop3A_2208, %parallel_loop3A_2209 : vector<16xf32>
        %parallel_loop3A_2211 = arith.constant 14 : i32
        %parallel_loop3A_2212 = arith.addi %parallel_loop3A_1720, %parallel_loop3A_2211 : i32
        %parallel_loop3A_2213 = arith.index_cast %parallel_loop3A_2212 : i32 to index
        %parallel_loop3A_2214 = arith.constant 0 : index
        %parallel_loop3A_2215 = tpu.vector_load %arg19[%parallel_loop3A_2213, %parallel_loop3A_2214] {strides = array<i32>} : memref<128x17xf32, #tpu.memory_space<vmem>>, vector<16xf32>,
        tpu.vector_store %arg19[%parallel_loop3A_2213, %parallel_loop3A_2214], %parallel_loop3A_2210 {strides = array<i32>} : memref<128x17xf32, #tpu.memory_space<vmem>>, vector<16xf32>,
        %parallel_loop3A_2216 = arith.constant 15 : i32
        %parallel_loop3A_2217 = arith.addi %parallel_loop3A_1720, %parallel_loop3A_2216 : i32
        %parallel_loop3A_2218 = arith.index_cast %parallel_loop3A_2217 : i32 to index
        %parallel_loop3A_2219 = arith.constant 0 : index
        %parallel_loop3A_2220 = tpu.vector_load %arg15[%parallel_loop3A_2218, %parallel_loop3A_2219] {strides = array<i32>} : memref<128x128xi32, #tpu.memory_space<vmem>>, vector<16xi32>,
        %parallel_loop3A_2221 = vector.bitcast %parallel_loop3A_2220 : vector<16xi32> to vector<32xbf16>
        %parallel_loop3A_2222 = arith.mulf %parallel_loop3A_2221, %pack3A_1091 : vector<32xbf16>
        %parallel_loop3A_2223 = arith.index_cast %parallel_loop3A_2217 : i32 to index
        %parallel_loop3A_2224 = arith.constant 16 : index
        %parallel_loop3A_2225 = tpu.vector_load %arg15[%parallel_loop3A_2223, %parallel_loop3A_2224] {strides = array<i32>} : memref<128x128xi32, #tpu.memory_space<vmem>>, vector<16xi32>,
        %parallel_loop3A_2226 = vector.bitcast %parallel_loop3A_2225 : vector<16xi32> to vector<32xbf16>
        %parallel_loop3A_2227 = arith.mulf %parallel_loop3A_2226, %pack3A_1276 : vector<32xbf16>
        %parallel_loop3A_2228 = arith.index_cast %parallel_loop3A_2217 : i32 to index
        %parallel_loop3A_2229 = arith.constant 32 : index
        %parallel_loop3A_2230 = tpu.vector_load %arg15[%parallel_loop3A_2228, %parallel_loop3A_2229] {strides = array<i32>} : memref<128x128xi32, #tpu.memory_space<vmem>>, vector<16xi32>,
        %parallel_loop3A_2231 = vector.bitcast %parallel_loop3A_2230 : vector<16xi32> to vector<32xbf16>
        %parallel_loop3A_2232 = arith.mulf %parallel_loop3A_2231, %pack3A_1461 : vector<32xbf16>
        %parallel_loop3A_2233 = arith.index_cast %parallel_loop3A_2217 : i32 to index
        %parallel_loop3A_2234 = arith.constant 48 : index
        %parallel_loop3A_2235 = tpu.vector_load %arg15[%parallel_loop3A_2233, %parallel_loop3A_2234] {strides = array<i32>} : memref<128x128xi32, #tpu.memory_space<vmem>>, vector<16xi32>,
        %parallel_loop3A_2236 = vector.bitcast %parallel_loop3A_2235 : vector<16xi32> to vector<32xbf16>
        %parallel_loop3A_2237 = arith.mulf %parallel_loop3A_2236, %pack3A_1646 : vector<32xbf16>
        %parallel_loop3A_2238 = arith.addf %parallel_loop3A_2222, %parallel_loop3A_2227 : vector<32xbf16>
        %parallel_loop3A_2239 = arith.addf %parallel_loop3A_2232, %parallel_loop3A_2237 : vector<32xbf16>
        %parallel_loop3A_2240 = arith.addf %parallel_loop3A_2238, %parallel_loop3A_2239 : vector<32xbf16>
        %parallel_loop3A_2241 = tpu.unpack_subelements %parallel_loop3A_2240, 0 {pack_format = #tpu.pack_format<interleaved>} : vector<32xbf16> -> vector<16xf32>
        %parallel_loop3A_2242 = tpu.unpack_subelements %parallel_loop3A_2240, 1 {pack_format = #tpu.pack_format<interleaved>} : vector<32xbf16> -> vector<16xf32>
        %parallel_loop3A_2243 = arith.addf %parallel_loop3A_2241, %parallel_loop3A_2242 : vector<16xf32>
        %parallel_loop3A_2244 = arith.constant 15 : i32
        %parallel_loop3A_2245 = arith.addi %parallel_loop3A_1720, %parallel_loop3A_2244 : i32
        %parallel_loop3A_2246 = arith.index_cast %parallel_loop3A_2245 : i32 to index
        %parallel_loop3A_2247 = arith.constant 0 : index
        %parallel_loop3A_2248 = tpu.vector_load %arg19[%parallel_loop3A_2246, %parallel_loop3A_2247] {strides = array<i32>} : memref<128x17xf32, #tpu.memory_space<vmem>>, vector<16xf32>,
        tpu.vector_store %arg19[%parallel_loop3A_2246, %parallel_loop3A_2247], %parallel_loop3A_2243 {strides = array<i32>} : memref<128x17xf32, #tpu.memory_space<vmem>>, vector<16xf32>,
        %parallel_loop3A_2249 = vector.broadcast %parallel_loop3A_1720 : i32 to vector<16xi32>
        %parallel_loop3A_2250 = arith.addi %parallel_loop3A_2249, %iota3A : vector<16xi32>
        %parallel_loop3A_2251 = arith.constant 0 : i32
        %parallel_loop3A_2252 = vector.broadcast %parallel_loop3A_2251 : i32 to vector<16xi32>
        %parallel_loop3A_2253 = tpu.vector_load_idx %arg19[%parallel_loop3A_2250, %parallel_loop3A_2252] : memref<128x17xf32, #tpu.memory_space<vmem>>[vector<16xi32>, vector<16xi32>], vector<16xf32>,
        %parallel_loop3A_2254 = arith.constant 1 : i32
        %parallel_loop3A_2255 = vector.broadcast %parallel_loop3A_2254 : i32 to vector<16xi32>
        %parallel_loop3A_2256 = tpu.vector_load_idx %arg19[%parallel_loop3A_2250, %parallel_loop3A_2255] : memref<128x17xf32, #tpu.memory_space<vmem>>[vector<16xi32>, vector<16xi32>], vector<16xf32>,
        %parallel_loop3A_2257 = arith.constant 2 : i32
        %parallel_loop3A_2258 = vector.broadcast %parallel_loop3A_2257 : i32 to vector<16xi32>
        %parallel_loop3A_2259 = tpu.vector_load_idx %arg19[%parallel_loop3A_2250, %parallel_loop3A_2258] : memref<128x17xf32, #tpu.memory_space<vmem>>[vector<16xi32>, vector<16xi32>], vector<16xf32>,
        %parallel_loop3A_2260 = arith.constant 3 : i32
        %parallel_loop3A_2261 = vector.broadcast %parallel_loop3A_2260 : i32 to vector<16xi32>
        %parallel_loop3A_2262 = tpu.vector_load_idx %arg19[%parallel_loop3A_2250, %parallel_loop3A_2261] : memref<128x17xf32, #tpu.memory_space<vmem>>[vector<16xi32>, vector<16xi32>], vector<16xf32>,
        %parallel_loop3A_2263 = arith.constant 4 : i32
        %parallel_loop3A_2264 = vector.broadcast %parallel_loop3A_2263 : i32 to vector<16xi32>
        %parallel_loop3A_2265 = tpu.vector_load_idx %arg19[%parallel_loop3A_2250, %parallel_loop3A_2264] : memref<128x17xf32, #tpu.memory_space<vmem>>[vector<16xi32>, vector<16xi32>], vector<16xf32>,
        %parallel_loop3A_2266 = arith.constant 5 : i32
        %parallel_loop3A_2267 = vector.broadcast %parallel_loop3A_2266 : i32 to vector<16xi32>
        %parallel_loop3A_2268 = tpu.vector_load_idx %arg19[%parallel_loop3A_2250, %parallel_loop3A_2267] : memref<128x17xf32, #tpu.memory_space<vmem>>[vector<16xi32>, vector<16xi32>], vector<16xf32>,
        %parallel_loop3A_2269 = arith.constant 6 : i32
        %parallel_loop3A_2270 = vector.broadcast %parallel_loop3A_2269 : i32 to vector<16xi32>
        %parallel_loop3A_2271 = tpu.vector_load_idx %arg19[%parallel_loop3A_2250, %parallel_loop3A_2270] : memref<128x17xf32, #tpu.memory_space<vmem>>[vector<16xi32>, vector<16xi32>], vector<16xf32>,
        %parallel_loop3A_2272 = arith.constant 7 : i32
        %parallel_loop3A_2273 = vector.broadcast %parallel_loop3A_2272 : i32 to vector<16xi32>
        %parallel_loop3A_2274 = tpu.vector_load_idx %arg19[%parallel_loop3A_2250, %parallel_loop3A_2273] : memref<128x17xf32, #tpu.memory_space<vmem>>[vector<16xi32>, vector<16xi32>], vector<16xf32>,
        %parallel_loop3A_2275 = arith.constant 8 : i32
        %parallel_loop3A_2276 = vector.broadcast %parallel_loop3A_2275 : i32 to vector<16xi32>
        %parallel_loop3A_2277 = tpu.vector_load_idx %arg19[%parallel_loop3A_2250, %parallel_loop3A_2276] : memref<128x17xf32, #tpu.memory_space<vmem>>[vector<16xi32>, vector<16xi32>], vector<16xf32>,
        %parallel_loop3A_2278 = arith.constant 9 : i32
        %parallel_loop3A_2279 = vector.broadcast %parallel_loop3A_2278 : i32 to vector<16xi32>
        %parallel_loop3A_2280 = tpu.vector_load_idx %arg19[%parallel_loop3A_2250, %parallel_loop3A_2279] : memref<128x17xf32, #tpu.memory_space<vmem>>[vector<16xi32>, vector<16xi32>], vector<16xf32>,
        %parallel_loop3A_2281 = arith.constant 10 : i32
        %parallel_loop3A_2282 = vector.broadcast %parallel_loop3A_2281 : i32 to vector<16xi32>
        %parallel_loop3A_2283 = tpu.vector_load_idx %arg19[%parallel_loop3A_2250, %parallel_loop3A_2282] : memref<128x17xf32, #tpu.memory_space<vmem>>[vector<16xi32>, vector<16xi32>], vector<16xf32>,
        %parallel_loop3A_2284 = arith.constant 11 : i32
        %parallel_loop3A_2285 = vector.broadcast %parallel_loop3A_2284 : i32 to vector<16xi32>
        %parallel_loop3A_2286 = tpu.vector_load_idx %arg19[%parallel_loop3A_2250, %parallel_loop3A_2285] : memref<128x17xf32, #tpu.memory_space<vmem>>[vector<16xi32>, vector<16xi32>], vector<16xf32>,
        %parallel_loop3A_2287 = arith.constant 12 : i32
        %parallel_loop3A_2288 = vector.broadcast %parallel_loop3A_2287 : i32 to vector<16xi32>
        %parallel_loop3A_2289 = tpu.vector_load_idx %arg19[%parallel_loop3A_2250, %parallel_loop3A_2288] : memref<128x17xf32, #tpu.memory_space<vmem>>[vector<16xi32>, vector<16xi32>], vector<16xf32>,
        %parallel_loop3A_2290 = arith.constant 13 : i32
        %parallel_loop3A_2291 = vector.broadcast %parallel_loop3A_2290 : i32 to vector<16xi32>
        %parallel_loop3A_2292 = tpu.vector_load_idx %arg19[%parallel_loop3A_2250, %parallel_loop3A_2291] : memref<128x17xf32, #tpu.memory_space<vmem>>[vector<16xi32>, vector<16xi32>], vector<16xf32>,
        %parallel_loop3A_2293 = arith.constant 14 : i32
        %parallel_loop3A_2294 = vector.broadcast %parallel_loop3A_2293 : i32 to vector<16xi32>
        %parallel_loop3A_2295 = tpu.vector_load_idx %arg19[%parallel_loop3A_2250, %parallel_loop3A_2294] : memref<128x17xf32, #tpu.memory_space<vmem>>[vector<16xi32>, vector<16xi32>], vector<16xf32>,
        %parallel_loop3A_2296 = arith.constant 15 : i32
        %parallel_loop3A_2297 = vector.broadcast %parallel_loop3A_2296 : i32 to vector<16xi32>
        %parallel_loop3A_2298 = tpu.vector_load_idx %arg19[%parallel_loop3A_2250, %parallel_loop3A_2297] : memref<128x17xf32, #tpu.memory_space<vmem>>[vector<16xi32>, vector<16xi32>], vector<16xf32>,
        %parallel_loop3A_2299 = arith.addf %parallel_loop3A_2253, %parallel_loop3A_2256 : vector<16xf32>
        %parallel_loop3A_2300 = arith.addf %parallel_loop3A_2259, %parallel_loop3A_2262 : vector<16xf32>
        %parallel_loop3A_2301 = arith.addf %parallel_loop3A_2265, %parallel_loop3A_2268 : vector<16xf32>
        %parallel_loop3A_2302 = arith.addf %parallel_loop3A_2271, %parallel_loop3A_2274 : vector<16xf32>
        %parallel_loop3A_2303 = arith.addf %parallel_loop3A_2277, %parallel_loop3A_2280 : vector<16xf32>
        %parallel_loop3A_2304 = arith.addf %parallel_loop3A_2283, %parallel_loop3A_2286 : vector<16xf32>
        %parallel_loop3A_2305 = arith.addf %parallel_loop3A_2289, %parallel_loop3A_2292 : vector<16xf32>
        %parallel_loop3A_2306 = arith.addf %parallel_loop3A_2295, %parallel_loop3A_2298 : vector<16xf32>
        %parallel_loop3A_2307 = arith.addf %parallel_loop3A_2299, %parallel_loop3A_2300 : vector<16xf32>
        %parallel_loop3A_2308 = arith.addf %parallel_loop3A_2301, %parallel_loop3A_2302 : vector<16xf32>
        %parallel_loop3A_2309 = arith.addf %parallel_loop3A_2303, %parallel_loop3A_2304 : vector<16xf32>
        %parallel_loop3A_2310 = arith.addf %parallel_loop3A_2305, %parallel_loop3A_2306 : vector<16xf32>
        %parallel_loop3A_2311 = arith.addf %parallel_loop3A_2307, %parallel_loop3A_2308 : vector<16xf32>
        %parallel_loop3A_2312 = arith.addf %parallel_loop3A_2309, %parallel_loop3A_2310 : vector<16xf32>
        %parallel_loop3A_2313 = arith.addf %parallel_loop3A_2311, %parallel_loop3A_2312 : vector<16xf32>
        %parallel_loop3A_2314 = arith.index_cast %parallel_loop3A_1720 : i32 to index
        %parallel_loop3A_2315 = tpu.vector_load %arg18[%parallel_loop3A_2314] {strides = array<i32>} : memref<128xf32, #tpu.memory_space<vmem>>, vector<16xf32>,
        tpu.vector_store %arg18[%parallel_loop3A_2314], %parallel_loop3A_2313 {strides = array<i32>} : memref<128xf32, #tpu.memory_space<vmem>>, vector<16xf32>,
      } {sc.loop_unroll_factor = 1 : i64, sc.parallel_access}
      %add3A_1701 = arith.addi %mul3A_2, %add3A_899 : i32
      %dma_start3A_1702 = arith.constant 0 : i32
      %dma_start3A_1703 = tpu.memref_slice %arg7[%add3A_1701, %dma_start3A_1702] : memref<4096x128xf32, #tpu.memory_space<hbm>> -> memref<1x128xf32, #tpu.memory_space<hbm>>
      %dma_start3A_1704 = tpu.memref_squeeze %dma_start3A_1703 : memref<1x128xf32, #tpu.memory_space<hbm>> -> memref<128xf32, #tpu.memory_space<hbm>>
      %dma_start3A_1705 = arith.constant 0 : i32
      %dma_start3A_1706 = tpu.memref_slice %arg7[%add3A_1701, %dma_start3A_1705] : memref<4096x128xf32, #tpu.memory_space<hbm>> -> memref<1x128xf32, #tpu.memory_space<hbm>>
      %dma_start3A_1707 = tpu.memref_squeeze %dma_start3A_1706 : memref<1x128xf32, #tpu.memory_space<hbm>> -> memref<128xf32, #tpu.memory_space<hbm>>
      tpu.enqueue_dma source(%arg18 : memref<128xf32, #tpu.memory_space<vmem>>) target(%dma_start3A_1707 : memref<128xf32, #tpu.memory_space<hbm>>) target_semaphore(%arg26 : memref<!tpu.dma_semaphore, #tpu.memory_space<semaphore_mem>>)
      %add3A_1708 = arith.constant 2 : i32
      %add3A_1709 = arith.addi %add3A_899, %add3A_1708 : i32
      %min3A_1710 = arith.constant 127 : i32
      %min3A_1711 = arith.minsi %add3A_1709, %min3A_1710 : i32
      %dma_start3A_1712 = arith.constant 0 : i32
      %dma_start3A_1713 = tpu.memref_slice %arg10[%min3A_1711, %dma_start3A_1712] : memref<128x128xi32, #tpu.memory_space<vmem>> -> memref<1x128xi32, #tpu.memory_space<vmem>>
      %dma_start3A_1714 = tpu.memref_squeeze %dma_start3A_1713 : memref<1x128xi32, #tpu.memory_space<vmem>> -> memref<128xi32, #tpu.memory_space<vmem>>
      %dma_start3A_1715 = arith.constant 0 : i32
      %dma_start3A_1716 = arith.constant 0 : i32
      %dma_start3A_1717 = tpu.memref_slice %arg5[%dma_start3A_1715, %dma_start3A_1716] : memref<100001x128xi32, #tpu.memory_space<hbm>> -> memref<100001x128xi32, #tpu.memory_space<hbm>>
      tpu.enqueue_indirect_dma source(%dma_start3A_1717 : memref<100001x128xi32, #tpu.memory_space<hbm>>) target(%arg15 : memref<128x128xi32, #tpu.memory_space<vmem>>) offsets(%dma_start3A_1714 : memref<128xi32, #tpu.memory_space<vmem>>) semaphore(%arg24 : memref<!tpu.dma_semaphore, #tpu.memory_space<semaphore_mem>>)
    }
    %scan3A_46 = arith.constant 64 : i32
    %dma_wait3A_47 = arith.constant 0 : i32
    %dma_wait3A_48 = arith.constant 0 : i32
    %dma_wait3A_49 = tpu.memref_slice %arg8[%dma_wait3A_47, %dma_wait3A_48] : memref<128x20xi32, #tpu.memory_space<vmem>> -> memref<1x20xi32, #tpu.memory_space<vmem>>
    %dma_wait3A_50 = tpu.memref_squeeze %dma_wait3A_49 : memref<1x20xi32, #tpu.memory_space<vmem>> -> memref<20xi32, #tpu.memory_space<vmem>>
    %dma_wait3A_51 = arith.constant 0 : i32
    %dma_wait3A_52 = arith.constant 0 : i32
    %dma_wait3A_53 = tpu.memref_slice %arg5[%dma_wait3A_51, %dma_wait3A_52] : memref<100001x128xi32, #tpu.memory_space<hbm>> -> memref<100001x128xi32, #tpu.memory_space<hbm>>
    tpu.wait_indirect_dma semaphore(%arg21 : memref<!tpu.dma_semaphore, #tpu.memory_space<semaphore_mem>>) src(%dma_wait3A_53 : memref<100001x128xi32, #tpu.memory_space<hbm>>) dst(%arg12 : memref<20x128xi32, #tpu.memory_space<vmem>>)
    %dma_wait3A_54 = arith.constant 0 : i32
    %dma_wait3A_55 = arith.constant 0 : i32
    %dma_wait3A_56 = tpu.memref_slice %arg10[%dma_wait3A_54, %dma_wait3A_55] : memref<128x128xi32, #tpu.memory_space<vmem>> -> memref<1x128xi32, #tpu.memory_space<vmem>>
    %dma_wait3A_57 = tpu.memref_squeeze %dma_wait3A_56 : memref<1x128xi32, #tpu.memory_space<vmem>> -> memref<128xi32, #tpu.memory_space<vmem>>
    %dma_wait3A_58 = arith.constant 0 : i32
    %dma_wait3A_59 = arith.constant 0 : i32
    %dma_wait3A_60 = tpu.memref_slice %arg5[%dma_wait3A_58, %dma_wait3A_59] : memref<100001x128xi32, #tpu.memory_space<hbm>> -> memref<100001x128xi32, #tpu.memory_space<hbm>>
    tpu.wait_indirect_dma semaphore(%arg23 : memref<!tpu.dma_semaphore, #tpu.memory_space<semaphore_mem>>) src(%dma_wait3A_60 : memref<100001x128xi32, #tpu.memory_space<hbm>>) dst(%arg14 : memref<128x128xi32, #tpu.memory_space<vmem>>)
    %dma_wait3A_61 = arith.constant 0 : i32
    %dma_wait3A_62 = arith.constant 0 : i32
    %dma_wait3A_63 = tpu.memref_slice %arg8[%dma_wait3A_61, %dma_wait3A_62] : memref<128x20xi32, #tpu.memory_space<vmem>> -> memref<1x20xi32, #tpu.memory_space<vmem>>
    %dma_wait3A_64 = tpu.memref_squeeze %dma_wait3A_63 : memref<1x20xi32, #tpu.memory_space<vmem>> -> memref<20xi32, #tpu.memory_space<vmem>>
    %dma_wait3A_65 = arith.constant 0 : i32
    %dma_wait3A_66 = arith.constant 0 : i32
    %dma_wait3A_67 = tpu.memref_slice %arg5[%dma_wait3A_65, %dma_wait3A_66] : memref<100001x128xi32, #tpu.memory_space<hbm>> -> memref<100001x128xi32, #tpu.memory_space<hbm>>
    tpu.wait_indirect_dma semaphore(%arg22 : memref<!tpu.dma_semaphore, #tpu.memory_space<semaphore_mem>>) src(%dma_wait3A_67 : memref<100001x128xi32, #tpu.memory_space<hbm>>) dst(%arg13 : memref<20x128xi32, #tpu.memory_space<vmem>>)
    %dma_wait3A_68 = arith.constant 0 : i32
    %dma_wait3A_69 = arith.constant 0 : i32
    %dma_wait3A_70 = tpu.memref_slice %arg10[%dma_wait3A_68, %dma_wait3A_69] : memref<128x128xi32, #tpu.memory_space<vmem>> -> memref<1x128xi32, #tpu.memory_space<vmem>>
    %dma_wait3A_71 = tpu.memref_squeeze %dma_wait3A_70 : memref<1x128xi32, #tpu.memory_space<vmem>> -> memref<128xi32, #tpu.memory_space<vmem>>
    %dma_wait3A_72 = arith.constant 0 : i32
    %dma_wait3A_73 = arith.constant 0 : i32
    %dma_wait3A_74 = tpu.memref_slice %arg5[%dma_wait3A_72, %dma_wait3A_73] : memref<100001x128xi32, #tpu.memory_space<hbm>> -> memref<100001x128xi32, #tpu.memory_space<hbm>>
    tpu.wait_indirect_dma semaphore(%arg24 : memref<!tpu.dma_semaphore, #tpu.memory_space<semaphore_mem>>) src(%dma_wait3A_74 : memref<100001x128xi32, #tpu.memory_space<hbm>>) dst(%arg15 : memref<128x128xi32, #tpu.memory_space<vmem>>)
    %dma_wait3A_75 = arith.constant 0 : i32
    %dma_wait3A_76 = tpu.memref_slice %arg7[%mul3A_2, %dma_wait3A_75] : memref<4096x128xf32, #tpu.memory_space<hbm>> -> memref<1x128xf32, #tpu.memory_space<hbm>>
    %dma_wait3A_77 = tpu.memref_squeeze %dma_wait3A_76 : memref<1x128xf32, #tpu.memory_space<hbm>> -> memref<128xf32, #tpu.memory_space<hbm>>
    %dma_wait3A_78 = arith.constant 0 : i32
    %dma_wait3A_79 = tpu.memref_slice %arg7[%mul3A_2, %dma_wait3A_78] : memref<4096x128xf32, #tpu.memory_space<hbm>> -> memref<1x128xf32, #tpu.memory_space<hbm>>
    %dma_wait3A_80 = tpu.memref_squeeze %dma_wait3A_79 : memref<1x128xf32, #tpu.memory_space<hbm>> -> memref<128xf32, #tpu.memory_space<hbm>>
    tpu.wait_dma2 semaphore(%arg25 : memref<!tpu.dma_semaphore, #tpu.memory_space<semaphore_mem>>) src(%arg17 : memref<128xf32, #tpu.memory_space<vmem>>) dst(%dma_wait3A_80 : memref<128xf32, #tpu.memory_space<hbm>>)
    %dma_wait3A_81 = arith.constant 0 : i32
    %dma_wait3A_82 = tpu.memref_slice %arg7[%mul3A_2, %dma_wait3A_81] : memref<4096x128xf32, #tpu.memory_space<hbm>> -> memref<1x128xf32, #tpu.memory_space<hbm>>
    %dma_wait3A_83 = tpu.memref_squeeze %dma_wait3A_82 : memref<1x128xf32, #tpu.memory_space<hbm>> -> memref<128xf32, #tpu.memory_space<hbm>>
    %dma_wait3A_84 = arith.constant 0 : i32
    %dma_wait3A_85 = tpu.memref_slice %arg7[%mul3A_2, %dma_wait3A_84] : memref<4096x128xf32, #tpu.memory_space<hbm>> -> memref<1x128xf32, #tpu.memory_space<hbm>>
    %dma_wait3A_86 = tpu.memref_squeeze %dma_wait3A_85 : memref<1x128xf32, #tpu.memory_space<hbm>> -> memref<128xf32, #tpu.memory_space<hbm>>
    tpu.wait_dma2 semaphore(%arg26 : memref<!tpu.dma_semaphore, #tpu.memory_space<semaphore_mem>>) src(%arg18 : memref<128xf32, #tpu.memory_space<vmem>>) dst(%dma_wait3A_86 : memref<128xf32, #tpu.memory_space<hbm>>)
    "tpu.region"() ({
      %run_scoped3A = tpu.sem_alloc : memref<!tpu.dma_semaphore, #tpu.memory_space<semaphore_mem>>
      %dma_start3A_87 = arith.constant 0 : i32
      %dma_start3A_88 = tpu.memref_slice %arg6[%mul3A_2, %dma_start3A_87] : memref<4096x16xf32, #tpu.memory_space<hbm>> -> memref<128x16xf32, #tpu.memory_space<hbm>>
      %dma_start3A_89 = arith.constant 0 : i32
      %dma_start3A_90 = tpu.memref_slice %arg6[%mul3A_2, %dma_start3A_89] : memref<4096x16xf32, #tpu.memory_space<hbm>> -> memref<128x16xf32, #tpu.memory_space<hbm>>
      tpu.enqueue_dma source(%arg16 : memref<128x16xf32, #tpu.memory_space<vmem>>) target(%dma_start3A_90 : memref<128x16xf32, #tpu.memory_space<hbm>>) target_semaphore(%run_scoped3A : memref<!tpu.dma_semaphore, #tpu.memory_space<semaphore_mem>>)
      %dma_wait3A_91 = arith.constant 0 : i32
      %dma_wait3A_92 = tpu.memref_slice %arg6[%mul3A_2, %dma_wait3A_91] : memref<4096x16xf32, #tpu.memory_space<hbm>> -> memref<128x16xf32, #tpu.memory_space<hbm>>
      %dma_wait3A_93 = arith.constant 0 : i32
      %dma_wait3A_94 = tpu.memref_slice %arg6[%mul3A_2, %dma_wait3A_93] : memref<4096x16xf32, #tpu.memory_space<hbm>> -> memref<128x16xf32, #tpu.memory_space<hbm>>
      tpu.wait_dma2 semaphore(%run_scoped3A : memref<!tpu.dma_semaphore, #tpu.memory_space<semaphore_mem>>) src(%arg16 : memref<128x16xf32, #tpu.memory_space<vmem>>) dst(%dma_wait3A_94 : memref<128x16xf32, #tpu.memory_space<hbm>>)
      tpu.yield
    }) : () -> ()
    return
  }
}

module attributes {stable_mosaic.version = 14 : i64} {
  func.func @body(%arg0: memref<4096x16xf32, #tpu.memory_space<vmem>>, %arg1: memref<4096x128xf32, #tpu.memory_space<vmem>>, %arg2: memref<1x1xf32, #tpu.memory_space<smem>>) attributes {dimension_semantics = [], scalar_prefetch = 0 : i64, scratch_operands = 0 : i64, tpu.core_type = #tpu.core_type<tc>} {
    %get3A = arith.constant 0 : index
    %get3A_0 = arith.constant 0 : index
    %get3A_1 = vector.load %arg0[%get3A, %get3A_0] : memref<4096x16xf32, #tpu.memory_space<vmem>>, vector<4096x16xf32>
    %reduce_sum3A = arith.constant dense<0.000000e+00> : vector<4096xf32>
    %reduce_sum3A_2 = vector.multi_reduction <add>, %get3A_1, %reduce_sum3A [1] : vector<4096x16xf32> to vector<4096xf32>
    %min3A = arith.constant 0.000000e+00 : f32
    %min3A_3 = vector.broadcast %min3A : f32 to vector<4096xf32>
    %min3A_4 = arith.minimumf %reduce_sum3A_2, %min3A_3 : vector<4096xf32>
    %abs3A = math.absf %reduce_sum3A_2 : vector<4096xf32>
    %neg3A = arith.constant 0.000000e+00 : f32
    %neg3A_5 = vector.broadcast %neg3A : f32 to vector<4096xf32>
    %neg3A_6 = arith.subf %neg3A_5, %abs3A : vector<4096xf32>
    %exp3A = math.exp %neg3A_6 : vector<4096xf32>
    %add3A = arith.constant 1.000000e+00 : f32
    %add3A_7 = vector.broadcast %add3A : f32 to vector<4096xf32>
    %add3A_8 = arith.addf %add3A_7, %exp3A : vector<4096xf32>
    %log3A = math.log %add3A_8 : vector<4096xf32>
    %sub3A = arith.subf %min3A_4, %log3A : vector<4096xf32>
    %reduce_sum3A_9 = vector.shape_cast %sub3A : vector<4096xf32> to vector<1x4096xf32>
    %reduce_sum3A_10 = arith.constant dense<0.000000e+00> : vector<1xf32>
    %reduce_sum3A_11 = vector.multi_reduction <add>, %reduce_sum3A_9, %reduce_sum3A_10 [1] : vector<1x4096xf32> to vector<1xf32>
    %reduce_sum3A_12 = vector.shape_cast %reduce_sum3A_11 : vector<1xf32> to vector<1x1xf32>
    %reduce_sum3A_13 = vector.extract %reduce_sum3A_12[0, 0] : f32 from vector<1x1xf32>
    %get3A_14 = arith.constant 0 : index
    %get3A_15 = arith.constant 0 : index
    %get3A_16 = vector.load %arg1[%get3A_14, %get3A_15] : memref<4096x128xf32, #tpu.memory_space<vmem>>, vector<4096x128xf32>
    %neg3A_17 = arith.constant 0.000000e+00 : f32
    %neg3A_18 = vector.broadcast %neg3A_17 : f32 to vector<4096x128xf32>
    %neg3A_19 = arith.subf %neg3A_18, %get3A_16 : vector<4096x128xf32>
    %min3A_20 = arith.constant 0.000000e+00 : f32
    %min3A_21 = vector.broadcast %min3A_20 : f32 to vector<4096x128xf32>
    %min3A_22 = arith.minimumf %neg3A_19, %min3A_21 : vector<4096x128xf32>
    %abs3A_23 = math.absf %neg3A_19 : vector<4096x128xf32>
    %neg3A_24 = arith.constant 0.000000e+00 : f32
    %neg3A_25 = vector.broadcast %neg3A_24 : f32 to vector<4096x128xf32>
    %neg3A_26 = arith.subf %neg3A_25, %abs3A_23 : vector<4096x128xf32>
    %exp3A_27 = math.exp %neg3A_26 : vector<4096x128xf32>
    %add3A_28 = arith.constant 1.000000e+00 : f32
    %add3A_29 = vector.broadcast %add3A_28 : f32 to vector<4096x128xf32>
    %add3A_30 = arith.addf %add3A_29, %exp3A_27 : vector<4096x128xf32>
    %log3A_31 = math.log %add3A_30 : vector<4096x128xf32>
    %sub3A_32 = arith.subf %min3A_22, %log3A_31 : vector<4096x128xf32>
    %reduce_sum3A_33 = vector.shape_cast %sub3A_32 : vector<4096x128xf32> to vector<1x4096x128xf32>
    %reduce_sum3A_34 = arith.constant dense<0.000000e+00> : vector<1xf32>
    %reduce_sum3A_35 = vector.multi_reduction <add>, %reduce_sum3A_33, %reduce_sum3A_34 [1, 2] : vector<1x4096x128xf32> to vector<1xf32>
    %reduce_sum3A_36 = vector.shape_cast %reduce_sum3A_35 : vector<1xf32> to vector<1x1x1xf32>
    %reduce_sum3A_37 = vector.extract %reduce_sum3A_36[0, 0, 0] : f32 from vector<1x1x1xf32>
    %add3A_38 = arith.addf %reduce_sum3A_13, %reduce_sum3A_37 : f32
    %neg3A_39 = arith.constant 0.000000e+00 : f32
    %neg3A_40 = arith.subf %neg3A_39, %add3A_38 : f32
    %swap3A = arith.constant 0 : index
    %swap3A_41 = arith.constant 0 : index
    %swap3A_42 = memref.load %arg2[%swap3A, %swap3A_41] : memref<1x1xf32, #tpu.memory_space<smem>>
    memref.store %neg3A_40, %arg2[%swap3A, %swap3A_41] : memref<1x1xf32, #tpu.memory_space<smem>>
    return
  }
}

</mosaic_0001>

<sc_bundles>
// kernel: kernel.4.cloned.1.call-start
scs
__scs_entry_jumppad:
0x0: {  	(pc) =	sbr.rel $0x88, $3  }
0x1: {  	(tag) =	ssettag $0x0;
	lr =	simm.s32 $0x1  }
0x2: {  	[smem:$0x3F9D] =	sst lr;
	_ =	strace $0xD0000000  }
0x3: {  	_ = 	snop  }
0x4: {  	_ = 	snop  }
0x5: {  	_ = 	snop  }
0x6: {  	_ = 	snop  }
0x7: {  	_ = 	snop  }
__scs_overlays_trampoline_lowered:
0x8: {  	[smem:$0x3FAC] =	sst s0  }
0x9: {  	[smem:$0x3FAD] =	sst s1  }
0xa: {  	[smem:$0x3FAE] =	sst s2  }
0xb: {  	[smem:$0x3FAF] =	sst s3  }
0xc: {  	[smem:$0x3FB0] =	sst s4  }
0xd: {  	[smem:$0x3FB1] =	sst s5  }
0xe: {  	[smem:$0x3FB2] =	sst s6  }
0xf: {  	[smem:$0x3FB3] =	sst s7  }
0x10: {  	[smem:$0x3FB4] =	sst s8  }
0x11: {  	[smem:$0x3FB5] =	sst s9;
	s0 =	simm.s32 @!p0 $0x0  }
0x12: {  	s1 =	sld [smem:$0x3F9B];
	s0 =	simm.s32 @p0 $0x1  }
0x13: {  	[smem:$0x3FB6] =	sst s0;
	s0 =	simm.s32 @!p1 $0x0  }
0x14: {  	s2 =	sld [smem:$0x3F9A];
	s0 =	simm.s32 @p1 $0x1  }
0x15: {  	[smem:$0x3FB7] =	sst s0;
	s0 =	simm.s32 @!p2 $0x0  }
0x16: {  	s3 =	sld [smem:$0x3FDB];
	s0 =	simm.s32 @p2 $0x1  }
0x17: {  	s4 =	simm.s32 $0x1BF5;
	[smem:$0x3FB9] =	sst s0  }
0x18: {  	s0 =	sld [smem:$0x3F9C];
	_ =	swait.ge [sflag:s4], $0x0  }
0x19: {  	s7 =	sld [smem:$0x3F9D]  }
0x1a: {  	s8 =	sadd.s32 $0xFFFFE003, lr  }
0x1b: {  	s9 =	sadd.s32 $0xFFFFFEF7, lr;
	s5 =	simm.s32 $0xFFFFFFFF;
	p2 =	slt.u32 s8, $0xFFFFF086  }
0x1c: {  	p1 =	slt.u32 s9, $0xF7A;
	s5 =	simm.s32 @!p2 $0x0  }
0x1d: {  	s5 =	simm.s32 @p1 $0x1;
	p0 =	seq.s32 s7, s2  }
0x1e: {  	s7 =	smul.u32 @!p0 $0xF7A, s2;
	p2 =	seq.s32 @!p0 s5, $0x0  }
0x1f: {  	s9 =	smul.u32 $0xF7A, s1;
	s8 =	simm.s32 @!p0 $0x1BF5;
	p2 =	por !p2, p0  }
0x20: {  	[sflag:s8] =	ssyncset.s32 @!p0 $0xFFFFF086;
	s6 =	sadd.s32 @!p0 s3, s7;
	s7 =	simm.s32 @!p0 $0x108  }
0x21: {  	s3 =	sadd.s32 s3, s9;
	s6 =	sadd.s32 @!p0 $0x88, s6;
	s7 =	simm.s32 @p2 $0x1082  }
0x22: {  	[simem:s7], [sflag:s8] =	dma.local @!p0 [hbm:s6], $0xF7A  }
0x23: {  	s9 =	sor.u32 $0xD0000000, s2;
	s6 =	simm.s32 $0x108;
	_ =	swait.ge @!p0 [sflag:s8], $0x0  }
0x24: {  	s3 =	sadd.s32 $0x88, s3;
	s6 =	simm.s32 @!p1 $0x1082;
	[sflag:s4] =	ssyncset.s32 $0xFFFFF086  }
0x25: {  	[simem:s6], [sflag:s4] =	dma.local [hbm:s3], $0xF7A  }
0x26: {  	[smem:$0x3F9D] =	sst s1;
	(tag) =	ssettag s2;
	_ =	strace s9  }
0x27: {  	s1 =	sld [smem:$0x3FAD]  }
0x28: {  	s2 =	sld [smem:$0x3FAE]  }
0x29: {  	s4 =	sld [smem:$0x3FB0]  }
0x2a: {  	p0 =	seq.s32 s5, $0x0;
	s5 =	sld [smem:$0x3FB1]  }
0x2b: {  	s6 =	sld [smem:$0x3FB2]  }
0x2c: {  	s7 =	sld [smem:$0x3FB3]  }
0x2d: {  	s3 =	simm.s32 $0x108;
	s8 =	sld [smem:$0x3FB4]  }
0x2e: {  	s3 =	simm.s32 @!p0 $0x1082;
	s9 =	sld [smem:$0x3FB5]  }
0x2f: {  	lr =	sadd.s32 s0, s3;
	s0 =	sld [smem:$0x3FAC]  }
0x30: {  	s3 =	sld [smem:$0x3FAF]  }
0x31: {  	[smem:$0x3FB8] =	sst s10  }
0x32: {  	s10 =	sld [smem:$0x3FB6];
	_ =	sdelay $0x3  }
0x33: {  	p0 =	seq.s32 s10, $0x1;
	s10 =	sld [smem:$0x3FB8];
	_ =	sdelay $0x3  }
0x34: {  	[smem:$0x3FB8] =	sst s10  }
0x35: {  	s10 =	sld [smem:$0x3FB7];
	_ =	sdelay $0x3  }
0x36: {  	p1 =	seq.s32 s10, $0x1;
	s10 =	sld [smem:$0x3FB8];
	_ =	sdelay $0x3  }
0x37: {  	[smem:$0x3FB8] =	sst s10  }
0x38: {  	s10 =	sld [smem:$0x3FB9]  }
0x39: {  	_ = 	snop;
	(pc) =	sbr.ind lr, $3  }
0x3a: {  	_ = 	snop  }
0x3b: {  	_ = 	snop  }
0x3c: {  	p2 =	seq.s32 s10, $0x1;
	s10 =	sld [smem:$0x3FB8]  }
0x3d: {  	_ =	shalt  }
0x3e: {  	_ =	shalt  }
0x3f: {  	_ =	shalt  }
0x40: {  	_ =	shalt  }
0x41: {  	_ =	shalt  }
0x42: {  	_ =	shalt  }
0x43: {  	_ =	shalt  }
0x44: {  	_ =	shalt  }
0x45: {  	_ =	shalt  }
0x46: {  	_ =	shalt  }
0x47: {  	_ =	shalt  }
0x48: {  	_ =	shalt  }
0x49: {  	_ =	shalt  }
0x4a: {  	_ =	shalt  }
0x4b: {  	_ =	shalt  }
0x4c: {  	_ =	shalt  }
0x4d: {  	_ =	shalt  }
0x4e: {  	_ =	shalt  }
0x4f: {  	_ =	shalt  }
0x50: {  	_ =	shalt  }
0x51: {  	_ =	shalt  }
0x52: {  	_ =	shalt  }
0x53: {  	_ =	shalt  }
0x54: {  	_ =	shalt  }
0x55: {  	_ =	shalt  }
0x56: {  	_ =	shalt  }
0x57: {  	_ =	shalt  }
0x58: {  	_ =	shalt  }
0x59: {  	_ =	shalt  }
0x5a: {  	_ =	shalt  }
0x5b: {  	_ =	shalt  }
0x5c: {  	_ =	shalt  }
0x5d: {  	_ =	shalt  }
0x5e: {  	_ =	shalt  }
0x5f: {  	_ =	shalt  }
0x60: {  	_ =	shalt  }
0x61: {  	_ =	shalt  }
0x62: {  	_ =	shalt  }
0x63: {  	_ =	shalt  }
0x64: {  	_ =	shalt  }
0x65: {  	_ =	shalt  }
0x66: {  	_ =	shalt  }
0x67: {  	_ =	shalt  }
0x68: {  	_ =	shalt  }
0x69: {  	_ =	shalt  }
0x6a: {  	_ =	shalt  }
0x6b: {  	_ =	shalt  }
0x6c: {  	_ =	shalt  }
0x6d: {  	_ =	shalt  }
0x6e: {  	_ =	shalt  }
0x6f: {  	_ =	shalt  }
0x70: {  	_ =	shalt  }
0x71: {  	_ =	shalt  }
0x72: {  	_ =	shalt  }
0x73: {  	_ =	shalt  }
0x74: {  	_ =	shalt  }
0x75: {  	_ =	shalt  }
0x76: {  	_ =	shalt  }
0x77: {  	_ =	shalt  }
0x78: {  	_ =	shalt  }
0x79: {  	_ =	shalt  }
0x7a: {  	_ =	shalt  }
0x7b: {  	_ =	shalt  }
0x7c: {  	_ =	shalt  }
0x7d: {  	_ =	shalt  }
0x7e: {  	_ =	shalt  }
0x7f: {  	_ =	shalt  }
0x80: {  	_ =	shalt  }
0x81: {  	_ =	shalt  }
0x82: {  	_ =	shalt  }
0x83: {  	_ =	shalt  }
0x84: {  	_ =	shalt  }
0x85: {  	_ =	shalt  }
0x86: {  	_ =	shalt  }
0x87: {  	_ =	shalt  }
.Lfunc_end0:
.L_simem_size_0:
called_computation.2_lowered:
.L_overlay_start_0:
0x88: {  	s2 =	sld [smem:$0x3FD9]  }
0x89: {  	s3 =	sld [smem:$0x3FFE];
	_ =	sdelay $0x1  }
0x8a: {  	s1 =	srdreg.scid  }
0x8b: {  	s0 =	sand.u32 $0x1, s1  }
0x8c: {  	s17 =	sshll.u32 s0, $0xA;
	s2 =	sadd.s32 s3, s2  }
0x8d: {  	s2 =	sadd.s32 s2, s17  }
0x8e: {  	[smem:$0x3FC4] =	sst s2  }
0x8f: {  	_ = 	snop  }
0x90: {  	s2 =	sld [smem:$0x3FC9];
	(tm) =	ssettm $0x1  }
0x91: {  	s18 =	sld [smem:$0x3FFB];
	_ =	sdelay $0x3  }
0x92: {  	_ =	strace s18  }
0x93: {  	s3 =	sld [smem:$0x3FFC];
	_ =	sdelay $0x3  }
0x94: {  	_ =	strace s3  }
0x95: {  	s3 =	sld [smem:$0x3FFD];
	_ =	sdelay $0x3  }
0x96: {  	_ =	strace s3  }
0x97: {  	_ =	strace $0x8FFFFFFF  }
0x98: {  	s19 =	sld [smem:$0x3FDB];
	_ =	sdelay $0x1  }
0x99: {  	s4 =	simm.s32 $_scs_section_size  }
0x9a: {  	s5 =	simm.s32 $_size__tile_overlayer_lowered;
	s6 =	simm.s32 $_tile_overlayer_lowered  }
0x9b: {  	s22 =	simm.s32 $0x1BFF;
	s21 =	sshll.u32 s6, $0x1;
	s3 =	sadd.s32 s4, s19  }
0x9c: {  	s7 =	simm.s32 $0x0;
	s20 =	sshll.u32 s5, $0x1;
	s5 =	sadd.s32 s21, s3  }
0x9d: {  	[timem:s7], [sflag:s22] =	dma.local [hbm:s5], s20  }
0x9e: {  	_ =	swait.ge [sflag:s22], s20  }
0x9f: {  	s4 =	ssub.s32 $0x0, s20;
	[sflag:s22] =	ssyncset.done $0x0  }
0xa0: {  	[sflag:s22] =	ssyncadd.s32 s4;
	_ =	sdelay $0x1  }
0xa1: {  	s23 =	simm.s32 $0x1B8B  }
0xa2: {  	_ =	swait.ge [sflag:s23], $0x1  }
0xa3: {  	[sflag:s23] =	ssyncset.done $0x0  }
0xa4: {  	s25 =	simm.s32 $0x1B8E;
	s24 =	sld [smem:$0x3FFE];
	[sflag:s23] =	ssyncadd.s32 $0xFFFFFFFF  }
0xa5: {  	s26 =	simm.s32 $execute0_lowered;
	[smem:$0x3FD2] =	sst s25  }
0xa6: {  	s5 =	sshll.u32 s26, $0x1;
	_ =	strace $0x8000004C;
	[dreg:$0x1] =	wrdreg $0xFFFFFFFF  }
0xa7: {  	s28 =	simm.s32 $_size_execute0_lowered;
	s3 =	sadd.s32 s3, s5;
	[dreg:$0x0] =	wrdreg $0x0  }
0xa8: {  	s5 =	sshll.u32 s28, $0x1;
	[dreg:$0x2] =	wrdreg s3  }
0xa9: {  	[dreg:$0x3] =	wrdreg s5  }
0xaa: {  	[dreg:$0x4] =	wrdreg $0xC0  }
0xab: {  	_ =	task [dreg:s7], $0x5FFFF  }
0xac: {  	[dreg:$0x1] =	wrdreg $0xFFFFFFFF  }
0xad: {  	[dreg:$0x0] =	wrdreg $0x60  }
0xae: {  	[dreg:$0x2] =	wrdreg s2  }
0xaf: {  	[dreg:$0x3] =	wrdreg s24  }
0xb0: {  	[dreg:$0x4] =	wrdreg $0x9  }
0xb1: {  	_ =	task.clear_ibuf [dreg:s7], $0x5FFFF;
	_ =	strace $0x9000004C  }
0xb2: {  	s29 =	simm.s32 $0x9;
	_ =	strace $0x8000004E  }
0xb3: {  	_ =	swait.ge [sflag:s29], $0x1  }
0xb4: {  	[sflag:s29] =	ssyncadd.s32 $0xFFFFFFFF  }
0xb5: {  	_ =	strace $0x9000004E  }
0xb6: {  	_ =	sfence  }
0xb7: {  	s30 =	sld [smem:$0x0];
	_ =	sdelay $0x2  }
0xb8: {  	s31 =	sshll.u32 s1, $0xD;
	s1 =	sshrl.u32 s1, $0x2  }
0xb9: {  	s3 =	sand.u32 $0x4000, s31;
	s1 =	sadd.s32 s1, s30  }
0xba: {  	s0 =	sor.u32 s3, s0;
	s1 =	sshll.u32 s1, $0x11  }
0xbb: {  	s0 =	sor.u32 s1, s0  }
0xbc: {  	s0 =	sadd.s32 $0x8F2B, s0  }
0xbd: {  	[sflag:s0] =	ssyncadd.remote.s32 $0x1  }
0xbe: {  	_ =	sfence.sel $0xFFFF  }
0xbf: {  	[dreg:$0x0] =	wrdreg $0xFFFFFFFF;
	(pc) =	sbr.abs _section_cstart, $3  }
0xc0: {  	[dreg:$0x1] =	wrdreg $0xFFFFFFFF  }
0xc1: {  	_ =	task.clear_ibuf [dreg:s7], $0x2FFFF;
	_ =	strace $0x9FFFFFFF  }
0xc2: {  	(tm) =	ssettm $0x7FFFFFFF  }
0xc3: {  	_ =	shalt  }
tec
execute0_lowered:
.L_overlay_start_1:
0x0: {  	(tag) =	ssettag $0x1  }
0x1: {  	s0 =	rddreg [dreg:$0x0]  }
0x2: {  	s1 =	rddreg [dreg:$0x1];
	s3 =	srdreg.scid;
	s2 =	simm.s32 $0x0  }
0x3: {  	s4 =	stileid.u32;
	s14 =	simm.s32 $0x14;
	s15 =	simm.s32 $0xC080  }
0x4: {  	s16 =	simm.s32 $0x80;
	s17 =	simm.s32 $0xD880;
	[smem:$0x7FF] =	sst s2  }
0x5: {  	v0 =	vimm.f32 $2.000000000e+01;
	s18 =	simm.s32 $0xCC80;
	s28 =	simm.s32 $0x3;
	_ =	strace $0x8000004D  }
0x6: {  	s29 =	simm.s32 $0x5;
	s30 =	simm.s32 $0x19900;
	s5 =	sand.u32 $0x1, s3;
	(erf) = vrcp.f32 v0  }
0x7: {  	s20 =	sshll.u32 s4, $0x8;
	s4 =	sadd.s32 $0x1A8400, s1;
	s21 =	sshll.u32 s5, $0x7  }
0x8: {  	s7 =	ssub.s32 $0x2, s5;
	s5 =	sadd.s32 $0x11600, s1;
	s3 =	sor.u32 s21, s20  }
0x9: {  	s22 =	sshrl.u32 s7, $0x1;
	s6 =	sshll.u32 s3, $0x4;
	s24 =	sshrl.u32 s3, $0x3  }
0xa: {  	s20 =	simm.s32 $0x11880;
	s6 =	sadd.s32 s6, s1;
	s0 =	sadd.s32 s0, s24  }
0xb: {  	s1 =	ssub.s32 s7, s22;
	s23 =	sadd.s32 $0x188400, s6;
	[dreg:$0x4] =	wrdreg s0  }
0xc: {  	s24 =	simm.s32 $0x4;
	s25 =	sadd.s32 $0x198400, s6;
	[dreg:$0x3] =	wrdreg s23  }
0xd: {  	s26 =	sadd.s32 $0x1600, s6;
	s31 =	smax.u32 s1, $0x1;
	[dreg:$0x5] =	wrdreg s25  }
0xe: {  	v1 =	vlaneseq.u32;
	s1 =	simm.s32 $0x8;
	s6 =	simm.s32 $0x0;
	[dreg:$0x6] =	wrdreg s26  }
0xf: {  	v1 =	vmul.u32 $0x80, v1;
	[dreg:$0x7] =	wrdreg s31;
	s23 =	simm.s32 $0x2;
	s25 =	simm.s32 $0x19980;
	v0 =	vpop (erf)  }
.LBB2_1:
0x10: {  	[dreg:$0x8] =	wrdreg s6  }
0x11: {  	s0 =	rddreg [dreg:$0x3]  }
0x12: {  	[tilespmem:s2], [sflag:$0x8] =	stream.linear.gather [hbm4b:s0+s2], $0x4000, $0x38;
	[tilespmem:$0x1D980] =	vst v63  }
0x13: {  	_ =	swait.ge [sflag:s1], $0x4000  }
0x14: {  	[sflag:s1] =	ssyncset.done $0x0  }
0x15: {  	s19 =	simm.s32 $0x4000;
	s13 =	rddreg [dreg:$0x4];
	[sflag:s1] =	ssyncadd.s32 $0xFFFFC000  }
0x16: {  	[tilespmem:s19], [sflag:$0x8] =	stream.linear.gather [hbm4b:s13+s2], $0x80, $0x38;
	[tilespmem:$0x1D980] =	vst v63  }
0x17: {  	_ =	swait.ge [sflag:s1], $0x80  }
0x18: {  	[sflag:s1] =	ssyncset.done $0x0  }
0x19: {  	s7 =	simm.s32 $0x4080;
	s21 =	rddreg [dreg:$0x5];
	[sflag:s1] =	ssyncadd.s32 $0xFFFFFF80  }
0x1a: {  	[tilespmem:s7], [sflag:$0x8] =	stream.linear.gather [hbm4b:s21+s2], $0x4000, $0x38;
	[tilespmem:$0x1D980] =	vst v63  }
0x1b: {  	_ =	swait.ge [sflag:s1], $0x4000  }
0x1c: {  	[sflag:s1] =	ssyncset.done $0x0  }
0x1d: {  	[sflag:s1] =	ssyncadd.s32 $0xFFFFC000  }
0x1e: {  	[tilespmem:s15], [sflag:$0x2] =	stream.indirect.gather [hbm4b:s4+s14], $0x80, s2, s14, $0xb8;
	[tilespmem:$0x1D980] =	vst v63  }
0x1f: {  	_ = 	snop  }
0x20: {  	[tilespmem:s17], [sflag:$0x4] =	stream.indirect.gather [hbm4b:s4+s16], $0x80, s7, s16, $0xb8;
	[tilespmem:$0x1D980] =	vst v63  }
0x21: {  	_ = 	snop  }
0x22: {  	[tilespmem:s18], [sflag:$0x3] =	stream.indirect.gather [hbm4b:s4+s14], $0x80, s16, s14, $0xb8;
	[tilespmem:$0x1D980] =	vst v63  }
0x23: {  	s22 =	simm.s32 $0x4100  }
0x24: {  	[tilespmem:s20], [sflag:$0x5] =	stream.indirect.gather [hbm4b:s4+s16], $0x80, s22, s16, $0xb8;
	[tilespmem:$0x1D980] =	vst v63  }
0x25: {  	s26 =	simm.s32 $0x8080;
	s31 =	simm.s32 $0x1  }
0x26: {  	[tilespmem:s26], [sflag:$0x1] =	stream.indirect.gather [hbm4b:s4+s16], $0x80, s19, s16, $0xb8;
	[tilespmem:$0x1D980] =	vst v63  }
0x27: {  	_ =	swait.ge [sflag:s31], $0x4000  }
0x28: {  	[sflag:s31] =	ssyncset.done $0x0  }
0x29: {  	s21 =	simm.s32 $0x0;
	[sflag:s31] =	ssyncadd.s32 $0xFFFFC000  }
.LBB2_2:
0x2a: {  	_ =	swait.ge [sflag:s23], $0xA00  }
0x2b: {  	[sflag:s23] =	ssyncset.done $0x0  }
0x2c: {  	[sflag:s23] =	ssyncadd.s32 $0xFFFFF600  }
0x2d: {  	v2 =	vld [tilespmem:$0xC0C0]  }
0x2e: {  	v3 =	vld [tilespmem:$0xC140]  }
0x2f: {  	v4 =	vld [tilespmem:$0xC1C0]  }
0x30: {  	v5 =	vld [tilespmem:$0xC240]  }
0x31: {  	v6 =	vld [tilespmem:$0xC2C0]  }
0x32: {  	v7 =	vld [tilespmem:$0xC340]  }
0x33: {  	v8 =	vld [tilespmem:$0xC3C0]  }
0x34: {  	v9 =	vld [tilespmem:$0xC440]  }
0x35: {  	v10 =	vld [tilespmem:$0xC4C0]  }
0x36: {  	v11 =	vld [tilespmem:$0xC540]  }
0x37: {  	v12 =	vld [tilespmem:$0xC5C0]  }
0x38: {  	v13 =	vld [tilespmem:$0xC640]  }
0x39: {  	v14 =	vld [tilespmem:$0xC6C0]  }
0x3a: {  	v17 =	vld [tilespmem:$0xC740]  }
0x3b: {  	v19 =	vld [tilespmem:$0xC7C0];
	v15 =	vunpack.i.u.bf16.f32 v2;
	v2 =	vunpack.i.l.bf16.f32 v2  }
0x3c: {  	v22 =	vld [tilespmem:$0xC840];
	v16 =	vunpack.i.u.bf16.f32 v3;
	v3 =	vunpack.i.l.bf16.f32 v3;
	v18 =	vunpack.i.u.bf16.f32 v4  }
0x3d: {  	v24 =	vld [tilespmem:$0xC8C0];
	v4 =	vunpack.i.l.bf16.f32 v4;
	v20 =	vunpack.i.u.bf16.f32 v5;
	v5 =	vunpack.i.l.bf16.f32 v5  }
0x3e: {  	v34 =	vld [tilespmem:$0xCA40];
	v21 =	vunpack.i.u.bf16.f32 v6;
	v6 =	vunpack.i.l.bf16.f32 v6;
	v23 =	vunpack.i.u.bf16.f32 v7  }
0x3f: {  	v7 =	vunpack.i.l.bf16.f32 v7;
	v25 =	vunpack.i.u.bf16.f32 v8;
	v8 =	vunpack.i.l.bf16.f32 v8  }
0x40: {  	v30 =	vld [tilespmem:$0xC9C0];
	v26 =	vunpack.i.u.bf16.f32 v9;
	v9 =	vunpack.i.l.bf16.f32 v9;
	v28 =	vunpack.i.l.bf16.f32 v10  }
0x41: {  	v29 =	vunpack.i.l.bf16.f32 v11;
	v31 =	vunpack.i.l.bf16.f32 v12;
	v32 =	vunpack.i.l.bf16.f32 v13  }
0x42: {  	v56 =	vld [tilespmem:$0xC350];
	v33 =	vunpack.i.l.bf16.f32 v14;
	v35 =	vunpack.i.l.bf16.f32 v17;
	v36 =	vunpack.i.l.bf16.f32 v19  }
0x43: {  	v58 =	vld [tilespmem:$0xC450];
	v37 =	vunpack.i.l.bf16.f32 v22;
	v38 =	vunpack.i.l.bf16.f32 v24;
	v47 =	vunpack.i.l.bf16.f32 v34  }
0x44: {  	v27 =	vld [tilespmem:$0xC940];
	v10 =	vunpack.i.u.bf16.f32 v10;
	v11 =	vunpack.i.u.bf16.f32 v11;
	v50 =	vunpack.i.u.bf16.f32 v22  }
0x45: {  	v54 =	vunpack.i.u.bf16.f32 v24;
	v55 =	vunpack.i.u.bf16.f32 v30;
	v2 =	vadd.f32 v3, v2  }
0x46: {  	v45 =	vld [tilespmem:$0xC7D0];
	v57 =	vunpack.i.u.bf16.f32 v34;
	v3 =	vadd.f32 v5, v4;
	v5 =	vadd.f32 v7, v6  }
0x47: {  	v40 =	vld [tilespmem:$0xCA50];
	v62 =	vunpack.i.u.bf16.f32 v56;
	v6 =	vadd.f32 v9, v8;
	v8 =	vadd.f32 v29, v28  }
0x48: {  	v46 =	vunpack.i.u.bf16.f32 v58;
	v9 =	vadd.f32 v32, v31;
	v48 =	vadd.f32 v35, v33  }
0x49: {  	v53 =	vld [tilespmem:$0xC1D0];
	v4 =	vunpack.i.l.bf16.f32 v27;
	v49 =	vadd.f32 v37, v36;
	v51 =	vadd.f32 v23, v21  }
0x4a: {  	v59 =	vld [tilespmem:$0xC650];
	v7 =	vunpack.i.l.bf16.f32 v30;
	v52 =	vadd.f32 v26, v25;
	v10 =	vadd.f32 v11, v10  }
0x4b: {  	v39 =	vunpack.i.l.bf16.f32 v45;
	v4 =	vadd.f32 v4, v38;
	v7 =	vadd.f32 v47, v7  }
0x4c: {  	v43 =	vunpack.i.u.bf16.f32 v40;
	v3 =	vadd.f32 v3, v2;
	v5 =	vadd.f32 v6, v5  }
0x4d: {  	v6 =	vunpack.i.u.bf16.f32 v12;
	v8 =	vadd.f32 v9, v8;
	v9 =	vadd.f32 v49, v48  }
0x4e: {  	v12 =	vunpack.i.u.bf16.f32 v13;
	v13 =	vunpack.i.u.bf16.f32 v14;
	v14 =	vadd.f32 v20, v18  }
0x4f: {  	v61 =	vld [tilespmem:$0xC6D0];
	v18 =	vunpack.i.u.bf16.f32 v53;
	v20 =	vunpack.i.l.bf16.f32 v59;
	v2 =	vadd.f32 v7, v4  }
0x50: {  	v11 =	vld [tilespmem:$0xC250];
	v4 =	vunpack.i.u.bf16.f32 v17;
	v6 =	vadd.f32 v12, v6;
	v12 =	vunpack.i.u.bf16.f32 v27  }
0x51: {  	v63 =	vld [tilespmem:$0xC750];
	v17 =	vunpack.i.l.bf16.f32 v56;
	v3 =	vadd.f32 v5, v3;
	v5 =	vadd.f32 v9, v8  }
0x52: {  	v37 =	vld [tilespmem:$0xC260];
	v8 =	vunpack.i.u.bf16.f32 v19;
	v9 =	vadd.f32 v16, v15;
	v4 =	vadd.f32 v4, v13  }
0x53: {  	v19 =	vunpack.i.l.bf16.f32 v53;
	v8 =	vadd.f32 v50, v8;
	v6 =	vadd.f32 v6, v10  }
0x54: {  	v56 =	vld [tilespmem:$0xC9D0];
	v16 =	vunpack.i.l.bf16.f32 v58;
	v10 =	vadd.f32 v12, v54;
	v12 =	vadd.f32 v57, v55  }
0x55: {  	v15 =	vld [tilespmem:$0xC150];
	v60 =	vunpack.i.u.bf16.f32 v11;
	v11 =	vunpack.i.l.bf16.f32 v11;
	v54 =	vunpack.i.l.bf16.f32 v61  }
0x56: {  	v13 =	vld [tilespmem:$0xC2D0];
	v55 =	vunpack.i.l.bf16.f32 v63;
	v9 =	vadd.f32 v14, v9;
	v14 =	vadd.f32 v52, v51  }
0x57: {  	v50 =	vld [tilespmem:$0xC8D0];
	v24 =	vunpack.i.l.bf16.f32 v37;
	v3 =	vadd.f32 v5, v3;
	v11 =	vadd.f32 v11, v19  }
0x58: {  	v7 =	vld [tilespmem:$0xC0D0];
	v52 =	vunpack.i.u.bf16.f32 v59;
	v58 =	vadd.f32 v55, v54;
	v4 =	vadd.f32 v8, v4  }
0x59: {  	v5 =	vld [tilespmem:$0xC550];
	v10 =	vadd.f32 v12, v10;
	v9 =	vadd.f32 v14, v9;
	v59 =	vunpack.i.l.bf16.f32 v56  }
0x5a: {  	v8 =	vld [tilespmem:$0xC3D0];
	v41 =	vunpack.i.u.bf16.f32 v56;
	v4 =	vadd.f32 v4, v6;
	v14 =	vunpack.i.u.bf16.f32 v15  }
0x5b: {  	v12 =	vld [tilespmem:$0xC5D0];
	v15 =	vunpack.i.l.bf16.f32 v15;
	v23 =	vunpack.i.u.bf16.f32 v13;
	v13 =	vunpack.i.l.bf16.f32 v13  }
0x5c: {  	v48 =	vld [tilespmem:$0xC850];
	v13 =	vadd.f32 v17, v13;
	v57 =	vunpack.i.l.bf16.f32 v50;
	v62 =	vadd.f32 v62, v23  }
0x5d: {  	v42 =	vld [tilespmem:$0xC360];
	v30 =	vunpack.i.u.bf16.f32 v50;
	v17 =	vadd.f32 v43, v41;
	v4 =	vadd.f32 v4, v9  }
0x5e: {  	v53 =	vld [tilespmem:$0xC950];
	v9 =	vunpack.i.u.bf16.f32 v7;
	v7 =	vunpack.i.l.bf16.f32 v7;
	v49 =	vunpack.i.u.bf16.f32 v5  }
0x5f: {  	v6 =	vld [tilespmem:$0xC4D0];
	v5 =	vunpack.i.l.bf16.f32 v5;
	v44 =	vunpack.i.u.bf16.f32 v8;
	v8 =	vunpack.i.l.bf16.f32 v8  }
0x60: {  	v51 =	vunpack.i.u.bf16.f32 v12;
	v12 =	vunpack.i.l.bf16.f32 v12;
	v7 =	vadd.f32 v15, v7  }
0x61: {  	v15 =	vunpack.i.l.bf16.f32 v48;
	v9 =	vadd.f32 v14, v9;
	v14 =	vadd.f32 v60, v18  }
0x62: {  	v18 =	vunpack.i.l.bf16.f32 v42;
	v8 =	vadd.f32 v16, v8;
	v15 =	vadd.f32 v15, v39  }
0x63: {  	v28 =	vld [tilespmem:$0xC1E0];
	v36 =	vadd.f32 v52, v51;
	v39 =	vunpack.i.u.bf16.f32 v53;
	v4 =	vadd.f32 v10, v4  }
0x64: {  	v47 =	vunpack.i.u.bf16.f32 v6;
	v6 =	vunpack.i.l.bf16.f32 v6;
	v7 =	vadd.f32 v11, v7  }
0x65: {  	v11 =	vunpack.i.l.bf16.f32 v40;
	v9 =	vadd.f32 v14, v9;
	v21 =	vadd.f32 v39, v30  }
0x66: {  	v5 =	vadd.f32 v5, v6;
	v6 =	vadd.f32 v20, v12;
	v12 =	vunpack.i.l.bf16.f32 v53  }
0x67: {  	v56 =	vld [tilespmem:$0xCA60];
	v8 =	vadd.f32 v8, v13;
	v13 =	vunpack.i.u.bf16.f32 v61;
	v11 =	vadd.f32 v11, v59  }
0x68: {  	v60 =	vld [tilespmem:$0xC160];
	v61 =	vunpack.i.u.bf16.f32 v48;
	v32 =	vadd.f32 v49, v47;
	v20 =	vunpack.i.l.bf16.f32 v28  }
0x69: {  	v48 =	vunpack.i.u.bf16.f32 v42;
	v12 =	vadd.f32 v12, v57;
	v17 =	vadd.f32 v17, v21  }
0x6a: {  	v10 =	vld [tilespmem:$0xC660];
	v21 =	vunpack.i.u.bf16.f32 v28;
	v59 =	vadd.f32 v24, v20;
	v5 =	vadd.f32 v6, v5  }
0x6b: {  	v34 =	vld [tilespmem:$0xC9E0];
	v6 =	vadd.f32 v15, v58;
	v15 =	vunpack.i.u.bf16.f32 v63;
	v7 =	vadd.f32 v8, v7  }
0x6c: {  	v47 =	vld [tilespmem:$0xC860];
	v8 =	vunpack.i.u.bf16.f32 v45;
	v63 =	vadd.f32 v46, v44;
	v22 =	vadd.f32 v36, v32  }
0x6d: {  	v28 =	vld [tilespmem:$0xC8E0];
	v16 =	vunpack.i.l.bf16.f32 v60;
	v46 =	vunpack.i.u.bf16.f32 v37;
	v36 =	vunpack.i.l.bf16.f32 v56  }
0x6e: {  	v44 =	vld [tilespmem:$0xC460];
	v56 =	vunpack.i.u.bf16.f32 v56;
	v13 =	vadd.f32 v15, v13;
	v8 =	vadd.f32 v61, v8  }
0x6f: {  	v45 =	vld [tilespmem:$0xC7E0];
	v11 =	vadd.f32 v11, v12;
	v54 =	vunpack.i.l.bf16.f32 v10;
	v14 =	vadd.f32 v63, v62  }
0x70: {  	v15 =	vld [tilespmem:$0xC2E0];
	v61 =	vunpack.i.l.bf16.f32 v34;
	v10 =	vunpack.i.u.bf16.f32 v10;
	v5 =	vadd.f32 v6, v5  }
0x71: {  	v12 =	vld [tilespmem:$0xC560];
	v8 =	vadd.f32 v8, v13;
	v41 =	vunpack.i.l.bf16.f32 v47;
	v9 =	vadd.f32 v14, v9  }
0x72: {  	v31 =	vld [tilespmem:$0xC960];
	v47 =	vunpack.i.u.bf16.f32 v47;
	v7 =	vadd.f32 v5, v7;
	v5 =	vadd.f32 v2, v3  }
0x73: {  	v42 =	vunpack.i.l.bf16.f32 v28;
	v8 =	vadd.f32 v8, v22;
	v50 =	vunpack.i.u.bf16.f32 v44  }
0x74: {  	v13 =	vld [tilespmem:$0xC3E0];
	v19 =	vunpack.i.l.bf16.f32 v44;
	v58 =	vunpack.i.l.bf16.f32 v45;
	v45 =	vunpack.i.u.bf16.f32 v45  }
0x75: {  	v6 =	vld [tilespmem:$0xC0E0];
	v3 =	vadd.f32 v11, v7;
	v11 =	vunpack.i.u.bf16.f32 v60;
	v25 =	vunpack.i.u.bf16.f32 v15  }
0x76: {  	v14 =	vld [tilespmem:$0xC4E0];
	v15 =	vunpack.i.l.bf16.f32 v15;
	v52 =	vunpack.i.l.bf16.f32 v12;
	v41 =	vadd.f32 v41, v58  }
0x77: {  	v60 =	vunpack.i.l.bf16.f32 v31;
	v8 =	vadd.f32 v8, v9;
	v15 =	vadd.f32 v18, v15  }
0x78: {  	v12 =	vunpack.i.u.bf16.f32 v12;
	v20 =	vadd.f32 v60, v42;
	v18 =	vadd.f32 v36, v61  }
0x79: {  	v7 =	vld [tilespmem:$0xC6E0];
	v48 =	vadd.f32 v48, v25;
	v49 =	vunpack.i.u.bf16.f32 v13;
	v13 =	vunpack.i.l.bf16.f32 v13  }
0x7a: {  	v58 =	vld [tilespmem:$0xC470];
	v2 =	vadd.f32 v17, v8;
	v8 =	vunpack.i.u.bf16.f32 v6;
	v6 =	vunpack.i.l.bf16.f32 v6  }
0x7b: {  	v9 =	vld [tilespmem:$0xC5E0];
	v51 =	vunpack.i.l.bf16.f32 v14;
	v13 =	vadd.f32 v19, v13;
	v49 =	vadd.f32 v50, v49  }
0x7c: {  	v14 =	vunpack.i.u.bf16.f32 v14;
	v6 =	vadd.f32 v16, v6;
	v62 =	vadd.f32 v52, v51  }
0x7d: {  	v8 =	vadd.f32 v11, v8;
	v11 =	vadd.f32 v46, v21;
	v51 =	vunpack.i.u.bf16.f32 v28  }
0x7e: {  	v60 =	vld [tilespmem:$0xC670];
	v12 =	vadd.f32 v12, v14;
	v14 =	vunpack.i.u.bf16.f32 v31;
	v52 =	vadd.f32 v47, v45  }
0x7f: {  	v17 =	vld [tilespmem:$0xC760];
	v55 =	vunpack.i.l.bf16.f32 v7;
	v13 =	vadd.f32 v13, v15;
	v7 =	vunpack.i.u.bf16.f32 v7  }
0x80: {  	v14 =	vadd.f32 v14, v51;
	v32 =	vunpack.i.u.bf16.f32 v58;
	v53 =	vunpack.i.l.bf16.f32 v9  }
0x81: {  	v50 =	vld [tilespmem:$0xC1F0];
	v16 =	vadd.f32 v59, v6;
	v9 =	vunpack.i.u.bf16.f32 v9;
	v6 =	vadd.f32 v18, v20  }
0x82: {  	v61 =	vld [tilespmem:$0xC6F0];
	v8 =	vadd.f32 v11, v8;
	v11 =	vadd.f32 v49, v48;
	v20 =	vunpack.i.l.bf16.f32 v58  }
0x83: {  	v46 =	vld [tilespmem:$0xC170];
	v51 =	vunpack.i.u.bf16.f32 v60;
	v24 =	vunpack.i.l.bf16.f32 v60;
	v63 =	vadd.f32 v54, v53  }
0x84: {  	v59 =	vld [tilespmem:$0xC5F0];
	v9 =	vadd.f32 v10, v9;
	v54 =	vunpack.i.u.bf16.f32 v34;
	v57 =	vunpack.i.l.bf16.f32 v17  }
0x85: {  	v10 =	vld [tilespmem:$0xC270];
	v17 =	vunpack.i.u.bf16.f32 v17;
	v13 =	vadd.f32 v13, v16;
	v8 =	vadd.f32 v11, v8  }
0x86: {  	v53 =	vld [tilespmem:$0xC2F0];
	v22 =	vunpack.i.u.bf16.f32 v50;
	v39 =	vadd.f32 v57, v55;
	v15 =	vadd.f32 v63, v62  }
0x87: {  	v31 =	vld [tilespmem:$0xC7F0];
	v23 =	vunpack.i.l.bf16.f32 v50;
	v7 =	vadd.f32 v17, v7;
	v9 =	vadd.f32 v9, v12  }
0x88: {  	v55 =	vld [tilespmem:$0xC370];
	v57 =	vadd.f32 v56, v54;
	v17 =	vunpack.i.u.bf16.f32 v46;
	v19 =	vunpack.i.l.bf16.f32 v46  }
0x89: {  	v12 =	vld [tilespmem:$0xC3F0];
	v43 =	vadd.f32 v41, v39;
	v7 =	vadd.f32 v52, v7;
	v50 =	vunpack.i.u.bf16.f32 v59  }
0x8a: {  	v62 =	vld [tilespmem:$0xC770];
	v16 =	vunpack.i.l.bf16.f32 v59;
	v25 =	vunpack.i.u.bf16.f32 v10;
	v10 =	vunpack.i.l.bf16.f32 v10  }
0x8b: {  	v63 =	vld [tilespmem:$0xC870];
	v27 =	vunpack.i.u.bf16.f32 v53;
	v18 =	vunpack.i.l.bf16.f32 v53;
	v53 =	vunpack.i.l.bf16.f32 v61  }
0x8c: {  	v61 =	vunpack.i.u.bf16.f32 v61;
	v35 =	vadd.f32 v51, v50;
	v15 =	vadd.f32 v43, v15  }
0x8d: {  	v44 =	vld [tilespmem:$0xC0F0];
	v7 =	vadd.f32 v7, v9;
	v43 =	vunpack.i.l.bf16.f32 v31;
	v10 =	vadd.f32 v10, v23  }
0x8e: {  	v49 =	vld [tilespmem:$0xC8F0];
	v28 =	vunpack.i.u.bf16.f32 v55;
	v21 =	vunpack.i.l.bf16.f32 v55;
	v30 =	vunpack.i.u.bf16.f32 v12  }
0x8f: {  	v52 =	vld [tilespmem:$0xC970];
	v12 =	vunpack.i.l.bf16.f32 v12;
	v54 =	vunpack.i.l.bf16.f32 v62;
	v11 =	vadd.f32 v15, v13  }
0x90: {  	v9 =	vld [tilespmem:$0xC4F0];
	v56 =	vunpack.i.l.bf16.f32 v63;
	v13 =	vadd.f32 v57, v14;
	v7 =	vadd.f32 v7, v8  }
0x91: {  	v55 =	vld [tilespmem:$0xC9F0];
	v62 =	vunpack.i.u.bf16.f32 v62;
	v18 =	vadd.f32 v21, v18;
	v12 =	vadd.f32 v20, v12  }
0x92: {  	v14 =	vld [tilespmem:$0xC570];
	v15 =	vunpack.i.l.bf16.f32 v44;
	v59 =	vadd.f32 v54, v53;
	v29 =	vadd.f32 v28, v27  }
0x93: {  	v8 =	vunpack.i.u.bf16.f32 v44;
	v15 =	vadd.f32 v19, v15;
	v19 =	vadd.f32 v56, v43  }
0x94: {  	v44 =	vld [tilespmem:$0xCA70];
	v57 =	vunpack.i.l.bf16.f32 v49;
	v8 =	vadd.f32 v17, v8;
	v12 =	vadd.f32 v12, v18  }
0x95: {  	v58 =	vunpack.i.l.bf16.f32 v52;
	v18 =	vadd.f32 v62, v61;
	v6 =	vadd.f32 v6, v11  }
0x96: {  	v33 =	vunpack.i.u.bf16.f32 v9;
	v9 =	vunpack.i.l.bf16.f32 v9;
	v10 =	vadd.f32 v10, v15  }
0x97: {  	v60 =	vunpack.i.l.bf16.f32 v55;
	v48 =	vunpack.i.u.bf16.f32 v14;
	v14 =	vunpack.i.l.bf16.f32 v14  }
0x98: {  	v10 =	vadd.f32 v12, v10;
	v12 =	vunpack.i.u.bf16.f32 v31;
	v31 =	vadd.f32 v32, v30  }
0x99: {  	v15 =	vunpack.i.l.bf16.f32 v44;
	v9 =	vadd.f32 v14, v9;
	v14 =	vadd.f32 v24, v16  }
0x9a: {  	v16 =	vadd.f32 v58, v57;
	v15 =	vadd.f32 v15, v60  }
0x9b: {  	v63 =	vunpack.i.u.bf16.f32 v63;
	v9 =	vadd.f32 v14, v9;
	v14 =	vadd.f32 v19, v59  }
0x9c: {  	v36 =	vunpack.i.u.bf16.f32 v52;
	v34 =	vadd.f32 v48, v33;
	v12 =	vadd.f32 v63, v12  }
0x9d: {  	s1 =	sshll.u32 s21, $0x1;
	v37 =	vunpack.i.u.bf16.f32 v55;
	v9 =	vadd.f32 v14, v9;
	v14 =	vadd.f32 v25, v22  }
0x9e: {  	s0 =	smin.u32 s1, $0x7D;
	v32 =	vunpack.i.u.bf16.f32 v49;
	v39 =	vadd.f32 v35, v34;
	v12 =	vadd.f32 v12, v18  }
0x9f: {  	s0 =	sshll.u32 s0, $0x7;
	v38 =	vunpack.i.u.bf16.f32 v44;
	v8 =	vadd.f32 v14, v8;
	v14 =	vadd.f32 v31, v29  }
0xa0: {  	s22 =	sshll.u32 s21, $0x8;
	s13 =	sadd.s32 $0x100, s0;
	v40 =	vadd.f32 v36, v32;
	v17 =	vadd.f32 v38, v37  }
0xa1: {  	[tilespmem:s15], [sflag:$0x2] =	stream.indirect.gather [hbm4b:s4+s14], $0x80, s13, s14, $0xb8;
	v12 =	vadd.f32 v12, v39;
	v8 =	vadd.f32 v14, v8;
	[tilespmem:$0x1D980] =	vst v63  }
0xa2: {  	v11 =	vld [tilespmem:s22+$0x80A0];
	v9 =	vadd.f32 v9, v10;
	v14 =	vadd.f32 v15, v16  }
0xa3: {  	v4 =	vmul.f32 v4, v0;
	v10 =	vld [tilespmem:s22+$0x8080];
	v15 =	vadd.f32 v17, v40;
	v8 =	vadd.f32 v12, v8  }
0xa4: {  	v5 =	vmul.f32 v5, v0;
	v3 =	vmul.f32 v3, v0;
	v7 =	vadd.f32 v13, v7;
	v12 =	vld [tilespmem:s22+$0x8090]  }
0xa5: {  	v2 =	vmul.f32 v2, v0;
	v13 =	vld [tilespmem:s22+$0x80B0];
	v9 =	vadd.f32 v14, v9;
	v8 =	vadd.f32 v15, v8  }
0xa6: {  	v6 =	vmul.f32 v6, v0;
	v7 =	vmul.f32 v7, v0  }
0xa7: {  	v9 =	vmul.f32 v9, v0;
	v8 =	vmul.f32 v8, v0  }
0xa8: {  	v4 =	vpack.i.f32.bf16 v4, v5;
	v5 =	vpack.i.f32.bf16 v2, v3;
	v2 =	vpack.i.f32.bf16 v7, v6  }
0xa9: {  	v6 =	vmul.bf16 v10, v4;
	v7 =	vmul.bf16 v12, v5;
	v3 =	vpack.i.f32.bf16 v8, v9  }
0xaa: {  	v8 =	vmul.bf16 v11, v2;
	v9 =	vmul.bf16 v13, v3;
	_ =	sdelay $0x1  }
0xab: {  	v6 =	vadd.bf16 v7, v6;
	v7 =	vadd.bf16 v9, v8;
	_ =	sdelay $0x1  }
0xac: {  	v6 =	vadd.bf16 v7, v6;
	_ =	sdelay $0x1  }
0xad: {  	v7 =	vunpack.i.u.bf16.f32 v6;
	v6 =	vunpack.i.l.bf16.f32 v6  }
0xae: {  	v6 =	vadd.f32 v6, v7;
	_ =	sdelay $0x1  }
0xaf: {  	[tilespmem:s22+$0x15880] =	vst v6  }
0xb0: {  	_ =	swait.ge [sflag:s24], $0x4000  }
0xb1: {  	p0 =	seq.s32 s21, $0x0;
	[sflag:s24] =	ssyncset.done $0x0  }
0xb2: {  	s0 =	simm.s32 @!p0 $0x6;
	[sflag:s24] =	ssyncadd.s32 $0xFFFFC000  }
0xb3: {  	_ =	swait.ge @!p0 [sflag:s0], $0x80  }
0xb4: {  	[sflag:s0] =	ssyncset.done @!p0 $0x0  }
0xb5: {  	s9 =	simm.s32 $0xDC80;
	[sflag:s0] =	ssyncadd.s32 @!p0 $0xFFFFFF80  }
0xb6: {  	v6 =	vld [tilespmem:s9+$0xFFFFFC00]  }
0xb7: {  	v7 =	vld [tilespmem:s9+$0xFFFFFC10]  }
0xb8: {  	v8 =	vld [tilespmem:s9+$0xFFFFFC20]  }
0xb9: {  	v9 =	vld [tilespmem:s9+$0xFFFFFC30];
	_ =	sdelay $0x3  }
0xba: {  	v6 =	vmul.bf16 v6, v4;
	v7 =	vmul.bf16 v7, v5  }
0xbb: {  	v8 =	vmul.bf16 v8, v2;
	v9 =	vmul.bf16 v9, v3;
	_ =	sdelay $0x1  }
0xbc: {  	v6 =	vadd.bf16 v7, v6;
	v7 =	vadd.bf16 v9, v8;
	_ =	sdelay $0x1  }
0xbd: {  	v6 =	vadd.bf16 v7, v6;
	_ =	sdelay $0x1  }
0xbe: {  	v7 =	vunpack.i.u.bf16.f32 v6;
	v6 =	vunpack.i.l.bf16.f32 v6  }
0xbf: {  	v6 =	vadd.f32 v6, v7  }
0xc0: {  	s10 =	simm.s32 $0x19D80  }
0xc1: {  	[tilespmem:s10+$0xFFFFFC00] =	vst v6  }
0xc2: {  	v6 =	vld [tilespmem:s9+$0xFFFFFC80]  }
0xc3: {  	v7 =	vld [tilespmem:s9+$0xFFFFFC90]  }
0xc4: {  	v8 =	vld [tilespmem:s9+$0xFFFFFCA0]  }
0xc5: {  	v9 =	vld [tilespmem:s9+$0xFFFFFCB0];
	_ =	sdelay $0x3  }
0xc6: {  	v6 =	vmul.bf16 v6, v4;
	v7 =	vmul.bf16 v7, v5  }
0xc7: {  	v8 =	vmul.bf16 v8, v2;
	v9 =	vmul.bf16 v9, v3;
	_ =	sdelay $0x1  }
0xc8: {  	v6 =	vadd.bf16 v7, v6;
	v7 =	vadd.bf16 v9, v8;
	_ =	sdelay $0x1  }
0xc9: {  	v6 =	vadd.bf16 v7, v6;
	_ =	sdelay $0x1  }
0xca: {  	v7 =	vunpack.i.u.bf16.f32 v6;
	v6 =	vunpack.i.l.bf16.f32 v6  }
0xcb: {  	v6 =	vadd.f32 v6, v7;
	_ =	sdelay $0x1  }
0xcc: {  	[tilespmem:s10+$0xFFFFFC80] =	vst v6  }
0xcd: {  	v6 =	vld [tilespmem:s9+$0xFFFFFD00]  }
0xce: {  	v7 =	vld [tilespmem:s9+$0xFFFFFD10]  }
0xcf: {  	v8 =	vld [tilespmem:s9+$0xFFFFFD20]  }
0xd0: {  	v9 =	vld [tilespmem:s9+$0xFFFFFD30];
	_ =	sdelay $0x3  }
0xd1: {  	v6 =	vmul.bf16 v6, v4;
	v7 =	vmul.bf16 v7, v5  }
0xd2: {  	v8 =	vmul.bf16 v8, v2;
	v9 =	vmul.bf16 v9, v3;
	_ =	sdelay $0x1  }
0xd3: {  	v6 =	vadd.bf16 v7, v6;
	v7 =	vadd.bf16 v9, v8;
	_ =	sdelay $0x1  }
0xd4: {  	v6 =	vadd.bf16 v7, v6;
	_ =	sdelay $0x1  }
0xd5: {  	v7 =	vunpack.i.u.bf16.f32 v6;
	v6 =	vunpack.i.l.bf16.f32 v6  }
0xd6: {  	v6 =	vadd.f32 v6, v7;
	_ =	sdelay $0x1  }
0xd7: {  	[tilespmem:s10+$0xFFFFFD00] =	vst v6  }
0xd8: {  	v6 =	vld [tilespmem:s9+$0xFFFFFD80]  }
0xd9: {  	v7 =	vld [tilespmem:s9+$0xFFFFFD90]  }
0xda: {  	v8 =	vld [tilespmem:s9+$0xFFFFFDA0]  }
0xdb: {  	v9 =	vld [tilespmem:s9+$0xFFFFFDB0];
	_ =	sdelay $0x3  }
0xdc: {  	v6 =	vmul.bf16 v6, v4;
	v7 =	vmul.bf16 v7, v5  }
0xdd: {  	v8 =	vmul.bf16 v8, v2;
	v9 =	vmul.bf16 v9, v3;
	_ =	sdelay $0x1  }
0xde: {  	v6 =	vadd.bf16 v7, v6;
	v7 =	vadd.bf16 v9, v8;
	_ =	sdelay $0x1  }
0xdf: {  	v6 =	vadd.bf16 v7, v6;
	_ =	sdelay $0x1  }
0xe0: {  	v7 =	vunpack.i.u.bf16.f32 v6;
	v6 =	vunpack.i.l.bf16.f32 v6  }
0xe1: {  	v6 =	vadd.f32 v6, v7;
	_ =	sdelay $0x1  }
0xe2: {  	[tilespmem:s10+$0xFFFFFD80] =	vst v6  }
0xe3: {  	v6 =	vld [tilespmem:s9+$0xFFFFFE00]  }
0xe4: {  	v7 =	vld [tilespmem:s9+$0xFFFFFE10]  }
0xe5: {  	v8 =	vld [tilespmem:s9+$0xFFFFFE20]  }
0xe6: {  	v9 =	vld [tilespmem:s9+$0xFFFFFE30];
	_ =	sdelay $0x3  }
0xe7: {  	v6 =	vmul.bf16 v6, v4;
	v7 =	vmul.bf16 v7, v5  }
0xe8: {  	v8 =	vmul.bf16 v8, v2;
	v9 =	vmul.bf16 v9, v3;
	_ =	sdelay $0x1  }
0xe9: {  	v6 =	vadd.bf16 v7, v6;
	v7 =	vadd.bf16 v9, v8  }
0xea: {  	s26 =	simm.s32 $0xE480  }
0xeb: {  	v10 =	vld [tilespmem:s26+$0xFFFFFC20];
	v6 =	vadd.bf16 v7, v6  }
0xec: {  	v8 =	vld [tilespmem:s26+$0xFFFFFC10]  }
0xed: {  	v7 =	vld [tilespmem:s26+$0xFFFFFC00];
	v9 =	vunpack.i.u.bf16.f32 v6;
	v6 =	vunpack.i.l.bf16.f32 v6  }
0xee: {  	v6 =	vadd.f32 v6, v9;
	v9 =	vld [tilespmem:s26+$0xFFFFFC30];
	_ =	sdelay $0x1  }
0xef: {  	[tilespmem:s10+$0xFFFFFE00] =	vst v6  }
0xf0: {  	v6 =	vld [tilespmem:s9+$0xFFFFFE80]  }
0xf1: {  	v10 =	vmul.bf16 v10, v2;
	v8 =	vmul.bf16 v8, v5;
	v12 =	vld [tilespmem:s9+$0xFFFFFEA0]  }
0xf2: {  	v7 =	vmul.bf16 v7, v4;
	v13 =	vld [tilespmem:s9+$0xFFFFFEB0];
	v9 =	vmul.bf16 v9, v3  }
0xf3: {  	v11 =	vld [tilespmem:s9+$0xFFFFFE90]  }
0xf4: {  	v7 =	vadd.bf16 v8, v7;
	v8 =	vadd.bf16 v9, v10;
	_ =	sdelay $0x1  }
0xf5: {  	v6 =	vmul.bf16 v6, v4;
	v7 =	vadd.bf16 v8, v7  }
0xf6: {  	v9 =	vmul.bf16 v12, v2;
	v10 =	vmul.bf16 v13, v3  }
0xf7: {  	v8 =	vmul.bf16 v11, v5;
	v11 =	vunpack.i.u.bf16.f32 v7;
	v7 =	vunpack.i.l.bf16.f32 v7  }
0xf8: {  	v7 =	vadd.f32 v7, v11  }
0xf9: {  	s12 =	simm.s32 $0x1A580;
	v6 =	vadd.bf16 v8, v6;
	v8 =	vadd.bf16 v10, v9  }
0xfa: {  	[tilespmem:s12+$0xFFFFFC00] =	vst v7  }
0xfb: {  	v6 =	vadd.bf16 v8, v6;
	v7 =	vld [tilespmem:s26+$0xFFFFFC80]  }
0xfc: {  	v8 =	vld [tilespmem:s26+$0xFFFFFC90]  }
0xfd: {  	v9 =	vunpack.i.u.bf16.f32 v6;
	v6 =	vunpack.i.l.bf16.f32 v6;
	v10 =	vld [tilespmem:s26+$0xFFFFFCA0]  }
0xfe: {  	v6 =	vadd.f32 v6, v9;
	v9 =	vld [tilespmem:s26+$0xFFFFFCB0];
	_ =	sdelay $0x1  }
0xff: {  	[tilespmem:s10+$0xFFFFFE80] =	vst v6  }
0x100: {  	v6 =	vld [tilespmem:s9+$0xFFFFFF00]  }
0x101: {  	v12 =	vld [tilespmem:s9+$0xFFFFFF20];
	v7 =	vmul.bf16 v7, v4;
	v8 =	vmul.bf16 v8, v5  }
0x102: {  	v13 =	vld [tilespmem:s9+$0xFFFFFF30];
	v10 =	vmul.bf16 v10, v2;
	v9 =	vmul.bf16 v9, v3  }
0x103: {  	v11 =	vld [tilespmem:s9+$0xFFFFFF10]  }
0x104: {  	v7 =	vadd.bf16 v8, v7;
	v8 =	vadd.bf16 v9, v10;
	_ =	sdelay $0x1  }
0x105: {  	v6 =	vmul.bf16 v6, v4;
	v7 =	vadd.bf16 v8, v7  }
0x106: {  	v9 =	vmul.bf16 v12, v2;
	v10 =	vmul.bf16 v13, v3  }
0x107: {  	v8 =	vmul.bf16 v11, v5;
	v11 =	vunpack.i.u.bf16.f32 v7;
	v7 =	vunpack.i.l.bf16.f32 v7  }
0x108: {  	v7 =	vadd.f32 v7, v11  }
0x109: {  	v6 =	vadd.bf16 v8, v6;
	v8 =	vadd.bf16 v10, v9  }
0x10a: {  	[tilespmem:s12+$0xFFFFFC80] =	vst v7  }
0x10b: {  	v6 =	vadd.bf16 v8, v6;
	v7 =	vld [tilespmem:s26+$0xFFFFFD00]  }
0x10c: {  	v8 =	vld [tilespmem:s26+$0xFFFFFD10]  }
0x10d: {  	v9 =	vunpack.i.u.bf16.f32 v6;
	v6 =	vunpack.i.l.bf16.f32 v6;
	v10 =	vld [tilespmem:s26+$0xFFFFFD20]  }
0x10e: {  	v6 =	vadd.f32 v6, v9;
	v9 =	vld [tilespmem:s26+$0xFFFFFD30];
	_ =	sdelay $0x1  }
0x10f: {  	[tilespmem:s10+$0xFFFFFF00] =	vst v6  }
0x110: {  	v6 =	vld [tilespmem:s9+$0xFFFFFF80]  }
0x111: {  	v12 =	vld [tilespmem:s9+$0xFFFFFFA0];
	v7 =	vmul.bf16 v7, v4;
	v8 =	vmul.bf16 v8, v5  }
0x112: {  	v13 =	vld [tilespmem:s9+$0xFFFFFFB0];
	v10 =	vmul.bf16 v10, v2;
	v9 =	vmul.bf16 v9, v3  }
0x113: {  	v11 =	vld [tilespmem:s9+$0xFFFFFF90]  }
0x114: {  	v7 =	vadd.bf16 v8, v7;
	v8 =	vadd.bf16 v9, v10;
	_ =	sdelay $0x1  }
0x115: {  	v6 =	vmul.bf16 v6, v4;
	v7 =	vadd.bf16 v8, v7  }
0x116: {  	v9 =	vmul.bf16 v12, v2;
	v10 =	vmul.bf16 v13, v3  }
0x117: {  	v8 =	vmul.bf16 v11, v5;
	v11 =	vunpack.i.u.bf16.f32 v7;
	v7 =	vunpack.i.l.bf16.f32 v7  }
0x118: {  	v7 =	vadd.f32 v7, v11  }
0x119: {  	v6 =	vadd.bf16 v8, v6;
	v8 =	vadd.bf16 v10, v9  }
0x11a: {  	[tilespmem:s12+$0xFFFFFD00] =	vst v7  }
0x11b: {  	v6 =	vadd.bf16 v8, v6;
	v7 =	vld [tilespmem:s26+$0xFFFFFD80]  }
0x11c: {  	v8 =	vld [tilespmem:s26+$0xFFFFFD90]  }
0x11d: {  	v9 =	vunpack.i.u.bf16.f32 v6;
	v6 =	vunpack.i.l.bf16.f32 v6;
	v10 =	vld [tilespmem:s26+$0xFFFFFDA0]  }
0x11e: {  	v6 =	vadd.f32 v6, v9;
	v9 =	vld [tilespmem:s26+$0xFFFFFDB0];
	_ =	sdelay $0x1  }
0x11f: {  	[tilespmem:s10+$0xFFFFFF80] =	vst v6  }
0x120: {  	v6 =	vld [tilespmem:s9+$0x0]  }
0x121: {  	v12 =	vld [tilespmem:s9+$0x20];
	v7 =	vmul.bf16 v7, v4;
	v8 =	vmul.bf16 v8, v5  }
0x122: {  	v13 =	vld [tilespmem:s9+$0x30];
	v10 =	vmul.bf16 v10, v2;
	v9 =	vmul.bf16 v9, v3  }
0x123: {  	v11 =	vld [tilespmem:s9+$0x10]  }
0x124: {  	v7 =	vadd.bf16 v8, v7;
	v8 =	vadd.bf16 v9, v10;
	_ =	sdelay $0x1  }
0x125: {  	v6 =	vmul.bf16 v6, v4;
	v7 =	vadd.bf16 v8, v7  }
0x126: {  	v9 =	vmul.bf16 v12, v2;
	v10 =	vmul.bf16 v13, v3  }
0x127: {  	v8 =	vmul.bf16 v11, v5;
	v11 =	vunpack.i.u.bf16.f32 v7;
	v7 =	vunpack.i.l.bf16.f32 v7  }
0x128: {  	v7 =	vadd.f32 v7, v11  }
0x129: {  	v6 =	vadd.bf16 v8, v6;
	v8 =	vadd.bf16 v10, v9  }
0x12a: {  	[tilespmem:s12+$0xFFFFFD80] =	vst v7  }
0x12b: {  	v6 =	vadd.bf16 v8, v6;
	v7 =	vld [tilespmem:s26+$0xFFFFFE00]  }
0x12c: {  	v8 =	vld [tilespmem:s26+$0xFFFFFE10]  }
0x12d: {  	v9 =	vunpack.i.u.bf16.f32 v6;
	v6 =	vunpack.i.l.bf16.f32 v6;
	v10 =	vld [tilespmem:s26+$0xFFFFFE20]  }
0x12e: {  	v6 =	vadd.f32 v6, v9;
	v9 =	vld [tilespmem:s26+$0xFFFFFE30];
	_ =	sdelay $0x1  }
0x12f: {  	[tilespmem:s10+$0x0] =	vst v6  }
0x130: {  	v6 =	vld [tilespmem:s9+$0x80]  }
0x131: {  	v12 =	vld [tilespmem:s9+$0xA0];
	v7 =	vmul.bf16 v7, v4;
	v8 =	vmul.bf16 v8, v5  }
0x132: {  	v13 =	vld [tilespmem:s9+$0xB0];
	v10 =	vmul.bf16 v10, v2;
	v9 =	vmul.bf16 v9, v3  }
0x133: {  	v11 =	vld [tilespmem:s9+$0x90]  }
0x134: {  	v7 =	vadd.bf16 v8, v7;
	v8 =	vadd.bf16 v9, v10;
	_ =	sdelay $0x1  }
0x135: {  	v6 =	vmul.bf16 v6, v4;
	v7 =	vadd.bf16 v8, v7  }
0x136: {  	v9 =	vmul.bf16 v12, v2;
	v10 =	vmul.bf16 v13, v3  }
0x137: {  	v8 =	vmul.bf16 v11, v5;
	v11 =	vunpack.i.u.bf16.f32 v7;
	v7 =	vunpack.i.l.bf16.f32 v7  }
0x138: {  	v7 =	vadd.f32 v7, v11  }
0x139: {  	v6 =	vadd.bf16 v8, v6;
	v8 =	vadd.bf16 v10, v9  }
0x13a: {  	[tilespmem:s12+$0xFFFFFE00] =	vst v7  }
0x13b: {  	v6 =	vadd.bf16 v8, v6;
	v7 =	vld [tilespmem:s26+$0xFFFFFE80]  }
0x13c: {  	v8 =	vld [tilespmem:s26+$0xFFFFFE90]  }
0x13d: {  	v9 =	vunpack.i.u.bf16.f32 v6;
	v6 =	vunpack.i.l.bf16.f32 v6;
	v10 =	vld [tilespmem:s26+$0xFFFFFEA0]  }
0x13e: {  	v6 =	vadd.f32 v6, v9;
	v9 =	vld [tilespmem:s26+$0xFFFFFEB0];
	_ =	sdelay $0x1  }
0x13f: {  	[tilespmem:s10+$0x80] =	vst v6  }
0x140: {  	v6 =	vld [tilespmem:s9+$0x100]  }
0x141: {  	v11 =	vld [tilespmem:s9+$0x110];
	v7 =	vmul.bf16 v7, v4;
	v8 =	vmul.bf16 v8, v5  }
0x142: {  	v12 =	vld [tilespmem:s9+$0x120];
	v10 =	vmul.bf16 v10, v2;
	v9 =	vmul.bf16 v9, v3  }
0x143: {  	s7 =	simm.s32 $0xEC80;
	v13 =	vld [tilespmem:s9+$0x130]  }
0x144: {  	v14 =	vld [tilespmem:s7+$0xFFFFFC00];
	v7 =	vadd.bf16 v8, v7;
	v8 =	vadd.bf16 v9, v10  }
0x145: {  	v9 =	vld [tilespmem:s7+$0xFFFFFC10]  }
0x146: {  	v10 =	vld [tilespmem:s7+$0xFFFFFC20];
	v6 =	vmul.bf16 v6, v4;
	v7 =	vadd.bf16 v8, v7  }
0x147: {  	v11 =	vmul.bf16 v11, v5;
	v12 =	vmul.bf16 v12, v2;
	v8 =	vld [tilespmem:s7+$0xFFFFFC30]  }
0x148: {  	v13 =	vmul.bf16 v13, v3;
	v15 =	vunpack.i.u.bf16.f32 v7;
	v7 =	vunpack.i.l.bf16.f32 v7  }
0x149: {  	v7 =	vadd.f32 v7, v15  }
0x14a: {  	v6 =	vadd.bf16 v11, v6;
	v11 =	vadd.bf16 v13, v12  }
0x14b: {  	v12 =	vmul.bf16 v14, v4;
	v9 =	vmul.bf16 v9, v5;
	[tilespmem:s12+$0xFFFFFE80] =	vst v7  }
0x14c: {  	v6 =	vadd.bf16 v11, v6;
	v7 =	vmul.bf16 v10, v2;
	v8 =	vmul.bf16 v8, v3;
	v10 =	vld [tilespmem:s26+$0xFFFFFF00]  }
0x14d: {  	v9 =	vadd.bf16 v9, v12;
	v11 =	vld [tilespmem:s26+$0xFFFFFF10]  }
0x14e: {  	v12 =	vld [tilespmem:s26+$0xFFFFFF20];
	v7 =	vadd.bf16 v8, v7;
	v8 =	vunpack.i.u.bf16.f32 v6;
	v6 =	vunpack.i.l.bf16.f32 v6  }
0x14f: {  	v6 =	vadd.f32 v6, v8;
	v8 =	vld [tilespmem:s26+$0xFFFFFF30]  }
0x150: {  	v7 =	vadd.bf16 v7, v9  }
0x151: {  	[tilespmem:s10+$0x100] =	vst v6  }
0x152: {  	v6 =	vunpack.i.u.bf16.f32 v7;
	v7 =	vunpack.i.l.bf16.f32 v7;
	v9 =	vld [tilespmem:s9+$0x180]  }
0x153: {  	v10 =	vmul.bf16 v10, v4;
	v11 =	vmul.bf16 v11, v5;
	v13 =	vld [tilespmem:s9+$0x1A0];
	v6 =	vadd.f32 v7, v6  }
0x154: {  	s6 =	simm.s32 $0x1AD80;
	v12 =	vmul.bf16 v12, v2;
	v14 =	vld [tilespmem:s9+$0x1B0];
	v8 =	vmul.bf16 v8, v3  }
0x155: {  	v7 =	vld [tilespmem:s9+$0x190];
	[tilespmem:s6+$0xFFFFFC00] =	vst v6  }
0x156: {  	v10 =	vadd.bf16 v11, v10;
	v6 =	vld [tilespmem:s7+$0xFFFFFC80];
	v8 =	vadd.bf16 v8, v12  }
0x157: {  	v11 =	vld [tilespmem:s7+$0xFFFFFC90]  }
0x158: {  	v12 =	vld [tilespmem:s7+$0xFFFFFCA0];
	v9 =	vmul.bf16 v9, v4;
	v8 =	vadd.bf16 v8, v10  }
0x159: {  	v13 =	vmul.bf16 v13, v2;
	v14 =	vmul.bf16 v14, v3;
	v10 =	vld [tilespmem:s7+$0xFFFFFCB0]  }
0x15a: {  	v7 =	vmul.bf16 v7, v5;
	v15 =	vunpack.i.u.bf16.f32 v8;
	v8 =	vunpack.i.l.bf16.f32 v8  }
0x15b: {  	v8 =	vadd.f32 v8, v15  }
0x15c: {  	v7 =	vadd.bf16 v7, v9;
	v9 =	vadd.bf16 v14, v13  }
0x15d: {  	v6 =	vmul.bf16 v6, v4;
	v11 =	vmul.bf16 v11, v5;
	[tilespmem:s12+$0xFFFFFF00] =	vst v8  }
0x15e: {  	v7 =	vadd.bf16 v9, v7;
	v8 =	vmul.bf16 v12, v2;
	v9 =	vmul.bf16 v10, v3;
	v10 =	vld [tilespmem:s26+$0xFFFFFF80]  }
0x15f: {  	v6 =	vadd.bf16 v11, v6;
	v11 =	vld [tilespmem:s26+$0xFFFFFF90]  }
0x160: {  	v12 =	vunpack.i.u.bf16.f32 v7;
	v7 =	vunpack.i.l.bf16.f32 v7;
	v8 =	vadd.bf16 v9, v8;
	v9 =	vld [tilespmem:s26+$0xFFFFFFA0]  }
0x161: {  	v7 =	vadd.f32 v7, v12;
	v12 =	vld [tilespmem:s26+$0xFFFFFFB0]  }
0x162: {  	v6 =	vadd.bf16 v8, v6  }
0x163: {  	[tilespmem:s10+$0x180] =	vst v7  }
0x164: {  	v7 =	vld [tilespmem:s9+$0x200];
	v8 =	vunpack.i.u.bf16.f32 v6;
	v6 =	vunpack.i.l.bf16.f32 v6  }
0x165: {  	v13 =	vld [tilespmem:s9+$0x210];
	v6 =	vadd.f32 v6, v8;
	v8 =	vmul.bf16 v10, v4;
	v10 =	vmul.bf16 v11, v5  }
0x166: {  	v14 =	vld [tilespmem:s9+$0x230];
	v9 =	vmul.bf16 v9, v2;
	v12 =	vmul.bf16 v12, v3  }
0x167: {  	v11 =	vld [tilespmem:s9+$0x220];
	[tilespmem:s6+$0xFFFFFC80] =	vst v6  }
0x168: {  	v8 =	vadd.bf16 v10, v8;
	v9 =	vadd.bf16 v12, v9;
	v6 =	vld [tilespmem:s7+$0xFFFFFD00]  }
0x169: {  	v10 =	vld [tilespmem:s7+$0xFFFFFD10]  }
0x16a: {  	v12 =	vld [tilespmem:s7+$0xFFFFFD20];
	v8 =	vadd.bf16 v9, v8  }
0x16b: {  	v7 =	vmul.bf16 v7, v4;
	v9 =	vld [tilespmem:s7+$0xFFFFFD30]  }
0x16c: {  	v13 =	vmul.bf16 v13, v5;
	v15 =	vunpack.i.u.bf16.f32 v8;
	v8 =	vunpack.i.l.bf16.f32 v8  }
0x16d: {  	v14 =	vmul.bf16 v14, v3;
	v11 =	vmul.bf16 v11, v2;
	v8 =	vadd.f32 v8, v15  }
0x16e: {  	v7 =	vadd.bf16 v13, v7  }
0x16f: {  	v11 =	vadd.bf16 v14, v11;
	v6 =	vmul.bf16 v6, v4;
	v10 =	vmul.bf16 v10, v5;
	[tilespmem:s12+$0xFFFFFF80] =	vst v8  }
0x170: {  	v8 =	vmul.bf16 v12, v2;
	v9 =	vmul.bf16 v9, v3;
	v12 =	vld [tilespmem:s26+$0x0]  }
0x171: {  	v7 =	vadd.bf16 v11, v7;
	v11 =	vld [tilespmem:s26+$0x10]  }
0x172: {  	v6 =	vadd.bf16 v10, v6;
	v10 =	vld [tilespmem:s26+$0x30];
	v8 =	vadd.bf16 v9, v8  }
0x173: {  	v9 =	vld [tilespmem:s26+$0x20]  }
0x174: {  	v13 =	vunpack.i.u.bf16.f32 v7;
	v7 =	vunpack.i.l.bf16.f32 v7;
	v6 =	vadd.bf16 v8, v6  }
0x175: {  	v7 =	vadd.f32 v7, v13  }
0x176: {  	v8 =	vunpack.i.u.bf16.f32 v6;
	v6 =	vunpack.i.l.bf16.f32 v6  }
0x177: {  	[tilespmem:s10+$0x200] =	vst v7;
	v7 =	vmul.bf16 v12, v4;
	v10 =	vmul.bf16 v10, v3;
	v6 =	vadd.f32 v6, v8  }
0x178: {  	v12 =	vld [tilespmem:s9+$0x290];
	v8 =	vmul.bf16 v11, v5;
	v9 =	vmul.bf16 v9, v2  }
0x179: {  	v11 =	vld [tilespmem:s9+$0x280];
	[tilespmem:s6+$0xFFFFFD00] =	vst v6  }
0x17a: {  	v7 =	vadd.bf16 v8, v7;
	v8 =	vadd.bf16 v10, v9;
	v6 =	vld [tilespmem:s7+$0xFFFFFD80]  }
0x17b: {  	v9 =	vld [tilespmem:s7+$0xFFFFFD90]  }
0x17c: {  	v10 =	vld [tilespmem:s7+$0xFFFFFDA0];
	v7 =	vadd.bf16 v8, v7  }
0x17d: {  	v8 =	vld [tilespmem:s7+$0xFFFFFDB0]  }
0x17e: {  	v13 =	vld [tilespmem:s9+$0x2A0];
	v14 =	vunpack.i.u.bf16.f32 v7;
	v7 =	vunpack.i.l.bf16.f32 v7  }
0x17f: {  	v15 =	vld [tilespmem:s9+$0x2B0];
	v7 =	vadd.f32 v7, v14  }
0x180: {  	v12 =	vmul.bf16 v12, v5;
	v11 =	vmul.bf16 v11, v4  }
0x181: {  	v6 =	vmul.bf16 v6, v4;
	v9 =	vmul.bf16 v9, v5;
	[tilespmem:s12+$0x0] =	vst v7  }
0x182: {  	v7 =	vmul.bf16 v10, v2;
	v8 =	vmul.bf16 v8, v3;
	v10 =	vld [tilespmem:s26+$0x80]  }
0x183: {  	v13 =	vmul.bf16 v13, v2;
	v14 =	vld [tilespmem:s26+$0x90];
	v6 =	vadd.bf16 v9, v6  }
0x184: {  	v15 =	vmul.bf16 v15, v3;
	v9 =	vadd.bf16 v12, v11;
	v11 =	vld [tilespmem:s26+$0xB0];
	v7 =	vadd.bf16 v8, v7  }
0x185: {  	v8 =	vld [tilespmem:s26+$0xA0]  }
0x186: {  	v12 =	vadd.bf16 v15, v13;
	v6 =	vadd.bf16 v7, v6;
	_ =	sdelay $0x1  }
0x187: {  	v7 =	vadd.bf16 v12, v9;
	v9 =	vunpack.i.u.bf16.f32 v6;
	v6 =	vunpack.i.l.bf16.f32 v6  }
0x188: {  	v11 =	vmul.bf16 v11, v3;
	v6 =	vadd.f32 v6, v9;
	v9 =	vmul.bf16 v10, v4  }
0x189: {  	v10 =	vmul.bf16 v14, v5;
	v8 =	vmul.bf16 v8, v2  }
0x18a: {  	v12 =	vunpack.i.u.bf16.f32 v7;
	[tilespmem:s6+$0xFFFFFD80] =	vst v6  }
0x18b: {  	v6 =	vunpack.i.l.bf16.f32 v7;
	v9 =	vadd.bf16 v10, v9;
	v8 =	vadd.bf16 v11, v8;
	v7 =	vld [tilespmem:s7+$0xFFFFFE00]  }
0x18c: {  	v6 =	vadd.f32 v6, v12;
	v10 =	vld [tilespmem:s7+$0xFFFFFE10]  }
0x18d: {  	v11 =	vld [tilespmem:s7+$0xFFFFFE20];
	v8 =	vadd.bf16 v8, v9  }
0x18e: {  	[tilespmem:s10+$0x280] =	vst v6;
	v6 =	vld [tilespmem:s7+$0xFFFFFE30]  }
0x18f: {  	v9 =	vld [tilespmem:s9+$0x300];
	v12 =	vunpack.i.u.bf16.f32 v8;
	v8 =	vunpack.i.l.bf16.f32 v8  }
0x190: {  	v13 =	vld [tilespmem:s9+$0x310];
	v8 =	vadd.f32 v8, v12  }
0x191: {  	v14 =	vld [tilespmem:s9+$0x330]  }
0x192: {  	v12 =	vld [tilespmem:s9+$0x320];
	v7 =	vmul.bf16 v7, v4;
	v10 =	vmul.bf16 v10, v5;
	[tilespmem:s12+$0x80] =	vst v8  }
0x193: {  	v8 =	vmul.bf16 v11, v2;
	v6 =	vmul.bf16 v6, v3;
	v11 =	vld [tilespmem:s26+$0x100]  }
0x194: {  	v15 =	vld [tilespmem:s26+$0x110]  }
0x195: {  	v7 =	vadd.bf16 v10, v7;
	v10 =	vmul.bf16 v13, v5;
	v13 =	vld [tilespmem:s26+$0x130];
	v6 =	vadd.bf16 v6, v8  }
0x196: {  	v9 =	vmul.bf16 v9, v4;
	v8 =	vld [tilespmem:s26+$0x120]  }
0x197: {  	v14 =	vmul.bf16 v14, v3;
	v12 =	vmul.bf16 v12, v2;
	v6 =	vadd.bf16 v6, v7  }
0x198: {  	s8 =	simm.s32 $0xF480;
	v7 =	vadd.bf16 v10, v9  }
0x199: {  	v9 =	vadd.bf16 v14, v12;
	v12 =	vld [tilespmem:s8+$0xFFFFFC00];
	v10 =	vunpack.i.u.bf16.f32 v6;
	v6 =	vunpack.i.l.bf16.f32 v6  }
0x19a: {  	v11 =	vmul.bf16 v11, v4;
	v14 =	vmul.bf16 v15, v5;
	v15 =	vld [tilespmem:s8+$0xFFFFFC20];
	v6 =	vadd.f32 v6, v10  }
0x19b: {  	v13 =	vmul.bf16 v13, v3;
	v10 =	vld [tilespmem:s8+$0xFFFFFC10];
	v8 =	vmul.bf16 v8, v2  }
0x19c: {  	v7 =	vadd.bf16 v9, v7;
	v9 =	vld [tilespmem:s8+$0xFFFFFC30];
	[tilespmem:s6+$0xFFFFFE00] =	vst v6  }
0x19d: {  	v11 =	vadd.bf16 v14, v11;
	v8 =	vadd.bf16 v13, v8;
	v6 =	vld [tilespmem:s7+$0xFFFFFE80]  }
0x19e: {  	v13 =	vunpack.i.u.bf16.f32 v7;
	v7 =	vunpack.i.l.bf16.f32 v7;
	v14 =	vld [tilespmem:s7+$0xFFFFFE90]  }
0x19f: {  	v12 =	vmul.bf16 v12, v4;
	v7 =	vadd.f32 v7, v13;
	v13 =	vld [tilespmem:s7+$0xFFFFFEA0];
	v8 =	vadd.bf16 v8, v11  }
0x1a0: {  	v15 =	vmul.bf16 v15, v2;
	v11 =	vld [tilespmem:s7+$0xFFFFFEB0];
	v10 =	vmul.bf16 v10, v5  }
0x1a1: {  	[tilespmem:s10+$0x300] =	vst v7;
	v7 =	vmul.bf16 v9, v3;
	v9 =	vunpack.i.u.bf16.f32 v8;
	v8 =	vunpack.i.l.bf16.f32 v8  }
0x1a2: {  	v41 =	vld [tilespmem:s9+$0x380];
	v8 =	vadd.f32 v8, v9  }
0x1a3: {  	v9 =	vld [tilespmem:s9+$0x390];
	v10 =	vadd.bf16 v10, v12;
	v7 =	vadd.bf16 v7, v15  }
0x1a4: {  	v12 =	vld [tilespmem:s9+$0x3A0];
	v6 =	vmul.bf16 v6, v4;
	v14 =	vmul.bf16 v14, v5;
	[tilespmem:s12+$0x100] =	vst v8  }
0x1a5: {  	v8 =	vmul.bf16 v13, v2;
	v11 =	vmul.bf16 v11, v3;
	v7 =	vadd.bf16 v7, v10;
	v10 =	vld [tilespmem:s26+$0x180]  }
0x1a6: {  	v6 =	vadd.bf16 v14, v6;
	v13 =	vld [tilespmem:s26+$0x190]  }
0x1a7: {  	v14 =	vld [tilespmem:s26+$0x1A0];
	v8 =	vadd.bf16 v11, v8;
	v11 =	vunpack.i.u.bf16.f32 v7;
	v7 =	vunpack.i.l.bf16.f32 v7  }
0x1a8: {  	v7 =	vadd.f32 v7, v11;
	v11 =	vld [tilespmem:s26+$0x1B0]  }
0x1a9: {  	v15 =	vld [tilespmem:s9+$0x3B0];
	v6 =	vadd.bf16 v8, v6  }
0x1aa: {  	s9 =	simm.s32 $0x1B580  }
0x1ab: {  	v12 =	vmul.bf16 v12, v2;
	[tilespmem:s9+$0xFFFFFC00] =	vst v7;
	v7 =	vmul.bf16 v9, v5;
	v9 =	vunpack.i.u.bf16.f32 v6  }
0x1ac: {  	v6 =	vunpack.i.l.bf16.f32 v6;
	v42 =	vld [tilespmem:s8+$0xFFFFFC80];
	v10 =	vmul.bf16 v10, v4;
	v13 =	vmul.bf16 v13, v5  }
0x1ad: {  	v43 =	vld [tilespmem:s8+$0xFFFFFCA0];
	v14 =	vmul.bf16 v14, v2;
	v6 =	vadd.f32 v6, v9;
	v11 =	vmul.bf16 v11, v3  }
0x1ae: {  	v15 =	vmul.bf16 v15, v3;
	v8 =	vmul.bf16 v41, v4;
	v9 =	vld [tilespmem:s8+$0xFFFFFC90]  }
0x1af: {  	s11 =	simm.s32 $0x0;
	v44 =	vld [tilespmem:s8+$0xFFFFFCB0];
	[tilespmem:s6+$0xFFFFFE80] =	vst v6;
	v6 =	vadd.bf16 v13, v10;
	v10 =	vadd.bf16 v11, v14  }
0x1b0: {  	v7 =	vadd.bf16 v7, v8;
	v8 =	vadd.bf16 v15, v12;
	v45 =	vld [tilespmem:s7+$0xFFFFFF00];
	v11 =	vmov s11  }
0x1b1: {  	v12 =	vld [tilespmem:s7+$0xFFFFFF10];
	v11 =	vshll.u32 v11, $0x7;
	v10 =	vadd.bf16 v10, v6  }
0x1b2: {  	v7 =	vadd.bf16 v8, v7;
	v13 =	vld [tilespmem:s7+$0xFFFFFF20];
	v8 =	vmul.bf16 v42, v4;
	v6 =	vor.u32 v1, v11  }
0x1b3: {  	v11 =	vld [tilespmem:s7+$0xFFFFFF30];
	v9 =	vmul.bf16 v9, v5;
	v14 =	vunpack.i.u.bf16.f32 v10;
	v10 =	vunpack.i.l.bf16.f32 v10  }
0x1b4: {  	v15 =	vmul.bf16 v43, v2;
	v46 =	vmul.bf16 v44, v3;
	v10 =	vadd.f32 v10, v14  }
0x1b5: {  	v49 =	vor.u32 $0x3, v6;
	v54 =	vor.u32 $0x6, v6;
	v8 =	vadd.bf16 v9, v8  }
0x1b6: {  	v9 =	vadd.bf16 v46, v15;
	v14 =	vunpack.i.u.bf16.f32 v7;
	v15 =	vmul.bf16 v45, v4;
	[tilespmem:s12+$0x180] =	vst v10  }
0x1b7: {  	v7 =	vunpack.i.l.bf16.f32 v7;
	v12 =	vmul.bf16 v12, v5;
	v13 =	vmul.bf16 v13, v2;
	v47 =	vld [tilespmem:s26+$0x200]  }
0x1b8: {  	v7 =	vadd.f32 v7, v14;
	v8 =	vadd.bf16 v9, v8;
	v11 =	vmul.bf16 v11, v3;
	v9 =	vld [tilespmem:s26+$0x210]  }
0x1b9: {  	v14 =	vor.u32 $0x2, v6;
	v12 =	vadd.bf16 v12, v15;
	v15 =	vld [tilespmem:s26+$0x230]  }
0x1ba: {  	[tilespmem:s10+$0x380] =	vst v7;
	v11 =	vadd.bf16 v11, v13;
	v13 =	vld [tilespmem:s26+$0x220]  }
0x1bb: {  	v7 =	vunpack.i.u.bf16.f32 v8;
	v8 =	vunpack.i.l.bf16.f32 v8;
	v17 =	vld.idx.msk [tilespmem:v6+s25+$0x0], $0xffff  }
0x1bc: {  	v7 =	vadd.f32 v8, v7;
	v18 =	vld.idx.msk [tilespmem:v49+s25+$0x0], $0xffff;
	v8 =	vadd.bf16 v11, v12  }
0x1bd: {  	v61 =	vld.idx.msk [tilespmem:v54+s25+$0x0], $0xffff  }
0x1be: {  	v11 =	vld.idx.msk [tilespmem:v14+s25+$0x0], $0xffff;
	[tilespmem:s9+$0xFFFFFC80] =	vst v7;
	v7 =	vunpack.i.u.bf16.f32 v8  }
0x1bf: {  	v12 =	vld [tilespmem:s8+$0xFFFFFD00];
	v8 =	vunpack.i.l.bf16.f32 v8;
	v14 =	vmul.bf16 v47, v4;
	v9 =	vmul.bf16 v9, v5  }
0x1c0: {  	v48 =	vld [tilespmem:s8+$0xFFFFFD10];
	v7 =	vadd.f32 v8, v7;
	v8 =	vmul.bf16 v13, v2;
	v13 =	vmul.bf16 v15, v3  }
0x1c1: {  	v50 =	vld [tilespmem:s8+$0xFFFFFD30]  }
0x1c2: {  	v55 =	vor.u32 $0x7, v6;
	v15 =	vld [tilespmem:s8+$0xFFFFFD20];
	[tilespmem:s6+$0xFFFFFF00] =	vst v7;
	v7 =	vadd.bf16 v9, v14;
	v8 =	vadd.bf16 v13, v8  }
0x1c3: {  	v60 =	vor.u32 $0x9, v6;
	v13 =	vld [tilespmem:s7+$0xFFFFFF80]  }
0x1c4: {  	v43 =	vor.u32 $0xE, v6;
	v51 =	vld [tilespmem:s7+$0xFFFFFF90];
	v7 =	vadd.bf16 v8, v7  }
0x1c5: {  	v52 =	vld [tilespmem:s7+$0xFFFFFFB0];
	v12 =	vmul.bf16 v12, v4  }
0x1c6: {  	v16 =	vmul.bf16 v48, v5;
	v8 =	vld [tilespmem:s7+$0xFFFFFFA0];
	v53 =	vunpack.i.u.bf16.f32 v7;
	v7 =	vunpack.i.l.bf16.f32 v7  }
0x1c7: {  	v23 =	vld.idx.msk [tilespmem:v55+s25+$0x0], $0xffff;
	v19 =	vmul.bf16 v50, v3;
	v15 =	vmul.bf16 v15, v2;
	v7 =	vadd.f32 v7, v53  }
0x1c8: {  	v10 =	vor.u32 $0x1, v6;
	v63 =	vld.idx.msk [tilespmem:v60+s25+$0x0], $0xffff  }
0x1c9: {  	v54 =	vld.idx.msk [tilespmem:v43+s25+$0x0], $0xffff;
	v9 =	vor.u32 $0x4, v6;
	v12 =	vadd.bf16 v16, v12;
	[tilespmem:s12+$0x200] =	vst v7;
	v7 =	vadd.bf16 v19, v15  }
0x1ca: {  	v14 =	vor.u32 $0x5, v6;
	v13 =	vmul.bf16 v13, v4;
	v15 =	vmul.bf16 v51, v5;
	v56 =	vld [tilespmem:s26+$0x280]  }
0x1cb: {  	v58 =	vmul.bf16 v52, v3;
	v8 =	vmul.bf16 v8, v2;
	v59 =	vld [tilespmem:s26+$0x290];
	v7 =	vadd.bf16 v7, v12  }
0x1cc: {  	v12 =	vld [tilespmem:s26+$0x2A0];
	v13 =	vadd.bf16 v15, v13  }
0x1cd: {  	v8 =	vadd.bf16 v58, v8;
	v15 =	vld [tilespmem:s26+$0x2B0];
	v62 =	vunpack.i.u.bf16.f32 v7;
	v7 =	vunpack.i.l.bf16.f32 v7  }
0x1ce: {  	v10 =	vld.idx.msk [tilespmem:v10+s25+$0x0], $0xffff;
	v7 =	vadd.f32 v7, v62  }
0x1cf: {  	v9 =	vld.idx.msk [tilespmem:v9+s25+$0x0], $0xffff;
	v8 =	vadd.bf16 v8, v13  }
0x1d0: {  	v14 =	vld.idx.msk [tilespmem:v14+s25+$0x0], $0xffff;
	v16 =	vmul.bf16 v56, v4;
	[tilespmem:s9+$0xFFFFFD00] =	vst v7  }
0x1d1: {  	v21 =	vmul.bf16 v59, v5;
	v7 =	vunpack.i.u.bf16.f32 v8;
	v8 =	vunpack.i.l.bf16.f32 v8;
	v33 =	vld [tilespmem:s8+$0xFFFFFD80]  }
0x1d2: {  	v12 =	vmul.bf16 v12, v2;
	v15 =	vmul.bf16 v15, v3;
	v34 =	vld [tilespmem:s8+$0xFFFFFD90];
	v7 =	vadd.f32 v8, v7  }
0x1d3: {  	v8 =	vld [tilespmem:s8+$0xFFFFFDA0]  }
0x1d4: {  	v42 =	vor.u32 $0xD, v6;
	v16 =	vadd.bf16 v21, v16;
	v35 =	vld [tilespmem:s8+$0xFFFFFDB0];
	v12 =	vadd.bf16 v15, v12;
	[tilespmem:s6+$0xFFFFFF80] =	vst v7  }
0x1d5: {  	v57 =	vor.u32 $0x8, v6;
	v36 =	vld [tilespmem:s7+$0x0]  }
0x1d6: {  	v15 =	vor.u32 $0xA, v6;
	v12 =	vadd.bf16 v12, v16;
	v38 =	vld [tilespmem:s7+$0x10]  }
0x1d7: {  	v39 =	vld [tilespmem:s7+$0x20]  }
0x1d8: {  	v41 =	vld [tilespmem:s7+$0x30];
	v40 =	vunpack.i.u.bf16.f32 v12;
	v12 =	vunpack.i.l.bf16.f32 v12  }
0x1d9: {  	v53 =	vld.idx.msk [tilespmem:v42+s25+$0x0], $0xffff;
	v22 =	vmul.bf16 v33, v4;
	v24 =	vmul.bf16 v34, v5;
	v12 =	vadd.f32 v12, v40  }
0x1da: {  	v37 =	vor.u32 $0xC, v6;
	v13 =	vld.idx.msk [tilespmem:v57+s25+$0x0], $0xffff;
	v8 =	vmul.bf16 v8, v2;
	v21 =	vmul.bf16 v35, v3  }
0x1db: {  	v11 =	vadd.f32 v18, v11;
	v7 =	vor.u32 $0xB, v6;
	v15 =	vld.idx.msk [tilespmem:v15+s25+$0x0], $0xffff;
	v22 =	vadd.bf16 v24, v22;
	[tilespmem:s12+$0x280] =	vst v12  }
0x1dc: {  	v8 =	vadd.bf16 v21, v8;
	v12 =	vmul.bf16 v36, v4;
	v44 =	vmul.bf16 v38, v5;
	v45 =	vld [tilespmem:s26+$0x300]  }
0x1dd: {  	v6 =	vor.u32 $0xF, v6;
	v46 =	vmul.bf16 v39, v2;
	v47 =	vmul.bf16 v41, v3;
	v48 =	vld [tilespmem:s26+$0x310]  }
0x1de: {  	v10 =	vadd.f32 v10, v17;
	v8 =	vadd.bf16 v8, v22;
	v49 =	vld [tilespmem:s26+$0x320]  }
0x1df: {  	v51 =	vld [tilespmem:s26+$0x330];
	v12 =	vadd.bf16 v44, v12;
	v50 =	vadd.bf16 v47, v46  }
0x1e0: {  	v9 =	vadd.f32 v14, v9;
	v7 =	vld.idx.msk [tilespmem:v7+s25+$0x0], $0xffff;
	v52 =	vunpack.i.u.bf16.f32 v8;
	v8 =	vunpack.i.l.bf16.f32 v8  }
0x1e1: {  	v16 =	vld.idx.msk [tilespmem:v37+s25+$0x0], $0xffff;
	v8 =	vadd.f32 v8, v52;
	v12 =	vadd.bf16 v50, v12  }
0x1e2: {  	v14 =	vadd.f32 v23, v61;
	v13 =	vadd.f32 v63, v13;
	v6 =	vld.idx.msk [tilespmem:v6+s25+$0x0], $0xffff  }
0x1e3: {  	[tilespmem:s9+$0xFFFFFD80] =	vst v8;
	v8 =	vunpack.i.u.bf16.f32 v12;
	v55 =	vmul.bf16 v45, v4;
	v56 =	vmul.bf16 v48, v5  }
0x1e4: {  	v12 =	vunpack.i.l.bf16.f32 v12;
	v17 =	vmul.bf16 v49, v2;
	v22 =	vmul.bf16 v51, v3;
	v57 =	vld [tilespmem:s8+$0xFFFFFE00]  }
0x1e5: {  	v7 =	vadd.f32 v7, v15;
	v58 =	vld [tilespmem:s8+$0xFFFFFE10];
	v8 =	vadd.f32 v12, v8  }
0x1e6: {  	v12 =	vld [tilespmem:s8+$0xFFFFFE20];
	v15 =	vadd.bf16 v56, v55;
	v17 =	vadd.bf16 v22, v17  }
0x1e7: {  	v16 =	vadd.f32 v53, v16;
	v6 =	vadd.f32 v6, v54;
	v59 =	vld [tilespmem:s8+$0xFFFFFE30]  }
0x1e8: {  	[tilespmem:s6+$0x0] =	vst v8;
	v8 =	vadd.f32 v11, v10;
	v10 =	vadd.bf16 v17, v15  }
0x1e9: {  	v9 =	vadd.f32 v14, v9;
	v7 =	vadd.f32 v7, v13;
	v11 =	vld [tilespmem:s7+$0x80]  }
0x1ea: {  	v6 =	vadd.f32 v6, v16;
	v13 =	vld [tilespmem:s7+$0x90];
	v14 =	vunpack.i.u.bf16.f32 v10;
	v10 =	vunpack.i.l.bf16.f32 v10  }
0x1eb: {  	v61 =	vld [tilespmem:s7+$0xA0];
	v15 =	vmul.bf16 v57, v4;
	v60 =	vmul.bf16 v58, v5;
	v10 =	vadd.f32 v10, v14  }
0x1ec: {  	v62 =	vld [tilespmem:s7+$0xB0];
	v12 =	vmul.bf16 v12, v2;
	v19 =	vmul.bf16 v59, v3  }
0x1ed: {  	v7 =	vadd.f32 v6, v7;
	v8 =	vadd.f32 v9, v8;
	[tilespmem:s12+$0x300] =	vst v10  }
0x1ee: {  	v14 =	vadd.bf16 v60, v15;
	v12 =	vadd.bf16 v19, v12;
	v6 =	vld [tilespmem:s26+$0x380]  }
0x1ef: {  	v9 =	vadd.f32 v7, v8;
	v7 =	vld [tilespmem:s26+$0x390]  }
0x1f0: {  	s10 =	simm.s32 $0x19880;
	v11 =	vmul.bf16 v11, v4;
	v15 =	vmul.bf16 v61, v2;
	v10 =	vadd.bf16 v12, v14;
	v8 =	vld [tilespmem:s26+$0x3A0]  }
0x1f1: {  	v63 =	vmul.bf16 v62, v3;
	[tilespmem:s10+$0x0] =	vst v9;
	v14 =	vmul.bf16 v13, v5;
	v9 =	vld [tilespmem:s26+$0x3B0]  }
0x1f2: {  	s31 =	simm.s32 $0x20;
	s19 =	simm.s32 $0x40;
	v12 =	vunpack.i.u.bf16.f32 v10  }
0x1f3: {  	s22 =	simm.s32 $0x30;
	s0 =	simm.s32 $0xFC80;
	s11 =	simm.s32 $0x10;
	v13 =	vunpack.i.l.bf16.f32 v10;
	v10 =	vadd.bf16 v14, v11;
	v11 =	vadd.bf16 v63, v15  }
.LBB2_3:
0x1f4: {  	v14 =	vld [tilespmem:s0+$0xFFFFFC00];
	p1 =	sne.s32 s19, $0x70;
	v12 =	vadd.f32 v13, v12  }
0x1f5: {  	v6 =	vmul.bf16 v6, v4;
	v7 =	vmul.bf16 v7, v5;
	v13 =	vld [tilespmem:s0+$0xFFFFFC10];
	v10 =	vadd.bf16 v11, v10  }
0x1f6: {  	v8 =	vmul.bf16 v8, v2;
	v11 =	vld [tilespmem:s0+$0xFFFFFC20];
	v9 =	vmul.bf16 v9, v3  }
0x1f7: {  	v15 =	vld [tilespmem:s0+$0xFFFFFC30];
	[tilespmem:s9+$0xFFFFFE00] =	vst v12;
	v12 =	vunpack.i.u.bf16.f32 v10  }
0x1f8: {  	v6 =	vadd.bf16 v7, v6;
	v10 =	vunpack.i.l.bf16.f32 v10;
	v16 =	vld [tilespmem:s8+$0xFFFFFE80];
	v7 =	vadd.bf16 v9, v8  }
0x1f9: {  	v9 =	vadd.f32 v10, v12;
	v10 =	vmov s11;
	s11 =	smov.u32 s31;
	s31 =	smov.u32 s22;
	s22 =	smov.u32 s19;
	v8 =	vld [tilespmem:s8+$0xFFFFFE90]  }
0x1fa: {  	v12 =	vld [tilespmem:s8+$0xFFFFFEA0];
	v6 =	vadd.bf16 v7, v6;
	v7 =	vshll.u32 v10, $0x7  }
0x1fb: {  	v10 =	vld [tilespmem:s8+$0xFFFFFEB0];
	[tilespmem:s6+$0x80] =	vst v9;
	v7 =	vor.u32 v1, v7  }
0x1fc: {  	v9 =	vld [tilespmem:s7+$0x100];
	v17 =	vunpack.i.u.bf16.f32 v6;
	v6 =	vunpack.i.l.bf16.f32 v6;
	v18 =	vor.u32 $0x1, v7  }
0x1fd: {  	v19 =	vld [tilespmem:s7+$0x110];
	v6 =	vadd.f32 v6, v17;
	v17 =	vor.u32 $0x2, v7  }
0x1fe: {  	v21 =	vor.u32 $0x3, v7;
	v20 =	vld [tilespmem:s7+$0x120]  }
0x1ff: {  	v22 =	vld [tilespmem:s7+$0x130];
	[tilespmem:s12+$0x380] =	vst v6;
	v6 =	vor.u32 $0x4, v7;
	s12 =	smov.u32 s6;
	s6 =	smov.u32 s9  }
0x200: {  	v24 =	vor.u32 $0x5, v7;
	v23 =	vld.idx.msk [tilespmem:v7+s25+$0x0], $0xffff  }
0x201: {  	v25 =	vor.u32 $0x6, v7;
	v18 =	vld.idx.msk [tilespmem:v18+s25+$0x0], $0xffff  }
0x202: {  	v26 =	vor.u32 $0x7, v7;
	v17 =	vld.idx.msk [tilespmem:v17+s25+$0x0], $0xffff  }
0x203: {  	v27 =	vor.u32 $0x8, v7;
	v28 =	vor.u32 $0x9, v7;
	v29 =	vor.u32 $0xA, v7;
	v21 =	vld.idx.msk [tilespmem:v21+s25+$0x0], $0xffff  }
0x204: {  	v14 =	vmul.bf16 v14, v4;
	v30 =	vor.u32 $0xB, v7;
	v31 =	vor.u32 $0xC, v7;
	v6 =	vld.idx.msk [tilespmem:v6+s25+$0x0], $0xffff  }
0x205: {  	v32 =	vor.u32 $0xD, v7;
	v9 =	vmul.bf16 v9, v4;
	v19 =	vmul.bf16 v19, v5;
	v24 =	vld.idx.msk [tilespmem:v24+s25+$0x0], $0xffff  }
0x206: {  	v33 =	vor.u32 $0xE, v7;
	v20 =	vmul.bf16 v20, v2;
	v22 =	vmul.bf16 v22, v3;
	v25 =	vld.idx.msk [tilespmem:v25+s25+$0x0], $0xffff  }
0x207: {  	v13 =	vmul.bf16 v13, v5;
	v11 =	vmul.bf16 v11, v2;
	v7 =	vor.u32 $0xF, v7;
	v26 =	vld.idx.msk [tilespmem:v26+s25+$0x0], $0xffff  }
0x208: {  	v15 =	vmul.bf16 v15, v3;
	v9 =	vadd.bf16 v19, v9;
	v19 =	vadd.bf16 v22, v20;
	v20 =	vld.idx.msk [tilespmem:v27+s25+$0x0], $0xffff  }
0x209: {  	v13 =	vadd.bf16 v13, v14;
	v14 =	vmul.bf16 v16, v4;
	v8 =	vmul.bf16 v8, v5;
	v16 =	vld.idx.msk [tilespmem:v28+s25+$0x0], $0xffff  }
0x20a: {  	v12 =	vmul.bf16 v12, v2;
	v10 =	vmul.bf16 v10, v3;
	v9 =	vadd.bf16 v19, v9;
	v19 =	vld.idx.msk [tilespmem:v29+s25+$0x0], $0xffff  }
0x20b: {  	v11 =	vadd.bf16 v15, v11;
	v8 =	vadd.bf16 v8, v14;
	v14 =	vld.idx.msk [tilespmem:v30+s25+$0x0], $0xffff  }
0x20c: {  	v10 =	vadd.bf16 v10, v12;
	v12 =	vunpack.i.u.bf16.f32 v9;
	v9 =	vunpack.i.l.bf16.f32 v9;
	v15 =	vld.idx.msk [tilespmem:v31+s25+$0x0], $0xffff  }
0x20d: {  	v11 =	vadd.bf16 v11, v13;
	v9 =	vadd.f32 v9, v12;
	v12 =	vld.idx.msk [tilespmem:v32+s25+$0x0], $0xffff  }
0x20e: {  	v8 =	vadd.bf16 v10, v8;
	v10 =	vld.idx.msk [tilespmem:v33+s25+$0x0], $0xffff  }
0x20f: {  	v13 =	vunpack.i.u.bf16.f32 v11;
	[tilespmem:s12+$0x100] =	vst v9;
	v7 =	vld.idx.msk [tilespmem:v7+s25+$0x0], $0xffff  }
0x210: {  	v9 =	vunpack.i.l.bf16.f32 v11;
	v11 =	vunpack.i.u.bf16.f32 v8;
	v8 =	vunpack.i.l.bf16.f32 v8;
	v22 =	vld [tilespmem:s7+$0x180]  }
0x211: {  	v9 =	vadd.f32 v9, v13;
	v8 =	vadd.f32 v8, v11;
	v11 =	vld [tilespmem:s7+$0x190]  }
0x212: {  	v18 =	vadd.f32 v18, v23;
	v17 =	vadd.f32 v21, v17;
	v13 =	vld [tilespmem:s7+$0x1A0]  }
0x213: {  	s9 =	sadd.s32 $0x800, s9;
	v6 =	vadd.f32 v24, v6;
	v23 =	vadd.f32 v26, v25;
	v21 =	vld [tilespmem:s7+$0x1B0]  }
0x214: {  	v14 =	vadd.f32 v14, v19;
	[tilespmem:s9+$0xFFFFFC00] =	vst v9;
	v9 =	vadd.f32 v16, v20  }
0x215: {  	v12 =	vadd.f32 v12, v15;
	v7 =	vadd.f32 v7, v10;
	v16 =	vld [tilespmem:s0+$0xFFFFFC80]  }
0x216: {  	v17 =	vadd.f32 v17, v18;
	v6 =	vadd.f32 v23, v6;
	v15 =	vmul.bf16 v22, v4;
	v10 =	vld [tilespmem:s0+$0xFFFFFC90]  }
0x217: {  	v11 =	vmul.bf16 v11, v5;
	v9 =	vadd.f32 v14, v9;
	v7 =	vadd.f32 v7, v12;
	v18 =	vld [tilespmem:s0+$0xFFFFFCA0]  }
0x218: {  	v13 =	vmul.bf16 v13, v2;
	v12 =	vld [tilespmem:s0+$0xFFFFFCB0];
	v14 =	vmul.bf16 v21, v3  }
0x219: {  	v6 =	vadd.f32 v6, v17;
	v7 =	vadd.f32 v7, v9;
	[tilespmem:s6+$0xFFFFFE80] =	vst v8  }
0x21a: {  	v9 =	vadd.bf16 v11, v15;
	v8 =	vld [tilespmem:s8+$0xFFFFFF00];
	v11 =	vadd.bf16 v14, v13  }
0x21b: {  	v6 =	vadd.f32 v7, v6;
	v13 =	vld [tilespmem:s8+$0xFFFFFF10]  }
0x21c: {  	s10 =	sadd.s32 $0x10, s10;
	v7 =	vmul.bf16 v16, v4;
	v10 =	vmul.bf16 v10, v5;
	v14 =	vld [tilespmem:s8+$0xFFFFFF20];
	v9 =	vadd.bf16 v11, v9  }
0x21d: {  	v11 =	vmul.bf16 v18, v2;
	v12 =	vmul.bf16 v12, v3;
	v15 =	vld [tilespmem:s8+$0xFFFFFF30];
	[tilespmem:s10+$0x0] =	vst v6  }
0x21e: {  	v6 =	vadd.bf16 v10, v7;
	v7 =	vunpack.i.u.bf16.f32 v9;
	v9 =	vunpack.i.l.bf16.f32 v9  }
0x21f: {  	v10 =	vadd.bf16 v12, v11;
	v7 =	vadd.f32 v9, v7;
	_ =	sdelay $0x1  }
0x220: {  	v8 =	vmul.bf16 v8, v4;
	v9 =	vmul.bf16 v13, v5;
	v6 =	vadd.bf16 v10, v6;
	[tilespmem:s12+$0x180] =	vst v7  }
0x221: {  	v7 =	vmul.bf16 v14, v2;
	v10 =	vmul.bf16 v15, v3;
	v11 =	vld [tilespmem:s7+$0x200]  }
0x222: {  	v12 =	vunpack.i.u.bf16.f32 v6;
	v13 =	vld [tilespmem:s7+$0x210]  }
0x223: {  	v8 =	vadd.bf16 v9, v8;
	v6 =	vunpack.i.l.bf16.f32 v6;
	v7 =	vadd.bf16 v10, v7;
	v9 =	vld [tilespmem:s7+$0x220]  }
0x224: {  	v6 =	vadd.f32 v6, v12;
	v10 =	vld [tilespmem:s7+$0x230]  }
0x225: {  	v7 =	vadd.bf16 v7, v8  }
0x226: {  	[tilespmem:s9+$0xFFFFFC80] =	vst v6  }
0x227: {  	v6 =	vld [tilespmem:s0+$0xFFFFFD00];
	v8 =	vunpack.i.u.bf16.f32 v7;
	v7 =	vunpack.i.l.bf16.f32 v7  }
0x228: {  	v12 =	vld [tilespmem:s0+$0xFFFFFD10];
	v7 =	vadd.f32 v7, v8;
	v8 =	vmul.bf16 v11, v4;
	v11 =	vmul.bf16 v13, v5  }
0x229: {  	v9 =	vmul.bf16 v9, v2;
	v13 =	vld [tilespmem:s0+$0xFFFFFD20];
	v10 =	vmul.bf16 v10, v3  }
0x22a: {  	v14 =	vld [tilespmem:s0+$0xFFFFFD30];
	[tilespmem:s6+$0xFFFFFF00] =	vst v7  }
0x22b: {  	v8 =	vadd.bf16 v11, v8;
	v7 =	vld [tilespmem:s8+$0xFFFFFF80];
	v9 =	vadd.bf16 v10, v9  }
0x22c: {  	v10 =	vld [tilespmem:s8+$0xFFFFFF90]  }
0x22d: {  	v11 =	vld [tilespmem:s8+$0xFFFFFFA0];
	v8 =	vadd.bf16 v9, v8  }
0x22e: {  	v6 =	vmul.bf16 v6, v4;
	v9 =	vld [tilespmem:s8+$0xFFFFFFB0]  }
0x22f: {  	v12 =	vmul.bf16 v12, v5;
	v15 =	vunpack.i.u.bf16.f32 v8;
	v8 =	vunpack.i.l.bf16.f32 v8  }
0x230: {  	v13 =	vmul.bf16 v13, v2;
	v14 =	vmul.bf16 v14, v3;
	v8 =	vadd.f32 v8, v15  }
0x231: {  	v6 =	vadd.bf16 v12, v6  }
0x232: {  	v7 =	vmul.bf16 v7, v4;
	v12 =	vadd.bf16 v14, v13;
	v10 =	vmul.bf16 v10, v5;
	[tilespmem:s12+$0x200] =	vst v8  }
0x233: {  	v8 =	vmul.bf16 v11, v2;
	v9 =	vmul.bf16 v9, v3;
	v11 =	vld [tilespmem:s7+$0x280]  }
0x234: {  	v6 =	vadd.bf16 v12, v6;
	v12 =	vld [tilespmem:s7+$0x290]  }
0x235: {  	v7 =	vadd.bf16 v10, v7;
	v8 =	vadd.bf16 v9, v8;
	v9 =	vld [tilespmem:s7+$0x2A0]  }
0x236: {  	v10 =	vunpack.i.u.bf16.f32 v6;
	v6 =	vunpack.i.l.bf16.f32 v6;
	v13 =	vld [tilespmem:s7+$0x2B0]  }
0x237: {  	v6 =	vadd.f32 v6, v10;
	v7 =	vadd.bf16 v8, v7;
	_ =	sdelay $0x1  }
0x238: {  	[tilespmem:s9+$0xFFFFFD00] =	vst v6;
	v6 =	vunpack.i.u.bf16.f32 v7  }
0x239: {  	v10 =	vmul.bf16 v11, v4;
	v7 =	vunpack.i.l.bf16.f32 v7;
	v11 =	vmul.bf16 v12, v5;
	v8 =	vld [tilespmem:s0+$0xFFFFFD80]  }
0x23a: {  	v6 =	vadd.f32 v7, v6;
	v7 =	vmul.bf16 v9, v2;
	v12 =	vld [tilespmem:s0+$0xFFFFFD90];
	v9 =	vmul.bf16 v13, v3  }
0x23b: {  	v13 =	vld [tilespmem:s0+$0xFFFFFDA0]  }
0x23c: {  	v14 =	vld [tilespmem:s0+$0xFFFFFDB0];
	[tilespmem:s6+$0xFFFFFF80] =	vst v6;
	v6 =	vadd.bf16 v11, v10;
	v7 =	vadd.bf16 v9, v7  }
0x23d: {  	v9 =	vld [tilespmem:s8+$0x0]  }
0x23e: {  	v10 =	vld [tilespmem:s8+$0x10];
	v6 =	vadd.bf16 v7, v6  }
0x23f: {  	v7 =	vld [tilespmem:s8+$0x20]  }
0x240: {  	v11 =	vld [tilespmem:s8+$0x30];
	v15 =	vunpack.i.u.bf16.f32 v6;
	v6 =	vunpack.i.l.bf16.f32 v6  }
0x241: {  	v8 =	vmul.bf16 v8, v4;
	v12 =	vmul.bf16 v12, v5;
	v6 =	vadd.f32 v6, v15  }
0x242: {  	v13 =	vmul.bf16 v13, v2;
	v14 =	vmul.bf16 v14, v3  }
0x243: {  	v8 =	vadd.bf16 v12, v8;
	[tilespmem:s12+$0x280] =	vst v6  }
0x244: {  	v9 =	vmul.bf16 v9, v4;
	v6 =	vadd.bf16 v14, v13;
	v10 =	vmul.bf16 v10, v5;
	v12 =	vld [tilespmem:s7+$0x300]  }
0x245: {  	v7 =	vmul.bf16 v7, v2;
	v11 =	vmul.bf16 v11, v3;
	v13 =	vld [tilespmem:s7+$0x310]  }
0x246: {  	v6 =	vadd.bf16 v6, v8;
	v8 =	vld [tilespmem:s7+$0x320]  }
0x247: {  	v9 =	vadd.bf16 v10, v9;
	v7 =	vadd.bf16 v11, v7;
	v10 =	vld [tilespmem:s7+$0x330]  }
0x248: {  	v11 =	vunpack.i.u.bf16.f32 v6;
	v6 =	vunpack.i.l.bf16.f32 v6  }
0x249: {  	v6 =	vadd.f32 v6, v11;
	v7 =	vadd.bf16 v7, v9;
	_ =	sdelay $0x1  }
0x24a: {  	v9 =	vmul.bf16 v12, v4;
	v11 =	vmul.bf16 v13, v5;
	[tilespmem:s9+$0xFFFFFD80] =	vst v6;
	v6 =	vunpack.i.u.bf16.f32 v7  }
0x24b: {  	v7 =	vunpack.i.l.bf16.f32 v7;
	v8 =	vmul.bf16 v8, v2;
	v12 =	vld [tilespmem:s0+$0xFFFFFE00];
	v10 =	vmul.bf16 v10, v3  }
0x24c: {  	v6 =	vadd.f32 v7, v6;
	v13 =	vld [tilespmem:s0+$0xFFFFFE10]  }
0x24d: {  	v9 =	vadd.bf16 v11, v9;
	v7 =	vld [tilespmem:s0+$0xFFFFFE20];
	v8 =	vadd.bf16 v10, v8  }
0x24e: {  	v10 =	vld [tilespmem:s0+$0xFFFFFE30]  }
0x24f: {  	[tilespmem:s6+$0x0] =	vst v6;
	v6 =	vadd.bf16 v8, v9  }
0x250: {  	v8 =	vld [tilespmem:s8+$0x80]  }
0x251: {  	v9 =	vld [tilespmem:s8+$0x90];
	v11 =	vunpack.i.u.bf16.f32 v6;
	v6 =	vunpack.i.l.bf16.f32 v6  }
0x252: {  	v12 =	vmul.bf16 v12, v4;
	v13 =	vmul.bf16 v13, v5;
	v14 =	vld [tilespmem:s8+$0xA0];
	v6 =	vadd.f32 v6, v11  }
0x253: {  	v7 =	vmul.bf16 v7, v2;
	v10 =	vmul.bf16 v10, v3;
	v11 =	vld [tilespmem:s8+$0xB0]  }
0x254: {  	[tilespmem:s12+$0x300] =	vst v6  }
0x255: {  	v12 =	vadd.bf16 v13, v12;
	v10 =	vadd.bf16 v10, v7;
	v6 =	vld [tilespmem:s7+$0x380]  }
.Ltmp0:
0x256: {  	v7 =	vld [tilespmem:s7+$0x390];
	(pc) =	sbr.rel @p1 .LBB2_3-.Ltmp0, $4  }
0x257: {  	v15 =	vmul.bf16 v8, v4;
	v16 =	vmul.bf16 v9, v5;
	v10 =	vadd.bf16 v10, v12;
	v8 =	vld [tilespmem:s7+$0x3A0]  }
0x258: {  	v14 =	vmul.bf16 v14, v2;
	v11 =	vmul.bf16 v11, v3;
	v9 =	vld [tilespmem:s7+$0x3B0];
	s7 =	smov.u32 s8;
	s8 =	smov.u32 s0  }
0x259: {  	v12 =	vunpack.i.u.bf16.f32 v10  }
0x25a: {  	s19 =	sadd.s32 $0x10, s19;
	s0 =	sadd.s32 $0x800, s0;
	v13 =	vunpack.i.l.bf16.f32 v10;
	v10 =	vadd.bf16 v16, v15;
	v11 =	vadd.bf16 v11, v14  }
0x25b: {  	v12 =	vadd.f32 v13, v12;
	_ =	sdelay $0x1  }
0x25c: {  	[tilespmem:s9+$0xFFFFFE00] =	vst v12  }
0x25d: {  	v12 =	vld [tilespmem:s8+$0xFFFFFE80]  }
0x25e: {  	v13 =	vld [tilespmem:s8+$0xFFFFFE90]  }
0x25f: {  	v14 =	vld [tilespmem:s8+$0xFFFFFEA0]  }
0x260: {  	v15 =	vld [tilespmem:s8+$0xFFFFFEB0];
	_ =	sdelay $0x3  }
0x261: {  	v12 =	vmul.bf16 v12, v4;
	v13 =	vmul.bf16 v13, v5  }
0x262: {  	v14 =	vmul.bf16 v14, v2;
	v15 =	vmul.bf16 v15, v3;
	_ =	sdelay $0x1  }
0x263: {  	v12 =	vadd.bf16 v13, v12;
	v13 =	vadd.bf16 v15, v14;
	_ =	sdelay $0x1  }
0x264: {  	v12 =	vadd.bf16 v13, v12;
	_ =	sdelay $0x1  }
0x265: {  	v13 =	vunpack.i.u.bf16.f32 v12;
	v12 =	vunpack.i.l.bf16.f32 v12  }
0x266: {  	v12 =	vadd.f32 v12, v13;
	_ =	sdelay $0x1  }
0x267: {  	[tilespmem:s9+$0xFFFFFE80] =	vst v12  }
0x268: {  	v12 =	vld [tilespmem:s8+$0xFFFFFF00]  }
0x269: {  	v13 =	vld [tilespmem:s8+$0xFFFFFF10]  }
0x26a: {  	v14 =	vld [tilespmem:s8+$0xFFFFFF20]  }
0x26b: {  	v15 =	vld [tilespmem:s8+$0xFFFFFF30];
	_ =	sdelay $0x3  }
0x26c: {  	v12 =	vmul.bf16 v12, v4;
	v13 =	vmul.bf16 v13, v5  }
0x26d: {  	v14 =	vmul.bf16 v14, v2;
	v15 =	vmul.bf16 v15, v3;
	_ =	sdelay $0x1  }
0x26e: {  	v12 =	vadd.bf16 v13, v12;
	v13 =	vadd.bf16 v15, v14;
	_ =	sdelay $0x1  }
0x26f: {  	v12 =	vadd.bf16 v13, v12;
	_ =	sdelay $0x1  }
0x270: {  	v13 =	vunpack.i.u.bf16.f32 v12;
	v12 =	vunpack.i.l.bf16.f32 v12  }
0x271: {  	v12 =	vadd.f32 v12, v13;
	_ =	sdelay $0x1  }
0x272: {  	[tilespmem:s9+$0xFFFFFF00] =	vst v12  }
0x273: {  	v12 =	vld [tilespmem:s8+$0xFFFFFF80]  }
0x274: {  	v13 =	vld [tilespmem:s8+$0xFFFFFF90]  }
0x275: {  	v14 =	vld [tilespmem:s8+$0xFFFFFFA0]  }
0x276: {  	v15 =	vld [tilespmem:s8+$0xFFFFFFB0];
	_ =	sdelay $0x3  }
0x277: {  	v12 =	vmul.bf16 v12, v4;
	v13 =	vmul.bf16 v13, v5  }
0x278: {  	v14 =	vmul.bf16 v14, v2;
	v15 =	vmul.bf16 v15, v3;
	_ =	sdelay $0x1  }
0x279: {  	v12 =	vadd.bf16 v13, v12;
	v13 =	vadd.bf16 v15, v14;
	_ =	sdelay $0x1  }
0x27a: {  	v12 =	vadd.bf16 v13, v12;
	_ =	sdelay $0x1  }
0x27b: {  	v13 =	vunpack.i.u.bf16.f32 v12;
	v12 =	vunpack.i.l.bf16.f32 v12  }
0x27c: {  	v12 =	vadd.f32 v12, v13;
	_ =	sdelay $0x1  }
0x27d: {  	[tilespmem:s9+$0xFFFFFF80] =	vst v12  }
0x27e: {  	v12 =	vld [tilespmem:s8+$0x0]  }
0x27f: {  	v13 =	vld [tilespmem:s8+$0x10]  }
0x280: {  	v14 =	vld [tilespmem:s8+$0x20]  }
0x281: {  	v15 =	vld [tilespmem:s8+$0x30]  }
0x282: {  	v10 =	vadd.bf16 v11, v10;
	_ =	sdelay $0x1  }
0x283: {  	v11 =	vunpack.i.u.bf16.f32 v10;
	v10 =	vunpack.i.l.bf16.f32 v10  }
0x284: {  	v10 =	vadd.f32 v10, v11;
	v11 =	vmul.bf16 v12, v4;
	v12 =	vmul.bf16 v13, v5  }
0x285: {  	v13 =	vmul.bf16 v14, v2;
	v14 =	vmul.bf16 v15, v3  }
0x286: {  	[tilespmem:s6+$0x80] =	vst v10  }
0x287: {  	v10 =	vld [tilespmem:s7+$0x100];
	v11 =	vadd.bf16 v12, v11;
	v12 =	vadd.bf16 v14, v13  }
0x288: {  	v13 =	vld [tilespmem:s7+$0x110]  }
0x289: {  	v14 =	vld [tilespmem:s7+$0x120];
	v11 =	vadd.bf16 v12, v11  }
0x28a: {  	v12 =	vld [tilespmem:s7+$0x130]  }
0x28b: {  	v15 =	vunpack.i.u.bf16.f32 v11;
	v11 =	vunpack.i.l.bf16.f32 v11  }
0x28c: {  	v11 =	vadd.f32 v11, v15;
	_ =	sdelay $0x1  }
0x28d: {  	v10 =	vmul.bf16 v10, v4;
	v13 =	vmul.bf16 v13, v5;
	[tilespmem:s9+$0x0] =	vst v11  }
0x28e: {  	v11 =	vmul.bf16 v14, v2;
	v12 =	vmul.bf16 v12, v3;
	v14 =	vld [tilespmem:s8+$0x80]  }
0x28f: {  	v15 =	vld [tilespmem:s8+$0x90]  }
0x290: {  	v10 =	vadd.bf16 v13, v10;
	v13 =	vld [tilespmem:s8+$0xB0];
	v11 =	vadd.bf16 v12, v11  }
0x291: {  	v12 =	vld [tilespmem:s8+$0xA0]  }
0x292: {  	v10 =	vadd.bf16 v11, v10;
	_ =	sdelay $0x1  }
0x293: {  	v11 =	vunpack.i.u.bf16.f32 v10;
	v10 =	vunpack.i.l.bf16.f32 v10  }
0x294: {  	v13 =	vmul.bf16 v13, v3;
	v10 =	vadd.f32 v10, v11;
	v11 =	vmul.bf16 v14, v4  }
0x295: {  	v14 =	vmul.bf16 v15, v5;
	v12 =	vmul.bf16 v12, v2  }
0x296: {  	[tilespmem:s6+$0x100] =	vst v10  }
0x297: {  	v11 =	vadd.bf16 v14, v11;
	v12 =	vadd.bf16 v13, v12;
	v10 =	vld [tilespmem:s7+$0x180]  }
0x298: {  	v13 =	vld [tilespmem:s7+$0x190]  }
0x299: {  	v14 =	vld [tilespmem:s7+$0x1A0];
	v11 =	vadd.bf16 v12, v11  }
0x29a: {  	v12 =	vld [tilespmem:s7+$0x1B0]  }
0x29b: {  	v15 =	vunpack.i.u.bf16.f32 v11;
	v11 =	vunpack.i.l.bf16.f32 v11  }
0x29c: {  	v11 =	vadd.f32 v11, v15;
	_ =	sdelay $0x1  }
0x29d: {  	v10 =	vmul.bf16 v10, v4;
	v13 =	vmul.bf16 v13, v5;
	[tilespmem:s9+$0x80] =	vst v11  }
0x29e: {  	v11 =	vmul.bf16 v14, v2;
	v12 =	vmul.bf16 v12, v3;
	v14 =	vld [tilespmem:s8+$0x100]  }
0x29f: {  	v15 =	vld [tilespmem:s8+$0x110]  }
0x2a0: {  	v10 =	vadd.bf16 v13, v10;
	v13 =	vld [tilespmem:s8+$0x130];
	v11 =	vadd.bf16 v12, v11  }
0x2a1: {  	v12 =	vld [tilespmem:s8+$0x120]  }
0x2a2: {  	v10 =	vadd.bf16 v11, v10;
	_ =	sdelay $0x1  }
0x2a3: {  	v11 =	vunpack.i.u.bf16.f32 v10;
	v10 =	vunpack.i.l.bf16.f32 v10  }
0x2a4: {  	v13 =	vmul.bf16 v13, v3;
	v10 =	vadd.f32 v10, v11;
	v11 =	vmul.bf16 v14, v4  }
0x2a5: {  	v14 =	vmul.bf16 v15, v5;
	v12 =	vmul.bf16 v12, v2  }
0x2a6: {  	[tilespmem:s6+$0x180] =	vst v10  }
0x2a7: {  	v11 =	vadd.bf16 v14, v11;
	v12 =	vadd.bf16 v13, v12;
	v10 =	vld [tilespmem:s7+$0x200]  }
0x2a8: {  	v13 =	vld [tilespmem:s7+$0x210]  }
0x2a9: {  	v14 =	vld [tilespmem:s7+$0x220];
	v11 =	vadd.bf16 v12, v11  }
0x2aa: {  	v12 =	vld [tilespmem:s7+$0x230]  }
0x2ab: {  	v15 =	vunpack.i.u.bf16.f32 v11;
	v11 =	vunpack.i.l.bf16.f32 v11  }
0x2ac: {  	v11 =	vadd.f32 v11, v15;
	_ =	sdelay $0x1  }
0x2ad: {  	v10 =	vmul.bf16 v10, v4;
	v13 =	vmul.bf16 v13, v5;
	[tilespmem:s9+$0x100] =	vst v11  }
0x2ae: {  	v11 =	vmul.bf16 v14, v2;
	v12 =	vmul.bf16 v12, v3;
	v14 =	vld [tilespmem:s8+$0x180]  }
0x2af: {  	v15 =	vld [tilespmem:s8+$0x190]  }
0x2b0: {  	v10 =	vadd.bf16 v13, v10;
	v13 =	vld [tilespmem:s8+$0x1B0];
	v11 =	vadd.bf16 v12, v11  }
0x2b1: {  	v12 =	vld [tilespmem:s8+$0x1A0]  }
0x2b2: {  	v10 =	vadd.bf16 v11, v10;
	_ =	sdelay $0x1  }
0x2b3: {  	v11 =	vunpack.i.u.bf16.f32 v10  }
0x2b4: {  	v10 =	vunpack.i.l.bf16.f32 v10;
	v14 =	vmul.bf16 v14, v4;
	v15 =	vmul.bf16 v15, v5  }
0x2b5: {  	v10 =	vadd.f32 v10, v11;
	v11 =	vmul.bf16 v12, v2;
	v12 =	vmul.bf16 v13, v3;
	_ =	sdelay $0x1  }
0x2b6: {  	[tilespmem:s6+$0x200] =	vst v10;
	v10 =	vadd.bf16 v15, v14;
	v11 =	vadd.bf16 v12, v11  }
0x2b7: {  	v12 =	vld [tilespmem:s7+$0x280]  }
0x2b8: {  	v13 =	vld [tilespmem:s7+$0x290];
	v10 =	vadd.bf16 v11, v10  }
0x2b9: {  	v14 =	vld [tilespmem:s7+$0x2B0]  }
0x2ba: {  	v11 =	vld [tilespmem:s7+$0x2A0];
	v15 =	vunpack.i.u.bf16.f32 v10;
	v10 =	vunpack.i.l.bf16.f32 v10  }
0x2bb: {  	v10 =	vadd.f32 v10, v15;
	_ =	sdelay $0x1  }
0x2bc: {  	[tilespmem:s9+$0x180] =	vst v10  }
0x2bd: {  	v10 =	vmul.bf16 v12, v4;
	v12 =	vmul.bf16 v13, v5;
	v13 =	vld [tilespmem:s8+$0x200]  }
0x2be: {  	v14 =	vmul.bf16 v14, v3;
	v11 =	vmul.bf16 v11, v2;
	v15 =	vld [tilespmem:s8+$0x210]  }
0x2bf: {  	v16 =	vld [tilespmem:s8+$0x220]  }
0x2c0: {  	v10 =	vadd.bf16 v12, v10;
	v11 =	vadd.bf16 v14, v11;
	v12 =	vld [tilespmem:s8+$0x230];
	_ =	sdelay $0x1  }
0x2c1: {  	v10 =	vadd.bf16 v11, v10;
	_ =	sdelay $0x1  }
0x2c2: {  	v11 =	vunpack.i.u.bf16.f32 v10;
	v13 =	vmul.bf16 v13, v4;
	v14 =	vmul.bf16 v15, v5  }
0x2c3: {  	v10 =	vunpack.i.l.bf16.f32 v10;
	v15 =	vmul.bf16 v16, v2;
	v12 =	vmul.bf16 v12, v3  }
0x2c4: {  	v10 =	vadd.f32 v10, v11  }
0x2c5: {  	v11 =	vadd.bf16 v14, v13;
	v12 =	vadd.bf16 v12, v15;
	_ =	sdelay $0x1  }
0x2c6: {  	[tilespmem:s6+$0x280] =	vst v10;
	v10 =	vadd.bf16 v12, v11  }
0x2c7: {  	v6 =	vmul.bf16 v6, v4  }
0x2c8: {  	v7 =	vmul.bf16 v7, v5;
	v11 =	vld [tilespmem:s7+$0x300];
	v13 =	vunpack.i.u.bf16.f32 v10;
	v10 =	vunpack.i.l.bf16.f32 v10  }
0x2c9: {  	v8 =	vmul.bf16 v8, v2;
	v9 =	vmul.bf16 v9, v3;
	v12 =	vld [tilespmem:s7+$0x310];
	v10 =	vadd.f32 v10, v13  }
0x2ca: {  	v14 =	vld [tilespmem:s7+$0x320]  }
0x2cb: {  	v6 =	vadd.bf16 v7, v6;
	v7 =	vadd.bf16 v9, v8;
	v13 =	vld [tilespmem:s7+$0x330];
	[tilespmem:s9+$0x200] =	vst v10  }
0x2cc: {  	v8 =	vld [tilespmem:s8+$0x280]  }
0x2cd: {  	v6 =	vadd.bf16 v7, v6;
	v10 =	vld [tilespmem:s8+$0x290]  }
0x2ce: {  	v9 =	vmov s11;
	v7 =	vmul.bf16 v11, v4;
	v11 =	vmul.bf16 v12, v5;
	v12 =	vld [tilespmem:s8+$0x2A0]  }
0x2cf: {  	v9 =	vshll.u32 v9, $0x7;
	v62 =	vunpack.i.u.bf16.f32 v6;
	v15 =	vld [tilespmem:s8+$0x2B0]  }
0x2d0: {  	v6 =	vunpack.i.l.bf16.f32 v6;
	v14 =	vmul.bf16 v14, v2;
	v13 =	vmul.bf16 v13, v3  }
0x2d1: {  	v9 =	vor.u32 v1, v9;
	v6 =	vadd.f32 v6, v62;
	v7 =	vadd.bf16 v11, v7  }
0x2d2: {  	v11 =	vadd.bf16 v13, v14;
	v13 =	vor.u32 $0x1, v9;
	v8 =	vmul.bf16 v8, v4  }
0x2d3: {  	v14 =	vor.u32 $0x2, v9;
	v10 =	vmul.bf16 v10, v5;
	v12 =	vmul.bf16 v12, v2  }
0x2d4: {  	v15 =	vmul.bf16 v15, v3;
	v7 =	vadd.bf16 v11, v7;
	v11 =	vor.u32 $0x3, v9  }
0x2d5: {  	[tilespmem:s12+$0x380] =	vst v6;
	v8 =	vadd.bf16 v10, v8  }
0x2d6: {  	v63 =	vld.idx.msk [tilespmem:v9+s25+$0x0], $0xffff;
	v10 =	vadd.bf16 v15, v12;
	v6 =	vunpack.i.u.bf16.f32 v7;
	v7 =	vunpack.i.l.bf16.f32 v7  }
0x2d7: {  	v12 =	vld.idx.msk [tilespmem:v13+s25+$0x0], $0xffff;
	v6 =	vadd.f32 v7, v6  }
0x2d8: {  	v7 =	vld.idx.msk [tilespmem:v14+s25+$0x0], $0xffff;
	v8 =	vadd.bf16 v10, v8  }
0x2d9: {  	v10 =	vld.idx.msk [tilespmem:v11+s25+$0x0], $0xffff;
	[tilespmem:s6+$0x300] =	vst v6  }
0x2da: {  	v11 =	vunpack.i.u.bf16.f32 v8;
	v8 =	vunpack.i.l.bf16.f32 v8;
	v6 =	vld [tilespmem:s7+$0x380]  }
0x2db: {  	v13 =	vld [tilespmem:s7+$0x390];
	v8 =	vadd.f32 v8, v11  }
0x2dc: {  	v11 =	vld [tilespmem:s7+$0x3A0]  }
0x2dd: {  	v18 =	vor.u32 $0x6, v9;
	v15 =	vld [tilespmem:s7+$0x3B0];
	[tilespmem:s9+$0x280] =	vst v8  }
0x2de: {  	v23 =	vor.u32 $0x9, v9;
	v17 =	vld [tilespmem:s8+$0x300]  }
0x2df: {  	v27 =	vor.u32 $0xC, v9;
	v19 =	vld [tilespmem:s8+$0x310]  }
0x2e0: {  	v20 =	vor.u32 $0x7, v9;
	v28 =	vor.u32 $0xD, v9;
	v21 =	vld [tilespmem:s8+$0x320]  }
0x2e1: {  	v22 =	vor.u32 $0x8, v9;
	v25 =	vor.u32 $0xA, v9;
	v14 =	vor.u32 $0x4, v9;
	v24 =	vld [tilespmem:s8+$0x330]  }
0x2e2: {  	v18 =	vld.idx.msk [tilespmem:v18+s25+$0x0], $0xffff;
	v8 =	vor.u32 $0x5, v9;
	v6 =	vmul.bf16 v6, v4;
	v13 =	vmul.bf16 v13, v5  }
0x2e3: {  	v26 =	vor.u32 $0xB, v9;
	v23 =	vld.idx.msk [tilespmem:v23+s25+$0x0], $0xffff;
	v11 =	vmul.bf16 v11, v2;
	v15 =	vmul.bf16 v15, v3  }
0x2e4: {  	v39 =	vor.u32 $0xE, v9;
	v45 =	vld.idx.msk [tilespmem:v27+s25+$0x0], $0xffff;
	v9 =	vor.u32 $0xF, v9;
	v6 =	vadd.bf16 v13, v6  }
0x2e5: {  	v47 =	vld.idx.msk [tilespmem:v28+s25+$0x0], $0xffff;
	v11 =	vadd.bf16 v15, v11;
	v15 =	vmul.bf16 v17, v4;
	v38 =	vmul.bf16 v19, v5  }
0x2e6: {  	v41 =	vmov s31;
	v14 =	vld.idx.msk [tilespmem:v14+s25+$0x0], $0xffff;
	v21 =	vmul.bf16 v21, v2;
	v40 =	vmul.bf16 v24, v3  }
0x2e7: {  	v8 =	vld.idx.msk [tilespmem:v8+s25+$0x0], $0xffff;
	v24 =	vshll.u32 v41, $0x7;
	v6 =	vadd.bf16 v11, v6  }
0x2e8: {  	v13 =	vld.idx.msk [tilespmem:v20+s25+$0x0], $0xffff;
	v43 =	vor.u32 v1, v24;
	v15 =	vadd.bf16 v38, v15;
	v42 =	vadd.bf16 v40, v21  }
0x2e9: {  	v20 =	vld.idx.msk [tilespmem:v22+s25+$0x0], $0xffff;
	v46 =	vor.u32 $0x1, v43  }
0x2ea: {  	v9 =	vld.idx.msk [tilespmem:v9+s25+$0x0], $0xffff;
	v44 =	vunpack.i.u.bf16.f32 v6;
	v6 =	vunpack.i.l.bf16.f32 v6;
	v15 =	vadd.bf16 v42, v15  }
0x2eb: {  	v19 =	vld.idx.msk [tilespmem:v39+s25+$0x0], $0xffff;
	v6 =	vadd.f32 v6, v44  }
0x2ec: {  	v11 =	vld.idx.msk [tilespmem:v25+s25+$0x0], $0xffff;
	v48 =	vunpack.i.u.bf16.f32 v15;
	v15 =	vunpack.i.l.bf16.f32 v15  }
0x2ed: {  	v21 =	vld.idx.msk [tilespmem:v26+s25+$0x0], $0xffff;
	[tilespmem:s6+$0x380] =	vst v6;
	v6 =	vadd.f32 v15, v48  }
0x2ee: {  	v15 =	vld.idx.msk [tilespmem:v43+s25+$0x0], $0xffff  }
0x2ef: {  	v49 =	vor.u32 $0x2, v43;
	v26 =	vld.idx.msk [tilespmem:v46+s25+$0x0], $0xffff;
	[tilespmem:s9+$0x300] =	vst v6  }
0x2f0: {  	v51 =	vor.u32 $0x4, v43;
	v50 =	vld [tilespmem:s8+$0x380]  }
0x2f1: {  	v30 =	vor.u32 $0x5, v43;
	v29 =	vld [tilespmem:s8+$0x390]  }
0x2f2: {  	v32 =	vor.u32 $0x6, v43;
	v31 =	vld [tilespmem:s8+$0x3A0]  }
0x2f3: {  	v34 =	vor.u32 $0x7, v43;
	v33 =	vld [tilespmem:s8+$0x3B0]  }
0x2f4: {  	v35 =	vor.u32 $0x8, v43;
	v24 =	vld.idx.msk [tilespmem:v49+s25+$0x0], $0xffff  }
0x2f5: {  	v37 =	vor.u32 $0xA, v43;
	v28 =	vld.idx.msk [tilespmem:v51+s25+$0x0], $0xffff  }
0x2f6: {  	v52 =	vor.u32 $0xB, v43;
	v30 =	vld.idx.msk [tilespmem:v30+s25+$0x0], $0xffff  }
0x2f7: {  	v22 =	vor.u32 $0xF, v43;
	v53 =	vld.idx.msk [tilespmem:v32+s25+$0x0], $0xffff;
	v4 =	vmul.bf16 v50, v4;
	v5 =	vmul.bf16 v29, v5  }
0x2f8: {  	v55 =	vld.idx.msk [tilespmem:v34+s25+$0x0], $0xffff;
	v6 =	vor.u32 $0x3, v43;
	v2 =	vmul.bf16 v31, v2;
	v3 =	vmul.bf16 v33, v3  }
0x2f9: {  	v54 =	vor.u32 $0xC, v43;
	v57 =	vld.idx.msk [tilespmem:v35+s25+$0x0], $0xffff  }
0x2fa: {  	v56 =	vor.u32 $0xD, v43;
	v59 =	vld.idx.msk [tilespmem:v37+s25+$0x0], $0xffff;
	v4 =	vadd.bf16 v5, v4;
	v2 =	vadd.bf16 v3, v2  }
0x2fb: {  	v58 =	vmov s22;
	v36 =	vor.u32 $0x9, v43;
	v27 =	vld.idx.msk [tilespmem:v52+s25+$0x0], $0xffff  }
0x2fc: {  	v22 =	vld.idx.msk [tilespmem:v22+s25+$0x0], $0xffff;
	v3 =	vor.u32 $0xE, v43;
	v2 =	vadd.bf16 v2, v4;
	v4 =	vshll.u32 v58, $0x7  }
0x2fd: {  	v6 =	vld.idx.msk [tilespmem:v6+s25+$0x0], $0xffff;
	v4 =	vor.u32 v1, v4  }
0x2fe: {  	v31 =	vld.idx.msk [tilespmem:v54+s25+$0x0], $0xffff;
	v60 =	vunpack.i.u.bf16.f32 v2;
	v2 =	vunpack.i.l.bf16.f32 v2;
	v61 =	vor.u32 $0x1, v4  }
0x2ff: {  	v33 =	vld.idx.msk [tilespmem:v56+s25+$0x0], $0xffff;
	v62 =	vor.u32 $0x2, v4;
	v2 =	vadd.f32 v2, v60  }
0x300: {  	v5 =	vld.idx.msk [tilespmem:v36+s25+$0x0], $0xffff;
	v38 =	vor.u32 $0x3, v4  }
0x301: {  	v12 =	vadd.f32 v12, v63;
	v7 =	vadd.f32 v10, v7;
	v40 =	vor.u32 $0x5, v4;
	v3 =	vld.idx.msk [tilespmem:v3+s25+$0x0], $0xffff;
	[tilespmem:s9+$0x380] =	vst v2  }
0x302: {  	v17 =	vadd.f32 v47, v45;
	v8 =	vadd.f32 v8, v14;
	v63 =	vor.u32 $0x6, v4;
	v39 =	vld.idx.msk [tilespmem:v4+s25+$0x0], $0xffff  }
0x303: {  	v13 =	vadd.f32 v13, v18;
	v20 =	vadd.f32 v23, v20;
	v35 =	vor.u32 $0x7, v4;
	v10 =	vld.idx.msk [tilespmem:v61+s25+$0x0], $0xffff  }
0x304: {  	v9 =	vadd.f32 v9, v19;
	v11 =	vadd.f32 v21, v11;
	v41 =	vor.u32 $0x9, v4;
	v14 =	vld.idx.msk [tilespmem:v62+s25+$0x0], $0xffff  }
0x305: {  	v7 =	vadd.f32 v7, v12;
	v8 =	vadd.f32 v13, v8;
	v12 =	vor.u32 $0xA, v4;
	v37 =	vld.idx.msk [tilespmem:v38+s25+$0x0], $0xffff  }
0x306: {  	v9 =	vadd.f32 v9, v17;
	v11 =	vadd.f32 v11, v20;
	v42 =	vor.u32 $0xB, v4;
	v13 =	vld.idx.msk [tilespmem:v40+s25+$0x0], $0xffff  }
0x307: {  	v43 =	vor.u32 $0xC, v4;
	v16 =	vld.idx.msk [tilespmem:v63+s25+$0x0], $0xffff  }
0x308: {  	v7 =	vadd.f32 v8, v7;
	v8 =	vadd.f32 v9, v11;
	v9 =	vor.u32 $0xD, v4;
	v18 =	vld.idx.msk [tilespmem:v35+s25+$0x0], $0xffff  }
0x309: {  	v44 =	vor.u32 $0xE, v4;
	v19 =	vld.idx.msk [tilespmem:v41+s25+$0x0], $0xffff  }
0x30a: {  	v7 =	vadd.f32 v8, v7;
	v2 =	vor.u32 $0x4, v4;
	v8 =	vld.idx.msk [tilespmem:v12+s25+$0x0], $0xffff  }
0x30b: {  	v38 =	vor.u32 $0x8, v4;
	v12 =	vadd.f32 v26, v15;
	v15 =	vld.idx.msk [tilespmem:v42+s25+$0x0], $0xffff  }
0x30c: {  	v4 =	vor.u32 $0xF, v4;
	v20 =	vld.idx.msk [tilespmem:v43+s25+$0x0], $0xffff  }
0x30d: {  	v45 =	vadd.f32 v30, v28;
	v9 =	vld.idx.msk [tilespmem:v9+s25+$0x0], $0xffff  }
0x30e: {  	v46 =	vadd.f32 v55, v53;
	v47 =	vadd.f32 v27, v59;
	v49 =	vld.idx.msk [tilespmem:v44+s25+$0x0], $0xffff  }
0x30f: {  	v6 =	vadd.f32 v6, v24;
	v5 =	vadd.f32 v5, v57;
	v2 =	vld.idx.msk [tilespmem:v2+s25+$0x0], $0xffff  }
0x310: {  	v48 =	vadd.f32 v33, v31;
	v3 =	vadd.f32 v22, v3;
	v11 =	vld.idx.msk [tilespmem:v38+s25+$0x0], $0xffff  }
0x311: {  	v5 =	vadd.f32 v47, v5;
	v6 =	vadd.f32 v6, v12;
	v4 =	vld.idx.msk [tilespmem:v4+s25+$0x0], $0xffff  }
0x312: {  	v12 =	vadd.f32 v46, v45;
	v3 =	vadd.f32 v3, v48  }
0x313: {  	v10 =	vadd.f32 v10, v39;
	v14 =	vadd.f32 v37, v14  }
0x314: {  	v8 =	vadd.f32 v15, v8;
	v9 =	vadd.f32 v9, v20  }
0x315: {  	v2 =	vadd.f32 v13, v2;
	v13 =	vadd.f32 v18, v16  }
0x316: {  	v11 =	vadd.f32 v19, v11;
	v4 =	vadd.f32 v4, v49  }
0x317: {  	v10 =	vadd.f32 v14, v10;
	v2 =	vadd.f32 v13, v2  }
0x318: {  	v8 =	vadd.f32 v8, v11;
	v4 =	vadd.f32 v4, v9  }
0x319: {  	v6 =	vadd.f32 v12, v6;
	v3 =	vadd.f32 v3, v5  }
0x31a: {  	v2 =	vadd.f32 v2, v10;
	v4 =	vadd.f32 v4, v8  }
0x31b: {  	s0 =	sadd.s32 $0x10, s10;
	s19 =	sadd.s32 s3, s1;
	s22 =	sshll.u32 s21, $0x5;
	v3 =	vadd.f32 v3, v6  }
0x31c: {  	s7 =	sand.u32 $0x60, s22;
	s6 =	sshll.u32 s19, $0x4;
	[tilespmem:s0+$0x0] =	vst v7;
	s0 =	sadd.s32 $0x10, s0;
	v2 =	vadd.f32 v4, v2  }
0x31d: {  	s26 =	sadd.s32 s5, s7;
	s12 =	sand.u32 $0xFF80, s6;
	[tilespmem:s0+$0x0] =	vst v3;
	s0 =	sadd.s32 $0x10, s0  }
0x31e: {  	s7 =	sadd.s32 s12, s26;
	s8 =	simm.s32 $0x19880;
	[tilespmem:s0+$0x0] =	vst v2  }
0x31f: {  	[hbm4b:s7+s2] =	stream.linear.scatter [tilespmem:s8], [sflag:$0x6], $0x80, $0x38;
	[tilespmem:$0x1D980] =	vst v63  }
0x320: {  	s9 =	sadd.s32 $0x4080, s13  }
0x321: {  	[tilespmem:s17], [sflag:$0x4] =	stream.indirect.gather [hbm4b:s4+s16], $0x80, s9, s16, $0xb8;
	[tilespmem:$0x1D980] =	vst v63  }
0x322: {  	_ =	swait.ge [sflag:s28], $0xA00  }
0x323: {  	[sflag:s28] =	ssyncset.done $0x0  }
0x324: {  	[sflag:s28] =	ssyncadd.s32 $0xFFFFF600  }
0x325: {  	v2 =	vld [tilespmem:$0xCCC0]  }
0x326: {  	v3 =	vld [tilespmem:$0xCD40]  }
0x327: {  	v4 =	vld [tilespmem:$0xCDC0]  }
0x328: {  	v5 =	vld [tilespmem:$0xCE40]  }
0x329: {  	v6 =	vld [tilespmem:$0xCEC0]  }
0x32a: {  	v7 =	vld [tilespmem:$0xCF40]  }
0x32b: {  	v8 =	vld [tilespmem:$0xCFC0]  }
0x32c: {  	v9 =	vld [tilespmem:$0xD040]  }
0x32d: {  	v10 =	vld [tilespmem:$0xD0C0]  }
0x32e: {  	v11 =	vld [tilespmem:$0xD140]  }
0x32f: {  	v12 =	vld [tilespmem:$0xD1C0]  }
0x330: {  	v13 =	vld [tilespmem:$0xD240]  }
0x331: {  	v14 =	vld [tilespmem:$0xD2C0]  }
0x332: {  	v17 =	vld [tilespmem:$0xD340];
	v15 =	vunpack.i.u.bf16.f32 v2  }
0x333: {  	v51 =	vld [tilespmem:$0xD3C0];
	v2 =	vunpack.i.l.bf16.f32 v2;
	v16 =	vunpack.i.u.bf16.f32 v3;
	v3 =	vunpack.i.l.bf16.f32 v3  }
0x334: {  	v54 =	vld [tilespmem:$0xD440];
	v50 =	vunpack.i.u.bf16.f32 v4;
	v4 =	vunpack.i.l.bf16.f32 v4;
	v52 =	vunpack.i.u.bf16.f32 v5  }
0x335: {  	v56 =	vld [tilespmem:$0xD4C0];
	v5 =	vunpack.i.l.bf16.f32 v5;
	v53 =	vunpack.i.u.bf16.f32 v6;
	v6 =	vunpack.i.l.bf16.f32 v6  }
0x336: {  	v42 =	vld [tilespmem:$0xD640];
	v55 =	vunpack.i.u.bf16.f32 v7;
	v7 =	vunpack.i.l.bf16.f32 v7;
	v57 =	vunpack.i.u.bf16.f32 v8  }
0x337: {  	v8 =	vunpack.i.l.bf16.f32 v8;
	v58 =	vunpack.i.u.bf16.f32 v9;
	v9 =	vunpack.i.l.bf16.f32 v9  }
0x338: {  	v60 =	vunpack.i.l.bf16.f32 v10;
	v61 =	vunpack.i.l.bf16.f32 v11;
	v63 =	vunpack.i.l.bf16.f32 v12  }
0x339: {  	v59 =	vld [tilespmem:$0xD540];
	v40 =	vunpack.i.l.bf16.f32 v13;
	v41 =	vunpack.i.l.bf16.f32 v14;
	v43 =	vunpack.i.l.bf16.f32 v17  }
0x33a: {  	v62 =	vld [tilespmem:$0xD5C0];
	v44 =	vunpack.i.l.bf16.f32 v51;
	v45 =	vunpack.i.l.bf16.f32 v54;
	v46 =	vunpack.i.l.bf16.f32 v56  }
0x33b: {  	v47 =	vunpack.i.l.bf16.f32 v42;
	v2 =	vadd.f32 v3, v2;
	v3 =	vadd.f32 v5, v4  }
0x33c: {  	v10 =	vunpack.i.u.bf16.f32 v10;
	v5 =	vadd.f32 v7, v6;
	v6 =	vadd.f32 v9, v8  }
0x33d: {  	v11 =	vunpack.i.u.bf16.f32 v11;
	v8 =	vadd.f32 v61, v60;
	v9 =	vadd.f32 v40, v63  }
0x33e: {  	v4 =	vunpack.i.l.bf16.f32 v59;
	v48 =	vadd.f32 v43, v41;
	v49 =	vadd.f32 v45, v44  }
0x33f: {  	v7 =	vunpack.i.l.bf16.f32 v62;
	v10 =	vadd.f32 v11, v10;
	v4 =	vadd.f32 v4, v46  }
0x340: {  	v7 =	vadd.f32 v47, v7;
	v3 =	vadd.f32 v3, v2  }
0x341: {  	v11 =	vld [tilespmem:$0xCE50];
	v5 =	vadd.f32 v6, v5;
	v6 =	vunpack.i.u.bf16.f32 v12;
	v8 =	vadd.f32 v9, v8  }
0x342: {  	v61 =	vld [tilespmem:$0xD2D0];
	v9 =	vadd.f32 v49, v48;
	v12 =	vunpack.i.u.bf16.f32 v13;
	v13 =	vunpack.i.u.bf16.f32 v14  }
0x343: {  	v63 =	vld [tilespmem:$0xD3D0];
	v14 =	vadd.f32 v52, v50;
	v50 =	vunpack.i.u.bf16.f32 v54;
	v52 =	vadd.f32 v58, v57  }
0x344: {  	v54 =	vunpack.i.u.bf16.f32 v56;
	v56 =	vld [tilespmem:$0xCF50];
	v57 =	vunpack.i.u.bf16.f32 v42;
	v2 =	vadd.f32 v7, v4  }
0x345: {  	v58 =	vld [tilespmem:$0xD050];
	v4 =	vunpack.i.u.bf16.f32 v17;
	v6 =	vadd.f32 v12, v6;
	v3 =	vadd.f32 v5, v3  }
0x346: {  	v48 =	vld [tilespmem:$0xD4D0];
	v12 =	vunpack.i.u.bf16.f32 v59;
	v5 =	vadd.f32 v9, v8;
	v9 =	vadd.f32 v16, v15  }
0x347: {  	v42 =	vld [tilespmem:$0xCF60];
	v8 =	vunpack.i.u.bf16.f32 v51;
	v51 =	vadd.f32 v55, v53;
	v4 =	vadd.f32 v4, v13  }
0x348: {  	v7 =	vld [tilespmem:$0xCCD0];
	v55 =	vunpack.i.u.bf16.f32 v62;
	v8 =	vadd.f32 v50, v8;
	v6 =	vadd.f32 v6, v10  }
0x349: {  	v59 =	vld [tilespmem:$0xD250];
	v10 =	vadd.f32 v12, v54;
	v12 =	vadd.f32 v57, v55  }
0x34a: {  	v15 =	vld [tilespmem:$0xCD50];
	v60 =	vunpack.i.u.bf16.f32 v11;
	v11 =	vunpack.i.l.bf16.f32 v11;
	v9 =	vadd.f32 v14, v9  }
0x34b: {  	v53 =	vld [tilespmem:$0xCDD0];
	v55 =	vunpack.i.l.bf16.f32 v63;
	v14 =	vadd.f32 v52, v51;
	v3 =	vadd.f32 v5, v3  }
0x34c: {  	v13 =	vld [tilespmem:$0xCED0];
	v52 =	vunpack.i.l.bf16.f32 v61;
	v4 =	vadd.f32 v8, v4;
	v10 =	vadd.f32 v12, v10  }
0x34d: {  	v62 =	vld [tilespmem:$0xD350];
	v24 =	vunpack.i.u.bf16.f32 v56;
	v17 =	vunpack.i.l.bf16.f32 v56;
	v44 =	vunpack.i.u.bf16.f32 v58  }
0x34e: {  	v54 =	vld [tilespmem:$0xD5D0];
	v16 =	vunpack.i.l.bf16.f32 v58;
	v57 =	vunpack.i.l.bf16.f32 v48;
	v30 =	vunpack.i.u.bf16.f32 v48  }
0x34f: {  	v5 =	vld [tilespmem:$0xD150];
	v48 =	vunpack.i.u.bf16.f32 v42;
	v9 =	vadd.f32 v14, v9;
	v50 =	vunpack.i.u.bf16.f32 v59  }
0x350: {  	v51 =	vld [tilespmem:$0xD550];
	v20 =	vunpack.i.l.bf16.f32 v59;
	v4 =	vadd.f32 v4, v6;
	v14 =	vunpack.i.u.bf16.f32 v15  }
0x351: {  	v8 =	vld [tilespmem:$0xCFD0];
	v18 =	vunpack.i.u.bf16.f32 v53;
	v19 =	vunpack.i.l.bf16.f32 v53;
	v23 =	vunpack.i.u.bf16.f32 v13  }
0x352: {  	v12 =	vld [tilespmem:$0xD1D0];
	v13 =	vunpack.i.l.bf16.f32 v13;
	v53 =	vunpack.i.l.bf16.f32 v62;
	v11 =	vadd.f32 v11, v19  }
0x353: {  	v15 =	vunpack.i.l.bf16.f32 v15;
	v13 =	vadd.f32 v17, v13;
	v58 =	vadd.f32 v53, v52  }
0x354: {  	v46 =	vld [tilespmem:$0xD450];
	v59 =	vunpack.i.l.bf16.f32 v54;
	v41 =	vunpack.i.u.bf16.f32 v54;
	v4 =	vadd.f32 v4, v9  }
0x355: {  	v56 =	vld [tilespmem:$0xD650];
	v9 =	vunpack.i.u.bf16.f32 v7;
	v7 =	vunpack.i.l.bf16.f32 v7;
	v47 =	vunpack.i.u.bf16.f32 v5  }
0x356: {  	v5 =	vunpack.i.l.bf16.f32 v5;
	v39 =	vunpack.i.u.bf16.f32 v51;
	v26 =	vunpack.i.u.bf16.f32 v8  }
0x357: {  	v6 =	vld [tilespmem:$0xD0D0];
	v8 =	vunpack.i.l.bf16.f32 v8;
	v49 =	vunpack.i.u.bf16.f32 v12;
	v7 =	vadd.f32 v15, v7  }
0x358: {  	v12 =	vunpack.i.l.bf16.f32 v12;
	v9 =	vadd.f32 v14, v9;
	v14 =	vadd.f32 v60, v18  }
0x359: {  	v15 =	vunpack.i.l.bf16.f32 v46;
	v21 =	vadd.f32 v39, v30;
	v8 =	vadd.f32 v16, v8  }
0x35a: {  	v43 =	vunpack.i.u.bf16.f32 v56;
	v15 =	vadd.f32 v15, v55;
	v36 =	vadd.f32 v50, v49  }
0x35b: {  	v28 =	vld [tilespmem:$0xCDE0];
	v18 =	vunpack.i.l.bf16.f32 v42;
	v17 =	vadd.f32 v43, v41;
	v4 =	vadd.f32 v10, v4  }
0x35c: {  	v37 =	vld [tilespmem:$0xCE60];
	v45 =	vunpack.i.u.bf16.f32 v6;
	v6 =	vunpack.i.l.bf16.f32 v6;
	v7 =	vadd.f32 v11, v7  }
0x35d: {  	v11 =	vunpack.i.l.bf16.f32 v56;
	v9 =	vadd.f32 v14, v9;
	v5 =	vadd.f32 v5, v6  }
0x35e: {  	v6 =	vadd.f32 v20, v12;
	v12 =	vunpack.i.l.bf16.f32 v51;
	v8 =	vadd.f32 v8, v13  }
0x35f: {  	v60 =	vld [tilespmem:$0xCD60];
	v13 =	vunpack.i.u.bf16.f32 v61;
	v11 =	vadd.f32 v11, v59;
	v61 =	vunpack.i.u.bf16.f32 v46  }
0x360: {  	v34 =	vld [tilespmem:$0xD5E0];
	v32 =	vadd.f32 v47, v45;
	v17 =	vadd.f32 v17, v21;
	v21 =	vunpack.i.u.bf16.f32 v28  }
0x361: {  	v10 =	vld [tilespmem:$0xD260];
	v20 =	vunpack.i.l.bf16.f32 v28;
	v46 =	vunpack.i.u.bf16.f32 v37;
	v12 =	vadd.f32 v12, v57  }
0x362: {  	v56 =	vld [tilespmem:$0xD660];
	v5 =	vadd.f32 v6, v5;
	v6 =	vadd.f32 v15, v58;
	v15 =	vunpack.i.u.bf16.f32 v62  }
0x363: {  	v45 =	vld [tilespmem:$0xD3E0];
	v7 =	vadd.f32 v8, v7;
	v8 =	vunpack.i.u.bf16.f32 v63;
	v62 =	vadd.f32 v24, v23  }
0x364: {  	v47 =	vld [tilespmem:$0xD460];
	v63 =	vadd.f32 v44, v26;
	v22 =	vadd.f32 v36, v32;
	v16 =	vunpack.i.l.bf16.f32 v60  }
0x365: {  	v28 =	vld [tilespmem:$0xD4E0];
	v24 =	vunpack.i.l.bf16.f32 v37;
	v13 =	vadd.f32 v15, v13;
	v8 =	vadd.f32 v61, v8  }
0x366: {  	v11 =	vadd.f32 v11, v12;
	v54 =	vunpack.i.l.bf16.f32 v10;
	v59 =	vadd.f32 v24, v20  }
0x367: {  	v44 =	vld [tilespmem:$0xD060];
	v61 =	vunpack.i.l.bf16.f32 v34;
	v10 =	vunpack.i.u.bf16.f32 v10;
	v5 =	vadd.f32 v6, v5  }
0x368: {  	v15 =	vld [tilespmem:$0xCEE0];
	v14 =	vadd.f32 v63, v62;
	v36 =	vunpack.i.l.bf16.f32 v56;
	v56 =	vunpack.i.u.bf16.f32 v56  }
0x369: {  	v12 =	vld [tilespmem:$0xD160];
	v8 =	vadd.f32 v8, v13;
	v58 =	vunpack.i.l.bf16.f32 v45;
	v41 =	vunpack.i.l.bf16.f32 v47  }
0x36a: {  	v31 =	vld [tilespmem:$0xD560];
	v42 =	vunpack.i.l.bf16.f32 v28;
	v45 =	vunpack.i.u.bf16.f32 v45;
	v9 =	vadd.f32 v14, v9  }
0x36b: {  	v47 =	vunpack.i.u.bf16.f32 v47;
	v7 =	vadd.f32 v5, v7;
	v5 =	vadd.f32 v2, v3  }
0x36c: {  	v13 =	vld [tilespmem:$0xCFE0];
	v41 =	vadd.f32 v41, v58;
	v8 =	vadd.f32 v8, v22;
	v50 =	vunpack.i.u.bf16.f32 v44  }
0x36d: {  	v6 =	vld [tilespmem:$0xCCE0];
	v19 =	vunpack.i.l.bf16.f32 v44;
	v3 =	vadd.f32 v11, v7;
	v11 =	vunpack.i.u.bf16.f32 v60  }
0x36e: {  	v14 =	vld [tilespmem:$0xD0E0];
	v25 =	vunpack.i.u.bf16.f32 v15;
	v15 =	vunpack.i.l.bf16.f32 v15;
	v52 =	vunpack.i.l.bf16.f32 v12  }
0x36f: {  	v60 =	vunpack.i.l.bf16.f32 v31;
	v8 =	vadd.f32 v8, v9;
	v15 =	vadd.f32 v18, v15  }
0x370: {  	v58 =	vld [tilespmem:$0xD070];
	v12 =	vunpack.i.u.bf16.f32 v12;
	v20 =	vadd.f32 v60, v42;
	v18 =	vadd.f32 v36, v61  }
0x371: {  	v48 =	vadd.f32 v48, v25;
	v49 =	vunpack.i.u.bf16.f32 v13;
	v13 =	vunpack.i.l.bf16.f32 v13  }
0x372: {  	v7 =	vld [tilespmem:$0xD2E0];
	v2 =	vadd.f32 v17, v8;
	v8 =	vunpack.i.u.bf16.f32 v6;
	v6 =	vunpack.i.l.bf16.f32 v6  }
0x373: {  	v9 =	vld [tilespmem:$0xD1E0];
	v51 =	vunpack.i.l.bf16.f32 v14;
	v13 =	vadd.f32 v19, v13;
	v49 =	vadd.f32 v50, v49  }
0x374: {  	v14 =	vunpack.i.u.bf16.f32 v14;
	v6 =	vadd.f32 v16, v6;
	v62 =	vadd.f32 v52, v51  }
0x375: {  	v32 =	vunpack.i.u.bf16.f32 v58;
	v8 =	vadd.f32 v11, v8;
	v11 =	vadd.f32 v46, v21  }
0x376: {  	v60 =	vld [tilespmem:$0xD270];
	v51 =	vunpack.i.u.bf16.f32 v28;
	v12 =	vadd.f32 v12, v14;
	v14 =	vunpack.i.u.bf16.f32 v31  }
0x377: {  	v17 =	vld [tilespmem:$0xD360];
	v52 =	vadd.f32 v47, v45;
	v55 =	vunpack.i.l.bf16.f32 v7;
	v13 =	vadd.f32 v13, v15  }
0x378: {  	v7 =	vunpack.i.u.bf16.f32 v7;
	v14 =	vadd.f32 v14, v51;
	v53 =	vunpack.i.l.bf16.f32 v9  }
0x379: {  	v50 =	vld [tilespmem:$0xCDF0];
	v16 =	vadd.f32 v59, v6;
	v9 =	vunpack.i.u.bf16.f32 v9;
	v6 =	vadd.f32 v18, v20  }
0x37a: {  	v61 =	vld [tilespmem:$0xD2F0];
	v8 =	vadd.f32 v11, v8;
	v11 =	vadd.f32 v49, v48;
	v20 =	vunpack.i.l.bf16.f32 v58  }
0x37b: {  	v46 =	vld [tilespmem:$0xCD70];
	v51 =	vunpack.i.u.bf16.f32 v60;
	v24 =	vunpack.i.l.bf16.f32 v60;
	v63 =	vadd.f32 v54, v53  }
0x37c: {  	v59 =	vld [tilespmem:$0xD1F0];
	v9 =	vadd.f32 v10, v9;
	v54 =	vunpack.i.u.bf16.f32 v34;
	v57 =	vunpack.i.l.bf16.f32 v17  }
0x37d: {  	v10 =	vld [tilespmem:$0xCE70];
	v17 =	vunpack.i.u.bf16.f32 v17;
	v13 =	vadd.f32 v13, v16;
	v8 =	vadd.f32 v11, v8  }
0x37e: {  	v53 =	vld [tilespmem:$0xCEF0];
	v22 =	vunpack.i.u.bf16.f32 v50;
	v39 =	vadd.f32 v57, v55;
	v15 =	vadd.f32 v63, v62  }
0x37f: {  	v31 =	vld [tilespmem:$0xD3F0];
	v23 =	vunpack.i.l.bf16.f32 v50;
	v7 =	vadd.f32 v17, v7;
	v9 =	vadd.f32 v9, v12  }
0x380: {  	v55 =	vld [tilespmem:$0xCF70];
	v57 =	vadd.f32 v56, v54;
	v17 =	vunpack.i.u.bf16.f32 v46;
	v19 =	vunpack.i.l.bf16.f32 v46  }
0x381: {  	v12 =	vld [tilespmem:$0xCFF0];
	v43 =	vadd.f32 v41, v39;
	v7 =	vadd.f32 v52, v7;
	v50 =	vunpack.i.u.bf16.f32 v59  }
0x382: {  	v62 =	vld [tilespmem:$0xD370];
	v16 =	vunpack.i.l.bf16.f32 v59;
	v25 =	vunpack.i.u.bf16.f32 v10;
	v10 =	vunpack.i.l.bf16.f32 v10  }
0x383: {  	v63 =	vld [tilespmem:$0xD470];
	v27 =	vunpack.i.u.bf16.f32 v53;
	v18 =	vunpack.i.l.bf16.f32 v53;
	v53 =	vunpack.i.l.bf16.f32 v61  }
0x384: {  	v61 =	vunpack.i.u.bf16.f32 v61;
	v35 =	vadd.f32 v51, v50;
	v15 =	vadd.f32 v43, v15  }
0x385: {  	v44 =	vld [tilespmem:$0xCCF0];
	v7 =	vadd.f32 v7, v9;
	v43 =	vunpack.i.l.bf16.f32 v31;
	v10 =	vadd.f32 v10, v23  }
0x386: {  	v49 =	vld [tilespmem:$0xD4F0];
	v28 =	vunpack.i.u.bf16.f32 v55;
	v21 =	vunpack.i.l.bf16.f32 v55;
	v30 =	vunpack.i.u.bf16.f32 v12  }
0x387: {  	v52 =	vld [tilespmem:$0xD570];
	v12 =	vunpack.i.l.bf16.f32 v12;
	v54 =	vunpack.i.l.bf16.f32 v62;
	v11 =	vadd.f32 v15, v13  }
0x388: {  	v9 =	vld [tilespmem:$0xD0F0];
	v56 =	vunpack.i.l.bf16.f32 v63;
	v13 =	vadd.f32 v57, v14;
	v7 =	vadd.f32 v7, v8  }
0x389: {  	v55 =	vld [tilespmem:$0xD5F0];
	v62 =	vunpack.i.u.bf16.f32 v62;
	v18 =	vadd.f32 v21, v18;
	v12 =	vadd.f32 v20, v12  }
0x38a: {  	v14 =	vld [tilespmem:$0xD170];
	v15 =	vunpack.i.l.bf16.f32 v44;
	v59 =	vadd.f32 v54, v53;
	v29 =	vadd.f32 v28, v27  }
0x38b: {  	v8 =	vunpack.i.u.bf16.f32 v44;
	v15 =	vadd.f32 v19, v15;
	v19 =	vadd.f32 v56, v43  }
0x38c: {  	v44 =	vld [tilespmem:$0xD670];
	v57 =	vunpack.i.l.bf16.f32 v49;
	v8 =	vadd.f32 v17, v8;
	v12 =	vadd.f32 v12, v18  }
0x38d: {  	v58 =	vunpack.i.l.bf16.f32 v52;
	v18 =	vadd.f32 v62, v61;
	v6 =	vadd.f32 v6, v11  }
0x38e: {  	v33 =	vunpack.i.u.bf16.f32 v9;
	v9 =	vunpack.i.l.bf16.f32 v9;
	v10 =	vadd.f32 v10, v15  }
0x38f: {  	v60 =	vunpack.i.l.bf16.f32 v55;
	v48 =	vunpack.i.u.bf16.f32 v14;
	v14 =	vunpack.i.l.bf16.f32 v14  }
0x390: {  	v10 =	vadd.f32 v12, v10;
	v12 =	vunpack.i.u.bf16.f32 v31;
	v31 =	vadd.f32 v32, v30  }
0x391: {  	v15 =	vunpack.i.l.bf16.f32 v44;
	v9 =	vadd.f32 v14, v9;
	v14 =	vadd.f32 v24, v16  }
0x392: {  	v16 =	vadd.f32 v58, v57;
	v15 =	vadd.f32 v15, v60  }
0x393: {  	v63 =	vunpack.i.u.bf16.f32 v63;
	v9 =	vadd.f32 v14, v9;
	v14 =	vadd.f32 v19, v59  }
0x394: {  	v36 =	vunpack.i.u.bf16.f32 v52;
	v34 =	vadd.f32 v48, v33;
	v12 =	vadd.f32 v63, v12  }
0x395: {  	v37 =	vunpack.i.u.bf16.f32 v55;
	v9 =	vadd.f32 v14, v9;
	v14 =	vadd.f32 v25, v22  }
0x396: {  	s10 =	smin.u32 s1, $0x7C;
	v32 =	vunpack.i.u.bf16.f32 v49;
	v39 =	vadd.f32 v35, v34;
	v12 =	vadd.f32 v12, v18  }
0x397: {  	s13 =	sor.u32 $0x1, s1;
	s0 =	sshll.u32 s10, $0x7;
	v38 =	vunpack.i.u.bf16.f32 v44;
	v8 =	vadd.f32 v14, v8;
	v14 =	vadd.f32 v31, v29  }
0x398: {  	s11 =	sshll.u32 s13, $0x7;
	s1 =	sadd.s32 $0x180, s0;
	v40 =	vadd.f32 v36, v32;
	v17 =	vadd.f32 v38, v37  }
0x399: {  	[tilespmem:s18], [sflag:$0x3] =	stream.indirect.gather [hbm4b:s4+s14], $0x80, s1, s14, $0xb8;
	v12 =	vadd.f32 v12, v39;
	v8 =	vadd.f32 v14, v8;
	[tilespmem:$0x1D980] =	vst v63  }
0x39a: {  	v11 =	vld [tilespmem:s11+$0x80A0];
	v9 =	vadd.f32 v9, v10;
	v14 =	vadd.f32 v15, v16  }
0x39b: {  	v4 =	vmul.f32 v4, v0;
	v10 =	vld [tilespmem:s11+$0x8080];
	v15 =	vadd.f32 v17, v40;
	v8 =	vadd.f32 v12, v8  }
0x39c: {  	v5 =	vmul.f32 v5, v0;
	v3 =	vmul.f32 v3, v0;
	v7 =	vadd.f32 v13, v7;
	v12 =	vld [tilespmem:s11+$0x8090]  }
0x39d: {  	v2 =	vmul.f32 v2, v0;
	v13 =	vld [tilespmem:s11+$0x80B0];
	v9 =	vadd.f32 v14, v9;
	v8 =	vadd.f32 v15, v8  }
0x39e: {  	v6 =	vmul.f32 v6, v0;
	v7 =	vmul.f32 v7, v0  }
0x39f: {  	v9 =	vmul.f32 v9, v0;
	v8 =	vmul.f32 v8, v0  }
0x3a0: {  	v4 =	vpack.i.f32.bf16 v4, v5;
	v5 =	vpack.i.f32.bf16 v2, v3;
	v2 =	vpack.i.f32.bf16 v7, v6  }
0x3a1: {  	v6 =	vmul.bf16 v10, v4;
	v7 =	vmul.bf16 v12, v5;
	v3 =	vpack.i.f32.bf16 v8, v9  }
0x3a2: {  	v8 =	vmul.bf16 v11, v2;
	v9 =	vmul.bf16 v13, v3;
	_ =	sdelay $0x1  }
0x3a3: {  	v6 =	vadd.bf16 v7, v6;
	v7 =	vadd.bf16 v9, v8;
	_ =	sdelay $0x1  }
0x3a4: {  	v6 =	vadd.bf16 v7, v6;
	_ =	sdelay $0x1  }
0x3a5: {  	v7 =	vunpack.i.u.bf16.f32 v6;
	v6 =	vunpack.i.l.bf16.f32 v6  }
0x3a6: {  	v6 =	vadd.f32 v6, v7;
	_ =	sdelay $0x1  }
0x3a7: {  	[tilespmem:s11+$0x15880] =	vst v6  }
0x3a8: {  	_ =	swait.ge [sflag:s29], $0x4000  }
0x3a9: {  	[sflag:s29] =	ssyncset.done $0x0  }
0x3aa: {  	s0 =	simm.s32 @!p0 $0x7;
	[sflag:s29] =	ssyncadd.s32 $0xFFFFC000  }
0x3ab: {  	_ =	swait.ge @!p0 [sflag:s0], $0x80  }
0x3ac: {  	[sflag:s0] =	ssyncset.done @!p0 $0x0  }
0x3ad: {  	s19 =	simm.s32 $0x11C80;
	[sflag:s0] =	ssyncadd.s32 @!p0 $0xFFFFFF80  }
0x3ae: {  	v6 =	vld [tilespmem:s19+$0xFFFFFC00]  }
0x3af: {  	v7 =	vld [tilespmem:s19+$0xFFFFFC10]  }
0x3b0: {  	v8 =	vld [tilespmem:s19+$0xFFFFFC20]  }
0x3b1: {  	v9 =	vld [tilespmem:s19+$0xFFFFFC30];
	_ =	sdelay $0x3  }
0x3b2: {  	v6 =	vmul.bf16 v6, v4;
	v7 =	vmul.bf16 v7, v5  }
0x3b3: {  	v8 =	vmul.bf16 v8, v2;
	v9 =	vmul.bf16 v9, v3;
	_ =	sdelay $0x1  }
0x3b4: {  	v6 =	vadd.bf16 v7, v6;
	v7 =	vadd.bf16 v9, v8;
	_ =	sdelay $0x1  }
0x3b5: {  	v6 =	vadd.bf16 v7, v6;
	_ =	sdelay $0x1  }
0x3b6: {  	v7 =	vunpack.i.u.bf16.f32 v6;
	v6 =	vunpack.i.l.bf16.f32 v6  }
0x3b7: {  	v6 =	vadd.f32 v6, v7  }
0x3b8: {  	s22 =	simm.s32 $0x19D80  }
0x3b9: {  	[tilespmem:s22+$0xFFFFFC00] =	vst v6  }
0x3ba: {  	v6 =	vld [tilespmem:s19+$0xFFFFFC80]  }
0x3bb: {  	v7 =	vld [tilespmem:s19+$0xFFFFFC90]  }
0x3bc: {  	v8 =	vld [tilespmem:s19+$0xFFFFFCA0]  }
0x3bd: {  	v9 =	vld [tilespmem:s19+$0xFFFFFCB0];
	_ =	sdelay $0x3  }
0x3be: {  	v6 =	vmul.bf16 v6, v4;
	v7 =	vmul.bf16 v7, v5  }
0x3bf: {  	v8 =	vmul.bf16 v8, v2;
	v9 =	vmul.bf16 v9, v3;
	_ =	sdelay $0x1  }
0x3c0: {  	v6 =	vadd.bf16 v7, v6;
	v7 =	vadd.bf16 v9, v8;
	_ =	sdelay $0x1  }
0x3c1: {  	v6 =	vadd.bf16 v7, v6;
	_ =	sdelay $0x1  }
0x3c2: {  	v7 =	vunpack.i.u.bf16.f32 v6;
	v6 =	vunpack.i.l.bf16.f32 v6  }
0x3c3: {  	v6 =	vadd.f32 v6, v7;
	_ =	sdelay $0x1  }
0x3c4: {  	[tilespmem:s22+$0xFFFFFC80] =	vst v6  }
0x3c5: {  	v6 =	vld [tilespmem:s19+$0xFFFFFD00]  }
0x3c6: {  	v7 =	vld [tilespmem:s19+$0xFFFFFD10]  }
0x3c7: {  	v8 =	vld [tilespmem:s19+$0xFFFFFD20]  }
0x3c8: {  	v9 =	vld [tilespmem:s19+$0xFFFFFD30];
	_ =	sdelay $0x3  }
0x3c9: {  	v6 =	vmul.bf16 v6, v4;
	v7 =	vmul.bf16 v7, v5  }
0x3ca: {  	v8 =	vmul.bf16 v8, v2;
	v9 =	vmul.bf16 v9, v3;
	_ =	sdelay $0x1  }
0x3cb: {  	v6 =	vadd.bf16 v7, v6;
	v7 =	vadd.bf16 v9, v8;
	_ =	sdelay $0x1  }
0x3cc: {  	v6 =	vadd.bf16 v7, v6;
	_ =	sdelay $0x1  }
0x3cd: {  	v7 =	vunpack.i.u.bf16.f32 v6;
	v6 =	vunpack.i.l.bf16.f32 v6  }
0x3ce: {  	v6 =	vadd.f32 v6, v7;
	_ =	sdelay $0x1  }
0x3cf: {  	[tilespmem:s22+$0xFFFFFD00] =	vst v6  }
0x3d0: {  	v6 =	vld [tilespmem:s19+$0xFFFFFD80]  }
0x3d1: {  	v7 =	vld [tilespmem:s19+$0xFFFFFD90]  }
0x3d2: {  	v8 =	vld [tilespmem:s19+$0xFFFFFDA0]  }
0x3d3: {  	v9 =	vld [tilespmem:s19+$0xFFFFFDB0];
	_ =	sdelay $0x3  }
0x3d4: {  	v6 =	vmul.bf16 v6, v4;
	v7 =	vmul.bf16 v7, v5  }
0x3d5: {  	v8 =	vmul.bf16 v8, v2;
	v9 =	vmul.bf16 v9, v3;
	_ =	sdelay $0x1  }
0x3d6: {  	v6 =	vadd.bf16 v7, v6;
	v7 =	vadd.bf16 v9, v8;
	_ =	sdelay $0x1  }
0x3d7: {  	v6 =	vadd.bf16 v7, v6;
	_ =	sdelay $0x1  }
0x3d8: {  	v7 =	vunpack.i.u.bf16.f32 v6;
	v6 =	vunpack.i.l.bf16.f32 v6  }
0x3d9: {  	v6 =	vadd.f32 v6, v7;
	_ =	sdelay $0x1  }
0x3da: {  	[tilespmem:s22+$0xFFFFFD80] =	vst v6  }
0x3db: {  	v6 =	vld [tilespmem:s19+$0xFFFFFE00]  }
0x3dc: {  	v7 =	vld [tilespmem:s19+$0xFFFFFE10]  }
0x3dd: {  	v8 =	vld [tilespmem:s19+$0xFFFFFE20]  }
0x3de: {  	v9 =	vld [tilespmem:s19+$0xFFFFFE30];
	_ =	sdelay $0x3  }
0x3df: {  	v6 =	vmul.bf16 v6, v4;
	v7 =	vmul.bf16 v7, v5  }
0x3e0: {  	v8 =	vmul.bf16 v8, v2;
	v9 =	vmul.bf16 v9, v3;
	_ =	sdelay $0x1  }
0x3e1: {  	v6 =	vadd.bf16 v7, v6;
	v7 =	vadd.bf16 v9, v8  }
0x3e2: {  	s26 =	simm.s32 $0x12480  }
0x3e3: {  	v10 =	vld [tilespmem:s26+$0xFFFFFC20];
	v6 =	vadd.bf16 v7, v6  }
0x3e4: {  	v8 =	vld [tilespmem:s26+$0xFFFFFC10]  }
0x3e5: {  	v7 =	vld [tilespmem:s26+$0xFFFFFC00];
	v9 =	vunpack.i.u.bf16.f32 v6;
	v6 =	vunpack.i.l.bf16.f32 v6  }
0x3e6: {  	v6 =	vadd.f32 v6, v9;
	v9 =	vld [tilespmem:s26+$0xFFFFFC30];
	_ =	sdelay $0x1  }
0x3e7: {  	[tilespmem:s22+$0xFFFFFE00] =	vst v6  }
0x3e8: {  	v6 =	vld [tilespmem:s19+$0xFFFFFE80]  }
0x3e9: {  	v10 =	vmul.bf16 v10, v2;
	v8 =	vmul.bf16 v8, v5;
	v12 =	vld [tilespmem:s19+$0xFFFFFEA0]  }
0x3ea: {  	v7 =	vmul.bf16 v7, v4;
	v13 =	vld [tilespmem:s19+$0xFFFFFEB0];
	v9 =	vmul.bf16 v9, v3  }
0x3eb: {  	v11 =	vld [tilespmem:s19+$0xFFFFFE90]  }
0x3ec: {  	v7 =	vadd.bf16 v8, v7;
	v8 =	vadd.bf16 v9, v10;
	_ =	sdelay $0x1  }
0x3ed: {  	v6 =	vmul.bf16 v6, v4;
	v7 =	vadd.bf16 v8, v7  }
0x3ee: {  	v9 =	vmul.bf16 v12, v2;
	v10 =	vmul.bf16 v13, v3  }
0x3ef: {  	v8 =	vmul.bf16 v11, v5;
	v11 =	vunpack.i.u.bf16.f32 v7;
	v7 =	vunpack.i.l.bf16.f32 v7  }
0x3f0: {  	v7 =	vadd.f32 v7, v11  }
0x3f1: {  	s6 =	simm.s32 $0x1A580;
	v6 =	vadd.bf16 v8, v6;
	v8 =	vadd.bf16 v10, v9  }
0x3f2: {  	[tilespmem:s6+$0xFFFFFC00] =	vst v7  }
0x3f3: {  	v6 =	vadd.bf16 v8, v6;
	v7 =	vld [tilespmem:s26+$0xFFFFFC80]  }
0x3f4: {  	v8 =	vld [tilespmem:s26+$0xFFFFFC90]  }
0x3f5: {  	v9 =	vunpack.i.u.bf16.f32 v6;
	v6 =	vunpack.i.l.bf16.f32 v6;
	v10 =	vld [tilespmem:s26+$0xFFFFFCA0]  }
0x3f6: {  	v6 =	vadd.f32 v6, v9;
	v9 =	vld [tilespmem:s26+$0xFFFFFCB0];
	_ =	sdelay $0x1  }
0x3f7: {  	[tilespmem:s22+$0xFFFFFE80] =	vst v6  }
0x3f8: {  	v6 =	vld [tilespmem:s19+$0xFFFFFF00]  }
0x3f9: {  	v12 =	vld [tilespmem:s19+$0xFFFFFF20];
	v7 =	vmul.bf16 v7, v4;
	v8 =	vmul.bf16 v8, v5  }
0x3fa: {  	v13 =	vld [tilespmem:s19+$0xFFFFFF30];
	v10 =	vmul.bf16 v10, v2;
	v9 =	vmul.bf16 v9, v3  }
0x3fb: {  	v11 =	vld [tilespmem:s19+$0xFFFFFF10]  }
0x3fc: {  	v7 =	vadd.bf16 v8, v7;
	v8 =	vadd.bf16 v9, v10;
	_ =	sdelay $0x1  }
0x3fd: {  	v6 =	vmul.bf16 v6, v4;
	v7 =	vadd.bf16 v8, v7  }
0x3fe: {  	v9 =	vmul.bf16 v12, v2;
	v10 =	vmul.bf16 v13, v3  }
0x3ff: {  	v8 =	vmul.bf16 v11, v5;
	v11 =	vunpack.i.u.bf16.f32 v7;
	v7 =	vunpack.i.l.bf16.f32 v7  }
0x400: {  	v7 =	vadd.f32 v7, v11  }
0x401: {  	v6 =	vadd.bf16 v8, v6;
	v8 =	vadd.bf16 v10, v9  }
0x402: {  	[tilespmem:s6+$0xFFFFFC80] =	vst v7  }
0x403: {  	v6 =	vadd.bf16 v8, v6;
	v7 =	vld [tilespmem:s26+$0xFFFFFD00]  }
0x404: {  	v8 =	vld [tilespmem:s26+$0xFFFFFD10]  }
0x405: {  	v9 =	vunpack.i.u.bf16.f32 v6;
	v6 =	vunpack.i.l.bf16.f32 v6;
	v10 =	vld [tilespmem:s26+$0xFFFFFD20]  }
0x406: {  	v6 =	vadd.f32 v6, v9;
	v9 =	vld [tilespmem:s26+$0xFFFFFD30];
	_ =	sdelay $0x1  }
0x407: {  	[tilespmem:s22+$0xFFFFFF00] =	vst v6  }
0x408: {  	v6 =	vld [tilespmem:s19+$0xFFFFFF80]  }
0x409: {  	v12 =	vld [tilespmem:s19+$0xFFFFFFA0];
	v7 =	vmul.bf16 v7, v4;
	v8 =	vmul.bf16 v8, v5  }
0x40a: {  	v13 =	vld [tilespmem:s19+$0xFFFFFFB0];
	v10 =	vmul.bf16 v10, v2;
	v9 =	vmul.bf16 v9, v3  }
0x40b: {  	v11 =	vld [tilespmem:s19+$0xFFFFFF90]  }
0x40c: {  	v7 =	vadd.bf16 v8, v7;
	v8 =	vadd.bf16 v9, v10;
	_ =	sdelay $0x1  }
0x40d: {  	v6 =	vmul.bf16 v6, v4;
	v7 =	vadd.bf16 v8, v7  }
0x40e: {  	v9 =	vmul.bf16 v12, v2;
	v10 =	vmul.bf16 v13, v3  }
0x40f: {  	v8 =	vmul.bf16 v11, v5;
	v11 =	vunpack.i.u.bf16.f32 v7;
	v7 =	vunpack.i.l.bf16.f32 v7  }
0x410: {  	v7 =	vadd.f32 v7, v11  }
0x411: {  	v6 =	vadd.bf16 v8, v6;
	v8 =	vadd.bf16 v10, v9  }
0x412: {  	[tilespmem:s6+$0xFFFFFD00] =	vst v7  }
0x413: {  	v6 =	vadd.bf16 v8, v6;
	v7 =	vld [tilespmem:s26+$0xFFFFFD80]  }
0x414: {  	v8 =	vld [tilespmem:s26+$0xFFFFFD90]  }
0x415: {  	v9 =	vunpack.i.u.bf16.f32 v6;
	v6 =	vunpack.i.l.bf16.f32 v6;
	v10 =	vld [tilespmem:s26+$0xFFFFFDA0]  }
0x416: {  	v6 =	vadd.f32 v6, v9;
	v9 =	vld [tilespmem:s26+$0xFFFFFDB0];
	_ =	sdelay $0x1  }
0x417: {  	[tilespmem:s22+$0xFFFFFF80] =	vst v6  }
0x418: {  	v6 =	vld [tilespmem:s19+$0x0]  }
0x419: {  	v12 =	vld [tilespmem:s19+$0x20];
	v7 =	vmul.bf16 v7, v4;
	v8 =	vmul.bf16 v8, v5  }
0x41a: {  	v13 =	vld [tilespmem:s19+$0x30];
	v10 =	vmul.bf16 v10, v2;
	v9 =	vmul.bf16 v9, v3  }
0x41b: {  	v11 =	vld [tilespmem:s19+$0x10]  }
0x41c: {  	v7 =	vadd.bf16 v8, v7;
	v8 =	vadd.bf16 v9, v10;
	_ =	sdelay $0x1  }
0x41d: {  	v6 =	vmul.bf16 v6, v4;
	v7 =	vadd.bf16 v8, v7  }
0x41e: {  	v9 =	vmul.bf16 v12, v2;
	v10 =	vmul.bf16 v13, v3  }
0x41f: {  	v8 =	vmul.bf16 v11, v5;
	v11 =	vunpack.i.u.bf16.f32 v7;
	v7 =	vunpack.i.l.bf16.f32 v7  }
0x420: {  	v7 =	vadd.f32 v7, v11  }
0x421: {  	v6 =	vadd.bf16 v8, v6;
	v8 =	vadd.bf16 v10, v9  }
0x422: {  	[tilespmem:s6+$0xFFFFFD80] =	vst v7  }
0x423: {  	v6 =	vadd.bf16 v8, v6;
	v7 =	vld [tilespmem:s26+$0xFFFFFE00]  }
0x424: {  	v8 =	vld [tilespmem:s26+$0xFFFFFE10]  }
0x425: {  	v9 =	vunpack.i.u.bf16.f32 v6;
	v6 =	vunpack.i.l.bf16.f32 v6;
	v10 =	vld [tilespmem:s26+$0xFFFFFE20]  }
0x426: {  	v6 =	vadd.f32 v6, v9;
	v9 =	vld [tilespmem:s26+$0xFFFFFE30];
	_ =	sdelay $0x1  }
0x427: {  	[tilespmem:s22+$0x0] =	vst v6  }
0x428: {  	v6 =	vld [tilespmem:s19+$0x80]  }
0x429: {  	v12 =	vld [tilespmem:s19+$0xA0];
	v7 =	vmul.bf16 v7, v4;
	v8 =	vmul.bf16 v8, v5  }
0x42a: {  	v13 =	vld [tilespmem:s19+$0xB0];
	v10 =	vmul.bf16 v10, v2;
	v9 =	vmul.bf16 v9, v3  }
0x42b: {  	v11 =	vld [tilespmem:s19+$0x90]  }
0x42c: {  	v7 =	vadd.bf16 v8, v7;
	v8 =	vadd.bf16 v9, v10;
	_ =	sdelay $0x1  }
0x42d: {  	v6 =	vmul.bf16 v6, v4;
	v7 =	vadd.bf16 v8, v7  }
0x42e: {  	v9 =	vmul.bf16 v12, v2;
	v10 =	vmul.bf16 v13, v3  }
0x42f: {  	v8 =	vmul.bf16 v11, v5;
	v11 =	vunpack.i.u.bf16.f32 v7;
	v7 =	vunpack.i.l.bf16.f32 v7  }
0x430: {  	v7 =	vadd.f32 v7, v11  }
0x431: {  	v6 =	vadd.bf16 v8, v6;
	v8 =	vadd.bf16 v10, v9  }
0x432: {  	[tilespmem:s6+$0xFFFFFE00] =	vst v7  }
0x433: {  	v6 =	vadd.bf16 v8, v6;
	v7 =	vld [tilespmem:s26+$0xFFFFFE80]  }
0x434: {  	v8 =	vld [tilespmem:s26+$0xFFFFFE90]  }
0x435: {  	v9 =	vunpack.i.u.bf16.f32 v6;
	v6 =	vunpack.i.l.bf16.f32 v6;
	v10 =	vld [tilespmem:s26+$0xFFFFFEA0]  }
0x436: {  	v6 =	vadd.f32 v6, v9;
	v9 =	vld [tilespmem:s26+$0xFFFFFEB0];
	_ =	sdelay $0x1  }
0x437: {  	[tilespmem:s22+$0x80] =	vst v6  }
0x438: {  	v6 =	vld [tilespmem:s19+$0x100]  }
0x439: {  	v11 =	vld [tilespmem:s19+$0x110];
	v7 =	vmul.bf16 v7, v4;
	v8 =	vmul.bf16 v8, v5  }
0x43a: {  	v12 =	vld [tilespmem:s19+$0x120];
	v10 =	vmul.bf16 v10, v2;
	v9 =	vmul.bf16 v9, v3  }
0x43b: {  	s8 =	simm.s32 $0x12C80;
	v13 =	vld [tilespmem:s19+$0x130]  }
0x43c: {  	v14 =	vld [tilespmem:s8+$0xFFFFFC00];
	v7 =	vadd.bf16 v8, v7;
	v8 =	vadd.bf16 v9, v10  }
0x43d: {  	v9 =	vld [tilespmem:s8+$0xFFFFFC10]  }
0x43e: {  	v10 =	vld [tilespmem:s8+$0xFFFFFC20];
	v6 =	vmul.bf16 v6, v4;
	v7 =	vadd.bf16 v8, v7  }
0x43f: {  	v11 =	vmul.bf16 v11, v5;
	v12 =	vmul.bf16 v12, v2;
	v8 =	vld [tilespmem:s8+$0xFFFFFC30]  }
0x440: {  	v13 =	vmul.bf16 v13, v3;
	v15 =	vunpack.i.u.bf16.f32 v7;
	v7 =	vunpack.i.l.bf16.f32 v7  }
0x441: {  	v7 =	vadd.f32 v7, v15  }
0x442: {  	v6 =	vadd.bf16 v11, v6;
	v11 =	vadd.bf16 v13, v12  }
0x443: {  	v12 =	vmul.bf16 v14, v4;
	v9 =	vmul.bf16 v9, v5;
	[tilespmem:s6+$0xFFFFFE80] =	vst v7  }
0x444: {  	v6 =	vadd.bf16 v11, v6;
	v7 =	vmul.bf16 v10, v2;
	v8 =	vmul.bf16 v8, v3;
	v10 =	vld [tilespmem:s26+$0xFFFFFF00]  }
0x445: {  	v9 =	vadd.bf16 v9, v12;
	v11 =	vld [tilespmem:s26+$0xFFFFFF10]  }
0x446: {  	v12 =	vld [tilespmem:s26+$0xFFFFFF20];
	v7 =	vadd.bf16 v8, v7;
	v8 =	vunpack.i.u.bf16.f32 v6;
	v6 =	vunpack.i.l.bf16.f32 v6  }
0x447: {  	v6 =	vadd.f32 v6, v8;
	v8 =	vld [tilespmem:s26+$0xFFFFFF30]  }
0x448: {  	v7 =	vadd.bf16 v7, v9  }
0x449: {  	[tilespmem:s22+$0x100] =	vst v6  }
0x44a: {  	v6 =	vunpack.i.u.bf16.f32 v7;
	v7 =	vunpack.i.l.bf16.f32 v7;
	v9 =	vld [tilespmem:s19+$0x180]  }
0x44b: {  	v10 =	vmul.bf16 v10, v4;
	v11 =	vmul.bf16 v11, v5;
	v13 =	vld [tilespmem:s19+$0x1A0];
	v6 =	vadd.f32 v7, v6  }
0x44c: {  	s7 =	simm.s32 $0x1AD80;
	v12 =	vmul.bf16 v12, v2;
	v14 =	vld [tilespmem:s19+$0x1B0];
	v8 =	vmul.bf16 v8, v3  }
0x44d: {  	v7 =	vld [tilespmem:s19+$0x190];
	[tilespmem:s7+$0xFFFFFC00] =	vst v6  }
0x44e: {  	v10 =	vadd.bf16 v11, v10;
	v6 =	vld [tilespmem:s8+$0xFFFFFC80];
	v8 =	vadd.bf16 v8, v12  }
0x44f: {  	v11 =	vld [tilespmem:s8+$0xFFFFFC90]  }
0x450: {  	v12 =	vld [tilespmem:s8+$0xFFFFFCA0];
	v9 =	vmul.bf16 v9, v4;
	v8 =	vadd.bf16 v8, v10  }
0x451: {  	v13 =	vmul.bf16 v13, v2;
	v14 =	vmul.bf16 v14, v3;
	v10 =	vld [tilespmem:s8+$0xFFFFFCB0]  }
0x452: {  	v7 =	vmul.bf16 v7, v5;
	v15 =	vunpack.i.u.bf16.f32 v8;
	v8 =	vunpack.i.l.bf16.f32 v8  }
0x453: {  	v8 =	vadd.f32 v8, v15  }
0x454: {  	v7 =	vadd.bf16 v7, v9;
	v9 =	vadd.bf16 v14, v13  }
0x455: {  	v6 =	vmul.bf16 v6, v4;
	v11 =	vmul.bf16 v11, v5;
	[tilespmem:s6+$0xFFFFFF00] =	vst v8  }
0x456: {  	v7 =	vadd.bf16 v9, v7;
	v8 =	vmul.bf16 v12, v2;
	v9 =	vmul.bf16 v10, v3;
	v10 =	vld [tilespmem:s26+$0xFFFFFF80]  }
0x457: {  	v6 =	vadd.bf16 v11, v6;
	v11 =	vld [tilespmem:s26+$0xFFFFFF90]  }
0x458: {  	v12 =	vunpack.i.u.bf16.f32 v7;
	v7 =	vunpack.i.l.bf16.f32 v7;
	v8 =	vadd.bf16 v9, v8;
	v9 =	vld [tilespmem:s26+$0xFFFFFFA0]  }
0x459: {  	v7 =	vadd.f32 v7, v12;
	v12 =	vld [tilespmem:s26+$0xFFFFFFB0]  }
0x45a: {  	v6 =	vadd.bf16 v8, v6  }
0x45b: {  	[tilespmem:s22+$0x180] =	vst v7  }
0x45c: {  	v7 =	vld [tilespmem:s19+$0x200];
	v8 =	vunpack.i.u.bf16.f32 v6;
	v6 =	vunpack.i.l.bf16.f32 v6  }
0x45d: {  	v13 =	vld [tilespmem:s19+$0x210];
	v6 =	vadd.f32 v6, v8;
	v8 =	vmul.bf16 v10, v4;
	v10 =	vmul.bf16 v11, v5  }
0x45e: {  	v14 =	vld [tilespmem:s19+$0x230];
	v9 =	vmul.bf16 v9, v2;
	v12 =	vmul.bf16 v12, v3  }
0x45f: {  	v11 =	vld [tilespmem:s19+$0x220];
	[tilespmem:s7+$0xFFFFFC80] =	vst v6  }
0x460: {  	v8 =	vadd.bf16 v10, v8;
	v9 =	vadd.bf16 v12, v9;
	v6 =	vld [tilespmem:s8+$0xFFFFFD00]  }
0x461: {  	v10 =	vld [tilespmem:s8+$0xFFFFFD10]  }
0x462: {  	v12 =	vld [tilespmem:s8+$0xFFFFFD20];
	v8 =	vadd.bf16 v9, v8  }
0x463: {  	v7 =	vmul.bf16 v7, v4;
	v9 =	vld [tilespmem:s8+$0xFFFFFD30]  }
0x464: {  	v13 =	vmul.bf16 v13, v5;
	v15 =	vunpack.i.u.bf16.f32 v8;
	v8 =	vunpack.i.l.bf16.f32 v8  }
0x465: {  	v14 =	vmul.bf16 v14, v3;
	v11 =	vmul.bf16 v11, v2;
	v8 =	vadd.f32 v8, v15  }
0x466: {  	v7 =	vadd.bf16 v13, v7  }
0x467: {  	v11 =	vadd.bf16 v14, v11;
	v6 =	vmul.bf16 v6, v4;
	v10 =	vmul.bf16 v10, v5;
	[tilespmem:s6+$0xFFFFFF80] =	vst v8  }
0x468: {  	v8 =	vmul.bf16 v12, v2;
	v9 =	vmul.bf16 v9, v3;
	v12 =	vld [tilespmem:s26+$0x0]  }
0x469: {  	v7 =	vadd.bf16 v11, v7;
	v11 =	vld [tilespmem:s26+$0x10]  }
0x46a: {  	v6 =	vadd.bf16 v10, v6;
	v10 =	vld [tilespmem:s26+$0x30];
	v8 =	vadd.bf16 v9, v8  }
0x46b: {  	v9 =	vld [tilespmem:s26+$0x20]  }
0x46c: {  	v13 =	vunpack.i.u.bf16.f32 v7;
	v7 =	vunpack.i.l.bf16.f32 v7;
	v6 =	vadd.bf16 v8, v6  }
0x46d: {  	v7 =	vadd.f32 v7, v13  }
0x46e: {  	v8 =	vunpack.i.u.bf16.f32 v6;
	v6 =	vunpack.i.l.bf16.f32 v6  }
0x46f: {  	[tilespmem:s22+$0x200] =	vst v7;
	v7 =	vmul.bf16 v12, v4;
	v10 =	vmul.bf16 v10, v3;
	v6 =	vadd.f32 v6, v8  }
0x470: {  	v12 =	vld [tilespmem:s19+$0x290];
	v8 =	vmul.bf16 v11, v5;
	v9 =	vmul.bf16 v9, v2  }
0x471: {  	v11 =	vld [tilespmem:s19+$0x280];
	[tilespmem:s7+$0xFFFFFD00] =	vst v6  }
0x472: {  	v7 =	vadd.bf16 v8, v7;
	v8 =	vadd.bf16 v10, v9;
	v6 =	vld [tilespmem:s8+$0xFFFFFD80]  }
0x473: {  	v9 =	vld [tilespmem:s8+$0xFFFFFD90]  }
0x474: {  	v10 =	vld [tilespmem:s8+$0xFFFFFDA0];
	v7 =	vadd.bf16 v8, v7  }
0x475: {  	v8 =	vld [tilespmem:s8+$0xFFFFFDB0]  }
0x476: {  	v13 =	vld [tilespmem:s19+$0x2A0];
	v14 =	vunpack.i.u.bf16.f32 v7;
	v7 =	vunpack.i.l.bf16.f32 v7  }
0x477: {  	v15 =	vld [tilespmem:s19+$0x2B0];
	v7 =	vadd.f32 v7, v14  }
0x478: {  	v12 =	vmul.bf16 v12, v5;
	v11 =	vmul.bf16 v11, v4  }
0x479: {  	v6 =	vmul.bf16 v6, v4;
	v9 =	vmul.bf16 v9, v5;
	[tilespmem:s6+$0x0] =	vst v7  }
0x47a: {  	v7 =	vmul.bf16 v10, v2;
	v8 =	vmul.bf16 v8, v3;
	v10 =	vld [tilespmem:s26+$0x80]  }
0x47b: {  	v13 =	vmul.bf16 v13, v2;
	v14 =	vld [tilespmem:s26+$0x90];
	v6 =	vadd.bf16 v9, v6  }
0x47c: {  	v15 =	vmul.bf16 v15, v3;
	v9 =	vadd.bf16 v12, v11;
	v11 =	vld [tilespmem:s26+$0xB0];
	v7 =	vadd.bf16 v8, v7  }
0x47d: {  	v8 =	vld [tilespmem:s26+$0xA0]  }
0x47e: {  	v12 =	vadd.bf16 v15, v13;
	v6 =	vadd.bf16 v7, v6;
	_ =	sdelay $0x1  }
0x47f: {  	v7 =	vadd.bf16 v12, v9;
	v9 =	vunpack.i.u.bf16.f32 v6;
	v6 =	vunpack.i.l.bf16.f32 v6  }
0x480: {  	v11 =	vmul.bf16 v11, v3;
	v6 =	vadd.f32 v6, v9;
	v9 =	vmul.bf16 v10, v4  }
0x481: {  	v10 =	vmul.bf16 v14, v5;
	v8 =	vmul.bf16 v8, v2  }
0x482: {  	v12 =	vunpack.i.u.bf16.f32 v7;
	[tilespmem:s7+$0xFFFFFD80] =	vst v6  }
0x483: {  	v6 =	vunpack.i.l.bf16.f32 v7;
	v9 =	vadd.bf16 v10, v9;
	v8 =	vadd.bf16 v11, v8;
	v7 =	vld [tilespmem:s8+$0xFFFFFE00]  }
0x484: {  	v6 =	vadd.f32 v6, v12;
	v10 =	vld [tilespmem:s8+$0xFFFFFE10]  }
0x485: {  	v11 =	vld [tilespmem:s8+$0xFFFFFE20];
	v8 =	vadd.bf16 v8, v9  }
0x486: {  	[tilespmem:s22+$0x280] =	vst v6;
	v6 =	vld [tilespmem:s8+$0xFFFFFE30]  }
0x487: {  	v9 =	vld [tilespmem:s19+$0x300];
	v12 =	vunpack.i.u.bf16.f32 v8;
	v8 =	vunpack.i.l.bf16.f32 v8  }
0x488: {  	v13 =	vld [tilespmem:s19+$0x310];
	v8 =	vadd.f32 v8, v12  }
0x489: {  	v14 =	vld [tilespmem:s19+$0x330]  }
0x48a: {  	v12 =	vld [tilespmem:s19+$0x320];
	v7 =	vmul.bf16 v7, v4;
	v10 =	vmul.bf16 v10, v5;
	[tilespmem:s6+$0x80] =	vst v8  }
0x48b: {  	v8 =	vmul.bf16 v11, v2;
	v6 =	vmul.bf16 v6, v3;
	v11 =	vld [tilespmem:s26+$0x100]  }
0x48c: {  	v15 =	vld [tilespmem:s26+$0x110]  }
0x48d: {  	v7 =	vadd.bf16 v10, v7;
	v10 =	vmul.bf16 v13, v5;
	v13 =	vld [tilespmem:s26+$0x130];
	v6 =	vadd.bf16 v6, v8  }
0x48e: {  	v9 =	vmul.bf16 v9, v4;
	v8 =	vld [tilespmem:s26+$0x120]  }
0x48f: {  	v14 =	vmul.bf16 v14, v3;
	v12 =	vmul.bf16 v12, v2;
	v6 =	vadd.bf16 v6, v7  }
0x490: {  	s9 =	simm.s32 $0x13480;
	v7 =	vadd.bf16 v10, v9  }
0x491: {  	v9 =	vadd.bf16 v14, v12;
	v12 =	vld [tilespmem:s9+$0xFFFFFC00];
	v10 =	vunpack.i.u.bf16.f32 v6;
	v6 =	vunpack.i.l.bf16.f32 v6  }
0x492: {  	v11 =	vmul.bf16 v11, v4;
	v14 =	vmul.bf16 v15, v5;
	v15 =	vld [tilespmem:s9+$0xFFFFFC20];
	v6 =	vadd.f32 v6, v10  }
0x493: {  	v13 =	vmul.bf16 v13, v3;
	v10 =	vld [tilespmem:s9+$0xFFFFFC10];
	v8 =	vmul.bf16 v8, v2  }
0x494: {  	v7 =	vadd.bf16 v9, v7;
	v9 =	vld [tilespmem:s9+$0xFFFFFC30];
	[tilespmem:s7+$0xFFFFFE00] =	vst v6  }
0x495: {  	v11 =	vadd.bf16 v14, v11;
	v8 =	vadd.bf16 v13, v8;
	v6 =	vld [tilespmem:s8+$0xFFFFFE80]  }
0x496: {  	v13 =	vunpack.i.u.bf16.f32 v7;
	v7 =	vunpack.i.l.bf16.f32 v7;
	v14 =	vld [tilespmem:s8+$0xFFFFFE90]  }
0x497: {  	v12 =	vmul.bf16 v12, v4;
	v7 =	vadd.f32 v7, v13;
	v13 =	vld [tilespmem:s8+$0xFFFFFEA0];
	v8 =	vadd.bf16 v8, v11  }
0x498: {  	v15 =	vmul.bf16 v15, v2;
	v11 =	vld [tilespmem:s8+$0xFFFFFEB0];
	v10 =	vmul.bf16 v10, v5  }
0x499: {  	[tilespmem:s22+$0x300] =	vst v7;
	v7 =	vmul.bf16 v9, v3;
	v9 =	vunpack.i.u.bf16.f32 v8;
	v8 =	vunpack.i.l.bf16.f32 v8  }
0x49a: {  	v41 =	vld [tilespmem:s19+$0x380];
	v8 =	vadd.f32 v8, v9  }
0x49b: {  	v9 =	vld [tilespmem:s19+$0x390];
	v10 =	vadd.bf16 v10, v12;
	v7 =	vadd.bf16 v7, v15  }
0x49c: {  	v12 =	vld [tilespmem:s19+$0x3A0];
	v6 =	vmul.bf16 v6, v4;
	v14 =	vmul.bf16 v14, v5;
	[tilespmem:s6+$0x100] =	vst v8  }
0x49d: {  	v8 =	vmul.bf16 v13, v2;
	v11 =	vmul.bf16 v11, v3;
	v7 =	vadd.bf16 v7, v10;
	v10 =	vld [tilespmem:s26+$0x180]  }
0x49e: {  	v6 =	vadd.bf16 v14, v6;
	v13 =	vld [tilespmem:s26+$0x190]  }
0x49f: {  	v14 =	vld [tilespmem:s26+$0x1A0];
	v8 =	vadd.bf16 v11, v8;
	v11 =	vunpack.i.u.bf16.f32 v7;
	v7 =	vunpack.i.l.bf16.f32 v7  }
0x4a0: {  	v7 =	vadd.f32 v7, v11;
	v11 =	vld [tilespmem:s26+$0x1B0]  }
0x4a1: {  	v15 =	vld [tilespmem:s19+$0x3B0];
	v6 =	vadd.bf16 v8, v6  }
0x4a2: {  	s10 =	simm.s32 $0x1B580  }
0x4a3: {  	v12 =	vmul.bf16 v12, v2;
	[tilespmem:s10+$0xFFFFFC00] =	vst v7;
	v7 =	vmul.bf16 v9, v5;
	v9 =	vunpack.i.u.bf16.f32 v6  }
0x4a4: {  	v6 =	vunpack.i.l.bf16.f32 v6;
	v42 =	vld [tilespmem:s9+$0xFFFFFC80];
	v10 =	vmul.bf16 v10, v4;
	v13 =	vmul.bf16 v13, v5  }
0x4a5: {  	v43 =	vld [tilespmem:s9+$0xFFFFFCA0];
	v14 =	vmul.bf16 v14, v2;
	v6 =	vadd.f32 v6, v9;
	v11 =	vmul.bf16 v11, v3  }
0x4a6: {  	v15 =	vmul.bf16 v15, v3;
	v8 =	vmul.bf16 v41, v4;
	v9 =	vld [tilespmem:s9+$0xFFFFFC90]  }
0x4a7: {  	s19 =	simm.s32 $0x0;
	v44 =	vld [tilespmem:s9+$0xFFFFFCB0];
	[tilespmem:s7+$0xFFFFFE80] =	vst v6;
	v6 =	vadd.bf16 v13, v10;
	v10 =	vadd.bf16 v11, v14  }
0x4a8: {  	v7 =	vadd.bf16 v7, v8;
	v8 =	vadd.bf16 v15, v12;
	v45 =	vld [tilespmem:s8+$0xFFFFFF00];
	v11 =	vmov s19  }
0x4a9: {  	v12 =	vld [tilespmem:s8+$0xFFFFFF10];
	v11 =	vshll.u32 v11, $0x7;
	v10 =	vadd.bf16 v10, v6  }
0x4aa: {  	v7 =	vadd.bf16 v8, v7;
	v13 =	vld [tilespmem:s8+$0xFFFFFF20];
	v8 =	vmul.bf16 v42, v4;
	v6 =	vor.u32 v1, v11  }
0x4ab: {  	v11 =	vld [tilespmem:s8+$0xFFFFFF30];
	v9 =	vmul.bf16 v9, v5;
	v14 =	vunpack.i.u.bf16.f32 v10;
	v10 =	vunpack.i.l.bf16.f32 v10  }
0x4ac: {  	v15 =	vmul.bf16 v43, v2;
	v46 =	vmul.bf16 v44, v3;
	v10 =	vadd.f32 v10, v14  }
0x4ad: {  	v49 =	vor.u32 $0x3, v6;
	v54 =	vor.u32 $0x6, v6;
	v8 =	vadd.bf16 v9, v8  }
0x4ae: {  	v9 =	vadd.bf16 v46, v15;
	v14 =	vunpack.i.u.bf16.f32 v7;
	v15 =	vmul.bf16 v45, v4;
	[tilespmem:s6+$0x180] =	vst v10  }
0x4af: {  	v7 =	vunpack.i.l.bf16.f32 v7;
	v12 =	vmul.bf16 v12, v5;
	v13 =	vmul.bf16 v13, v2;
	v47 =	vld [tilespmem:s26+$0x200]  }
0x4b0: {  	v7 =	vadd.f32 v7, v14;
	v8 =	vadd.bf16 v9, v8;
	v11 =	vmul.bf16 v11, v3;
	v9 =	vld [tilespmem:s26+$0x210]  }
0x4b1: {  	v14 =	vor.u32 $0x2, v6;
	v12 =	vadd.bf16 v12, v15;
	v15 =	vld [tilespmem:s26+$0x230]  }
0x4b2: {  	[tilespmem:s22+$0x380] =	vst v7;
	v11 =	vadd.bf16 v11, v13;
	v13 =	vld [tilespmem:s26+$0x220]  }
0x4b3: {  	v7 =	vunpack.i.u.bf16.f32 v8;
	v8 =	vunpack.i.l.bf16.f32 v8;
	v17 =	vld.idx.msk [tilespmem:v6+s25+$0x0], $0xffff  }
0x4b4: {  	v7 =	vadd.f32 v8, v7;
	v18 =	vld.idx.msk [tilespmem:v49+s25+$0x0], $0xffff;
	v8 =	vadd.bf16 v11, v12  }
0x4b5: {  	v61 =	vld.idx.msk [tilespmem:v54+s25+$0x0], $0xffff  }
0x4b6: {  	v11 =	vld.idx.msk [tilespmem:v14+s25+$0x0], $0xffff;
	[tilespmem:s10+$0xFFFFFC80] =	vst v7;
	v7 =	vunpack.i.u.bf16.f32 v8  }
0x4b7: {  	v12 =	vld [tilespmem:s9+$0xFFFFFD00];
	v8 =	vunpack.i.l.bf16.f32 v8;
	v14 =	vmul.bf16 v47, v4;
	v9 =	vmul.bf16 v9, v5  }
0x4b8: {  	v48 =	vld [tilespmem:s9+$0xFFFFFD10];
	v7 =	vadd.f32 v8, v7;
	v8 =	vmul.bf16 v13, v2;
	v13 =	vmul.bf16 v15, v3  }
0x4b9: {  	v50 =	vld [tilespmem:s9+$0xFFFFFD30]  }
0x4ba: {  	v55 =	vor.u32 $0x7, v6;
	v15 =	vld [tilespmem:s9+$0xFFFFFD20];
	[tilespmem:s7+$0xFFFFFF00] =	vst v7;
	v7 =	vadd.bf16 v9, v14;
	v8 =	vadd.bf16 v13, v8  }
0x4bb: {  	v60 =	vor.u32 $0x9, v6;
	v13 =	vld [tilespmem:s8+$0xFFFFFF80]  }
0x4bc: {  	v43 =	vor.u32 $0xE, v6;
	v51 =	vld [tilespmem:s8+$0xFFFFFF90];
	v7 =	vadd.bf16 v8, v7  }
0x4bd: {  	v52 =	vld [tilespmem:s8+$0xFFFFFFB0];
	v12 =	vmul.bf16 v12, v4  }
0x4be: {  	v16 =	vmul.bf16 v48, v5;
	v8 =	vld [tilespmem:s8+$0xFFFFFFA0];
	v53 =	vunpack.i.u.bf16.f32 v7;
	v7 =	vunpack.i.l.bf16.f32 v7  }
0x4bf: {  	v23 =	vld.idx.msk [tilespmem:v55+s25+$0x0], $0xffff;
	v19 =	vmul.bf16 v50, v3;
	v15 =	vmul.bf16 v15, v2;
	v7 =	vadd.f32 v7, v53  }
0x4c0: {  	v10 =	vor.u32 $0x1, v6;
	v63 =	vld.idx.msk [tilespmem:v60+s25+$0x0], $0xffff  }
0x4c1: {  	v54 =	vld.idx.msk [tilespmem:v43+s25+$0x0], $0xffff;
	v9 =	vor.u32 $0x4, v6;
	v12 =	vadd.bf16 v16, v12;
	[tilespmem:s6+$0x200] =	vst v7;
	v7 =	vadd.bf16 v19, v15  }
0x4c2: {  	v14 =	vor.u32 $0x5, v6;
	v13 =	vmul.bf16 v13, v4;
	v15 =	vmul.bf16 v51, v5;
	v56 =	vld [tilespmem:s26+$0x280]  }
0x4c3: {  	v58 =	vmul.bf16 v52, v3;
	v8 =	vmul.bf16 v8, v2;
	v59 =	vld [tilespmem:s26+$0x290];
	v7 =	vadd.bf16 v7, v12  }
0x4c4: {  	v12 =	vld [tilespmem:s26+$0x2A0];
	v13 =	vadd.bf16 v15, v13  }
0x4c5: {  	v8 =	vadd.bf16 v58, v8;
	v15 =	vld [tilespmem:s26+$0x2B0];
	v62 =	vunpack.i.u.bf16.f32 v7;
	v7 =	vunpack.i.l.bf16.f32 v7  }
0x4c6: {  	v10 =	vld.idx.msk [tilespmem:v10+s25+$0x0], $0xffff;
	v7 =	vadd.f32 v7, v62  }
0x4c7: {  	v9 =	vld.idx.msk [tilespmem:v9+s25+$0x0], $0xffff;
	v8 =	vadd.bf16 v8, v13  }
0x4c8: {  	v14 =	vld.idx.msk [tilespmem:v14+s25+$0x0], $0xffff;
	v16 =	vmul.bf16 v56, v4;
	[tilespmem:s10+$0xFFFFFD00] =	vst v7  }
0x4c9: {  	v21 =	vmul.bf16 v59, v5;
	v7 =	vunpack.i.u.bf16.f32 v8;
	v8 =	vunpack.i.l.bf16.f32 v8;
	v33 =	vld [tilespmem:s9+$0xFFFFFD80]  }
0x4ca: {  	v12 =	vmul.bf16 v12, v2;
	v15 =	vmul.bf16 v15, v3;
	v34 =	vld [tilespmem:s9+$0xFFFFFD90];
	v7 =	vadd.f32 v8, v7  }
0x4cb: {  	v8 =	vld [tilespmem:s9+$0xFFFFFDA0]  }
0x4cc: {  	v42 =	vor.u32 $0xD, v6;
	v16 =	vadd.bf16 v21, v16;
	v35 =	vld [tilespmem:s9+$0xFFFFFDB0];
	v12 =	vadd.bf16 v15, v12;
	[tilespmem:s7+$0xFFFFFF80] =	vst v7  }
0x4cd: {  	v57 =	vor.u32 $0x8, v6;
	v36 =	vld [tilespmem:s8+$0x0]  }
0x4ce: {  	v15 =	vor.u32 $0xA, v6;
	v12 =	vadd.bf16 v12, v16;
	v38 =	vld [tilespmem:s8+$0x10]  }
0x4cf: {  	v39 =	vld [tilespmem:s8+$0x20]  }
0x4d0: {  	v41 =	vld [tilespmem:s8+$0x30];
	v40 =	vunpack.i.u.bf16.f32 v12;
	v12 =	vunpack.i.l.bf16.f32 v12  }
0x4d1: {  	v53 =	vld.idx.msk [tilespmem:v42+s25+$0x0], $0xffff;
	v22 =	vmul.bf16 v33, v4;
	v24 =	vmul.bf16 v34, v5;
	v12 =	vadd.f32 v12, v40  }
0x4d2: {  	v37 =	vor.u32 $0xC, v6;
	v13 =	vld.idx.msk [tilespmem:v57+s25+$0x0], $0xffff;
	v8 =	vmul.bf16 v8, v2;
	v21 =	vmul.bf16 v35, v3  }
0x4d3: {  	v11 =	vadd.f32 v18, v11;
	v7 =	vor.u32 $0xB, v6;
	v15 =	vld.idx.msk [tilespmem:v15+s25+$0x0], $0xffff;
	v22 =	vadd.bf16 v24, v22;
	[tilespmem:s6+$0x280] =	vst v12  }
0x4d4: {  	v8 =	vadd.bf16 v21, v8;
	v12 =	vmul.bf16 v36, v4;
	v44 =	vmul.bf16 v38, v5;
	v45 =	vld [tilespmem:s26+$0x300]  }
0x4d5: {  	v6 =	vor.u32 $0xF, v6;
	v46 =	vmul.bf16 v39, v2;
	v47 =	vmul.bf16 v41, v3;
	v48 =	vld [tilespmem:s26+$0x310]  }
0x4d6: {  	v10 =	vadd.f32 v10, v17;
	v8 =	vadd.bf16 v8, v22;
	v49 =	vld [tilespmem:s26+$0x320]  }
0x4d7: {  	v51 =	vld [tilespmem:s26+$0x330];
	v12 =	vadd.bf16 v44, v12;
	v50 =	vadd.bf16 v47, v46  }
0x4d8: {  	v9 =	vadd.f32 v14, v9;
	v7 =	vld.idx.msk [tilespmem:v7+s25+$0x0], $0xffff;
	v52 =	vunpack.i.u.bf16.f32 v8;
	v8 =	vunpack.i.l.bf16.f32 v8  }
0x4d9: {  	v16 =	vld.idx.msk [tilespmem:v37+s25+$0x0], $0xffff;
	v8 =	vadd.f32 v8, v52;
	v12 =	vadd.bf16 v50, v12  }
0x4da: {  	v14 =	vadd.f32 v23, v61;
	v13 =	vadd.f32 v63, v13;
	v6 =	vld.idx.msk [tilespmem:v6+s25+$0x0], $0xffff  }
0x4db: {  	[tilespmem:s10+$0xFFFFFD80] =	vst v8;
	v8 =	vunpack.i.u.bf16.f32 v12;
	v55 =	vmul.bf16 v45, v4;
	v56 =	vmul.bf16 v48, v5  }
0x4dc: {  	v12 =	vunpack.i.l.bf16.f32 v12;
	v17 =	vmul.bf16 v49, v2;
	v22 =	vmul.bf16 v51, v3;
	v57 =	vld [tilespmem:s9+$0xFFFFFE00]  }
0x4dd: {  	v7 =	vadd.f32 v7, v15;
	v58 =	vld [tilespmem:s9+$0xFFFFFE10];
	v8 =	vadd.f32 v12, v8  }
0x4de: {  	v12 =	vld [tilespmem:s9+$0xFFFFFE20];
	v15 =	vadd.bf16 v56, v55;
	v17 =	vadd.bf16 v22, v17  }
0x4df: {  	v16 =	vadd.f32 v53, v16;
	v6 =	vadd.f32 v6, v54;
	v59 =	vld [tilespmem:s9+$0xFFFFFE30]  }
0x4e0: {  	[tilespmem:s7+$0x0] =	vst v8;
	v8 =	vadd.f32 v11, v10;
	v10 =	vadd.bf16 v17, v15  }
0x4e1: {  	v9 =	vadd.f32 v14, v9;
	v7 =	vadd.f32 v7, v13;
	v11 =	vld [tilespmem:s8+$0x80]  }
0x4e2: {  	v6 =	vadd.f32 v6, v16;
	v13 =	vld [tilespmem:s8+$0x90];
	v14 =	vunpack.i.u.bf16.f32 v10;
	v10 =	vunpack.i.l.bf16.f32 v10  }
0x4e3: {  	v61 =	vld [tilespmem:s8+$0xA0];
	v15 =	vmul.bf16 v57, v4;
	v60 =	vmul.bf16 v58, v5;
	v10 =	vadd.f32 v10, v14  }
0x4e4: {  	v62 =	vld [tilespmem:s8+$0xB0];
	v12 =	vmul.bf16 v12, v2;
	v19 =	vmul.bf16 v59, v3  }
0x4e5: {  	v7 =	vadd.f32 v6, v7;
	v8 =	vadd.f32 v9, v8;
	[tilespmem:s6+$0x300] =	vst v10  }
0x4e6: {  	v14 =	vadd.bf16 v60, v15;
	v12 =	vadd.bf16 v19, v12;
	v6 =	vld [tilespmem:s26+$0x380]  }
0x4e7: {  	v9 =	vadd.f32 v7, v8;
	v7 =	vld [tilespmem:s26+$0x390]  }
0x4e8: {  	s22 =	simm.s32 $0x19900;
	v11 =	vmul.bf16 v11, v4;
	v15 =	vmul.bf16 v61, v2;
	v10 =	vadd.bf16 v12, v14;
	v8 =	vld [tilespmem:s26+$0x3A0]  }
0x4e9: {  	v63 =	vmul.bf16 v62, v3;
	[tilespmem:s22+$0x0] =	vst v9;
	v14 =	vmul.bf16 v13, v5;
	v9 =	vld [tilespmem:s26+$0x3B0]  }
0x4ea: {  	s31 =	simm.s32 $0x30;
	s11 =	simm.s32 $0x13C80;
	v12 =	vunpack.i.u.bf16.f32 v10  }
0x4eb: {  	s0 =	simm.s32 $0x20;
	s19 =	simm.s32 $0x10;
	s26 =	simm.s32 $0x40;
	v13 =	vunpack.i.l.bf16.f32 v10;
	v10 =	vadd.bf16 v14, v11;
	v11 =	vadd.bf16 v63, v15  }
.LBB2_5:
0x4ec: {  	v14 =	vld [tilespmem:s11+$0xFFFFFC00];
	p0 =	sne.s32 s26, $0x70;
	v12 =	vadd.f32 v13, v12  }
0x4ed: {  	v6 =	vmul.bf16 v6, v4;
	v7 =	vmul.bf16 v7, v5;
	v13 =	vld [tilespmem:s11+$0xFFFFFC10];
	v10 =	vadd.bf16 v11, v10  }
0x4ee: {  	v8 =	vmul.bf16 v8, v2;
	v11 =	vld [tilespmem:s11+$0xFFFFFC20];
	v9 =	vmul.bf16 v9, v3  }
0x4ef: {  	v15 =	vld [tilespmem:s11+$0xFFFFFC30];
	[tilespmem:s10+$0xFFFFFE00] =	vst v12;
	v12 =	vunpack.i.u.bf16.f32 v10  }
0x4f0: {  	v6 =	vadd.bf16 v7, v6;
	v10 =	vunpack.i.l.bf16.f32 v10;
	v16 =	vld [tilespmem:s9+$0xFFFFFE80];
	v7 =	vadd.bf16 v9, v8  }
0x4f1: {  	v9 =	vadd.f32 v10, v12;
	v10 =	vmov s19;
	s19 =	smov.u32 s0;
	s0 =	smov.u32 s31;
	s31 =	smov.u32 s26;
	v8 =	vld [tilespmem:s9+$0xFFFFFE90]  }
0x4f2: {  	v12 =	vld [tilespmem:s9+$0xFFFFFEA0];
	v6 =	vadd.bf16 v7, v6;
	v7 =	vshll.u32 v10, $0x7  }
0x4f3: {  	v10 =	vld [tilespmem:s9+$0xFFFFFEB0];
	[tilespmem:s7+$0x80] =	vst v9;
	v7 =	vor.u32 v1, v7  }
0x4f4: {  	v9 =	vld [tilespmem:s8+$0x100];
	v17 =	vunpack.i.u.bf16.f32 v6;
	v6 =	vunpack.i.l.bf16.f32 v6;
	v18 =	vor.u32 $0x1, v7  }
0x4f5: {  	v19 =	vld [tilespmem:s8+$0x110];
	v6 =	vadd.f32 v6, v17;
	v17 =	vor.u32 $0x2, v7  }
0x4f6: {  	v21 =	vor.u32 $0x3, v7;
	v20 =	vld [tilespmem:s8+$0x120]  }
0x4f7: {  	v22 =	vld [tilespmem:s8+$0x130];
	[tilespmem:s6+$0x380] =	vst v6;
	v6 =	vor.u32 $0x4, v7;
	s6 =	smov.u32 s7;
	s7 =	smov.u32 s10  }
0x4f8: {  	v24 =	vor.u32 $0x5, v7;
	v23 =	vld.idx.msk [tilespmem:v7+s25+$0x0], $0xffff  }
0x4f9: {  	v25 =	vor.u32 $0x6, v7;
	v18 =	vld.idx.msk [tilespmem:v18+s25+$0x0], $0xffff  }
0x4fa: {  	v26 =	vor.u32 $0x7, v7;
	v17 =	vld.idx.msk [tilespmem:v17+s25+$0x0], $0xffff  }
0x4fb: {  	v27 =	vor.u32 $0x8, v7;
	v28 =	vor.u32 $0x9, v7;
	v29 =	vor.u32 $0xA, v7;
	v21 =	vld.idx.msk [tilespmem:v21+s25+$0x0], $0xffff  }
0x4fc: {  	v14 =	vmul.bf16 v14, v4;
	v30 =	vor.u32 $0xB, v7;
	v31 =	vor.u32 $0xC, v7;
	v6 =	vld.idx.msk [tilespmem:v6+s25+$0x0], $0xffff  }
0x4fd: {  	v32 =	vor.u32 $0xD, v7;
	v9 =	vmul.bf16 v9, v4;
	v19 =	vmul.bf16 v19, v5;
	v24 =	vld.idx.msk [tilespmem:v24+s25+$0x0], $0xffff  }
0x4fe: {  	v33 =	vor.u32 $0xE, v7;
	v20 =	vmul.bf16 v20, v2;
	v22 =	vmul.bf16 v22, v3;
	v25 =	vld.idx.msk [tilespmem:v25+s25+$0x0], $0xffff  }
0x4ff: {  	v13 =	vmul.bf16 v13, v5;
	v11 =	vmul.bf16 v11, v2;
	v7 =	vor.u32 $0xF, v7;
	v26 =	vld.idx.msk [tilespmem:v26+s25+$0x0], $0xffff  }
0x500: {  	v15 =	vmul.bf16 v15, v3;
	v9 =	vadd.bf16 v19, v9;
	v19 =	vadd.bf16 v22, v20;
	v20 =	vld.idx.msk [tilespmem:v27+s25+$0x0], $0xffff  }
0x501: {  	v13 =	vadd.bf16 v13, v14;
	v14 =	vmul.bf16 v16, v4;
	v8 =	vmul.bf16 v8, v5;
	v16 =	vld.idx.msk [tilespmem:v28+s25+$0x0], $0xffff  }
0x502: {  	v12 =	vmul.bf16 v12, v2;
	v10 =	vmul.bf16 v10, v3;
	v9 =	vadd.bf16 v19, v9;
	v19 =	vld.idx.msk [tilespmem:v29+s25+$0x0], $0xffff  }
0x503: {  	v11 =	vadd.bf16 v15, v11;
	v8 =	vadd.bf16 v8, v14;
	v14 =	vld.idx.msk [tilespmem:v30+s25+$0x0], $0xffff  }
0x504: {  	v10 =	vadd.bf16 v10, v12;
	v12 =	vunpack.i.u.bf16.f32 v9;
	v9 =	vunpack.i.l.bf16.f32 v9;
	v15 =	vld.idx.msk [tilespmem:v31+s25+$0x0], $0xffff  }
0x505: {  	v11 =	vadd.bf16 v11, v13;
	v9 =	vadd.f32 v9, v12;
	v12 =	vld.idx.msk [tilespmem:v32+s25+$0x0], $0xffff  }
0x506: {  	v8 =	vadd.bf16 v10, v8;
	v10 =	vld.idx.msk [tilespmem:v33+s25+$0x0], $0xffff  }
0x507: {  	v13 =	vunpack.i.u.bf16.f32 v11;
	[tilespmem:s6+$0x100] =	vst v9;
	v7 =	vld.idx.msk [tilespmem:v7+s25+$0x0], $0xffff  }
0x508: {  	v9 =	vunpack.i.l.bf16.f32 v11;
	v11 =	vunpack.i.u.bf16.f32 v8;
	v8 =	vunpack.i.l.bf16.f32 v8;
	v22 =	vld [tilespmem:s8+$0x180]  }
0x509: {  	v9 =	vadd.f32 v9, v13;
	v8 =	vadd.f32 v8, v11;
	v11 =	vld [tilespmem:s8+$0x190]  }
0x50a: {  	v18 =	vadd.f32 v18, v23;
	v17 =	vadd.f32 v21, v17;
	v13 =	vld [tilespmem:s8+$0x1A0]  }
0x50b: {  	s10 =	sadd.s32 $0x800, s10;
	v6 =	vadd.f32 v24, v6;
	v23 =	vadd.f32 v26, v25;
	v21 =	vld [tilespmem:s8+$0x1B0]  }
0x50c: {  	v14 =	vadd.f32 v14, v19;
	[tilespmem:s10+$0xFFFFFC00] =	vst v9;
	v9 =	vadd.f32 v16, v20  }
0x50d: {  	v12 =	vadd.f32 v12, v15;
	v7 =	vadd.f32 v7, v10;
	v16 =	vld [tilespmem:s11+$0xFFFFFC80]  }
0x50e: {  	v17 =	vadd.f32 v17, v18;
	v6 =	vadd.f32 v23, v6;
	v15 =	vmul.bf16 v22, v4;
	v10 =	vld [tilespmem:s11+$0xFFFFFC90]  }
0x50f: {  	v11 =	vmul.bf16 v11, v5;
	v9 =	vadd.f32 v14, v9;
	v7 =	vadd.f32 v7, v12;
	v18 =	vld [tilespmem:s11+$0xFFFFFCA0]  }
0x510: {  	v13 =	vmul.bf16 v13, v2;
	v12 =	vld [tilespmem:s11+$0xFFFFFCB0];
	v14 =	vmul.bf16 v21, v3  }
0x511: {  	v6 =	vadd.f32 v6, v17;
	v7 =	vadd.f32 v7, v9;
	[tilespmem:s7+$0xFFFFFE80] =	vst v8  }
0x512: {  	v9 =	vadd.bf16 v11, v15;
	v8 =	vld [tilespmem:s9+$0xFFFFFF00];
	v11 =	vadd.bf16 v14, v13  }
0x513: {  	v6 =	vadd.f32 v7, v6;
	v13 =	vld [tilespmem:s9+$0xFFFFFF10]  }
0x514: {  	s22 =	sadd.s32 $0x10, s22;
	v7 =	vmul.bf16 v16, v4;
	v10 =	vmul.bf16 v10, v5;
	v14 =	vld [tilespmem:s9+$0xFFFFFF20];
	v9 =	vadd.bf16 v11, v9  }
0x515: {  	v11 =	vmul.bf16 v18, v2;
	v12 =	vmul.bf16 v12, v3;
	v15 =	vld [tilespmem:s9+$0xFFFFFF30];
	[tilespmem:s22+$0x0] =	vst v6  }
0x516: {  	v6 =	vadd.bf16 v10, v7;
	v7 =	vunpack.i.u.bf16.f32 v9;
	v9 =	vunpack.i.l.bf16.f32 v9  }
0x517: {  	v10 =	vadd.bf16 v12, v11;
	v7 =	vadd.f32 v9, v7;
	_ =	sdelay $0x1  }
0x518: {  	v8 =	vmul.bf16 v8, v4;
	v9 =	vmul.bf16 v13, v5;
	v6 =	vadd.bf16 v10, v6;
	[tilespmem:s6+$0x180] =	vst v7  }
0x519: {  	v7 =	vmul.bf16 v14, v2;
	v10 =	vmul.bf16 v15, v3;
	v11 =	vld [tilespmem:s8+$0x200]  }
0x51a: {  	v12 =	vunpack.i.u.bf16.f32 v6;
	v13 =	vld [tilespmem:s8+$0x210]  }
0x51b: {  	v8 =	vadd.bf16 v9, v8;
	v6 =	vunpack.i.l.bf16.f32 v6;
	v7 =	vadd.bf16 v10, v7;
	v9 =	vld [tilespmem:s8+$0x220]  }
0x51c: {  	v6 =	vadd.f32 v6, v12;
	v10 =	vld [tilespmem:s8+$0x230]  }
0x51d: {  	v7 =	vadd.bf16 v7, v8  }
0x51e: {  	[tilespmem:s10+$0xFFFFFC80] =	vst v6  }
0x51f: {  	v6 =	vld [tilespmem:s11+$0xFFFFFD00];
	v8 =	vunpack.i.u.bf16.f32 v7;
	v7 =	vunpack.i.l.bf16.f32 v7  }
0x520: {  	v12 =	vld [tilespmem:s11+$0xFFFFFD10];
	v7 =	vadd.f32 v7, v8;
	v8 =	vmul.bf16 v11, v4;
	v11 =	vmul.bf16 v13, v5  }
0x521: {  	v9 =	vmul.bf16 v9, v2;
	v13 =	vld [tilespmem:s11+$0xFFFFFD20];
	v10 =	vmul.bf16 v10, v3  }
0x522: {  	v14 =	vld [tilespmem:s11+$0xFFFFFD30];
	[tilespmem:s7+$0xFFFFFF00] =	vst v7  }
0x523: {  	v8 =	vadd.bf16 v11, v8;
	v7 =	vld [tilespmem:s9+$0xFFFFFF80];
	v9 =	vadd.bf16 v10, v9  }
0x524: {  	v10 =	vld [tilespmem:s9+$0xFFFFFF90]  }
0x525: {  	v11 =	vld [tilespmem:s9+$0xFFFFFFA0];
	v8 =	vadd.bf16 v9, v8  }
0x526: {  	v6 =	vmul.bf16 v6, v4;
	v9 =	vld [tilespmem:s9+$0xFFFFFFB0]  }
0x527: {  	v12 =	vmul.bf16 v12, v5;
	v15 =	vunpack.i.u.bf16.f32 v8;
	v8 =	vunpack.i.l.bf16.f32 v8  }
0x528: {  	v13 =	vmul.bf16 v13, v2;
	v14 =	vmul.bf16 v14, v3;
	v8 =	vadd.f32 v8, v15  }
0x529: {  	v6 =	vadd.bf16 v12, v6  }
0x52a: {  	v7 =	vmul.bf16 v7, v4;
	v12 =	vadd.bf16 v14, v13;
	v10 =	vmul.bf16 v10, v5;
	[tilespmem:s6+$0x200] =	vst v8  }
0x52b: {  	v8 =	vmul.bf16 v11, v2;
	v9 =	vmul.bf16 v9, v3;
	v11 =	vld [tilespmem:s8+$0x280]  }
0x52c: {  	v6 =	vadd.bf16 v12, v6;
	v12 =	vld [tilespmem:s8+$0x290]  }
0x52d: {  	v7 =	vadd.bf16 v10, v7;
	v8 =	vadd.bf16 v9, v8;
	v9 =	vld [tilespmem:s8+$0x2A0]  }
0x52e: {  	v10 =	vunpack.i.u.bf16.f32 v6;
	v6 =	vunpack.i.l.bf16.f32 v6;
	v13 =	vld [tilespmem:s8+$0x2B0]  }
0x52f: {  	v6 =	vadd.f32 v6, v10;
	v7 =	vadd.bf16 v8, v7;
	_ =	sdelay $0x1  }
0x530: {  	[tilespmem:s10+$0xFFFFFD00] =	vst v6;
	v6 =	vunpack.i.u.bf16.f32 v7  }
0x531: {  	v10 =	vmul.bf16 v11, v4;
	v7 =	vunpack.i.l.bf16.f32 v7;
	v11 =	vmul.bf16 v12, v5;
	v8 =	vld [tilespmem:s11+$0xFFFFFD80]  }
0x532: {  	v6 =	vadd.f32 v7, v6;
	v7 =	vmul.bf16 v9, v2;
	v12 =	vld [tilespmem:s11+$0xFFFFFD90];
	v9 =	vmul.bf16 v13, v3  }
0x533: {  	v13 =	vld [tilespmem:s11+$0xFFFFFDA0]  }
0x534: {  	v14 =	vld [tilespmem:s11+$0xFFFFFDB0];
	[tilespmem:s7+$0xFFFFFF80] =	vst v6;
	v6 =	vadd.bf16 v11, v10;
	v7 =	vadd.bf16 v9, v7  }
0x535: {  	v9 =	vld [tilespmem:s9+$0x0]  }
0x536: {  	v10 =	vld [tilespmem:s9+$0x10];
	v6 =	vadd.bf16 v7, v6  }
0x537: {  	v7 =	vld [tilespmem:s9+$0x20]  }
0x538: {  	v11 =	vld [tilespmem:s9+$0x30];
	v15 =	vunpack.i.u.bf16.f32 v6;
	v6 =	vunpack.i.l.bf16.f32 v6  }
0x539: {  	v8 =	vmul.bf16 v8, v4;
	v12 =	vmul.bf16 v12, v5;
	v6 =	vadd.f32 v6, v15  }
0x53a: {  	v13 =	vmul.bf16 v13, v2;
	v14 =	vmul.bf16 v14, v3  }
0x53b: {  	v8 =	vadd.bf16 v12, v8;
	[tilespmem:s6+$0x280] =	vst v6  }
0x53c: {  	v9 =	vmul.bf16 v9, v4;
	v6 =	vadd.bf16 v14, v13;
	v10 =	vmul.bf16 v10, v5;
	v12 =	vld [tilespmem:s8+$0x300]  }
0x53d: {  	v7 =	vmul.bf16 v7, v2;
	v11 =	vmul.bf16 v11, v3;
	v13 =	vld [tilespmem:s8+$0x310]  }
0x53e: {  	v6 =	vadd.bf16 v6, v8;
	v8 =	vld [tilespmem:s8+$0x320]  }
0x53f: {  	v9 =	vadd.bf16 v10, v9;
	v7 =	vadd.bf16 v11, v7;
	v10 =	vld [tilespmem:s8+$0x330]  }
0x540: {  	v11 =	vunpack.i.u.bf16.f32 v6;
	v6 =	vunpack.i.l.bf16.f32 v6  }
0x541: {  	v6 =	vadd.f32 v6, v11;
	v7 =	vadd.bf16 v7, v9;
	_ =	sdelay $0x1  }
0x542: {  	v9 =	vmul.bf16 v12, v4;
	v11 =	vmul.bf16 v13, v5;
	[tilespmem:s10+$0xFFFFFD80] =	vst v6;
	v6 =	vunpack.i.u.bf16.f32 v7  }
0x543: {  	v7 =	vunpack.i.l.bf16.f32 v7;
	v8 =	vmul.bf16 v8, v2;
	v12 =	vld [tilespmem:s11+$0xFFFFFE00];
	v10 =	vmul.bf16 v10, v3  }
0x544: {  	v6 =	vadd.f32 v7, v6;
	v13 =	vld [tilespmem:s11+$0xFFFFFE10]  }
0x545: {  	v9 =	vadd.bf16 v11, v9;
	v7 =	vld [tilespmem:s11+$0xFFFFFE20];
	v8 =	vadd.bf16 v10, v8  }
0x546: {  	v10 =	vld [tilespmem:s11+$0xFFFFFE30]  }
0x547: {  	[tilespmem:s7+$0x0] =	vst v6;
	v6 =	vadd.bf16 v8, v9  }
0x548: {  	v8 =	vld [tilespmem:s9+$0x80]  }
0x549: {  	v9 =	vld [tilespmem:s9+$0x90];
	v11 =	vunpack.i.u.bf16.f32 v6;
	v6 =	vunpack.i.l.bf16.f32 v6  }
0x54a: {  	v12 =	vmul.bf16 v12, v4;
	v13 =	vmul.bf16 v13, v5;
	v14 =	vld [tilespmem:s9+$0xA0];
	v6 =	vadd.f32 v6, v11  }
0x54b: {  	v7 =	vmul.bf16 v7, v2;
	v10 =	vmul.bf16 v10, v3;
	v11 =	vld [tilespmem:s9+$0xB0]  }
0x54c: {  	[tilespmem:s6+$0x300] =	vst v6  }
0x54d: {  	v12 =	vadd.bf16 v13, v12;
	v10 =	vadd.bf16 v10, v7;
	v6 =	vld [tilespmem:s8+$0x380]  }
.Ltmp1:
0x54e: {  	v7 =	vld [tilespmem:s8+$0x390];
	(pc) =	sbr.rel @p0 .LBB2_5-.Ltmp1, $4  }
0x54f: {  	v15 =	vmul.bf16 v8, v4;
	v16 =	vmul.bf16 v9, v5;
	v10 =	vadd.bf16 v10, v12;
	v8 =	vld [tilespmem:s8+$0x3A0]  }
0x550: {  	v14 =	vmul.bf16 v14, v2;
	v11 =	vmul.bf16 v11, v3;
	v9 =	vld [tilespmem:s8+$0x3B0];
	s8 =	smov.u32 s9;
	s9 =	smov.u32 s11  }
0x551: {  	v12 =	vunpack.i.u.bf16.f32 v10  }
0x552: {  	s26 =	sadd.s32 $0x10, s26;
	s11 =	sadd.s32 $0x800, s11;
	v13 =	vunpack.i.l.bf16.f32 v10;
	v10 =	vadd.bf16 v16, v15;
	v11 =	vadd.bf16 v11, v14  }
0x553: {  	v12 =	vadd.f32 v13, v12;
	_ =	sdelay $0x1  }
0x554: {  	[tilespmem:s10+$0xFFFFFE00] =	vst v12  }
0x555: {  	v12 =	vld [tilespmem:s9+$0xFFFFFE80]  }
0x556: {  	v26 =	vld [tilespmem:s9+$0xFFFFFE90]  }
0x557: {  	v14 =	vld [tilespmem:s9+$0xFFFFFEA0]  }
0x558: {  	v15 =	vld [tilespmem:s9+$0xFFFFFEB0];
	_ =	sdelay $0x3  }
0x559: {  	v12 =	vmul.bf16 v12, v4;
	v13 =	vmul.bf16 v26, v5  }
0x55a: {  	v14 =	vmul.bf16 v14, v2;
	v15 =	vmul.bf16 v15, v3;
	_ =	sdelay $0x1  }
0x55b: {  	v12 =	vadd.bf16 v13, v12;
	v27 =	vadd.bf16 v15, v14;
	_ =	sdelay $0x1  }
0x55c: {  	v12 =	vadd.bf16 v27, v12;
	_ =	sdelay $0x1  }
0x55d: {  	v13 =	vunpack.i.u.bf16.f32 v12;
	v12 =	vunpack.i.l.bf16.f32 v12  }
0x55e: {  	v12 =	vadd.f32 v12, v13;
	_ =	sdelay $0x1  }
0x55f: {  	[tilespmem:s10+$0xFFFFFE80] =	vst v12  }
0x560: {  	v12 =	vld [tilespmem:s9+$0xFFFFFF00]  }
0x561: {  	v28 =	vld [tilespmem:s9+$0xFFFFFF10]  }
0x562: {  	v29 =	vld [tilespmem:s9+$0xFFFFFF20]  }
0x563: {  	v30 =	vld [tilespmem:s9+$0xFFFFFF30];
	_ =	sdelay $0x3  }
0x564: {  	v12 =	vmul.bf16 v12, v4;
	v13 =	vmul.bf16 v28, v5  }
0x565: {  	v14 =	vmul.bf16 v29, v2;
	v15 =	vmul.bf16 v30, v3;
	_ =	sdelay $0x1  }
0x566: {  	v12 =	vadd.bf16 v13, v12;
	v31 =	vadd.bf16 v15, v14;
	_ =	sdelay $0x1  }
0x567: {  	v12 =	vadd.bf16 v31, v12;
	_ =	sdelay $0x1  }
0x568: {  	v13 =	vunpack.i.u.bf16.f32 v12;
	v12 =	vunpack.i.l.bf16.f32 v12  }
0x569: {  	v12 =	vadd.f32 v12, v13;
	_ =	sdelay $0x1  }
0x56a: {  	[tilespmem:s10+$0xFFFFFF00] =	vst v12  }
0x56b: {  	v12 =	vld [tilespmem:s9+$0xFFFFFF80]  }
0x56c: {  	v32 =	vld [tilespmem:s9+$0xFFFFFF90]  }
0x56d: {  	v33 =	vld [tilespmem:s9+$0xFFFFFFA0]  }
0x56e: {  	v34 =	vld [tilespmem:s9+$0xFFFFFFB0];
	_ =	sdelay $0x3  }
0x56f: {  	v12 =	vmul.bf16 v12, v4;
	v13 =	vmul.bf16 v32, v5  }
0x570: {  	v14 =	vmul.bf16 v33, v2;
	v15 =	vmul.bf16 v34, v3;
	_ =	sdelay $0x1  }
0x571: {  	v12 =	vadd.bf16 v13, v12;
	v35 =	vadd.bf16 v15, v14;
	_ =	sdelay $0x1  }
0x572: {  	v12 =	vadd.bf16 v35, v12;
	_ =	sdelay $0x1  }
0x573: {  	v13 =	vunpack.i.u.bf16.f32 v12;
	v12 =	vunpack.i.l.bf16.f32 v12  }
0x574: {  	v12 =	vadd.f32 v12, v13;
	_ =	sdelay $0x1  }
0x575: {  	[tilespmem:s10+$0xFFFFFF80] =	vst v12  }
0x576: {  	v12 =	vld [tilespmem:s9+$0x0]  }
0x577: {  	v36 =	vld [tilespmem:s9+$0x10]  }
0x578: {  	v37 =	vld [tilespmem:s9+$0x20]  }
0x579: {  	v38 =	vld [tilespmem:s9+$0x30]  }
0x57a: {  	v10 =	vadd.bf16 v11, v10;
	_ =	sdelay $0x1  }
0x57b: {  	v11 =	vunpack.i.u.bf16.f32 v10;
	v10 =	vunpack.i.l.bf16.f32 v10  }
0x57c: {  	v10 =	vadd.f32 v10, v11;
	v39 =	vmul.bf16 v12, v4;
	v40 =	vmul.bf16 v36, v5  }
0x57d: {  	v41 =	vmul.bf16 v37, v2;
	v42 =	vmul.bf16 v38, v3  }
0x57e: {  	[tilespmem:s7+$0x80] =	vst v10  }
0x57f: {  	v10 =	vld [tilespmem:s8+$0x100];
	v11 =	vadd.bf16 v40, v39;
	v43 =	vadd.bf16 v42, v41  }
0x580: {  	v44 =	vld [tilespmem:s8+$0x110]  }
0x581: {  	v45 =	vld [tilespmem:s8+$0x120];
	v11 =	vadd.bf16 v43, v11  }
0x582: {  	v46 =	vld [tilespmem:s8+$0x130]  }
0x583: {  	v47 =	vunpack.i.u.bf16.f32 v11;
	v11 =	vunpack.i.l.bf16.f32 v11  }
0x584: {  	v11 =	vadd.f32 v11, v47;
	_ =	sdelay $0x1  }
0x585: {  	v10 =	vmul.bf16 v10, v4;
	v48 =	vmul.bf16 v45, v2;
	[tilespmem:s10+$0x0] =	vst v11  }
0x586: {  	v13 =	vmul.bf16 v44, v5;
	v12 =	vmul.bf16 v46, v3;
	v49 =	vld [tilespmem:s9+$0x80]  }
0x587: {  	v50 =	vld [tilespmem:s9+$0x90]  }
0x588: {  	v10 =	vadd.bf16 v13, v10;
	v11 =	vadd.bf16 v12, v48;
	v51 =	vld [tilespmem:s9+$0xA0]  }
0x589: {  	v52 =	vld [tilespmem:s9+$0xB0]  }
0x58a: {  	v10 =	vadd.bf16 v11, v10;
	_ =	sdelay $0x1  }
0x58b: {  	v11 =	vunpack.i.u.bf16.f32 v10;
	v10 =	vunpack.i.l.bf16.f32 v10  }
0x58c: {  	v10 =	vadd.f32 v10, v11;
	v53 =	vmul.bf16 v49, v4;
	v54 =	vmul.bf16 v50, v5  }
0x58d: {  	v12 =	vmul.bf16 v51, v2;
	v13 =	vmul.bf16 v52, v3  }
0x58e: {  	[tilespmem:s7+$0x100] =	vst v10  }
0x58f: {  	v10 =	vld [tilespmem:s8+$0x180];
	v11 =	vadd.bf16 v54, v53;
	v12 =	vadd.bf16 v13, v12  }
0x590: {  	v55 =	vld [tilespmem:s8+$0x190]  }
0x591: {  	v56 =	vld [tilespmem:s8+$0x1A0];
	v11 =	vadd.bf16 v12, v11  }
0x592: {  	v57 =	vld [tilespmem:s8+$0x1B0]  }
0x593: {  	v58 =	vunpack.i.u.bf16.f32 v11;
	v11 =	vunpack.i.l.bf16.f32 v11  }
0x594: {  	v11 =	vadd.f32 v11, v58;
	_ =	sdelay $0x1  }
0x595: {  	v10 =	vmul.bf16 v10, v4;
	v13 =	vmul.bf16 v55, v5;
	[tilespmem:s10+$0x80] =	vst v11  }
0x596: {  	v59 =	vmul.bf16 v56, v2;
	v12 =	vmul.bf16 v57, v3;
	v60 =	vld [tilespmem:s9+$0x100]  }
0x597: {  	v61 =	vld [tilespmem:s9+$0x110]  }
0x598: {  	v10 =	vadd.bf16 v13, v10;
	v11 =	vadd.bf16 v12, v59;
	v62 =	vld [tilespmem:s9+$0x120]  }
0x599: {  	v63 =	vld [tilespmem:s9+$0x130]  }
0x59a: {  	v10 =	vadd.bf16 v11, v10;
	_ =	sdelay $0x1  }
0x59b: {  	v11 =	vunpack.i.u.bf16.f32 v10;
	v10 =	vunpack.i.l.bf16.f32 v10  }
0x59c: {  	v10 =	vadd.f32 v10, v11;
	v16 =	vmul.bf16 v60, v4;
	v17 =	vmul.bf16 v61, v5  }
0x59d: {  	v12 =	vmul.bf16 v62, v2;
	v13 =	vmul.bf16 v63, v3  }
0x59e: {  	[tilespmem:s7+$0x180] =	vst v10  }
0x59f: {  	v10 =	vld [tilespmem:s8+$0x200];
	v11 =	vadd.bf16 v17, v16;
	v12 =	vadd.bf16 v13, v12  }
0x5a0: {  	v18 =	vld [tilespmem:s8+$0x210]  }
0x5a1: {  	v19 =	vld [tilespmem:s8+$0x220];
	v11 =	vadd.bf16 v12, v11  }
0x5a2: {  	v20 =	vld [tilespmem:s8+$0x230]  }
0x5a3: {  	v21 =	vunpack.i.u.bf16.f32 v11;
	v11 =	vunpack.i.l.bf16.f32 v11  }
0x5a4: {  	v11 =	vadd.f32 v11, v21;
	_ =	sdelay $0x1  }
0x5a5: {  	v10 =	vmul.bf16 v10, v4;
	v13 =	vmul.bf16 v18, v5;
	[tilespmem:s10+$0x100] =	vst v11  }
0x5a6: {  	v22 =	vmul.bf16 v19, v2;
	v12 =	vmul.bf16 v20, v3;
	v23 =	vld [tilespmem:s9+$0x180]  }
0x5a7: {  	v24 =	vld [tilespmem:s9+$0x190]  }
0x5a8: {  	v10 =	vadd.bf16 v13, v10;
	v11 =	vadd.bf16 v12, v22;
	v25 =	vld [tilespmem:s9+$0x1A0]  }
0x5a9: {  	v26 =	vld [tilespmem:s9+$0x1B0]  }
0x5aa: {  	v10 =	vadd.bf16 v11, v10;
	_ =	sdelay $0x1  }
0x5ab: {  	v11 =	vunpack.i.u.bf16.f32 v10  }
0x5ac: {  	v10 =	vunpack.i.l.bf16.f32 v10;
	v14 =	vmul.bf16 v23, v4;
	v15 =	vmul.bf16 v24, v5  }
0x5ad: {  	v10 =	vadd.f32 v10, v11;
	v27 =	vmul.bf16 v25, v2;
	v28 =	vmul.bf16 v26, v3;
	_ =	sdelay $0x1  }
0x5ae: {  	[tilespmem:s7+$0x200] =	vst v10;
	v29 =	vadd.bf16 v15, v14;
	v11 =	vadd.bf16 v28, v27  }
0x5af: {  	v30 =	vld [tilespmem:s8+$0x280]  }
0x5b0: {  	v31 =	vld [tilespmem:s8+$0x290];
	v10 =	vadd.bf16 v11, v29  }
0x5b1: {  	v32 =	vld [tilespmem:s8+$0x2A0]  }
0x5b2: {  	v33 =	vld [tilespmem:s8+$0x2B0];
	v34 =	vunpack.i.u.bf16.f32 v10;
	v10 =	vunpack.i.l.bf16.f32 v10  }
0x5b3: {  	v10 =	vadd.f32 v10, v34;
	_ =	sdelay $0x1  }
0x5b4: {  	[tilespmem:s10+$0x180] =	vst v10  }
0x5b5: {  	v35 =	vmul.bf16 v30, v4;
	v36 =	vmul.bf16 v31, v5;
	v37 =	vld [tilespmem:s9+$0x200]  }
0x5b6: {  	v11 =	vmul.bf16 v32, v2;
	v14 =	vmul.bf16 v33, v3;
	v38 =	vld [tilespmem:s9+$0x210]  }
0x5b7: {  	v16 =	vld [tilespmem:s9+$0x220]  }
0x5b8: {  	v10 =	vadd.bf16 v36, v35;
	v11 =	vadd.bf16 v14, v11;
	v39 =	vld [tilespmem:s9+$0x230];
	_ =	sdelay $0x1  }
0x5b9: {  	v10 =	vadd.bf16 v11, v10;
	_ =	sdelay $0x1  }
0x5ba: {  	v11 =	vunpack.i.u.bf16.f32 v10;
	v13 =	vmul.bf16 v37, v4;
	v40 =	vmul.bf16 v38, v5  }
0x5bb: {  	v10 =	vunpack.i.l.bf16.f32 v10;
	v41 =	vmul.bf16 v16, v2;
	v12 =	vmul.bf16 v39, v3  }
0x5bc: {  	v10 =	vadd.f32 v10, v11  }
0x5bd: {  	v42 =	vadd.bf16 v40, v13;
	v12 =	vadd.bf16 v12, v41;
	_ =	sdelay $0x1  }
0x5be: {  	[tilespmem:s7+$0x280] =	vst v10;
	v43 =	vadd.bf16 v12, v42  }
0x5bf: {  	v44 =	vld [tilespmem:s8+$0x300]  }
0x5c0: {  	v45 =	vld [tilespmem:s8+$0x310];
	v46 =	vunpack.i.u.bf16.f32 v43;
	v10 =	vunpack.i.l.bf16.f32 v43  }
0x5c1: {  	v6 =	vmul.bf16 v6, v4;
	v7 =	vmul.bf16 v7, v5;
	v47 =	vld [tilespmem:s8+$0x320];
	v10 =	vadd.f32 v10, v46  }
0x5c2: {  	v8 =	vmul.bf16 v8, v2;
	v9 =	vmul.bf16 v9, v3;
	v48 =	vld [tilespmem:s8+$0x330]  }
0x5c3: {  	[tilespmem:s10+$0x200] =	vst v10  }
0x5c4: {  	v6 =	vadd.bf16 v7, v6;
	v49 =	vadd.bf16 v9, v8;
	v50 =	vld [tilespmem:s9+$0x280]  }
0x5c5: {  	v51 =	vmov s19;
	v10 =	vld [tilespmem:s9+$0x290]  }
0x5c6: {  	v6 =	vadd.bf16 v49, v6;
	v52 =	vmul.bf16 v44, v4;
	v53 =	vmul.bf16 v45, v5;
	v54 =	vld [tilespmem:s9+$0x2A0]  }
0x5c7: {  	v9 =	vshll.u32 v51, $0x7;
	v14 =	vmul.bf16 v47, v2;
	v13 =	vmul.bf16 v48, v3;
	v55 =	vld [tilespmem:s9+$0x2B0]  }
0x5c8: {  	v9 =	vor.u32 v1, v9;
	v56 =	vunpack.i.u.bf16.f32 v6;
	v6 =	vunpack.i.l.bf16.f32 v6  }
0x5c9: {  	v60 =	vor.u32 $0x3, v9;
	v7 =	vadd.bf16 v53, v52;
	v57 =	vadd.bf16 v13, v14  }
0x5ca: {  	v6 =	vadd.f32 v6, v56;
	v18 =	vor.u32 $0x6, v9;
	v23 =	vor.u32 $0x9, v9  }
0x5cb: {  	v7 =	vadd.bf16 v57, v7;
	v8 =	vmul.bf16 v50, v4;
	v10 =	vmul.bf16 v10, v5  }
0x5cc: {  	v12 =	vmul.bf16 v54, v2;
	v15 =	vmul.bf16 v55, v3  }
0x5cd: {  	[tilespmem:s6+$0x380] =	vst v6;
	v61 =	vunpack.i.u.bf16.f32 v7  }
0x5ce: {  	v63 =	vld.idx.msk [tilespmem:v60+s25+$0x0], $0xffff;
	v7 =	vunpack.i.l.bf16.f32 v7;
	v8 =	vadd.bf16 v10, v8;
	v62 =	vadd.bf16 v15, v12  }
0x5cf: {  	v18 =	vld.idx.msk [tilespmem:v18+s25+$0x0], $0xffff;
	v6 =	vadd.f32 v7, v61  }
0x5d0: {  	v23 =	vld.idx.msk [tilespmem:v23+s25+$0x0], $0xffff;
	v8 =	vadd.bf16 v62, v8  }
0x5d1: {  	v58 =	vor.u32 $0x1, v9;
	v59 =	vor.u32 $0x2, v9;
	v20 =	vor.u32 $0x7, v9;
	v16 =	vld.idx.msk [tilespmem:v9+s25+$0x0], $0xffff;
	[tilespmem:s7+$0x300] =	vst v6  }
0x5d2: {  	v22 =	vor.u32 $0x8, v9;
	v6 =	vld [tilespmem:s8+$0x380];
	v31 =	vunpack.i.u.bf16.f32 v8;
	v8 =	vunpack.i.l.bf16.f32 v8  }
0x5d3: {  	v25 =	vor.u32 $0xA, v9;
	v26 =	vor.u32 $0xB, v9;
	v32 =	vld [tilespmem:s8+$0x390];
	v8 =	vadd.f32 v8, v31  }
0x5d4: {  	v27 =	vor.u32 $0xC, v9;
	v28 =	vor.u32 $0xD, v9;
	v34 =	vor.u32 $0x4, v9;
	v33 =	vld [tilespmem:s8+$0x3A0]  }
0x5d5: {  	v36 =	vor.u32 $0x5, v9;
	v39 =	vor.u32 $0xE, v9;
	v9 =	vor.u32 $0xF, v9;
	v35 =	vld [tilespmem:s8+$0x3B0];
	[tilespmem:s10+$0x280] =	vst v8  }
0x5d6: {  	v17 =	vld [tilespmem:s9+$0x300]  }
0x5d7: {  	v19 =	vld [tilespmem:s9+$0x310]  }
0x5d8: {  	v21 =	vld [tilespmem:s9+$0x320]  }
0x5d9: {  	v24 =	vld [tilespmem:s9+$0x330]  }
0x5da: {  	v9 =	vld.idx.msk [tilespmem:v9+s25+$0x0], $0xffff;
	v6 =	vmul.bf16 v6, v4;
	v13 =	vmul.bf16 v32, v5  }
0x5db: {  	v46 =	vld.idx.msk [tilespmem:v28+s25+$0x0], $0xffff;
	v11 =	vmul.bf16 v33, v2;
	v15 =	vmul.bf16 v35, v3  }
0x5dc: {  	v14 =	vld.idx.msk [tilespmem:v34+s25+$0x0], $0xffff;
	v6 =	vadd.bf16 v13, v6  }
0x5dd: {  	v7 =	vld.idx.msk [tilespmem:v59+s25+$0x0], $0xffff;
	v11 =	vadd.bf16 v15, v11;
	v37 =	vmul.bf16 v17, v4;
	v38 =	vmul.bf16 v19, v5  }
0x5de: {  	v12 =	vld.idx.msk [tilespmem:v58+s25+$0x0], $0xffff;
	v21 =	vmul.bf16 v21, v2;
	v40 =	vmul.bf16 v24, v3  }
0x5df: {  	v41 =	vmov s0;
	v8 =	vld.idx.msk [tilespmem:v36+s25+$0x0], $0xffff;
	v6 =	vadd.bf16 v11, v6  }
0x5e0: {  	v13 =	vld.idx.msk [tilespmem:v20+s25+$0x0], $0xffff;
	v24 =	vshll.u32 v41, $0x7;
	v15 =	vadd.bf16 v38, v37;
	v42 =	vadd.bf16 v40, v21  }
0x5e1: {  	v20 =	vld.idx.msk [tilespmem:v22+s25+$0x0], $0xffff;
	v44 =	vunpack.i.u.bf16.f32 v6;
	v43 =	vor.u32 v1, v24  }
0x5e2: {  	v11 =	vld.idx.msk [tilespmem:v25+s25+$0x0], $0xffff;
	v6 =	vunpack.i.l.bf16.f32 v6;
	v45 =	vor.u32 $0x1, v43;
	v15 =	vadd.bf16 v42, v15  }
0x5e3: {  	v25 =	vld.idx.msk [tilespmem:v27+s25+$0x0], $0xffff;
	v6 =	vadd.f32 v6, v44  }
0x5e4: {  	v19 =	vld.idx.msk [tilespmem:v39+s25+$0x0], $0xffff;
	v47 =	vunpack.i.u.bf16.f32 v15;
	v15 =	vunpack.i.l.bf16.f32 v15  }
0x5e5: {  	[tilespmem:s7+$0x380] =	vst v6;
	v21 =	vld.idx.msk [tilespmem:v26+s25+$0x0], $0xffff;
	v48 =	vadd.f32 v15, v47  }
0x5e6: {  	v15 =	vld.idx.msk [tilespmem:v43+s25+$0x0], $0xffff  }
0x5e7: {  	v49 =	vor.u32 $0x2, v43;
	v26 =	vld.idx.msk [tilespmem:v45+s25+$0x0], $0xffff;
	[tilespmem:s10+$0x300] =	vst v48  }
0x5e8: {  	v50 =	vor.u32 $0x3, v43;
	v51 =	vld [tilespmem:s9+$0x380]  }
0x5e9: {  	v52 =	vor.u32 $0x4, v43;
	v29 =	vld [tilespmem:s9+$0x390]  }
0x5ea: {  	v30 =	vor.u32 $0x5, v43;
	v31 =	vld [tilespmem:s9+$0x3A0]  }
0x5eb: {  	v55 =	vor.u32 $0xB, v43;
	v33 =	vld [tilespmem:s9+$0x3B0]  }
0x5ec: {  	v22 =	vor.u32 $0xF, v43;
	v24 =	vld.idx.msk [tilespmem:v49+s25+$0x0], $0xffff  }
0x5ed: {  	v32 =	vor.u32 $0x6, v43;
	v6 =	vld.idx.msk [tilespmem:v50+s25+$0x0], $0xffff  }
0x5ee: {  	v34 =	vor.u32 $0x7, v43;
	v28 =	vld.idx.msk [tilespmem:v52+s25+$0x0], $0xffff  }
0x5ef: {  	v35 =	vor.u32 $0x8, v43;
	v30 =	vld.idx.msk [tilespmem:v30+s25+$0x0], $0xffff;
	v53 =	vmul.bf16 v51, v4;
	v54 =	vmul.bf16 v29, v5  }
0x5f0: {  	v36 =	vor.u32 $0x9, v43;
	v27 =	vld.idx.msk [tilespmem:v55+s25+$0x0], $0xffff;
	v2 =	vmul.bf16 v31, v2;
	v3 =	vmul.bf16 v33, v3  }
0x5f1: {  	v37 =	vor.u32 $0xA, v43;
	v22 =	vld.idx.msk [tilespmem:v22+s25+$0x0], $0xffff  }
0x5f2: {  	v56 =	vor.u32 $0xC, v43;
	v29 =	vld.idx.msk [tilespmem:v32+s25+$0x0], $0xffff;
	v4 =	vadd.bf16 v54, v53;
	v2 =	vadd.bf16 v3, v2  }
0x5f3: {  	v58 =	vmov s31;
	v57 =	vor.u32 $0xD, v43;
	v32 =	vld.idx.msk [tilespmem:v34+s25+$0x0], $0xffff  }
0x5f4: {  	v59 =	vshll.u32 v58, $0x7;
	v34 =	vld.idx.msk [tilespmem:v35+s25+$0x0], $0xffff;
	v3 =	vor.u32 $0xE, v43;
	v2 =	vadd.bf16 v2, v4  }
0x5f5: {  	v5 =	vld.idx.msk [tilespmem:v36+s25+$0x0], $0xffff;
	v4 =	vor.u32 v1, v59  }
0x5f6: {  	v36 =	vld.idx.msk [tilespmem:v37+s25+$0x0], $0xffff;
	v61 =	vor.u32 $0x1, v4;
	v60 =	vunpack.i.u.bf16.f32 v2;
	v2 =	vunpack.i.l.bf16.f32 v2  }
0x5f7: {  	v31 =	vld.idx.msk [tilespmem:v56+s25+$0x0], $0xffff;
	v62 =	vor.u32 $0x2, v4;
	v2 =	vadd.f32 v2, v60  }
0x5f8: {  	v33 =	vld.idx.msk [tilespmem:v57+s25+$0x0], $0xffff;
	v38 =	vor.u32 $0x3, v4  }
0x5f9: {  	v40 =	vor.u32 $0x5, v4;
	v3 =	vld.idx.msk [tilespmem:v3+s25+$0x0], $0xffff;
	[tilespmem:s10+$0x380] =	vst v2  }
0x5fa: {  	v37 =	vor.u32 $0x6, v4;
	v39 =	vld.idx.msk [tilespmem:v4+s25+$0x0], $0xffff  }
0x5fb: {  	v7 =	vadd.f32 v63, v7;
	v42 =	vor.u32 $0x7, v4;
	v63 =	vld.idx.msk [tilespmem:v61+s25+$0x0], $0xffff  }
0x5fc: {  	v12 =	vadd.f32 v12, v16;
	v44 =	vor.u32 $0x8, v4;
	v41 =	vld.idx.msk [tilespmem:v62+s25+$0x0], $0xffff  }
0x5fd: {  	v8 =	vadd.f32 v8, v14;
	v13 =	vadd.f32 v13, v18;
	v45 =	vor.u32 $0x9, v4;
	v43 =	vld.idx.msk [tilespmem:v38+s25+$0x0], $0xffff  }
0x5fe: {  	v20 =	vadd.f32 v23, v20;
	v17 =	vadd.f32 v46, v25;
	v46 =	vor.u32 $0xA, v4;
	v47 =	vld.idx.msk [tilespmem:v40+s25+$0x0], $0xffff  }
0x5ff: {  	v9 =	vadd.f32 v9, v19;
	v11 =	vadd.f32 v21, v11;
	v48 =	vor.u32 $0xB, v4;
	v16 =	vld.idx.msk [tilespmem:v37+s25+$0x0], $0xffff  }
0x600: {  	v7 =	vadd.f32 v7, v12;
	v8 =	vadd.f32 v13, v8;
	v49 =	vor.u32 $0xC, v4;
	v18 =	vld.idx.msk [tilespmem:v42+s25+$0x0], $0xffff  }
0x601: {  	v9 =	vadd.f32 v9, v17;
	v11 =	vadd.f32 v11, v20;
	v51 =	vor.u32 $0xD, v4;
	v52 =	vld.idx.msk [tilespmem:v44+s25+$0x0], $0xffff  }
0x602: {  	v53 =	vor.u32 $0xE, v4;
	v19 =	vld.idx.msk [tilespmem:v45+s25+$0x0], $0xffff  }
0x603: {  	v7 =	vadd.f32 v8, v7;
	v50 =	vadd.f32 v9, v11;
	v2 =	vor.u32 $0x4, v4;
	v54 =	vld.idx.msk [tilespmem:v46+s25+$0x0], $0xffff  }
0x604: {  	v55 =	vadd.f32 v26, v15;
	v4 =	vor.u32 $0xF, v4;
	v56 =	vld.idx.msk [tilespmem:v48+s25+$0x0], $0xffff  }
0x605: {  	v6 =	vadd.f32 v6, v24;
	v7 =	vadd.f32 v50, v7;
	v20 =	vld.idx.msk [tilespmem:v49+s25+$0x0], $0xffff  }
0x606: {  	v57 =	vadd.f32 v30, v28;
	v58 =	vadd.f32 v32, v29;
	v9 =	vld.idx.msk [tilespmem:v51+s25+$0x0], $0xffff  }
0x607: {  	v5 =	vadd.f32 v5, v34;
	v59 =	vadd.f32 v27, v36;
	v61 =	vld.idx.msk [tilespmem:v53+s25+$0x0], $0xffff  }
0x608: {  	v60 =	vadd.f32 v33, v31;
	v3 =	vadd.f32 v22, v3;
	v2 =	vld.idx.msk [tilespmem:v2+s25+$0x0], $0xffff  }
0x609: {  	v6 =	vadd.f32 v6, v55;
	v5 =	vadd.f32 v59, v5;
	v4 =	vld.idx.msk [tilespmem:v4+s25+$0x0], $0xffff  }
0x60a: {  	v62 =	vadd.f32 v58, v57;
	v3 =	vadd.f32 v3, v60  }
0x60b: {  	v10 =	vadd.f32 v63, v39;
	v14 =	vadd.f32 v43, v41  }
0x60c: {  	v63 =	vadd.f32 v18, v16;
	v11 =	vadd.f32 v19, v52  }
0x60d: {  	v8 =	vadd.f32 v56, v54;
	v9 =	vadd.f32 v9, v20  }
0x60e: {  	v2 =	vadd.f32 v47, v2;
	v4 =	vadd.f32 v4, v61  }
0x60f: {  	v10 =	vadd.f32 v14, v10;
	v8 =	vadd.f32 v8, v11  }
0x610: {  	v2 =	vadd.f32 v63, v2;
	v4 =	vadd.f32 v4, v9  }
0x611: {  	v6 =	vadd.f32 v62, v6;
	v3 =	vadd.f32 v3, v5  }
0x612: {  	v2 =	vadd.f32 v2, v10;
	v4 =	vadd.f32 v4, v8  }
0x613: {  	s21 =	sadd.s32 $0x1, s21;
	s19 =	sadd.s32 $0x10, s22;
	s22 =	sshll.u32 s13, $0x4;
	v3 =	vadd.f32 v3, v6  }
0x614: {  	p0 =	sne.s32 s21, $0x40;
	s6 =	sand.u32 $0x70, s22;
	s0 =	sadd.s32 $0x10, s19;
	[tilespmem:s19+$0x0] =	vst v7;
	v2 =	vadd.f32 v4, v2  }
.Ltmp2:
0x615: {  	s6 =	sadd.s32 s5, s6;
	[tilespmem:s0+$0x0] =	vst v3;
	s0 =	sadd.s32 $0x10, s0;
	(pc) =	sbr.rel @p0 .LBB2_2-.Ltmp2, $4  }
0x616: {  	s26 =	sadd.s32 s12, s6;
	[tilespmem:s0+$0x0] =	vst v2  }
0x617: {  	[hbm4b:s26+s2] =	stream.linear.scatter [tilespmem:s30], [sflag:$0x7], $0x80, $0x38;
	[tilespmem:$0x1D980] =	vst v63  }
0x618: {  	s31 =	sadd.s32 $0x4080, s1  }
0x619: {  	[tilespmem:s20], [sflag:$0x5] =	stream.indirect.gather [hbm4b:s4+s16], $0x80, s31, s16, $0xb8;
	[tilespmem:$0x1D980] =	vst v63  }
0x61a: {  	_ =	swait.ge [sflag:s23], $0xA00  }
0x61b: {  	[sflag:s23] =	ssyncset.done $0x0  }
0x61c: {  	[sflag:s23] =	ssyncadd.s32 $0xFFFFF600  }
0x61d: {  	_ =	swait.ge [sflag:s24], $0x4000  }
0x61e: {  	[sflag:s24] =	ssyncset.done $0x0  }
0x61f: {  	[sflag:s24] =	ssyncadd.s32 $0xFFFFC000  }
0x620: {  	_ =	swait.ge [sflag:s28], $0xA00  }
0x621: {  	[sflag:s28] =	ssyncset.done $0x0  }
0x622: {  	[sflag:s28] =	ssyncadd.s32 $0xFFFFF600  }
0x623: {  	_ =	swait.ge [sflag:s29], $0x4000  }
0x624: {  	[sflag:s29] =	ssyncset.done $0x0  }
0x625: {  	s0 =	simm.s32 $0x6;
	[sflag:s29] =	ssyncadd.s32 $0xFFFFC000  }
0x626: {  	_ =	swait.ge [sflag:s0], $0x80  }
0x627: {  	[sflag:s0] =	ssyncset.done $0x0  }
0x628: {  	s22 =	simm.s32 $0x7;
	[sflag:s0] =	ssyncadd.s32 $0xFFFFFF80  }
0x629: {  	_ =	swait.ge [sflag:s22], $0x80  }
0x62a: {  	[sflag:s22] =	ssyncset.done $0x0  }
0x62b: {  	s1 =	simm.s32 $0x15880;
	s26 =	rddreg [dreg:$0x6];
	[sflag:s22] =	ssyncadd.s32 $0xFFFFFF80  }
0x62c: {  	[hbm4b:s26+s2] =	stream.linear.scatter [tilespmem:s1], [sflag:$0x8], $0x4000, $0x38;
	[tilespmem:$0x1D980] =	vst v63  }
0x62d: {  	s1 =	simm.s32 $0x8  }
0x62e: {  	_ =	swait.ge [sflag:s1], $0x4000  }
0x62f: {  	s6 =	rddreg [dreg:$0x8]  }
0x630: {  	s31 =	rddreg [dreg:$0x7];
	s6 =	sadd.s32 $0x1, s6  }
0x631: {  	p0 =	sne.s32 s6, s31  }
.Ltmp3:
0x632: {  	_ = 	snop;
	(pc) =	sbr.rel @p0 .LBB2_1-.Ltmp3, $3  }
0x633: {  	_ =	sdelay $0x1  }
0x634: {  	[sflag:s1] =	ssyncset.done $0x0  }
0x635: {  	[sflag:s1] =	ssyncadd.s32 $0xFFFFC000  }
0x636: {  	_ =	sfence.sel $0x180000  }
0x637: {  	[bflag:$0x0] =	sbarrier.arrive $0xFFFF  }
0x638: {  	_ =	strace $0x9000004D  }
0x639: {  	s0 =	stileid.u32;
	[bflag:$0x2] =	sbarrier.arrive $0xFFFF  }
0x63a: {  	p0 =	sne.s32 s0, $0x0;
	s0 =	rddreg [dreg:$0x2]  }
0x63b: {  	s0 =	sadd.s32 @!p0 $0x100000, s0  }
0x63c: {  	[sflag:s0] =	ssyncadd.tile.s32 @!p0 $0x1;
	_ =	shalt  }
.Lfunc_end2:
_tile_overlayer_lowered:
.L_overlay_start_2:
0x63d: {  	(tag) =	ssettag $0x2  }
0x63e: {  	s0 =	rddreg [dreg:$0x0];
	s2 =	stileid.u32  }
0x63f: {  	s1 =	rddreg [dreg:$0x1];
	p0 =	sne.s32 s2, $0x0  }
0x640: {  	s3 =	rddreg [dreg:$0x2];
	[bflag:$0x3] =	sbarrier.arrive $0xFFFF;
	s2 =	simm.s32 @!p0 $0x1C08  }
0x641: {  	[timem:s3], [sflag:s2] =	dma.local @!p0 [hbm:s0], s1  }
0x642: {  	s0 =	simm.s32 @!p0 $0x8  }
0x643: {  	_ =	swait.ge @!p0 [sflag:s0], s1  }
0x644: {  	s1 =	ssub.s32 @!p0 $0x0, s1;
	[sflag:s0] =	ssyncset.done @!p0 $0x0  }
0x645: {  	[sflag:s0] =	ssyncadd.s32 @!p0 s1  }
0x646: {  	[bflag:$0x3] =	sbarrier.arrive $0xFFFF  }
0x647: {  	_ =	shalt  }

// kernel: sparse-core-data-format-call.1.cloned.1.call-start
scs
called_computation.1_lowered:
.L_overlay_start_0:
0x0: {  	s1 =	sld [smem:$0x3FD9]  }
0x1: {  	s2 =	sld [smem:$0x3FFE];
	_ =	sdelay $0x1  }
0x2: {  	s3 =	srdreg.scid  }
0x3: {  	s0 =	sand.u32 $0x1, s3  }
0x4: {  	s17 =	sshll.u32 s0, $0xA;
	s1 =	sadd.s32 s2, s1  }
0x5: {  	s1 =	sadd.s32 s1, s17  }
0x6: {  	[smem:$0x3FC4] =	sst s1  }
0x7: {  	_ = 	snop  }
0x8: {  	(tm) =	ssettm $0x1  }
0x9: {  	s18 =	sld [smem:$0x3FFB];
	_ =	sdelay $0x3  }
0xa: {  	_ =	strace s18  }
0xb: {  	s1 =	sld [smem:$0x3FFC];
	_ =	sdelay $0x3  }
0xc: {  	_ =	strace s1  }
0xd: {  	s1 =	sld [smem:$0x3FFD];
	_ =	sdelay $0x3  }
0xe: {  	_ =	strace s1  }
0xf: {  	_ =	strace $0x8FFFFFFF  }
0x10: {  	s19 =	sld [smem:$0x3FDB];
	_ =	sdelay $0x1  }
0x11: {  	s20 =	simm.s32 $_scs_section_size  }
0x12: {  	s4 =	simm.s32 $_size__tile_overlayer_lowered;
	s5 =	simm.s32 $_tile_overlayer_lowered  }
0x13: {  	s23 =	simm.s32 $0x1BFF;
	s22 =	sshll.u32 s5, $0x1;
	s1 =	sadd.s32 s20, s19  }
0x14: {  	s6 =	simm.s32 $0x0;
	s21 =	sshll.u32 s4, $0x1;
	s4 =	sadd.s32 s22, s1  }
0x15: {  	[timem:s6], [sflag:s23] =	dma.local [hbm:s4], s21  }
0x16: {  	_ =	swait.ge [sflag:s23], s21  }
0x17: {  	s2 =	ssub.s32 $0x0, s21;
	[sflag:s23] =	ssyncset.done $0x0  }
0x18: {  	[sflag:s23] =	ssyncadd.s32 s2;
	_ =	sdelay $0x1  }
0x19: {  	s24 =	simm.s32 $0x1B8B  }
0x1a: {  	_ =	swait.ge [sflag:s24], $0x1  }
0x1b: {  	[sflag:s24] =	ssyncset.done $0x0  }
0x1c: {  	s26 =	simm.s32 $0x1B8E;
	s25 =	sld [smem:$0x3FFE];
	[sflag:s24] =	ssyncadd.s32 $0xFFFFFFFF  }
0x1d: {  	s27 =	simm.s32 $execute0_lowered;
	[smem:$0x3FD2] =	sst s26  }
0x1e: {  	s4 =	sshll.u32 s27, $0x1;
	_ =	strace $0x80000046;
	[dreg:$0x1] =	wrdreg $0xFFFFFFFF  }
0x1f: {  	s28 =	simm.s32 $_size_execute0_lowered;
	s1 =	sadd.s32 s1, s4;
	[dreg:$0x0] =	wrdreg $0x0  }
0x20: {  	s4 =	sshll.u32 s28, $0x1;
	[dreg:$0x2] =	wrdreg s1  }
0x21: {  	[dreg:$0x3] =	wrdreg s4  }
0x22: {  	[dreg:$0x4] =	wrdreg $0xC0  }
0x23: {  	_ =	task [dreg:s6], $0x5FFFF  }
0x24: {  	[dreg:$0x1] =	wrdreg $0xFFFFFFFF  }
0x25: {  	[dreg:$0x0] =	wrdreg $0x60  }
0x26: {  	[dreg:$0x2] =	wrdreg s25  }
0x27: {  	[dreg:$0x3] =	wrdreg $0x9  }
0x28: {  	_ =	task.clear_ibuf [dreg:s6], $0x4FFFF;
	_ =	strace $0x90000046  }
0x29: {  	s29 =	simm.s32 $0x9;
	_ =	strace $0x80000048  }
0x2a: {  	_ =	swait.ge [sflag:s29], $0x1  }
0x2b: {  	[sflag:s29] =	ssyncadd.s32 $0xFFFFFFFF  }
0x2c: {  	_ =	strace $0x90000048  }
0x2d: {  	_ =	sfence  }
0x2e: {  	s30 =	sld [smem:$0x0];
	_ =	sdelay $0x2  }
0x2f: {  	s31 =	sshll.u32 s3, $0xD;
	s3 =	sshrl.u32 s3, $0x2  }
0x30: {  	s2 =	sand.u32 $0x4000, s31;
	s1 =	sadd.s32 s3, s30  }
0x31: {  	s0 =	sor.u32 s2, s0;
	s1 =	sshll.u32 s1, $0x11  }
0x32: {  	s0 =	sor.u32 s1, s0  }
0x33: {  	s0 =	sadd.s32 $0x8F2B, s0  }
0x34: {  	[sflag:s0] =	ssyncadd.remote.s32 $0x1  }
0x35: {  	_ =	sfence.sel $0xFFFF  }
0x36: {  	[dreg:$0x0] =	wrdreg $0xFFFFFFFF;
	(pc) =	sbr.abs _section_cstart, $3  }
0x37: {  	[dreg:$0x1] =	wrdreg $0xFFFFFFFF  }
0x38: {  	_ =	task.clear_ibuf [dreg:s6], $0x2FFFF;
	_ =	strace $0x9FFFFFFF  }
0x39: {  	(tm) =	ssettm $0x7FFFFFFF  }
tec
execute0_lowered:
.L_overlay_start_1:
0x0: {  	(tag) =	ssettag $0x1  }
0x1: {  	s0 =	srdreg.scid;
	s7 =	rddreg [dreg:$0x0]  }
0x2: {  	s1 =	stileid.u32;
	s31 =	simm.s32 $0x2;
	s14 =	simm.s32 $0x0  }
0x3: {  	p0 =	por $0x0, $0x0;
	s10 =	simm.s32 $0xC3800;
	s2 =	sshll.u32 s0, $0x7  }
0x4: {  	s13 =	simm.s32 $0x0;
	s3 =	sshll.u32 s1, $0x7;
	s2 =	sand.u32 $0x80, s2  }
0x5: {  	s12 =	simm.s32 $0x0;
	s6 =	ssub.s32 $0x18680, s3;
	s5 =	ssub.s32 $0x100, s2  }
0x6: {  	s0 =	rddreg [dreg:$0x1];
	s6 =	sshrl.u32 s6, $0xB;
	s8 =	sshrl.u32 s5, $0x7  }
.Ltmp0:
0x7: {  	s9 =	sshrl.u32 s5, $0x8;
	s8 =	sand.u32 $0x1, s8;
	(pc) =	sbr.rel .LBB1_1-.Ltmp0, $4  }
0x8: {  	_ =	strace $0x80000047;
	s6 =	sadd.s32 $0x1, s6;
	s8 =	sadd.s32 s9, s8  }
0x9: {  	s4 =	sadd.s32 $0xC4C00, s7;
	s5 =	simm.s32 $0x1;
	s6 =	smul.u32 s6, s8  }
0xa: {  	s7 =	sadd.s32 $0x3D2200, s7;
	s11 =	smov.u32 s3;
	[sflag:s5] =	ssyncpa.u1 $0x0  }
0xb: {  	[sflag:s31] =	ssyncpa.u1 $0x0;
	s8 =	sshll.u32 s2, $0x3;
	s9 =	sadd.s32 $0x1, s6  }
.LBB1_4:
0xc: {  	s14 =	sshrl.u32 s14, $0x3  }
0xd: {  	s20 =	sshll.u32 s13, $0x3;
	s14 =	smul.u32 $0xC3800, s14  }
0xe: {  	v5 =	vld [tilespmem:s18+$0xFFFFFFD0];
	[tilespmem:s17+$0x2040 ss:$0x81] =	vst.msk $0xffff, v4;
	s20 =	sand.u32 $0xFFFFFC00, s20  }
0xf: {  	v58 =	vld [tilespmem:s18+$0xFFFFFFE0];
	[tilespmem:s17+$0x2850 ss:$0x81] =	vst.msk $0xffff, v3;
	s30 =	sand.u32 $0x7F, s13;
	s14 =	sadd.s32 s20, s14  }
0x10: {  	s19 =	sshra.s32 s19, $0x2;
	v59 =	vld [tilespmem:s18+$0xFFFFFFF0];
	[tilespmem:s17+$0x3060 ss:$0x81] =	vst.msk $0xffff, v2;
	s13 =	sor.u32 s30, s14  }
0x11: {  	v60 =	vld [tilespmem:s18+$0x0];
	[tilespmem:s17+$0x0 ss:$0x81] =	vst.msk $0xffff, v0;
	s16 =	sadd.s32 s19, s16;
	s31 =	smulhi.u32 $0xA79C7B17, s13  }
0x12: {  	v61 =	vld [tilespmem:s18+$0x10];
	[tilespmem:s16+$0x3870 ss:$0x81] =	vst.msk $0xffff, v1  }
0x13: {  	v62 =	vld [tilespmem:s18+$0x20];
	s14 =	smulhi.u32 $0xA79C7B17, s14;
	[tilespmem:s16+$0x810 ss:$0x81] =	vst.msk $0xffff, v5;
	s17 =	sshrl.u32 s31, $0x10  }
0x14: {  	v63 =	vld [tilespmem:s18+$0xFFFFFFC0];
	[tilespmem:s16+$0x1020 ss:$0x81] =	vst.msk $0xffff, v58;
	s17 =	smul.u32 $0x18700, s17  }
0x15: {  	[tilespmem:s16+$0x1830 ss:$0x81] =	vst.msk $0xffff, v59;
	s14 =	sshrl.u32 s14, $0x10  }
0x16: {  	[tilespmem:s16+$0x2040 ss:$0x81] =	vst.msk $0xffff, v60;
	s14 =	sand.u32 $0xFF, s14;
	s13 =	ssub.s32 s13, s17  }
0x17: {  	[tilespmem:s16+$0x2850 ss:$0x81] =	vst.msk $0xffff, v61;
	s14 =	smul.u32 $0x30E0, s14;
	s17 =	sshrl.u32 s13, $0x3;
	s13 =	sand.u32 $0x7, s13  }
0x18: {  	[tilespmem:s16+$0x3060 ss:$0x81] =	vst.msk $0xffff, v62;
	s17 =	sadd.s32 s7, s17;
	s13 =	sshll.u32 s13, $0x12  }
0x19: {  	[tilespmem:s16+$0x0 ss:$0x81] =	vst.msk $0xffff, v63;
	s14 =	sadd.s32 s14, s17;
	s13 =	sor.u32 $0x400, s13  }
0x1a: {  	[hbm4b:s14+s13] =	stream.strided.scatter [tilespmem:s15], [sflag:$0x2], $0x4000, s10, s13, $0x20;
	[tilespmem:$0x10100] =	vst v63  }
.LBB1_5:
0x1b: {  	s15 =	sadd.s32 $0x800, s11  }
0x1c: {  	p2 =	sgt.s32 s15, $0x186A0  }
0x1d: {  	s15 =	smov.u32 @p2 s3;
	p2 =	sne.s32 s12, s9  }
.Ltmp1:
0x1e: {  	p1 =	slt.u32 s12, $0x2;
	(pc) =	sbr.rel @!p2 .LBB1_6-.Ltmp1, $4  }
0x1f: {  	s14 =	simm.s32 @!p1 $0x2  }
0x20: {  	s16 =	sadd.s32 $0x1, s12;
	s13 =	smov.u32 s11;
	_ =	swait.ge @!p1 [sflag:s14], $0x4000  }
0x21: {  	p0 =	por !p0, !p0;
	s12 =	smov.u32 s16;
	[sflag:s14] =	ssyncset.done @!p1 $0x0  }
0x22: {  	s11 =	smov.u32 s15;
	[sflag:s14] =	ssyncadd.s32 @!p1 $0xFFFFC000;
	s14 =	smov.u32 s2  }
.LBB1_1:
0x23: {  	p1 =	sge.u32 s12, s6  }
0x24: {  	s15 =	sshll.u32 @!p1 s11, $0x8  }
0x25: {  	s16 =	sshll.u32 @!p1 s11, $0x7;
	s15 =	sand.u32 @!p1 $0xFFFFF800, s15  }
0x26: {  	s16 =	sand.u32 @!p1 $0x300, s16;
	s15 =	sor.u32 @!p1 s8, s15  }
0x27: {  	s15 =	sor.u32 @!p1 s16, s15  }
0x28: {  	s17 =	smov.u32 s11;
	p2 =	sgt.s32 @!p1 s11, $0x18628;
	s15 =	sshrl.u32 @!p1 s15, $0x8  }
0x29: {  	s18 =	sshra.s32 @!p1 s11, $0x1F;
	p2 =	por !p2, p1;
	s16 =	smulhi.u32 @!p1 $0xA7C23D, s15  }
0x2a: {  	s31 =	sadd.s32 $0xFFFFFFFF, s12;
	s18 =	sand.u32 @!p1 s18, s11;
	s17 =	simm.s32 @p2 $0x18628  }
0x2b: {  	s19 =	sxor.u32 @!p1 $0xFFFFFFFF, s12;
	s17 =	ssub.s32 @!p1 s17, s18;
	s16 =	sshrl.u32 @!p1 s16, $0x8  }
0x2c: {  	s18 =	sshll.u32 @!p1 s19, $0xE;
	s17 =	sadd.s32 @!p1 $0xFFFE79D8, s17;
	s16 =	smul.u32 @!p1 $0x186A8, s16  }
0x2d: {  	s19 =	simm.s32 @!p1 $0x800;
	s18 =	sand.u32 @!p1 $0x4000, s18;
	p2 =	sgt.s32 @!p1 s17, $0x7F  }
0x2e: {  	s15 =	ssub.s32 @!p1 s15, s16;
	s16 =	sshll.u32 @!p1 s17, $0x7;
	s17 =	sshll.u32 @!p1 s11, $0x4  }
0x2f: {  	p2 =	por !p2, p1;
	s16 =	ssub.s32 @!p1 $0x4000, s16;
	s17 =	sand.u32 @!p1 $0x10, s17  }
0x30: {  	s15 =	sshll.u32 @!p1 s15, $0x5;
	s16 =	sand.u32 @!p1 $0x3FFFFF80, s16;
	s17 =	sadd.s32 @!p1 s4, s17  }
0x31: {  	s16 =	simm.s32 @!p2 $0x0;
	s15 =	sadd.s32 @!p1 s15, s17;
	s17 =	simm.s32 @!p1 $0x400  }
0x32: {  	[tilespmem:s18], [sflag:$0x1] =	stream.strided.gather @!p1 [hbm4b:s15+s17], s16, s19, s17, $0x38;
	[tilespmem:$0x10100] =	vst v63  }
0x33: {  	p1 =	sge.u32 s31, s6  }
.Ltmp2:
0x34: {  	_ = 	snop;
	(pc) =	sbr.rel @p1 .LBB1_5-.Ltmp2, $1  }
0x35: {  	_ =	sdelay $0x3  }
0x36: {  	p1 =	sgt.s32 s13, $0x18628;
	s15 =	smov.u32 s13;
	s16 =	sshra.s32 s13, $0x1F  }
0x37: {  	s15 =	simm.s32 @!p1 $0x18628;
	s16 =	sand.u32 s16, s13  }
0x38: {  	s15 =	ssub.s32 s15, s16  }
0x39: {  	s15 =	sadd.s32 $0xFFFE79D8, s15  }
0x3a: {  	s29 =	sshll.u32 s15, $0x7  }
0x3b: {  	s16 =	ssub.s32 $0x4000, s29  }
0x3c: {  	p1 =	sgt.s32 s15, $0x7F;
	s15 =	sand.u32 $0x3FFFFF80, s16  }
0x3d: {  	s16 =	simm.s32 $0x1;
	s15 =	simm.s32 @p1 $0x0  }
0x3e: {  	s16 =	simm.s32 @!p0 $0x0;
	_ =	swait.ge [sflag:s5], s15  }
0x3f: {  	s17 =	sshll.u32 s16, $0xE;
	s15 =	ssub.s32 $0x0, s15;
	[sflag:s5] =	ssyncset.done $0x0  }
0x40: {  	s18 =	sor.u32 $0x40, s17;
	[sflag:s5] =	ssyncadd.s32 s15  }
0x41: {  	s30 =	smul.u32 $0x10200, s16;
	v0 =	vld [tilespmem:s18+$0x30]  }
0x42: {  	v1 =	vld [tilespmem:s18+$0xFFFFFFD0]  }
0x43: {  	s15 =	sshrl.u32 s30, $0x2;
	v5 =	vld [tilespmem:s18+$0xFFFFFFE0]  }
0x44: {  	s16 =	sor.u32 $0x8000, s15;
	v6 =	vld [tilespmem:s18+$0xFFFFFFF0]  }
0x45: {  	s31 =	sand.u32 $0x1, s12;
	v4 =	vld [tilespmem:s18+$0x0];
	s17 =	sadd.s32 $0x0, s16  }
0x46: {  	s15 =	smul.u32 $0x10200, s31;
	v3 =	vld [tilespmem:s18+$0x10];
	[tilespmem:s17+$0x3870 ss:$0x81] =	vst.msk $0xffff, v0  }
0x47: {  	v2 =	vld [tilespmem:s18+$0x20];
	[tilespmem:s17+$0x810 ss:$0x81] =	vst.msk $0xffff, v1  }
0x48: {  	s15 =	sshrl.u32 s15, $0x2;
	v0 =	vld [tilespmem:s18+$0xFFFFFFC0];
	[tilespmem:s17+$0x1020 ss:$0x81] =	vst.msk $0xffff, v5;
	s18 =	sadd.s32 $0x80, s18  }
0x49: {  	s19 =	simm.s32 $0x4;
	s20 =	simm.s32 $0x8;
	s15 =	sor.u32 $0x8000, s15;
	[tilespmem:s17+$0x1830 ss:$0x81] =	vst.msk $0xffff, v6;
	v1 =	vld [tilespmem:s18+$0x30]  }
.LBB1_3:
0x4a: {  	p1 =	sne.s32 s20, $0x1FC;
	v5 =	vld [tilespmem:s18+$0xFFFFFFD0];
	[tilespmem:s17+$0x2040 ss:$0x81] =	vst.msk $0xffff, v4  }
0x4b: {  	v6 =	vld [tilespmem:s18+$0xFFFFFFE0];
	[tilespmem:s17+$0x2850 ss:$0x81] =	vst.msk $0xffff, v3  }
0x4c: {  	s21 =	sshra.s32 s19, $0x2;
	s19 =	smov.u32 s20;
	v7 =	vld [tilespmem:s18+$0xFFFFFFF0];
	[tilespmem:s17+$0x3060 ss:$0x81] =	vst.msk $0xffff, v2  }
.Ltmp3:
0x4d: {  	v4 =	vld [tilespmem:s18+$0x0];
	[tilespmem:s17+$0x0 ss:$0x81] =	vst.msk $0xffff, v0;
	s17 =	sadd.s32 s21, s16;
	(pc) =	sbr.rel @p1 .LBB1_3-.Ltmp3, $4  }
0x4e: {  	v3 =	vld [tilespmem:s18+$0x10];
	[tilespmem:s17+$0x3870 ss:$0x81] =	vst.msk $0xffff, v1  }
0x4f: {  	[tilespmem:s17+$0x810 ss:$0x81] =	vst.msk $0xffff, v5;
	v2 =	vld [tilespmem:s18+$0x20]  }
0x50: {  	v0 =	vld [tilespmem:s18+$0xFFFFFFC0];
	[tilespmem:s17+$0x1020 ss:$0x81] =	vst.msk $0xffff, v6;
	s18 =	sadd.s32 $0x80, s18  }
0x51: {  	s20 =	sadd.s32 $0x4, s20;
	v1 =	vld [tilespmem:s18+$0x30];
	[tilespmem:s17+$0x1830 ss:$0x81] =	vst.msk $0xffff, v7  }
.Ltmp4:
0x52: {  	_ = 	snop;
	(pc) =	sbr.rel .LBB1_4-.Ltmp4, $1  }
0x53: {  	_ =	sdelay $0x3  }
.LBB1_6:
0x54: {  	_ =	sfence.sel $0x180000  }
0x55: {  	s2 =	simm.s32 $0x1;
	[bflag:$0x0] =	sbarrier.arrive $0xFFFF  }
0x56: {  	s31 =	simm.s32 $0x2;
	[sflag:s2] =	ssyncpa.u1 $0x1  }
0x57: {  	[sflag:s31] =	ssyncpa.u1 $0x1  }
0x58: {  	p0 =	sne.s32 s1, $0x0;
	_ =	strace $0x90000047  }
0x59: {  	s0 =	sadd.s32 @!p0 $0x100000, s0;
	[bflag:$0x2] =	sbarrier.arrive $0xFFFF  }
0x5a: {  	[sflag:s0] =	ssyncadd.tile.s32 @!p0 $0x1;
	_ =	shalt  }
.Lfunc_end1:
_tile_overlayer_lowered:
.L_overlay_start_2:
0x5b: {  	(tag) =	ssettag $0x2  }
0x5c: {  	s0 =	rddreg [dreg:$0x0];
	s2 =	stileid.u32  }
0x5d: {  	s1 =	rddreg [dreg:$0x1];
	p0 =	sne.s32 s2, $0x0  }
0x5e: {  	s3 =	rddreg [dreg:$0x2];
	[bflag:$0x3] =	sbarrier.arrive $0xFFFF;
	s2 =	simm.s32 @!p0 $0x1C01  }
0x5f: {  	[timem:s3], [sflag:s2] =	dma.local @!p0 [hbm:s0], s1  }
0x60: {  	s0 =	simm.s32 @!p0 $0x1  }
0x61: {  	_ =	swait.ge @!p0 [sflag:s0], s1  }
0x62: {  	s1 =	ssub.s32 @!p0 $0x0, s1;
	[sflag:s0] =	ssyncset.done @!p0 $0x0  }
0x63: {  	[sflag:s0] =	ssyncadd.s32 @!p0 s1  }
0x64: {  	[bflag:$0x3] =	sbarrier.arrive $0xFFFF  }
0x65: {  	_ =	shalt  }

// kernel: sparse-core-data-format-call.cloned.1.call-start
scs
called_computation_lowered:
.L_overlay_start_0:
0x0: {  	s1 =	sld [smem:$0x3FD9]  }
0x1: {  	s2 =	sld [smem:$0x3FFE];
	_ =	sdelay $0x1  }
0x2: {  	s3 =	srdreg.scid  }
0x3: {  	s0 =	sand.u32 $0x1, s3  }
0x4: {  	s17 =	sshll.u32 s0, $0xA;
	s1 =	sadd.s32 s2, s1  }
0x5: {  	s1 =	sadd.s32 s1, s17  }
0x6: {  	[smem:$0x3FC4] =	sst s1  }
0x7: {  	_ = 	snop  }
0x8: {  	(tm) =	ssettm $0x1  }
0x9: {  	s18 =	sld [smem:$0x3FFB];
	_ =	sdelay $0x3  }
0xa: {  	_ =	strace s18  }
0xb: {  	s1 =	sld [smem:$0x3FFC];
	_ =	sdelay $0x3  }
0xc: {  	_ =	strace s1  }
0xd: {  	s1 =	sld [smem:$0x3FFD];
	_ =	sdelay $0x3  }
0xe: {  	_ =	strace s1  }
0xf: {  	_ =	strace $0x8FFFFFFF  }
0x10: {  	s19 =	sld [smem:$0x3FDB];
	_ =	sdelay $0x1  }
0x11: {  	s20 =	simm.s32 $_scs_section_size  }
0x12: {  	s4 =	simm.s32 $_size__tile_overlayer_lowered;
	s5 =	simm.s32 $_tile_overlayer_lowered  }
0x13: {  	s23 =	simm.s32 $0x1BFF;
	s22 =	sshll.u32 s5, $0x1;
	s1 =	sadd.s32 s20, s19  }
0x14: {  	s6 =	simm.s32 $0x0;
	s21 =	sshll.u32 s4, $0x1;
	s4 =	sadd.s32 s22, s1  }
0x15: {  	[timem:s6], [sflag:s23] =	dma.local [hbm:s4], s21  }
0x16: {  	_ =	swait.ge [sflag:s23], s21  }
0x17: {  	s2 =	ssub.s32 $0x0, s21;
	[sflag:s23] =	ssyncset.done $0x0  }
0x18: {  	[sflag:s23] =	ssyncadd.s32 s2;
	_ =	sdelay $0x1  }
0x19: {  	s24 =	simm.s32 $0x1B8B  }
0x1a: {  	_ =	swait.ge [sflag:s24], $0x1  }
0x1b: {  	[sflag:s24] =	ssyncset.done $0x0  }
0x1c: {  	s26 =	simm.s32 $0x1B8E;
	s25 =	sld [smem:$0x3FFE];
	[sflag:s24] =	ssyncadd.s32 $0xFFFFFFFF  }
0x1d: {  	s27 =	simm.s32 $execute0_lowered;
	[smem:$0x3FD2] =	sst s26  }
0x1e: {  	s4 =	sshll.u32 s27, $0x1;
	_ =	strace $0x80000049;
	[dreg:$0x1] =	wrdreg $0xFFFFFFFF  }
0x1f: {  	s28 =	simm.s32 $_size_execute0_lowered;
	s1 =	sadd.s32 s1, s4;
	[dreg:$0x0] =	wrdreg $0x0  }
0x20: {  	s4 =	sshll.u32 s28, $0x1;
	[dreg:$0x2] =	wrdreg s1  }
0x21: {  	[dreg:$0x3] =	wrdreg s4  }
0x22: {  	[dreg:$0x4] =	wrdreg $0xC0  }
0x23: {  	_ =	task [dreg:s6], $0x5FFFF  }
0x24: {  	[dreg:$0x1] =	wrdreg $0xFFFFFFFF  }
0x25: {  	[dreg:$0x0] =	wrdreg $0x60  }
0x26: {  	[dreg:$0x2] =	wrdreg s25  }
0x27: {  	[dreg:$0x3] =	wrdreg $0x9  }
0x28: {  	_ =	task.clear_ibuf [dreg:s6], $0x4FFFF;
	_ =	strace $0x90000049  }
0x29: {  	s29 =	simm.s32 $0x9;
	_ =	strace $0x8000004B  }
0x2a: {  	_ =	swait.ge [sflag:s29], $0x1  }
0x2b: {  	[sflag:s29] =	ssyncadd.s32 $0xFFFFFFFF  }
0x2c: {  	_ =	strace $0x9000004B  }
0x2d: {  	_ =	sfence  }
0x2e: {  	s30 =	sld [smem:$0x0];
	_ =	sdelay $0x2  }
0x2f: {  	s31 =	sshll.u32 s3, $0xD;
	s3 =	sshrl.u32 s3, $0x2  }
0x30: {  	s2 =	sand.u32 $0x4000, s31;
	s1 =	sadd.s32 s3, s30  }
0x31: {  	s0 =	sor.u32 s2, s0;
	s1 =	sshll.u32 s1, $0x11  }
0x32: {  	s0 =	sor.u32 s1, s0  }
0x33: {  	s0 =	sadd.s32 $0x8F2B, s0  }
0x34: {  	[sflag:s0] =	ssyncadd.remote.s32 $0x1  }
0x35: {  	_ =	sfence.sel $0xFFFF  }
0x36: {  	[dreg:$0x0] =	wrdreg $0xFFFFFFFF;
	(pc) =	sbr.abs _section_cstart, $3  }
0x37: {  	[dreg:$0x1] =	wrdreg $0xFFFFFFFF  }
0x38: {  	_ =	task.clear_ibuf [dreg:s6], $0x2FFFF;
	_ =	strace $0x9FFFFFFF  }
0x39: {  	(tm) =	ssettm $0x7FFFFFFF  }
tec
execute0_lowered:
.L_overlay_start_1:
0x0: {  	(tag) =	ssettag $0x1  }
0x1: {  	s0 =	srdreg.scid  }
0x2: {  	s4 =	rddreg [dreg:$0x0];
	s1 =	stileid.u32  }
0x3: {  	s5 =	simm.s32 $0x1;
	s7 =	simm.s32 $0x2;
	s14 =	simm.s32 $0x0  }
0x4: {  	p0 =	por $0x0, $0x0;
	s13 =	simm.s32 $0x0;
	s0 =	sshll.u32 s0, $0x4  }
0x5: {  	s8 =	simm.s32 $0x0;
	s9 =	simm.s32 $0x0;
	s2 =	sand.u32 $0x10, s0  }
.Ltmp0:
0x6: {  	s11 =	simm.s32 $0x0;
	s3 =	sor.u32 s1, s2;
	(pc) =	sbr.rel .LBB1_1-.Ltmp0, $4  }
0x7: {  	s0 =	rddreg [dreg:$0x1];
	_ =	strace $0x8000004A;
	s3 =	sshll.u32 s3, $0x7  }
0x8: {  	s12 =	simm.s32 $0x0;
	s2 =	sadd.s32 $0x30F600, s4;
	s6 =	ssub.s32 $0x18680, s3  }
0x9: {  	s4 =	sadd.s32 $0x1600, s4;
	[sflag:s5] =	ssyncpa.u1 $0x0;
	s6 =	sshrl.u32 s6, $0xC  }
0xa: {  	[sflag:s7] =	ssyncpa.u1 $0x0;
	s10 =	smov.u32 s3;
	s7 =	sadd.s32 $0x2, s6  }
.LBB1_5:
0xb: {  	p1 =	slt.u32 s12, $0x2  }
0xc: {  	p2 =	sgt.s32 @!p1 s14, $0x18628  }
0xd: {  	s15 =	smov.u32 s14;
	s16 =	sshra.s32 @!p1 s14, $0x1F;
	p2 =	por !p2, p1  }
0xe: {  	s14 =	sand.u32 @!p1 s16, s14;
	s15 =	simm.s32 @p2 $0x18628  }
0xf: {  	s14 =	ssub.s32 @!p1 s15, s14;
	s15 =	ssub.s32 @!p1 $0x0, s13  }
0x10: {  	s17 =	smov.u32 s11;
	s16 =	sadd.s32 @!p1 $0xFFFE79D8, s14;
	s13 =	smin.u32 @!p1 s13, s15  }
0x11: {  	s14 =	ssub.s32 @!p1 $0x186A8, s14;
	p2 =	sgt.s32 @!p1 s16, $0x7F;
	p3 =	sgt.s32 @!p1 s13, $0x7F  }
0x12: {  	s13 =	ssub.s32 @!p1 $0x80, s13;
	p2 =	por !p2, p1;
	p3 =	por !p3, p1  }
0x13: {  	s15 =	sadd.s32 $0x1000, s10;
	s14 =	simm.s32 @!p2 $0x0;
	s13 =	simm.s32 @!p3 $0x0  }
0x14: {  	p2 =	sgt.s32 s15, $0x186A0;
	s13 =	smul.u32 @!p1 s13, s14;
	s14 =	sadd.s32 $0x80, s11  }
0x15: {  	s17 =	smov.u32 @p2 s14  }
0x16: {  	s15 =	smov.u32 @p2 s3;
	p2 =	sgt.s32 s17, $0x7F  }
0x17: {  	s17 =	simm.s32 @p2 $0x0;
	p2 =	sne.s32 s12, s7  }
.Ltmp1:
0x18: {  	p0 =	por !p0, !p0;
	s16 =	simm.s32 @!p1 $0x2;
	(pc) =	sbr.rel @!p2 .LBB1_6-.Ltmp1, $4  }
0x19: {  	s14 =	smov.u32 s8;
	s8 =	smov.u32 s10;
	s13 =	sand.u32 @!p1 $0x3FFFFFFF, s13  }
0x1a: {  	s10 =	smov.u32 s15;
	_ =	swait.ge @!p1 [sflag:s16], s13;
	s18 =	ssub.s32 @!p1 $0x0, s13  }
0x1b: {  	s13 =	smov.u32 s9;
	s12 =	sadd.s32 $0x1, s12;
	[sflag:s16] =	ssyncset.done @!p1 $0x0  }
0x1c: {  	s9 =	smov.u32 s11;
	s11 =	smov.u32 s17;
	[sflag:s16] =	ssyncadd.s32 @!p1 s18  }
.LBB1_1:
0x1d: {  	p1 =	sgt.u32 s12, s6  }
0x1e: {  	s15 =	sshrl.u32 @!p1 s11, $0x3  }
0x1f: {  	s16 =	sshll.u32 @!p1 s10, $0x3;
	s15 =	smul.u32 @!p1 $0xC3800, s15  }
0x20: {  	s17 =	sshll.u32 @!p1 s11, $0x7;
	s16 =	sand.u32 @!p1 $0xFFFFFC00, s16  }
0x21: {  	s15 =	sadd.s32 @!p1 s15, s16;
	s16 =	sand.u32 @!p1 $0x380, s17  }
0x22: {  	s17 =	sand.u32 @!p1 $0x7F, s10;
	s15 =	sor.u32 @!p1 s16, s15  }
0x23: {  	s16 =	sor.u32 @!p1 s17, s15  }
0x24: {  	s17 =	smulhi.u32 @!p1 $0xA79C7B17, s16;
	_ =	sdelay $0x1  }
0x25: {  	s15 =	smulhi.u32 @!p1 $0xA79C7B17, s15;
	s17 =	sshrl.u32 @!p1 s17, $0x10  }
0x26: {  	s17 =	smul.u32 @!p1 $0x18700, s17  }
0x27: {  	s18 =	sxor.u32 @!p1 $0xFFFFFFFF, s12;
	s15 =	sshrl.u32 @!p1 s15, $0x10  }
0x28: {  	s18 =	sshll.u32 @!p1 s18, $0xE;
	s15 =	sand.u32 @!p1 $0x7F, s15;
	s16 =	ssub.s32 @!p1 s16, s17  }
0x29: {  	s15 =	smul.u32 @!p1 $0x30E0, s15;
	s17 =	sshrl.u32 @!p1 s16, $0x3;
	s16 =	sand.u32 @!p1 $0x7, s16  }
0x2a: {  	s18 =	sand.u32 @!p1 $0x4000, s18;
	s17 =	sadd.s32 @!p1 s2, s17;
	s16 =	sshll.u32 @!p1 s16, $0x12  }
0x2b: {  	s15 =	sadd.s32 @!p1 s15, s17;
	s16 =	sor.u32 @!p1 $0x400, s16;
	s17 =	simm.s32 @!p1 $0xC3800  }
0x2c: {  	[tilespmem:s18], [sflag:$0x1] =	stream.strided.gather @!p1 [hbm4b:s15+s16], $0x4000, s17, s16, $0x38;
	[tilespmem:$0x10100] =	vst v63  }
0x2d: {  	p1 =	seq.s32 s12, $0x0  }
0x2e: {  	p2 =	sge.u32 @!p1 s12, s7  }
0x2f: {  	p1 =	por p1, p2  }
.Ltmp2:
0x30: {  	_ = 	snop;
	(pc) =	sbr.rel @p1 .LBB1_5-.Ltmp2, $1  }
0x31: {  	_ =	sdelay $0x3  }
0x32: {  	s15 =	simm.s32 $0x1  }
0x33: {  	_ =	swait.ge [sflag:s5], $0x4000;
	s15 =	simm.s32 @!p0 $0x0  }
0x34: {  	[sflag:s5] =	ssyncset.done $0x0;
	s16 =	sshll.u32 s15, $0xE  }
0x35: {  	[sflag:s5] =	ssyncadd.s32 $0xFFFFC000;
	s16 =	sor.u32 $0x40, s16  }
0x36: {  	s15 =	smul.u32 $0x10200, s15;
	v0 =	vld [tilespmem:s16+$0x30]  }
0x37: {  	v1 =	vld [tilespmem:s16+$0xFFFFFFD0]  }
0x38: {  	s15 =	sshrl.u32 s15, $0x2;
	v5 =	vld [tilespmem:s16+$0xFFFFFFE0]  }
0x39: {  	v6 =	vld [tilespmem:s16+$0xFFFFFFF0];
	s18 =	sor.u32 $0x8000, s15  }
0x3a: {  	s31 =	sand.u32 $0x1, s12;
	v4 =	vld [tilespmem:s16+$0x0];
	s17 =	sadd.s32 $0x0, s18  }
0x3b: {  	v3 =	vld [tilespmem:s16+$0x10];
	s15 =	smul.u32 $0x10200, s31;
	[tilespmem:s17+$0x3870 ss:$0x81] =	vst.msk $0xffff, v0  }
0x3c: {  	v2 =	vld [tilespmem:s16+$0x20];
	[tilespmem:s17+$0x810 ss:$0x81] =	vst.msk $0xffff, v1  }
0x3d: {  	s15 =	sshrl.u32 s15, $0x2;
	v0 =	vld [tilespmem:s16+$0xFFFFFFC0];
	[tilespmem:s17+$0x1020 ss:$0x81] =	vst.msk $0xffff, v5;
	s16 =	sadd.s32 $0x80, s16  }
0x3e: {  	s19 =	simm.s32 $0x4;
	s20 =	simm.s32 $0x8;
	s15 =	sor.u32 $0x8000, s15;
	[tilespmem:s17+$0x1830 ss:$0x81] =	vst.msk $0xffff, v6;
	v1 =	vld [tilespmem:s16+$0x30]  }
.LBB1_3:
0x3f: {  	p1 =	sne.s32 s20, $0x1FC;
	v5 =	vld [tilespmem:s16+$0xFFFFFFD0];
	[tilespmem:s17+$0x2040 ss:$0x81] =	vst.msk $0xffff, v4  }
0x40: {  	v6 =	vld [tilespmem:s16+$0xFFFFFFE0];
	[tilespmem:s17+$0x2850 ss:$0x81] =	vst.msk $0xffff, v3  }
0x41: {  	s21 =	sshra.s32 s19, $0x2;
	s19 =	smov.u32 s20;
	v7 =	vld [tilespmem:s16+$0xFFFFFFF0];
	[tilespmem:s17+$0x3060 ss:$0x81] =	vst.msk $0xffff, v2  }
.Ltmp3:
0x42: {  	v4 =	vld [tilespmem:s16+$0x0];
	[tilespmem:s17+$0x0 ss:$0x81] =	vst.msk $0xffff, v0;
	s17 =	sadd.s32 s21, s18;
	(pc) =	sbr.rel @p1 .LBB1_3-.Ltmp3, $4  }
0x43: {  	v3 =	vld [tilespmem:s16+$0x10];
	[tilespmem:s17+$0x3870 ss:$0x81] =	vst.msk $0xffff, v1  }
0x44: {  	[tilespmem:s17+$0x810 ss:$0x81] =	vst.msk $0xffff, v5;
	v2 =	vld [tilespmem:s16+$0x20]  }
0x45: {  	v0 =	vld [tilespmem:s16+$0xFFFFFFC0];
	[tilespmem:s17+$0x1020 ss:$0x81] =	vst.msk $0xffff, v6;
	s16 =	sadd.s32 $0x80, s16  }
0x46: {  	s20 =	sadd.s32 $0x4, s20;
	v1 =	vld [tilespmem:s16+$0x30];
	[tilespmem:s17+$0x1830 ss:$0x81] =	vst.msk $0xffff, v7  }
0x47: {  	s20 =	sshll.u32 s8, $0x7;
	s21 =	sshll.u32 s9, $0x3;
	s19 =	sshra.s32 s19, $0x2  }
0x48: {  	v5 =	vld [tilespmem:s16+$0xFFFFFFD0];
	[tilespmem:s17+$0x2040 ss:$0x81] =	vst.msk $0xffff, v4;
	p1 =	sgt.s32 s8, $0x18628;
	s22 =	sand.u32 $0xFFFFFC00, s20;
	s21 =	sand.u32 $0xFFFFFC00, s21  }
0x49: {  	v58 =	vld [tilespmem:s16+$0xFFFFFFE0];
	s24 =	sshra.s32 s8, $0x1F;
	s20 =	sand.u32 $0x380, s20;
	[tilespmem:s17+$0x2850 ss:$0x81] =	vst.msk $0xffff, v3;
	s21 =	sadd.s32 s21, s22  }
0x4a: {  	v59 =	vld [tilespmem:s16+$0xFFFFFFF0];
	s26 =	ssub.s32 $0x0, s9;
	s18 =	sadd.s32 s19, s18;
	[tilespmem:s17+$0x3060 ss:$0x81] =	vst.msk $0xffff, v2;
	s23 =	sor.u32 s20, s21  }
0x4b: {  	v60 =	vld [tilespmem:s16+$0x0];
	s28 =	smin.u32 s9, s26;
	s20 =	smov.u32 s8;
	[tilespmem:s17+$0x0 ss:$0x81] =	vst.msk $0xffff, v0;
	s19 =	sshrl.u32 s23, $0x7  }
0x4c: {  	v61 =	vld [tilespmem:s16+$0x10];
	s21 =	sand.u32 s24, s8;
	s20 =	simm.s32 @!p1 $0x18628;
	[tilespmem:s18+$0x3870 ss:$0x81] =	vst.msk $0xffff, v1;
	s25 =	smulhi.u32 $0xA7C23D, s19  }
0x4d: {  	v62 =	vld [tilespmem:s16+$0x20];
	s29 =	sshrl.u32 s9, $0x3;
	p2 =	sgt.s32 s28, $0x7F;
	s20 =	ssub.s32 s20, s21;
	[tilespmem:s18+$0x810 ss:$0x81] =	vst.msk $0xffff, v5  }
0x4e: {  	v63 =	vld [tilespmem:s16+$0xFFFFFFC0];
	[tilespmem:s18+$0x1020 ss:$0x81] =	vst.msk $0xffff, v58;
	s21 =	sadd.s32 $0xFFFE79D8, s20;
	s20 =	ssub.s32 $0x186A8, s20;
	s17 =	sshrl.u32 s25, $0x8  }
0x4f: {  	[tilespmem:s18+$0x1830 ss:$0x81] =	vst.msk $0xffff, v59;
	p1 =	sgt.s32 s21, $0x7F;
	s27 =	smul.u32 $0x186A8, s17;
	s17 =	ssub.s32 $0x80, s28  }
.Ltmp4:
0x50: {  	[tilespmem:s18+$0x2040 ss:$0x81] =	vst.msk $0xffff, v60;
	s20 =	simm.s32 @p1 $0x0;
	s17 =	simm.s32 @p2 $0x0;
	(pc) =	sbr.rel .LBB1_5-.Ltmp4, $4  }
0x51: {  	s30 =	sand.u32 $0xF, s29;
	[tilespmem:s18+$0x2850 ss:$0x81] =	vst.msk $0xffff, v61;
	s16 =	ssub.s32 s19, s27;
	s17 =	smul.u32 s17, s20  }
0x52: {  	[tilespmem:s18+$0x3060 ss:$0x81] =	vst.msk $0xffff, v62;
	s19 =	sadd.s32 s4, s30;
	s16 =	sshll.u32 s16, $0x4  }
0x53: {  	s31 =	sand.u32 $0x7, s9;
	[tilespmem:s18+$0x0 ss:$0x81] =	vst.msk $0xffff, v63;
	s17 =	sand.u32 $0x3FFFFFFF, s17;
	s16 =	sadd.s32 s16, s19  }
0x54: {  	[hbm4b:s16+s31] =	stream.linear.scatter [tilespmem:s15], [sflag:$0x2], s17, $0x20;
	[tilespmem:$0x10100] =	vst v63  }
.LBB1_6:
0x55: {  	_ =	sfence.sel $0x180000  }
0x56: {  	s2 =	simm.s32 $0x1;
	[bflag:$0x0] =	sbarrier.arrive $0xFFFF  }
0x57: {  	s31 =	simm.s32 $0x2;
	[sflag:s2] =	ssyncpa.u1 $0x1  }
0x58: {  	[sflag:s31] =	ssyncpa.u1 $0x1  }
0x59: {  	p0 =	sne.s32 s1, $0x0;
	_ =	strace $0x9000004A  }
0x5a: {  	s0 =	sadd.s32 @!p0 $0x100000, s0;
	[bflag:$0x2] =	sbarrier.arrive $0xFFFF  }
0x5b: {  	[sflag:s0] =	ssyncadd.tile.s32 @!p0 $0x1;
	_ =	shalt  }
.Lfunc_end1:
_tile_overlayer_lowered:
.L_overlay_start_2:
0x5c: {  	(tag) =	ssettag $0x2  }
0x5d: {  	s0 =	rddreg [dreg:$0x0];
	s2 =	stileid.u32  }
0x5e: {  	s1 =	rddreg [dreg:$0x1];
	p0 =	sne.s32 s2, $0x0  }
0x5f: {  	s3 =	rddreg [dreg:$0x2];
	[bflag:$0x3] =	sbarrier.arrive $0xFFFF;
	s2 =	simm.s32 @!p0 $0x1C01  }
0x60: {  	[timem:s3], [sflag:s2] =	dma.local @!p0 [hbm:s0], s1  }
0x61: {  	s0 =	simm.s32 @!p0 $0x1  }
0x62: {  	_ =	swait.ge @!p0 [sflag:s0], s1  }
0x63: {  	s1 =	ssub.s32 @!p0 $0x0, s1;
	[sflag:s0] =	ssyncset.done @!p0 $0x0  }
0x64: {  	[sflag:s0] =	ssyncadd.s32 @!p0 s1  }
0x65: {  	[bflag:$0x3] =	sbarrier.arrive $0xFFFF  }
0x66: {  	_ =	shalt  }

</sc_bundles>
